<compile_context>
chip_gen: v7x
topology: tpu7x:2x2x1
jax: 0.10.2.dev20260603
libtpu: 0.0.44.dev20260713+nightly
codegen_flags: <defaults>
</compile_context>

<pallas_src>
import functools

import jax
import jax.numpy as jnp
from jax import lax
from jax.experimental import pallas as pl
from jax.experimental.pallas import tpu as pltpu
from jax.experimental.pallas import tpu_sc as plsc

N = 10000
E = 160000
F_IN = 16
CONT = 5
EDGE_DIM = 4
G = 64

NCORES = 2
NSUB = 16
NW = NCORES * NSUB

CHUNK = 128
NCHUNK = 20
EW = NCHUNK * CHUNK
EH = NW * EW
EP = 2 * EH
NROWS_T = 640
NP = NSUB * NROWS_T

def _mesh():
    return plsc.VectorSubcoreMesh(
        core_axis_name="c", subcore_axis_name="s",
        num_cores=NCORES, num_subcores=NSUB)


@functools.cache
def _make_gather(D):

    K = 4

    @functools.partial(
        pl.kernel,
        out_type=jax.ShapeDtypeStruct((EH, D), jnp.float32),
        mesh=_mesh(),
        compiler_params=pltpu.CompilerParams(use_tc_tiling_on_sc=False),
        scratch_types=[
            pltpu.VMEM((NCHUNK, CHUNK), jnp.int32),
        ] + [pltpu.VMEM((CHUNK, D), jnp.float32) for _ in range(K)]
          + [pltpu.SemaphoreType.DMA for _ in range(K)],
    )
    def gk(table, idx, out, idx_v, r0, r1, r2, r3, s0, s1, s2, s3):
        rows = (r0, r1, r2, r3)
        sems = (s0, s1, s2, s3)
        cid = lax.axis_index("c")
        sid = lax.axis_index("s")
        w = sid * NCORES + cid
        base = w * EW
        pltpu.sync_copy(idx.at[w], idx_v)

        def body(g, carry):
            cps = [pltpu.async_copy(table.at[idx_v.at[g * K + b]], rows[b], sems[b])
                   for b in range(K)]
            for b in range(K):
                cps[b].wait()
                pltpu.sync_copy(rows[b], out.at[pl.ds(base + (g * K + b) * CHUNK, CHUNK)])
            return carry

        lax.fori_loop(0, NCHUNK // K, body, 0)

    return gk


@functools.cache
def _make_scatter(mo):

    @functools.partial(
        pl.kernel,
        out_type=jax.ShapeDtypeStruct((NCORES * NP, mo), jnp.float32),
        name=f"sc_scatter{mo}",
        mesh=_mesh(),
        compiler_params=pltpu.CompilerParams(use_tc_tiling_on_sc=False),
        scratch_types=[
            pltpu.VMEM((NCHUNK, CHUNK), jnp.int32),
        ] + [pltpu.VMEM((CHUNK, mo), jnp.float32) for _ in range(4)]
          + [pltpu.SemaphoreType.DMA for _ in range(4)]
          + [
            pltpu.VMEM((NROWS_T, mo), jnp.float32),
            pltpu.VMEM_SHARED((NP, mo), jnp.float32),
        ],
    )
    def sk(msg, dstr, zeros, out, idx_v, m0, m1, m2, m3, s0, s1, s2, s3,
           row_v, acc_sh):
        K = 4
        mbuf = (m0, m1, m2, m3)
        sems = (s0, s1, s2, s3)
        cid = lax.axis_index("c")
        sid = lax.axis_index("s")
        w = sid * NCORES + cid
        rbase = sid * NROWS_T
        pltpu.sync_copy(zeros.at[pl.ds(0, NROWS_T)], row_v)
        pltpu.sync_copy(row_v, acc_sh.at[pl.ds(rbase, NROWS_T)])
        plsc.subcore_barrier()
        pltpu.sync_copy(dstr.at[w], idx_v)

        def body(g, carry):
            cps = [pltpu.async_copy(msg.at[pl.ds(w * EW + (g * K + b) * CHUNK, CHUNK)],
                                    mbuf[b], sems[b]) for b in range(K)]
            for b in range(K):
                cps[b].wait()
                pltpu.sync_copy(mbuf[b], acc_sh.at[idx_v.at[g * K + b]], add=True)
            return carry

        lax.fori_loop(0, NCHUNK // K, body, 0)
        plsc.subcore_barrier()
        pltpu.sync_copy(acc_sh.at[pl.ds(rbase, NROWS_T)], row_v)
        pltpu.sync_copy(row_v, out.at[pl.ds(cid * NP + rbase, NROWS_T)])

    return sk


_TE = 1024


def _dot(a, b):
    return jnp.dot(a, b, precision=lax.Precision.HIGHEST)




def _bdot(a, b):
    return jnp.dot(a.astype(jnp.bfloat16), b.astype(jnp.bfloat16),
                   preferred_element_type=jnp.float32)


def _edge_body(mi, mo, base, ea_ref, xj_ref, A1_ref, b1_ref, A2_ref, b2_ref, out_ref):
    p = pl.program_id(0)
    h1e = jnp.maximum(_bdot(ea_ref[...], A1_ref[...]) + b1_ref[...], 0.0)
    Y = (_bdot(h1e, A2_ref[...]) + b2_ref[...]).astype(jnp.bfloat16).astype(jnp.float32)
    xj = xj_ref[...].astype(jnp.bfloat16).astype(jnp.float32)
    acc = xj[:, 0:1] * Y[:, 0:mo]
    for i in range(1, mi):
        acc = acc + xj[:, i:i + 1] * Y[:, i * mo:(i + 1) * mo]
    eid = base + p * _TE + lax.broadcasted_iota(jnp.int32, (_TE, 1), 0)
    out_ref[...] = jnp.where(eid < E, acc, 0.0)


def _make_edge(mi, mo, dx, base):
    body = functools.partial(_edge_body, mi, mo, base)
    return pl.pallas_call(
        body,
        grid=(EH // _TE,),
        in_specs=[
            pl.BlockSpec((_TE, EDGE_DIM), lambda p: (p, 0)),
            pl.BlockSpec((_TE, dx), lambda p: (p, 0)),
            pl.BlockSpec((EDGE_DIM, 128), lambda p: (0, 0)),
            pl.BlockSpec((1, 128), lambda p: (0, 0)),
            pl.BlockSpec((128, mi * mo), lambda p: (0, 0)),
            pl.BlockSpec((1, mi * mo), lambda p: (0, 0)),
        ],
        out_specs=pl.BlockSpec((_TE, mo), lambda p: (p, 0)),
        out_shape=jax.ShapeDtypeStruct((EH, mo), jnp.float32),
    )


_TN = 1000


def _elu(z):
    return jnp.where(z > 0, z, jnp.exp(jnp.minimum(z, 0.0)) - 1.0)


def _node_body(h_ref, p0_ref, p1_ref, p2_ref, p3_ref, root_ref, bias_ref, out_ref):
    z = (_bdot(h_ref[...], root_ref[...]) + (p0_ref[...] + p1_ref[...])
         + (p2_ref[...] + p3_ref[...]) + bias_ref[...])
    out_ref[...] = _elu(z)


def _make_node(mi, mo):
    return pl.pallas_call(
        _node_body,
        grid=(N // _TN,),
        in_specs=[
            pl.BlockSpec((_TN, mi), lambda p: (p, 0)),
            pl.BlockSpec((_TN, mo), lambda p: (p, 0)),
            pl.BlockSpec((_TN, mo), lambda p: (p, 0)),
            pl.BlockSpec((_TN, mo), lambda p: (p, 0)),
            pl.BlockSpec((_TN, mo), lambda p: (p, 0)),
            pl.BlockSpec((mi, mo), lambda p: (0, 0)),
            pl.BlockSpec((1, mo), lambda p: (0, 0)),
        ],
        out_specs=pl.BlockSpec((_TN, mo), lambda p: (p, 0)),
        out_shape=jax.ShapeDtypeStruct((N, mo), jnp.float32),
    )


_HC = 76


def _pool_body(b_ref, hcat_ref, out_ref):
    @pl.when(pl.program_id(0) == 0)
    def _():
        out_ref[...] = jnp.zeros_like(out_ref)

    b = b_ref[0]
    onehot = (lax.broadcasted_iota(jnp.int32, (G, _TN), 0) == b).astype(jnp.float32)
    out_ref[...] += _dot(onehot, hcat_ref[...])


def _node1pool_body(b_ref, h_ref, p0_ref, p1_ref, p2_ref, p3_ref, root_ref,
                    bias_ref, xc_ref, out_ref):
    @pl.when(pl.program_id(0) == 0)
    def _():
        out_ref[...] = jnp.zeros_like(out_ref)

    z = (_bdot(h_ref[...], root_ref[...]) + (p0_ref[...] + p1_ref[...])
         + (p2_ref[...] + p3_ref[...]) + bias_ref[...])
    h2 = _elu(z)
    hcat = jnp.concatenate(
        [h2, xc_ref[...], jnp.ones((_TN, 1), jnp.float32)], axis=1)
    b = b_ref[0]
    onehot = (lax.broadcasted_iota(jnp.int32, (G, _TN), 0) == b).astype(jnp.float32)
    out_ref[...] += _dot(onehot, hcat)


_node1pool = pl.pallas_call(
    _node1pool_body,
    grid=(N // _TN,),
    in_specs=[
        pl.BlockSpec((1, 1, _TN), lambda p: (p, 0, 0)),
        pl.BlockSpec((_TN, 32), lambda p: (p, 0)),
        pl.BlockSpec((_TN, 64), lambda p: (p, 0)),
        pl.BlockSpec((_TN, 64), lambda p: (p, 0)),
        pl.BlockSpec((_TN, 64), lambda p: (p, 0)),
        pl.BlockSpec((_TN, 64), lambda p: (p, 0)),
        pl.BlockSpec((32, 64), lambda p: (0, 0)),
        pl.BlockSpec((1, 64), lambda p: (0, 0)),
        pl.BlockSpec((_TN, F_IN - CONT), lambda p: (p, 0)),
    ],
    out_specs=pl.BlockSpec((G, _HC), lambda p: (0, 0)),
    out_shape=jax.ShapeDtypeStruct((G, _HC), jnp.float32),
)


_pool = pl.pallas_call(
    _pool_body,
    grid=(N // _TN,),
    in_specs=[
        pl.BlockSpec((1, 1, _TN), lambda p: (p, 0, 0)),
        pl.BlockSpec((_TN, _HC), lambda p: (p, 0)),
    ],
    out_specs=pl.BlockSpec((G, _HC), lambda p: (0, 0)),
    out_shape=jax.ShapeDtypeStruct((G, _HC), jnp.float32),
)


def _head_body(s_ref, w1_ref, b1_ref, w2_ref, b2_ref, w3_ref, b3_ref, out_ref):
    s = s_ref[...]
    sums = s[:, : _HC - 1]
    cnt = s[:, _HC - 1:_HC]
    mean = sums / jnp.maximum(cnt, 1.0)
    h = _elu(_bdot(mean, w1_ref[...]) + b1_ref[...])
    h = _elu(_bdot(h, w2_ref[...]) + b2_ref[...])
    out_ref[...] = _bdot(h, w3_ref[...]) + b3_ref[...]


_head = pl.pallas_call(
    _head_body,
    out_shape=jax.ShapeDtypeStruct((G, 1), jnp.float32),
)

_edge0 = [_make_edge(CONT, 32, 16, h * EH) for h in range(2)]
_edge1 = [_make_edge(32, 64, 32, h * EH) for h in range(2)]
_node0 = _make_node(CONT, 32)


def kernel(x, edge_index, edge_attr, batch,
           A1_0, b1_0, A2_0, b2_0, root_0, bias_0,
           A1_1, b1_1, A2_1, b2_1, root_1, bias_1,
           fc1_W, fc1_b, fc2_W, fc2_b, fc3_W, fc3_b):
    pad_e = EP - E
    src = jnp.concatenate([edge_index[0], jnp.zeros((pad_e,), jnp.int32)])
    dst = jnp.concatenate([edge_index[1], jnp.zeros((pad_e,), jnp.int32)])
    src_r = src.reshape(2, NW, NCHUNK, CHUNK)
    dst_r = dst.reshape(2, NW, NCHUNK, CHUNK)
    ea_p = jnp.concatenate([edge_attr, jnp.zeros((pad_e, EDGE_DIM), jnp.float32)])
    ea = [ea_p[:EH], ea_p[EH:]]

    h0 = x[:, :CONT]
    h0p = jnp.concatenate([h0, jnp.zeros((N, 16 - CONT), jnp.float32)], axis=1)
    zeros32 = jnp.zeros((NP, 32), jnp.float32)
    zeros64 = jnp.zeros((NP, 64), jnp.float32)

    b1_0r = b1_0.reshape(1, 128)
    b2_0r = b2_0.reshape(1, -1)
    b1_1r = b1_1.reshape(1, 128)
    b2_1r = b2_1.reshape(1, -1)
    xj0 = [_make_gather(16)(h0p, src_r[h]) for h in range(2)]
    msg0 = [_edge0[h](ea[h], xj0[h], A1_0, b1_0r, A2_0, b2_0r) for h in range(2)]
    parts0 = [_make_scatter(32)(msg0[h], dst_r[h], zeros32) for h in range(2)]
    h1 = _node0(h0, parts0[0][:N], parts0[0][NP:NP + N],
                parts0[1][:N], parts0[1][NP:NP + N],
                root_0, bias_0.reshape(1, -1))

    xj1 = [_make_gather(32)(h1, src_r[h]) for h in range(2)]
    msg1 = [_edge1[h](ea[h], xj1[h], A1_1, b1_1r, A2_1, b2_1r) for h in range(2)]
    parts1 = [_make_scatter(64)(msg1[h], dst_r[h], zeros64) for h in range(2)]

    batch_r = batch.reshape(N // _TN, 1, _TN)
    sums = _node1pool(batch_r, h1, parts1[0][:N], parts1[0][NP:NP + N],
                      parts1[1][:N], parts1[1][NP:NP + N],
                      root_1, bias_1.reshape(1, -1), x[:, CONT:])
    out = _head(sums, fc1_W, fc1_b.reshape(1, -1), fc2_W, fc2_b.reshape(1, -1),
                fc3_W, fc3_b.reshape(1, -1))
    return out.reshape(-1)

# --- scband reference (transcript-rebuilt; emitter-appended) ---
"""Pipeline reference for scband-k1-gnn-sep-7842610283373 (READ-ONLY COPY).

The authoritative reference and input builder live on the scoring server;
editing this copy changes nothing except your own understanding.
"""

import jax, jax.numpy as jnp
import numpy as np

N = 10000
E = 160000
F_IN = 16
CONT = 5
EDGE_DIM = 4
G = 64
DIMS = [(5, 32), (32, 64)]


def setup_inputs(seed: int = 0) -> dict:
    key = jax.random.key(seed)
    ks = jax.random.split(key, 40)
    inp = {}
    inp["x"] = jax.random.normal(ks[0], (N, F_IN), dtype=jnp.float32)
    inp["edge_index"] = jax.random.randint(ks[1], (2, E), 0, N, dtype=jnp.int32)
    inp["edge_attr"] = jax.random.normal(ks[2], (E, EDGE_DIM), dtype=jnp.float32)
    inp["batch"] = jnp.sort(jax.random.randint(ks[3], (N,), 0, G, dtype=jnp.int32))
    i = 4
    for l, (mi, mo) in enumerate(DIMS):
        inp[f"A1_{l}"] = jax.random.normal(ks[i], (EDGE_DIM, 128), dtype=jnp.float32) * 0.1; i += 1
        inp[f"b1_{l}"] = jnp.zeros((128,), dtype=jnp.float32)
        inp[f"A2_{l}"] = jax.random.normal(ks[i], (128, mi * mo), dtype=jnp.float32) * 0.05; i += 1
        inp[f"b2_{l}"] = jnp.zeros((mi * mo,), dtype=jnp.float32)
        inp[f"root_{l}"] = jax.random.normal(ks[i], (mi, mo), dtype=jnp.float32) * 0.1; i += 1
        inp[f"bias_{l}"] = jnp.zeros((mo,), dtype=jnp.float32)
    FC_IN = DIMS[-1][1] + (F_IN - CONT)
    inp["fc1_W"] = jax.random.normal(ks[i], (FC_IN, 32), dtype=jnp.float32) * 0.1; i += 1
    inp["fc1_b"] = jnp.zeros((32,), dtype=jnp.float32)
    inp["fc2_W"] = jax.random.normal(ks[i], (32, 16), dtype=jnp.float32) * 0.1; i += 1
    inp["fc2_b"] = jnp.zeros((16,), dtype=jnp.float32)
    inp["fc3_W"] = jax.random.normal(ks[i], (16, 1), dtype=jnp.float32) * 0.1; i += 1
    inp["fc3_b"] = jnp.zeros((1,), dtype=jnp.float32)
    return inp


def _nnconv(h, edge_attr, src, dst, A1, b1, A2, b2, root, bias, mi, mo):
    # edge-conditioned weights: MLP(edge_attr) -> [E, mi, mo]
    w = jax.nn.relu(edge_attr @ A1 + b1) @ A2 + b2
    w = w.reshape(-1, mi, mo)
    xj = h[src]  # gather source node features per edge
    msg = jnp.einsum('ei,eio->eo', xj, w)
    agg = jax.ops.segment_sum(msg, dst, num_segments=N)  # NNConv default aggr='add'
    return h @ root + agg + bias


def reference(x, edge_index, edge_attr, batch, A1_0, b1_0, A2_0, b2_0, root_0, bias_0, A1_1, b1_1, A2_1, b2_1, root_1, bias_1, fc1_W, fc1_b, fc2_W, fc2_b, fc3_W, fc3_b):
    src = edge_index[0]
    dst = edge_index[1]
    h = x[:, :CONT]
    h = jax.nn.elu(_nnconv(h, edge_attr, src, dst, A1_0, b1_0, A2_0, b2_0, root_0, bias_0, 5, 32))
    h = jax.nn.elu(_nnconv(h, edge_attr, src, dst, A1_1, b1_1, A2_1, b2_1, root_1, bias_1, 32, 64))
    x_cont = x[:, CONT:]  # cont_feat_num_layers == 0: passthrough
    hcat = jnp.concatenate([h, x_cont], axis=1)
    sums = jax.ops.segment_sum(hcat, batch, num_segments=G)
    cnt = jax.ops.segment_sum(jnp.ones((N, 1), dtype=jnp.float32), batch, num_segments=G)
    mean = sums / jnp.maximum(cnt, 1.0)  # scatter_mean
    h = jax.nn.elu(mean @ fc1_W + fc1_b)
    h = jax.nn.elu(h @ fc2_W + fc2_b)
    out = (h @ fc3_W + fc3_b).reshape(-1)
    return out

if __name__ == "__main__":
    import jax
    _d = setup_inputs()
    print(jax.jit(kernel)(*tuple(_d.values())))

</pallas_src>

<mosaic_0001>
#map = affine_map<(d0, d1) -> (0, 0)>
#map1 = affine_map<(d0, d1) -> (0, 0, 0)>
module attributes {stable_mosaic.version = 14 : i64} {
  func.func @gk(%arg0: i32, %arg1: i32, %arg2: memref<10000x16xf32, #tpu.memory_space<hbm>>, %arg3: memref<32x20x128xi32, #tpu.memory_space<hbm>>, %arg4: memref<81920x16xf32, #tpu.memory_space<hbm>>, %arg5: memref<20x128xi32, #tpu.memory_space<vmem>>, %arg6: memref<128x16xf32, #tpu.memory_space<vmem>>, %arg7: memref<128x16xf32, #tpu.memory_space<vmem>>, %arg8: memref<128x16xf32, #tpu.memory_space<vmem>>, %arg9: memref<128x16xf32, #tpu.memory_space<vmem>>, %arg10: memref<!tpu.dma_semaphore, #tpu.memory_space<semaphore_mem>>, %arg11: memref<!tpu.dma_semaphore, #tpu.memory_space<semaphore_mem>>, %arg12: memref<!tpu.dma_semaphore, #tpu.memory_space<semaphore_mem>>, %arg13: memref<!tpu.dma_semaphore, #tpu.memory_space<semaphore_mem>>) attributes {dimension_semantics = [#tpu.dimension_semantics<core_parallel>, #tpu.dimension_semantics<subcore_parallel>], iteration_bounds = array<i64: 2, 16>, scalar_prefetch = 0 : i64, scratch_operands = 9 : i64, tpu.core_type = #tpu.core_type<sc_vector_subcore>, window_params = [{transform_indices = #map}, {transform_indices = #map1}, {transform_indices = #map}]} {
    %mul3A = arith.constant 2 : i32
    %mul3A_0 = arith.muli %arg1, %mul3A : i32
    %add3A = arith.addi %mul3A_0, %arg0 : i32
    %mul3A_1 = arith.constant 2560 : i32
    %mul3A_2 = arith.muli %add3A, %mul3A_1 : i32
    "tpu.region"() ({
      %run_scoped3A = tpu.sem_alloc : memref<!tpu.dma_semaphore, #tpu.memory_space<semaphore_mem>>
      %dma_start3A = arith.constant 0 : i32
      %dma_start3A_8 = arith.constant 0 : i32
      %dma_start3A_9 = tpu.memref_slice %arg3[%add3A, %dma_start3A, %dma_start3A_8] : memref<32x20x128xi32, #tpu.memory_space<hbm>> -> memref<1x20x128xi32, #tpu.memory_space<hbm>>
      %dma_start3A_10 = tpu.memref_squeeze %dma_start3A_9 : memref<1x20x128xi32, #tpu.memory_space<hbm>> -> memref<20x128xi32, #tpu.memory_space<hbm>>
      %dma_start3A_11 = arith.constant 0 : i32
      %dma_start3A_12 = arith.constant 0 : i32
      %dma_start3A_13 = tpu.memref_slice %arg3[%add3A, %dma_start3A_11, %dma_start3A_12] : memref<32x20x128xi32, #tpu.memory_space<hbm>> -> memref<1x20x128xi32, #tpu.memory_space<hbm>>
      %dma_start3A_14 = tpu.memref_squeeze %dma_start3A_13 : memref<1x20x128xi32, #tpu.memory_space<hbm>> -> memref<20x128xi32, #tpu.memory_space<hbm>>
      tpu.enqueue_dma source(%dma_start3A_14 : memref<20x128xi32, #tpu.memory_space<hbm>>) target(%arg5 : memref<20x128xi32, #tpu.memory_space<vmem>>) target_semaphore(%run_scoped3A : memref<!tpu.dma_semaphore, #tpu.memory_space<semaphore_mem>>)
      %dma_wait3A = arith.constant 0 : i32
      %dma_wait3A_15 = arith.constant 0 : i32
      %dma_wait3A_16 = tpu.memref_slice %arg3[%add3A, %dma_wait3A, %dma_wait3A_15] : memref<32x20x128xi32, #tpu.memory_space<hbm>> -> memref<1x20x128xi32, #tpu.memory_space<hbm>>
      %dma_wait3A_17 = tpu.memref_squeeze %dma_wait3A_16 : memref<1x20x128xi32, #tpu.memory_space<hbm>> -> memref<20x128xi32, #tpu.memory_space<hbm>>
      %dma_wait3A_18 = arith.constant 0 : i32
      %dma_wait3A_19 = arith.constant 0 : i32
      %dma_wait3A_20 = tpu.memref_slice %arg3[%add3A, %dma_wait3A_18, %dma_wait3A_19] : memref<32x20x128xi32, #tpu.memory_space<hbm>> -> memref<1x20x128xi32, #tpu.memory_space<hbm>>
      %dma_wait3A_21 = tpu.memref_squeeze %dma_wait3A_20 : memref<1x20x128xi32, #tpu.memory_space<hbm>> -> memref<20x128xi32, #tpu.memory_space<hbm>>
      tpu.wait_dma2 semaphore(%run_scoped3A : memref<!tpu.dma_semaphore, #tpu.memory_space<semaphore_mem>>) src(%dma_wait3A_21 : memref<20x128xi32, #tpu.memory_space<hbm>>) dst(%arg5 : memref<20x128xi32, #tpu.memory_space<vmem>>)
      tpu.yield
    }) : () -> ()
    %scan3A = arith.constant 0 : i32
    %scan3A_3 = arith.constant 0 : i32
    %scan3A_4 = arith.constant 5 : i32
    %scan3A_5 = arith.addi %scan3A_3, %scan3A_4 : i32
    %scan3A_6 = arith.constant 1 : i32
    scf.for %scan3A_8 = %scan3A_3 to %scan3A_5 step %scan3A_6  : i32 {
      %mul3A_9 = arith.constant 4 : i32
      %mul3A_10 = arith.muli %scan3A_8, %mul3A_9 : i32
      %add3A_11 = arith.constant 0 : i32
      %add3A_12 = arith.addi %mul3A_10, %add3A_11 : i32
      %dma_start3A = arith.constant 0 : i32
      %dma_start3A_13 = tpu.memref_slice %arg5[%add3A_12, %dma_start3A] : memref<20x128xi32, #tpu.memory_space<vmem>> -> memref<1x128xi32, #tpu.memory_space<vmem>>
      %dma_start3A_14 = tpu.memref_squeeze %dma_start3A_13 : memref<1x128xi32, #tpu.memory_space<vmem>> -> memref<128xi32, #tpu.memory_space<vmem>>
      %dma_start3A_15 = arith.constant 0 : i32
      %dma_start3A_16 = arith.constant 0 : i32
      %dma_start3A_17 = tpu.memref_slice %arg2[%dma_start3A_15, %dma_start3A_16] : memref<10000x16xf32, #tpu.memory_space<hbm>> -> memref<10000x16xf32, #tpu.memory_space<hbm>>
      tpu.enqueue_indirect_dma source(%dma_start3A_17 : memref<10000x16xf32, #tpu.memory_space<hbm>>) target(%arg6 : memref<128x16xf32, #tpu.memory_space<vmem>>) offsets(%dma_start3A_14 : memref<128xi32, #tpu.memory_space<vmem>>) semaphore(%arg10 : memref<!tpu.dma_semaphore, #tpu.memory_space<semaphore_mem>>)
      %mul3A_18 = arith.constant 4 : i32
      %mul3A_19 = arith.muli %scan3A_8, %mul3A_18 : i32
      %add3A_20 = arith.constant 1 : i32
      %add3A_21 = arith.addi %mul3A_19, %add3A_20 : i32
      %dma_start3A_22 = arith.constant 0 : i32
      %dma_start3A_23 = tpu.memref_slice %arg5[%add3A_21, %dma_start3A_22] : memref<20x128xi32, #tpu.memory_space<vmem>> -> memref<1x128xi32, #tpu.memory_space<vmem>>
      %dma_start3A_24 = tpu.memref_squeeze %dma_start3A_23 : memref<1x128xi32, #tpu.memory_space<vmem>> -> memref<128xi32, #tpu.memory_space<vmem>>
      %dma_start3A_25 = arith.constant 0 : i32
      %dma_start3A_26 = arith.constant 0 : i32
      %dma_start3A_27 = tpu.memref_slice %arg2[%dma_start3A_25, %dma_start3A_26] : memref<10000x16xf32, #tpu.memory_space<hbm>> -> memref<10000x16xf32, #tpu.memory_space<hbm>>
      tpu.enqueue_indirect_dma source(%dma_start3A_27 : memref<10000x16xf32, #tpu.memory_space<hbm>>) target(%arg7 : memref<128x16xf32, #tpu.memory_space<vmem>>) offsets(%dma_start3A_24 : memref<128xi32, #tpu.memory_space<vmem>>) semaphore(%arg11 : memref<!tpu.dma_semaphore, #tpu.memory_space<semaphore_mem>>)
      %mul3A_28 = arith.constant 4 : i32
      %mul3A_29 = arith.muli %scan3A_8, %mul3A_28 : i32
      %add3A_30 = arith.constant 2 : i32
      %add3A_31 = arith.addi %mul3A_29, %add3A_30 : i32
      %dma_start3A_32 = arith.constant 0 : i32
      %dma_start3A_33 = tpu.memref_slice %arg5[%add3A_31, %dma_start3A_32] : memref<20x128xi32, #tpu.memory_space<vmem>> -> memref<1x128xi32, #tpu.memory_space<vmem>>
      %dma_start3A_34 = tpu.memref_squeeze %dma_start3A_33 : memref<1x128xi32, #tpu.memory_space<vmem>> -> memref<128xi32, #tpu.memory_space<vmem>>
      %dma_start3A_35 = arith.constant 0 : i32
      %dma_start3A_36 = arith.constant 0 : i32
      %dma_start3A_37 = tpu.memref_slice %arg2[%dma_start3A_35, %dma_start3A_36] : memref<10000x16xf32, #tpu.memory_space<hbm>> -> memref<10000x16xf32, #tpu.memory_space<hbm>>
      tpu.enqueue_indirect_dma source(%dma_start3A_37 : memref<10000x16xf32, #tpu.memory_space<hbm>>) target(%arg8 : memref<128x16xf32, #tpu.memory_space<vmem>>) offsets(%dma_start3A_34 : memref<128xi32, #tpu.memory_space<vmem>>) semaphore(%arg12 : memref<!tpu.dma_semaphore, #tpu.memory_space<semaphore_mem>>)
      %mul3A_38 = arith.constant 4 : i32
      %mul3A_39 = arith.muli %scan3A_8, %mul3A_38 : i32
      %add3A_40 = arith.constant 3 : i32
      %add3A_41 = arith.addi %mul3A_39, %add3A_40 : i32
      %dma_start3A_42 = arith.constant 0 : i32
      %dma_start3A_43 = tpu.memref_slice %arg5[%add3A_41, %dma_start3A_42] : memref<20x128xi32, #tpu.memory_space<vmem>> -> memref<1x128xi32, #tpu.memory_space<vmem>>
      %dma_start3A_44 = tpu.memref_squeeze %dma_start3A_43 : memref<1x128xi32, #tpu.memory_space<vmem>> -> memref<128xi32, #tpu.memory_space<vmem>>
      %dma_start3A_45 = arith.constant 0 : i32
      %dma_start3A_46 = arith.constant 0 : i32
      %dma_start3A_47 = tpu.memref_slice %arg2[%dma_start3A_45, %dma_start3A_46] : memref<10000x16xf32, #tpu.memory_space<hbm>> -> memref<10000x16xf32, #tpu.memory_space<hbm>>
      tpu.enqueue_indirect_dma source(%dma_start3A_47 : memref<10000x16xf32, #tpu.memory_space<hbm>>) target(%arg9 : memref<128x16xf32, #tpu.memory_space<vmem>>) offsets(%dma_start3A_44 : memref<128xi32, #tpu.memory_space<vmem>>) semaphore(%arg13 : memref<!tpu.dma_semaphore, #tpu.memory_space<semaphore_mem>>)
      %dma_wait3A = arith.constant 0 : i32
      %dma_wait3A_48 = tpu.memref_slice %arg5[%add3A_12, %dma_wait3A] : memref<20x128xi32, #tpu.memory_space<vmem>> -> memref<1x128xi32, #tpu.memory_space<vmem>>
      %dma_wait3A_49 = tpu.memref_squeeze %dma_wait3A_48 : memref<1x128xi32, #tpu.memory_space<vmem>> -> memref<128xi32, #tpu.memory_space<vmem>>
      %dma_wait3A_50 = arith.constant 0 : i32
      %dma_wait3A_51 = arith.constant 0 : i32
      %dma_wait3A_52 = tpu.memref_slice %arg2[%dma_wait3A_50, %dma_wait3A_51] : memref<10000x16xf32, #tpu.memory_space<hbm>> -> memref<10000x16xf32, #tpu.memory_space<hbm>>
      tpu.wait_indirect_dma semaphore(%arg10 : memref<!tpu.dma_semaphore, #tpu.memory_space<semaphore_mem>>) src(%dma_wait3A_52 : memref<10000x16xf32, #tpu.memory_space<hbm>>) dst(%arg6 : memref<128x16xf32, #tpu.memory_space<vmem>>)
      %mul3A_53 = arith.constant 4 : i32
      %mul3A_54 = arith.muli %scan3A_8, %mul3A_53 : i32
      %add3A_55 = arith.constant 0 : i32
      %add3A_56 = arith.addi %mul3A_54, %add3A_55 : i32
      %mul3A_57 = arith.constant 128 : i32
      %mul3A_58 = arith.muli %add3A_56, %mul3A_57 : i32
      %add3A_59 = arith.addi %mul3A_2, %mul3A_58 : i32
      "tpu.region"() ({
        %run_scoped3A = tpu.sem_alloc : memref<!tpu.dma_semaphore, #tpu.memory_space<semaphore_mem>>
        %dma_start3A_99 = arith.constant 0 : i32
        %dma_start3A_100 = tpu.memref_slice %arg4[%add3A_59, %dma_start3A_99] : memref<81920x16xf32, #tpu.memory_space<hbm>> -> memref<128x16xf32, #tpu.memory_space<hbm>>
        %dma_start3A_101 = arith.constant 0 : i32
        %dma_start3A_102 = tpu.memref_slice %arg4[%add3A_59, %dma_start3A_101] : memref<81920x16xf32, #tpu.memory_space<hbm>> -> memref<128x16xf32, #tpu.memory_space<hbm>>
        tpu.enqueue_dma source(%arg6 : memref<128x16xf32, #tpu.memory_space<vmem>>) target(%dma_start3A_102 : memref<128x16xf32, #tpu.memory_space<hbm>>) target_semaphore(%run_scoped3A : memref<!tpu.dma_semaphore, #tpu.memory_space<semaphore_mem>>)
        %dma_wait3A_103 = arith.constant 0 : i32
        %dma_wait3A_104 = tpu.memref_slice %arg4[%add3A_59, %dma_wait3A_103] : memref<81920x16xf32, #tpu.memory_space<hbm>> -> memref<128x16xf32, #tpu.memory_space<hbm>>
        %dma_wait3A_105 = arith.constant 0 : i32
        %dma_wait3A_106 = tpu.memref_slice %arg4[%add3A_59, %dma_wait3A_105] : memref<81920x16xf32, #tpu.memory_space<hbm>> -> memref<128x16xf32, #tpu.memory_space<hbm>>
        tpu.wait_dma2 semaphore(%run_scoped3A : memref<!tpu.dma_semaphore, #tpu.memory_space<semaphore_mem>>) src(%arg6 : memref<128x16xf32, #tpu.memory_space<vmem>>) dst(%dma_wait3A_106 : memref<128x16xf32, #tpu.memory_space<hbm>>)
        tpu.yield
      }) : () -> ()
      %dma_wait3A_60 = arith.constant 0 : i32
      %dma_wait3A_61 = tpu.memref_slice %arg5[%add3A_21, %dma_wait3A_60] : memref<20x128xi32, #tpu.memory_space<vmem>> -> memref<1x128xi32, #tpu.memory_space<vmem>>
      %dma_wait3A_62 = tpu.memref_squeeze %dma_wait3A_61 : memref<1x128xi32, #tpu.memory_space<vmem>> -> memref<128xi32, #tpu.memory_space<vmem>>
      %dma_wait3A_63 = arith.constant 0 : i32
      %dma_wait3A_64 = arith.constant 0 : i32
      %dma_wait3A_65 = tpu.memref_slice %arg2[%dma_wait3A_63, %dma_wait3A_64] : memref<10000x16xf32, #tpu.memory_space<hbm>> -> memref<10000x16xf32, #tpu.memory_space<hbm>>
      tpu.wait_indirect_dma semaphore(%arg11 : memref<!tpu.dma_semaphore, #tpu.memory_space<semaphore_mem>>) src(%dma_wait3A_65 : memref<10000x16xf32, #tpu.memory_space<hbm>>) dst(%arg7 : memref<128x16xf32, #tpu.memory_space<vmem>>)
      %mul3A_66 = arith.constant 4 : i32
      %mul3A_67 = arith.muli %scan3A_8, %mul3A_66 : i32
      %add3A_68 = arith.constant 1 : i32
      %add3A_69 = arith.addi %mul3A_67, %add3A_68 : i32
      %mul3A_70 = arith.constant 128 : i32
      %mul3A_71 = arith.muli %add3A_69, %mul3A_70 : i32
      %add3A_72 = arith.addi %mul3A_2, %mul3A_71 : i32
      "tpu.region"() ({
        %run_scoped3A = tpu.sem_alloc : memref<!tpu.dma_semaphore, #tpu.memory_space<semaphore_mem>>
        %dma_start3A_99 = arith.constant 0 : i32
        %dma_start3A_100 = tpu.memref_slice %arg4[%add3A_72, %dma_start3A_99] : memref<81920x16xf32, #tpu.memory_space<hbm>> -> memref<128x16xf32, #tpu.memory_space<hbm>>
        %dma_start3A_101 = arith.constant 0 : i32
        %dma_start3A_102 = tpu.memref_slice %arg4[%add3A_72, %dma_start3A_101] : memref<81920x16xf32, #tpu.memory_space<hbm>> -> memref<128x16xf32, #tpu.memory_space<hbm>>
        tpu.enqueue_dma source(%arg7 : memref<128x16xf32, #tpu.memory_space<vmem>>) target(%dma_start3A_102 : memref<128x16xf32, #tpu.memory_space<hbm>>) target_semaphore(%run_scoped3A : memref<!tpu.dma_semaphore, #tpu.memory_space<semaphore_mem>>)
        %dma_wait3A_103 = arith.constant 0 : i32
        %dma_wait3A_104 = tpu.memref_slice %arg4[%add3A_72, %dma_wait3A_103] : memref<81920x16xf32, #tpu.memory_space<hbm>> -> memref<128x16xf32, #tpu.memory_space<hbm>>
        %dma_wait3A_105 = arith.constant 0 : i32
        %dma_wait3A_106 = tpu.memref_slice %arg4[%add3A_72, %dma_wait3A_105] : memref<81920x16xf32, #tpu.memory_space<hbm>> -> memref<128x16xf32, #tpu.memory_space<hbm>>
        tpu.wait_dma2 semaphore(%run_scoped3A : memref<!tpu.dma_semaphore, #tpu.memory_space<semaphore_mem>>) src(%arg7 : memref<128x16xf32, #tpu.memory_space<vmem>>) dst(%dma_wait3A_106 : memref<128x16xf32, #tpu.memory_space<hbm>>)
        tpu.yield
      }) : () -> ()
      %dma_wait3A_73 = arith.constant 0 : i32
      %dma_wait3A_74 = tpu.memref_slice %arg5[%add3A_31, %dma_wait3A_73] : memref<20x128xi32, #tpu.memory_space<vmem>> -> memref<1x128xi32, #tpu.memory_space<vmem>>
      %dma_wait3A_75 = tpu.memref_squeeze %dma_wait3A_74 : memref<1x128xi32, #tpu.memory_space<vmem>> -> memref<128xi32, #tpu.memory_space<vmem>>
      %dma_wait3A_76 = arith.constant 0 : i32
      %dma_wait3A_77 = arith.constant 0 : i32
      %dma_wait3A_78 = tpu.memref_slice %arg2[%dma_wait3A_76, %dma_wait3A_77] : memref<10000x16xf32, #tpu.memory_space<hbm>> -> memref<10000x16xf32, #tpu.memory_space<hbm>>
      tpu.wait_indirect_dma semaphore(%arg12 : memref<!tpu.dma_semaphore, #tpu.memory_space<semaphore_mem>>) src(%dma_wait3A_78 : memref<10000x16xf32, #tpu.memory_space<hbm>>) dst(%arg8 : memref<128x16xf32, #tpu.memory_space<vmem>>)
      %mul3A_79 = arith.constant 4 : i32
      %mul3A_80 = arith.muli %scan3A_8, %mul3A_79 : i32
      %add3A_81 = arith.constant 2 : i32
      %add3A_82 = arith.addi %mul3A_80, %add3A_81 : i32
      %mul3A_83 = arith.constant 128 : i32
      %mul3A_84 = arith.muli %add3A_82, %mul3A_83 : i32
      %add3A_85 = arith.addi %mul3A_2, %mul3A_84 : i32
      "tpu.region"() ({
        %run_scoped3A = tpu.sem_alloc : memref<!tpu.dma_semaphore, #tpu.memory_space<semaphore_mem>>
        %dma_start3A_99 = arith.constant 0 : i32
        %dma_start3A_100 = tpu.memref_slice %arg4[%add3A_85, %dma_start3A_99] : memref<81920x16xf32, #tpu.memory_space<hbm>> -> memref<128x16xf32, #tpu.memory_space<hbm>>
        %dma_start3A_101 = arith.constant 0 : i32
        %dma_start3A_102 = tpu.memref_slice %arg4[%add3A_85, %dma_start3A_101] : memref<81920x16xf32, #tpu.memory_space<hbm>> -> memref<128x16xf32, #tpu.memory_space<hbm>>
        tpu.enqueue_dma source(%arg8 : memref<128x16xf32, #tpu.memory_space<vmem>>) target(%dma_start3A_102 : memref<128x16xf32, #tpu.memory_space<hbm>>) target_semaphore(%run_scoped3A : memref<!tpu.dma_semaphore, #tpu.memory_space<semaphore_mem>>)
        %dma_wait3A_103 = arith.constant 0 : i32
        %dma_wait3A_104 = tpu.memref_slice %arg4[%add3A_85, %dma_wait3A_103] : memref<81920x16xf32, #tpu.memory_space<hbm>> -> memref<128x16xf32, #tpu.memory_space<hbm>>
        %dma_wait3A_105 = arith.constant 0 : i32
        %dma_wait3A_106 = tpu.memref_slice %arg4[%add3A_85, %dma_wait3A_105] : memref<81920x16xf32, #tpu.memory_space<hbm>> -> memref<128x16xf32, #tpu.memory_space<hbm>>
        tpu.wait_dma2 semaphore(%run_scoped3A : memref<!tpu.dma_semaphore, #tpu.memory_space<semaphore_mem>>) src(%arg8 : memref<128x16xf32, #tpu.memory_space<vmem>>) dst(%dma_wait3A_106 : memref<128x16xf32, #tpu.memory_space<hbm>>)
        tpu.yield
      }) : () -> ()
      %dma_wait3A_86 = arith.constant 0 : i32
      %dma_wait3A_87 = tpu.memref_slice %arg5[%add3A_41, %dma_wait3A_86] : memref<20x128xi32, #tpu.memory_space<vmem>> -> memref<1x128xi32, #tpu.memory_space<vmem>>
      %dma_wait3A_88 = tpu.memref_squeeze %dma_wait3A_87 : memref<1x128xi32, #tpu.memory_space<vmem>> -> memref<128xi32, #tpu.memory_space<vmem>>
      %dma_wait3A_89 = arith.constant 0 : i32
      %dma_wait3A_90 = arith.constant 0 : i32
      %dma_wait3A_91 = tpu.memref_slice %arg2[%dma_wait3A_89, %dma_wait3A_90] : memref<10000x16xf32, #tpu.memory_space<hbm>> -> memref<10000x16xf32, #tpu.memory_space<hbm>>
      tpu.wait_indirect_dma semaphore(%arg13 : memref<!tpu.dma_semaphore, #tpu.memory_space<semaphore_mem>>) src(%dma_wait3A_91 : memref<10000x16xf32, #tpu.memory_space<hbm>>) dst(%arg9 : memref<128x16xf32, #tpu.memory_space<vmem>>)
      %mul3A_92 = arith.constant 4 : i32
      %mul3A_93 = arith.muli %scan3A_8, %mul3A_92 : i32
      %add3A_94 = arith.constant 3 : i32
      %add3A_95 = arith.addi %mul3A_93, %add3A_94 : i32
      %mul3A_96 = arith.constant 128 : i32
      %mul3A_97 = arith.muli %add3A_95, %mul3A_96 : i32
      %add3A_98 = arith.addi %mul3A_2, %mul3A_97 : i32
      "tpu.region"() ({
        %run_scoped3A = tpu.sem_alloc : memref<!tpu.dma_semaphore, #tpu.memory_space<semaphore_mem>>
        %dma_start3A_99 = arith.constant 0 : i32
        %dma_start3A_100 = tpu.memref_slice %arg4[%add3A_98, %dma_start3A_99] : memref<81920x16xf32, #tpu.memory_space<hbm>> -> memref<128x16xf32, #tpu.memory_space<hbm>>
        %dma_start3A_101 = arith.constant 0 : i32
        %dma_start3A_102 = tpu.memref_slice %arg4[%add3A_98, %dma_start3A_101] : memref<81920x16xf32, #tpu.memory_space<hbm>> -> memref<128x16xf32, #tpu.memory_space<hbm>>
        tpu.enqueue_dma source(%arg9 : memref<128x16xf32, #tpu.memory_space<vmem>>) target(%dma_start3A_102 : memref<128x16xf32, #tpu.memory_space<hbm>>) target_semaphore(%run_scoped3A : memref<!tpu.dma_semaphore, #tpu.memory_space<semaphore_mem>>)
        %dma_wait3A_103 = arith.constant 0 : i32
        %dma_wait3A_104 = tpu.memref_slice %arg4[%add3A_98, %dma_wait3A_103] : memref<81920x16xf32, #tpu.memory_space<hbm>> -> memref<128x16xf32, #tpu.memory_space<hbm>>
        %dma_wait3A_105 = arith.constant 0 : i32
        %dma_wait3A_106 = tpu.memref_slice %arg4[%add3A_98, %dma_wait3A_105] : memref<81920x16xf32, #tpu.memory_space<hbm>> -> memref<128x16xf32, #tpu.memory_space<hbm>>
        tpu.wait_dma2 semaphore(%run_scoped3A : memref<!tpu.dma_semaphore, #tpu.memory_space<semaphore_mem>>) src(%arg9 : memref<128x16xf32, #tpu.memory_space<vmem>>) dst(%dma_wait3A_106 : memref<128x16xf32, #tpu.memory_space<hbm>>)
        tpu.yield
      }) : () -> ()
    }
    %scan3A_7 = arith.constant 5 : i32
    return
  }
}

#map = affine_map<(d0, d1) -> (0, 0)>
#map1 = affine_map<(d0, d1) -> (0, 0, 0)>
module attributes {stable_mosaic.version = 14 : i64} {
  func.func @sc_scatter32(%arg0: i32, %arg1: i32, %arg2: memref<81920x32xf32, #tpu.memory_space<hbm>>, %arg3: memref<32x20x128xi32, #tpu.memory_space<hbm>>, %arg4: memref<10240x32xf32, #tpu.memory_space<hbm>>, %arg5: memref<20480x32xf32, #tpu.memory_space<hbm>>, %arg6: memref<20x128xi32, #tpu.memory_space<vmem>>, %arg7: memref<128x32xf32, #tpu.memory_space<vmem>>, %arg8: memref<128x32xf32, #tpu.memory_space<vmem>>, %arg9: memref<128x32xf32, #tpu.memory_space<vmem>>, %arg10: memref<128x32xf32, #tpu.memory_space<vmem>>, %arg11: memref<!tpu.dma_semaphore, #tpu.memory_space<semaphore_mem>>, %arg12: memref<!tpu.dma_semaphore, #tpu.memory_space<semaphore_mem>>, %arg13: memref<!tpu.dma_semaphore, #tpu.memory_space<semaphore_mem>>, %arg14: memref<!tpu.dma_semaphore, #tpu.memory_space<semaphore_mem>>, %arg15: memref<640x32xf32, #tpu.memory_space<vmem>>, %arg16: memref<10240x32xf32, #tpu.memory_space<vmem_shared>>) attributes {dimension_semantics = [#tpu.dimension_semantics<core_parallel>, #tpu.dimension_semantics<subcore_parallel>], iteration_bounds = array<i64: 2, 16>, scalar_prefetch = 0 : i64, scratch_operands = 11 : i64, tpu.core_type = #tpu.core_type<sc_vector_subcore>, window_params = [{transform_indices = #map}, {transform_indices = #map1}, {transform_indices = #map}, {transform_indices = #map}]} {
    %mul3A = arith.constant 2 : i32
    %mul3A_0 = arith.muli %arg1, %mul3A : i32
    %add3A = arith.addi %mul3A_0, %arg0 : i32
    %mul3A_1 = arith.constant 640 : i32
    %mul3A_2 = arith.muli %arg1, %mul3A_1 : i32
    "tpu.region"() ({
      %run_scoped3A = tpu.sem_alloc : memref<!tpu.dma_semaphore, #tpu.memory_space<semaphore_mem>>
      %dma_start3A = arith.constant 0 : i32
      %dma_start3A_12 = arith.constant 0 : i32
      %dma_start3A_13 = tpu.memref_slice %arg4[%dma_start3A, %dma_start3A_12] : memref<10240x32xf32, #tpu.memory_space<hbm>> -> memref<640x32xf32, #tpu.memory_space<hbm>>
      %dma_start3A_14 = arith.constant 0 : i32
      %dma_start3A_15 = arith.constant 0 : i32
      %dma_start3A_16 = tpu.memref_slice %arg4[%dma_start3A_14, %dma_start3A_15] : memref<10240x32xf32, #tpu.memory_space<hbm>> -> memref<640x32xf32, #tpu.memory_space<hbm>>
      tpu.enqueue_dma source(%dma_start3A_16 : memref<640x32xf32, #tpu.memory_space<hbm>>) target(%arg15 : memref<640x32xf32, #tpu.memory_space<vmem>>) target_semaphore(%run_scoped3A : memref<!tpu.dma_semaphore, #tpu.memory_space<semaphore_mem>>)
      %dma_wait3A = arith.constant 0 : i32
      %dma_wait3A_17 = arith.constant 0 : i32
      %dma_wait3A_18 = tpu.memref_slice %arg4[%dma_wait3A, %dma_wait3A_17] : memref<10240x32xf32, #tpu.memory_space<hbm>> -> memref<640x32xf32, #tpu.memory_space<hbm>>
      %dma_wait3A_19 = arith.constant 0 : i32
      %dma_wait3A_20 = arith.constant 0 : i32
      %dma_wait3A_21 = tpu.memref_slice %arg4[%dma_wait3A_19, %dma_wait3A_20] : memref<10240x32xf32, #tpu.memory_space<hbm>> -> memref<640x32xf32, #tpu.memory_space<hbm>>
      tpu.wait_dma2 semaphore(%run_scoped3A : memref<!tpu.dma_semaphore, #tpu.memory_space<semaphore_mem>>) src(%dma_wait3A_21 : memref<640x32xf32, #tpu.memory_space<hbm>>) dst(%arg15 : memref<640x32xf32, #tpu.memory_space<vmem>>)
      tpu.yield
    }) : () -> ()
    "tpu.region"() ({
      %run_scoped3A = tpu.sem_alloc : memref<!tpu.dma_semaphore, #tpu.memory_space<semaphore_mem>>
      %dma_start3A = arith.constant 0 : i32
      %dma_start3A_12 = tpu.memref_slice %arg16[%mul3A_2, %dma_start3A] : memref<10240x32xf32, #tpu.memory_space<vmem_shared>> -> memref<640x32xf32, #tpu.memory_space<vmem_shared>>
      %dma_start3A_13 = arith.constant 0 : i32
      %dma_start3A_14 = tpu.memref_slice %arg16[%mul3A_2, %dma_start3A_13] : memref<10240x32xf32, #tpu.memory_space<vmem_shared>> -> memref<640x32xf32, #tpu.memory_space<vmem_shared>>
      tpu.enqueue_dma source(%arg15 : memref<640x32xf32, #tpu.memory_space<vmem>>) target(%dma_start3A_14 : memref<640x32xf32, #tpu.memory_space<vmem_shared>>) target_semaphore(%run_scoped3A : memref<!tpu.dma_semaphore, #tpu.memory_space<semaphore_mem>>)
      %dma_wait3A = arith.constant 0 : i32
      %dma_wait3A_15 = tpu.memref_slice %arg16[%mul3A_2, %dma_wait3A] : memref<10240x32xf32, #tpu.memory_space<vmem_shared>> -> memref<640x32xf32, #tpu.memory_space<vmem_shared>>
      %dma_wait3A_16 = arith.constant 0 : i32
      %dma_wait3A_17 = tpu.memref_slice %arg16[%mul3A_2, %dma_wait3A_16] : memref<10240x32xf32, #tpu.memory_space<vmem_shared>> -> memref<640x32xf32, #tpu.memory_space<vmem_shared>>
      tpu.wait_dma2 semaphore(%run_scoped3A : memref<!tpu.dma_semaphore, #tpu.memory_space<semaphore_mem>>) src(%arg15 : memref<640x32xf32, #tpu.memory_space<vmem>>) dst(%dma_wait3A_17 : memref<640x32xf32, #tpu.memory_space<vmem_shared>>)
      tpu.yield
    }) : () -> ()
    %barrier3A = arith.constant 0 : index
    tpu.barrier barrier_id(%barrier3A)
    "tpu.region"() ({
      %run_scoped3A = tpu.sem_alloc : memref<!tpu.dma_semaphore, #tpu.memory_space<semaphore_mem>>
      %dma_start3A = arith.constant 0 : i32
      %dma_start3A_12 = arith.constant 0 : i32
      %dma_start3A_13 = tpu.memref_slice %arg3[%add3A, %dma_start3A, %dma_start3A_12] : memref<32x20x128xi32, #tpu.memory_space<hbm>> -> memref<1x20x128xi32, #tpu.memory_space<hbm>>
      %dma_start3A_14 = tpu.memref_squeeze %dma_start3A_13 : memref<1x20x128xi32, #tpu.memory_space<hbm>> -> memref<20x128xi32, #tpu.memory_space<hbm>>
      %dma_start3A_15 = arith.constant 0 : i32
      %dma_start3A_16 = arith.constant 0 : i32
      %dma_start3A_17 = tpu.memref_slice %arg3[%add3A, %dma_start3A_15, %dma_start3A_16] : memref<32x20x128xi32, #tpu.memory_space<hbm>> -> memref<1x20x128xi32, #tpu.memory_space<hbm>>
      %dma_start3A_18 = tpu.memref_squeeze %dma_start3A_17 : memref<1x20x128xi32, #tpu.memory_space<hbm>> -> memref<20x128xi32, #tpu.memory_space<hbm>>
      tpu.enqueue_dma source(%dma_start3A_18 : memref<20x128xi32, #tpu.memory_space<hbm>>) target(%arg6 : memref<20x128xi32, #tpu.memory_space<vmem>>) target_semaphore(%run_scoped3A : memref<!tpu.dma_semaphore, #tpu.memory_space<semaphore_mem>>)
      %dma_wait3A = arith.constant 0 : i32
      %dma_wait3A_19 = arith.constant 0 : i32
      %dma_wait3A_20 = tpu.memref_slice %arg3[%add3A, %dma_wait3A, %dma_wait3A_19] : memref<32x20x128xi32, #tpu.memory_space<hbm>> -> memref<1x20x128xi32, #tpu.memory_space<hbm>>
      %dma_wait3A_21 = tpu.memref_squeeze %dma_wait3A_20 : memref<1x20x128xi32, #tpu.memory_space<hbm>> -> memref<20x128xi32, #tpu.memory_space<hbm>>
      %dma_wait3A_22 = arith.constant 0 : i32
      %dma_wait3A_23 = arith.constant 0 : i32
      %dma_wait3A_24 = tpu.memref_slice %arg3[%add3A, %dma_wait3A_22, %dma_wait3A_23] : memref<32x20x128xi32, #tpu.memory_space<hbm>> -> memref<1x20x128xi32, #tpu.memory_space<hbm>>
      %dma_wait3A_25 = tpu.memref_squeeze %dma_wait3A_24 : memref<1x20x128xi32, #tpu.memory_space<hbm>> -> memref<20x128xi32, #tpu.memory_space<hbm>>
      tpu.wait_dma2 semaphore(%run_scoped3A : memref<!tpu.dma_semaphore, #tpu.memory_space<semaphore_mem>>) src(%dma_wait3A_25 : memref<20x128xi32, #tpu.memory_space<hbm>>) dst(%arg6 : memref<20x128xi32, #tpu.memory_space<vmem>>)
      tpu.yield
    }) : () -> ()
    %scan3A = arith.constant 0 : i32
    %scan3A_3 = arith.constant 0 : i32
    %scan3A_4 = arith.constant 5 : i32
    %scan3A_5 = arith.addi %scan3A_3, %scan3A_4 : i32
    %scan3A_6 = arith.constant 1 : i32
    scf.for %scan3A_12 = %scan3A_3 to %scan3A_5 step %scan3A_6  : i32 {
      %mul3A_13 = arith.constant 2560 : i32
      %mul3A_14 = arith.muli %add3A, %mul3A_13 : i32
      %mul3A_15 = arith.constant 4 : i32
      %mul3A_16 = arith.muli %scan3A_12, %mul3A_15 : i32
      %add3A_17 = arith.constant 0 : i32
      %add3A_18 = arith.addi %mul3A_16, %add3A_17 : i32
      %mul3A_19 = arith.constant 128 : i32
      %mul3A_20 = arith.muli %add3A_18, %mul3A_19 : i32
      %add3A_21 = arith.addi %mul3A_14, %mul3A_20 : i32
      %dma_start3A = arith.constant 0 : i32
      %dma_start3A_22 = tpu.memref_slice %arg2[%add3A_21, %dma_start3A] : memref<81920x32xf32, #tpu.memory_space<hbm>> -> memref<128x32xf32, #tpu.memory_space<hbm>>
      %dma_start3A_23 = arith.constant 0 : i32
      %dma_start3A_24 = tpu.memref_slice %arg2[%add3A_21, %dma_start3A_23] : memref<81920x32xf32, #tpu.memory_space<hbm>> -> memref<128x32xf32, #tpu.memory_space<hbm>>
      tpu.enqueue_dma source(%dma_start3A_24 : memref<128x32xf32, #tpu.memory_space<hbm>>) target(%arg7 : memref<128x32xf32, #tpu.memory_space<vmem>>) target_semaphore(%arg11 : memref<!tpu.dma_semaphore, #tpu.memory_space<semaphore_mem>>)
      %mul3A_25 = arith.constant 2560 : i32
      %mul3A_26 = arith.muli %add3A, %mul3A_25 : i32
      %mul3A_27 = arith.constant 4 : i32
      %mul3A_28 = arith.muli %scan3A_12, %mul3A_27 : i32
      %add3A_29 = arith.constant 1 : i32
      %add3A_30 = arith.addi %mul3A_28, %add3A_29 : i32
      %mul3A_31 = arith.constant 128 : i32
      %mul3A_32 = arith.muli %add3A_30, %mul3A_31 : i32
      %add3A_33 = arith.addi %mul3A_26, %mul3A_32 : i32
      %dma_start3A_34 = arith.constant 0 : i32
      %dma_start3A_35 = tpu.memref_slice %arg2[%add3A_33, %dma_start3A_34] : memref<81920x32xf32, #tpu.memory_space<hbm>> -> memref<128x32xf32, #tpu.memory_space<hbm>>
      %dma_start3A_36 = arith.constant 0 : i32
      %dma_start3A_37 = tpu.memref_slice %arg2[%add3A_33, %dma_start3A_36] : memref<81920x32xf32, #tpu.memory_space<hbm>> -> memref<128x32xf32, #tpu.memory_space<hbm>>
      tpu.enqueue_dma source(%dma_start3A_37 : memref<128x32xf32, #tpu.memory_space<hbm>>) target(%arg8 : memref<128x32xf32, #tpu.memory_space<vmem>>) target_semaphore(%arg12 : memref<!tpu.dma_semaphore, #tpu.memory_space<semaphore_mem>>)
      %mul3A_38 = arith.constant 2560 : i32
      %mul3A_39 = arith.muli %add3A, %mul3A_38 : i32
      %mul3A_40 = arith.constant 4 : i32
      %mul3A_41 = arith.muli %scan3A_12, %mul3A_40 : i32
      %add3A_42 = arith.constant 2 : i32
      %add3A_43 = arith.addi %mul3A_41, %add3A_42 : i32
      %mul3A_44 = arith.constant 128 : i32
      %mul3A_45 = arith.muli %add3A_43, %mul3A_44 : i32
      %add3A_46 = arith.addi %mul3A_39, %mul3A_45 : i32
      %dma_start3A_47 = arith.constant 0 : i32
      %dma_start3A_48 = tpu.memref_slice %arg2[%add3A_46, %dma_start3A_47] : memref<81920x32xf32, #tpu.memory_space<hbm>> -> memref<128x32xf32, #tpu.memory_space<hbm>>
      %dma_start3A_49 = arith.constant 0 : i32
      %dma_start3A_50 = tpu.memref_slice %arg2[%add3A_46, %dma_start3A_49] : memref<81920x32xf32, #tpu.memory_space<hbm>> -> memref<128x32xf32, #tpu.memory_space<hbm>>
      tpu.enqueue_dma source(%dma_start3A_50 : memref<128x32xf32, #tpu.memory_space<hbm>>) target(%arg9 : memref<128x32xf32, #tpu.memory_space<vmem>>) target_semaphore(%arg13 : memref<!tpu.dma_semaphore, #tpu.memory_space<semaphore_mem>>)
      %mul3A_51 = arith.constant 2560 : i32
      %mul3A_52 = arith.muli %add3A, %mul3A_51 : i32
      %mul3A_53 = arith.constant 4 : i32
      %mul3A_54 = arith.muli %scan3A_12, %mul3A_53 : i32
      %add3A_55 = arith.constant 3 : i32
      %add3A_56 = arith.addi %mul3A_54, %add3A_55 : i32
      %mul3A_57 = arith.constant 128 : i32
      %mul3A_58 = arith.muli %add3A_56, %mul3A_57 : i32
      %add3A_59 = arith.addi %mul3A_52, %mul3A_58 : i32
      %dma_start3A_60 = arith.constant 0 : i32
      %dma_start3A_61 = tpu.memref_slice %arg2[%add3A_59, %dma_start3A_60] : memref<81920x32xf32, #tpu.memory_space<hbm>> -> memref<128x32xf32, #tpu.memory_space<hbm>>
      %dma_start3A_62 = arith.constant 0 : i32
      %dma_start3A_63 = tpu.memref_slice %arg2[%add3A_59, %dma_start3A_62] : memref<81920x32xf32, #tpu.memory_space<hbm>> -> memref<128x32xf32, #tpu.memory_space<hbm>>
      tpu.enqueue_dma source(%dma_start3A_63 : memref<128x32xf32, #tpu.memory_space<hbm>>) target(%arg10 : memref<128x32xf32, #tpu.memory_space<vmem>>) target_semaphore(%arg14 : memref<!tpu.dma_semaphore, #tpu.memory_space<semaphore_mem>>)
      %dma_wait3A = arith.constant 0 : i32
      %dma_wait3A_64 = tpu.memref_slice %arg2[%add3A_21, %dma_wait3A] : memref<81920x32xf32, #tpu.memory_space<hbm>> -> memref<128x32xf32, #tpu.memory_space<hbm>>
      %dma_wait3A_65 = arith.constant 0 : i32
      %dma_wait3A_66 = tpu.memref_slice %arg2[%add3A_21, %dma_wait3A_65] : memref<81920x32xf32, #tpu.memory_space<hbm>> -> memref<128x32xf32, #tpu.memory_space<hbm>>
      tpu.wait_dma2 semaphore(%arg11 : memref<!tpu.dma_semaphore, #tpu.memory_space<semaphore_mem>>) src(%dma_wait3A_66 : memref<128x32xf32, #tpu.memory_space<hbm>>) dst(%arg7 : memref<128x32xf32, #tpu.memory_space<vmem>>)
      %mul3A_67 = arith.constant 4 : i32
      %mul3A_68 = arith.muli %scan3A_12, %mul3A_67 : i32
      %add3A_69 = arith.constant 0 : i32
      %add3A_70 = arith.addi %mul3A_68, %add3A_69 : i32
      "tpu.region"() ({
        %run_scoped3A = tpu.sem_alloc : memref<!tpu.dma_semaphore, #tpu.memory_space<semaphore_mem>>
        %dma_start3A_95 = arith.constant 0 : i32
        %dma_start3A_96 = tpu.memref_slice %arg6[%add3A_70, %dma_start3A_95] : memref<20x128xi32, #tpu.memory_space<vmem>> -> memref<1x128xi32, #tpu.memory_space<vmem>>
        %dma_start3A_97 = tpu.memref_squeeze %dma_start3A_96 : memref<1x128xi32, #tpu.memory_space<vmem>> -> memref<128xi32, #tpu.memory_space<vmem>>
        %dma_start3A_98 = arith.constant 0 : i32
        %dma_start3A_99 = arith.constant 0 : i32
        %dma_start3A_100 = tpu.memref_slice %arg16[%dma_start3A_98, %dma_start3A_99] : memref<10240x32xf32, #tpu.memory_space<vmem_shared>> -> memref<10240x32xf32, #tpu.memory_space<vmem_shared>>
        tpu.enqueue_indirect_dma source(%arg7 : memref<128x32xf32, #tpu.memory_space<vmem>>) target(%dma_start3A_100 : memref<10240x32xf32, #tpu.memory_space<vmem_shared>>) offsets(%dma_start3A_97 : memref<128xi32, #tpu.memory_space<vmem>>) semaphore(%run_scoped3A : memref<!tpu.dma_semaphore, #tpu.memory_space<semaphore_mem>>) {add = true}
        %dma_wait3A_101 = arith.constant 0 : i32
        %dma_wait3A_102 = tpu.memref_slice %arg6[%add3A_70, %dma_wait3A_101] : memref<20x128xi32, #tpu.memory_space<vmem>> -> memref<1x128xi32, #tpu.memory_space<vmem>>
        %dma_wait3A_103 = tpu.memref_squeeze %dma_wait3A_102 : memref<1x128xi32, #tpu.memory_space<vmem>> -> memref<128xi32, #tpu.memory_space<vmem>>
        %dma_wait3A_104 = arith.constant 0 : i32
        %dma_wait3A_105 = arith.constant 0 : i32
        %dma_wait3A_106 = tpu.memref_slice %arg16[%dma_wait3A_104, %dma_wait3A_105] : memref<10240x32xf32, #tpu.memory_space<vmem_shared>> -> memref<10240x32xf32, #tpu.memory_space<vmem_shared>>
        tpu.wait_indirect_dma semaphore(%run_scoped3A : memref<!tpu.dma_semaphore, #tpu.memory_space<semaphore_mem>>) src(%arg7 : memref<128x32xf32, #tpu.memory_space<vmem>>) dst(%dma_wait3A_106 : memref<10240x32xf32, #tpu.memory_space<vmem_shared>>)
        tpu.yield
      }) : () -> ()
      %dma_wait3A_71 = arith.constant 0 : i32
      %dma_wait3A_72 = tpu.memref_slice %arg2[%add3A_33, %dma_wait3A_71] : memref<81920x32xf32, #tpu.memory_space<hbm>> -> memref<128x32xf32, #tpu.memory_space<hbm>>
      %dma_wait3A_73 = arith.constant 0 : i32
      %dma_wait3A_74 = tpu.memref_slice %arg2[%add3A_33, %dma_wait3A_73] : memref<81920x32xf32, #tpu.memory_space<hbm>> -> memref<128x32xf32, #tpu.memory_space<hbm>>
      tpu.wait_dma2 semaphore(%arg12 : memref<!tpu.dma_semaphore, #tpu.memory_space<semaphore_mem>>) src(%dma_wait3A_74 : memref<128x32xf32, #tpu.memory_space<hbm>>) dst(%arg8 : memref<128x32xf32, #tpu.memory_space<vmem>>)
      %mul3A_75 = arith.constant 4 : i32
      %mul3A_76 = arith.muli %scan3A_12, %mul3A_75 : i32
      %add3A_77 = arith.constant 1 : i32
      %add3A_78 = arith.addi %mul3A_76, %add3A_77 : i32
      "tpu.region"() ({
        %run_scoped3A = tpu.sem_alloc : memref<!tpu.dma_semaphore, #tpu.memory_space<semaphore_mem>>
        %dma_start3A_95 = arith.constant 0 : i32
        %dma_start3A_96 = tpu.memref_slice %arg6[%add3A_78, %dma_start3A_95] : memref<20x128xi32, #tpu.memory_space<vmem>> -> memref<1x128xi32, #tpu.memory_space<vmem>>
        %dma_start3A_97 = tpu.memref_squeeze %dma_start3A_96 : memref<1x128xi32, #tpu.memory_space<vmem>> -> memref<128xi32, #tpu.memory_space<vmem>>
        %dma_start3A_98 = arith.constant 0 : i32
        %dma_start3A_99 = arith.constant 0 : i32
        %dma_start3A_100 = tpu.memref_slice %arg16[%dma_start3A_98, %dma_start3A_99] : memref<10240x32xf32, #tpu.memory_space<vmem_shared>> -> memref<10240x32xf32, #tpu.memory_space<vmem_shared>>
        tpu.enqueue_indirect_dma source(%arg8 : memref<128x32xf32, #tpu.memory_space<vmem>>) target(%dma_start3A_100 : memref<10240x32xf32, #tpu.memory_space<vmem_shared>>) offsets(%dma_start3A_97 : memref<128xi32, #tpu.memory_space<vmem>>) semaphore(%run_scoped3A : memref<!tpu.dma_semaphore, #tpu.memory_space<semaphore_mem>>) {add = true}
        %dma_wait3A_101 = arith.constant 0 : i32
        %dma_wait3A_102 = tpu.memref_slice %arg6[%add3A_78, %dma_wait3A_101] : memref<20x128xi32, #tpu.memory_space<vmem>> -> memref<1x128xi32, #tpu.memory_space<vmem>>
        %dma_wait3A_103 = tpu.memref_squeeze %dma_wait3A_102 : memref<1x128xi32, #tpu.memory_space<vmem>> -> memref<128xi32, #tpu.memory_space<vmem>>
        %dma_wait3A_104 = arith.constant 0 : i32
        %dma_wait3A_105 = arith.constant 0 : i32
        %dma_wait3A_106 = tpu.memref_slice %arg16[%dma_wait3A_104, %dma_wait3A_105] : memref<10240x32xf32, #tpu.memory_space<vmem_shared>> -> memref<10240x32xf32, #tpu.memory_space<vmem_shared>>
        tpu.wait_indirect_dma semaphore(%run_scoped3A : memref<!tpu.dma_semaphore, #tpu.memory_space<semaphore_mem>>) src(%arg8 : memref<128x32xf32, #tpu.memory_space<vmem>>) dst(%dma_wait3A_106 : memref<10240x32xf32, #tpu.memory_space<vmem_shared>>)
        tpu.yield
      }) : () -> ()
      %dma_wait3A_79 = arith.constant 0 : i32
      %dma_wait3A_80 = tpu.memref_slice %arg2[%add3A_46, %dma_wait3A_79] : memref<81920x32xf32, #tpu.memory_space<hbm>> -> memref<128x32xf32, #tpu.memory_space<hbm>>
      %dma_wait3A_81 = arith.constant 0 : i32
      %dma_wait3A_82 = tpu.memref_slice %arg2[%add3A_46, %dma_wait3A_81] : memref<81920x32xf32, #tpu.memory_space<hbm>> -> memref<128x32xf32, #tpu.memory_space<hbm>>
      tpu.wait_dma2 semaphore(%arg13 : memref<!tpu.dma_semaphore, #tpu.memory_space<semaphore_mem>>) src(%dma_wait3A_82 : memref<128x32xf32, #tpu.memory_space<hbm>>) dst(%arg9 : memref<128x32xf32, #tpu.memory_space<vmem>>)
      %mul3A_83 = arith.constant 4 : i32
      %mul3A_84 = arith.muli %scan3A_12, %mul3A_83 : i32
      %add3A_85 = arith.constant 2 : i32
      %add3A_86 = arith.addi %mul3A_84, %add3A_85 : i32
      "tpu.region"() ({
        %run_scoped3A = tpu.sem_alloc : memref<!tpu.dma_semaphore, #tpu.memory_space<semaphore_mem>>
        %dma_start3A_95 = arith.constant 0 : i32
        %dma_start3A_96 = tpu.memref_slice %arg6[%add3A_86, %dma_start3A_95] : memref<20x128xi32, #tpu.memory_space<vmem>> -> memref<1x128xi32, #tpu.memory_space<vmem>>
        %dma_start3A_97 = tpu.memref_squeeze %dma_start3A_96 : memref<1x128xi32, #tpu.memory_space<vmem>> -> memref<128xi32, #tpu.memory_space<vmem>>
        %dma_start3A_98 = arith.constant 0 : i32
        %dma_start3A_99 = arith.constant 0 : i32
        %dma_start3A_100 = tpu.memref_slice %arg16[%dma_start3A_98, %dma_start3A_99] : memref<10240x32xf32, #tpu.memory_space<vmem_shared>> -> memref<10240x32xf32, #tpu.memory_space<vmem_shared>>
        tpu.enqueue_indirect_dma source(%arg9 : memref<128x32xf32, #tpu.memory_space<vmem>>) target(%dma_start3A_100 : memref<10240x32xf32, #tpu.memory_space<vmem_shared>>) offsets(%dma_start3A_97 : memref<128xi32, #tpu.memory_space<vmem>>) semaphore(%run_scoped3A : memref<!tpu.dma_semaphore, #tpu.memory_space<semaphore_mem>>) {add = true}
        %dma_wait3A_101 = arith.constant 0 : i32
        %dma_wait3A_102 = tpu.memref_slice %arg6[%add3A_86, %dma_wait3A_101] : memref<20x128xi32, #tpu.memory_space<vmem>> -> memref<1x128xi32, #tpu.memory_space<vmem>>
        %dma_wait3A_103 = tpu.memref_squeeze %dma_wait3A_102 : memref<1x128xi32, #tpu.memory_space<vmem>> -> memref<128xi32, #tpu.memory_space<vmem>>
        %dma_wait3A_104 = arith.constant 0 : i32
        %dma_wait3A_105 = arith.constant 0 : i32
        %dma_wait3A_106 = tpu.memref_slice %arg16[%dma_wait3A_104, %dma_wait3A_105] : memref<10240x32xf32, #tpu.memory_space<vmem_shared>> -> memref<10240x32xf32, #tpu.memory_space<vmem_shared>>
        tpu.wait_indirect_dma semaphore(%run_scoped3A : memref<!tpu.dma_semaphore, #tpu.memory_space<semaphore_mem>>) src(%arg9 : memref<128x32xf32, #tpu.memory_space<vmem>>) dst(%dma_wait3A_106 : memref<10240x32xf32, #tpu.memory_space<vmem_shared>>)
        tpu.yield
      }) : () -> ()
      %dma_wait3A_87 = arith.constant 0 : i32
      %dma_wait3A_88 = tpu.memref_slice %arg2[%add3A_59, %dma_wait3A_87] : memref<81920x32xf32, #tpu.memory_space<hbm>> -> memref<128x32xf32, #tpu.memory_space<hbm>>
      %dma_wait3A_89 = arith.constant 0 : i32
      %dma_wait3A_90 = tpu.memref_slice %arg2[%add3A_59, %dma_wait3A_89] : memref<81920x32xf32, #tpu.memory_space<hbm>> -> memref<128x32xf32, #tpu.memory_space<hbm>>
      tpu.wait_dma2 semaphore(%arg14 : memref<!tpu.dma_semaphore, #tpu.memory_space<semaphore_mem>>) src(%dma_wait3A_90 : memref<128x32xf32, #tpu.memory_space<hbm>>) dst(%arg10 : memref<128x32xf32, #tpu.memory_space<vmem>>)
      %mul3A_91 = arith.constant 4 : i32
      %mul3A_92 = arith.muli %scan3A_12, %mul3A_91 : i32
      %add3A_93 = arith.constant 3 : i32
      %add3A_94 = arith.addi %mul3A_92, %add3A_93 : i32
      "tpu.region"() ({
        %run_scoped3A = tpu.sem_alloc : memref<!tpu.dma_semaphore, #tpu.memory_space<semaphore_mem>>
        %dma_start3A_95 = arith.constant 0 : i32
        %dma_start3A_96 = tpu.memref_slice %arg6[%add3A_94, %dma_start3A_95] : memref<20x128xi32, #tpu.memory_space<vmem>> -> memref<1x128xi32, #tpu.memory_space<vmem>>
        %dma_start3A_97 = tpu.memref_squeeze %dma_start3A_96 : memref<1x128xi32, #tpu.memory_space<vmem>> -> memref<128xi32, #tpu.memory_space<vmem>>
        %dma_start3A_98 = arith.constant 0 : i32
        %dma_start3A_99 = arith.constant 0 : i32
        %dma_start3A_100 = tpu.memref_slice %arg16[%dma_start3A_98, %dma_start3A_99] : memref<10240x32xf32, #tpu.memory_space<vmem_shared>> -> memref<10240x32xf32, #tpu.memory_space<vmem_shared>>
        tpu.enqueue_indirect_dma source(%arg10 : memref<128x32xf32, #tpu.memory_space<vmem>>) target(%dma_start3A_100 : memref<10240x32xf32, #tpu.memory_space<vmem_shared>>) offsets(%dma_start3A_97 : memref<128xi32, #tpu.memory_space<vmem>>) semaphore(%run_scoped3A : memref<!tpu.dma_semaphore, #tpu.memory_space<semaphore_mem>>) {add = true}
        %dma_wait3A_101 = arith.constant 0 : i32
        %dma_wait3A_102 = tpu.memref_slice %arg6[%add3A_94, %dma_wait3A_101] : memref<20x128xi32, #tpu.memory_space<vmem>> -> memref<1x128xi32, #tpu.memory_space<vmem>>
        %dma_wait3A_103 = tpu.memref_squeeze %dma_wait3A_102 : memref<1x128xi32, #tpu.memory_space<vmem>> -> memref<128xi32, #tpu.memory_space<vmem>>
        %dma_wait3A_104 = arith.constant 0 : i32
        %dma_wait3A_105 = arith.constant 0 : i32
        %dma_wait3A_106 = tpu.memref_slice %arg16[%dma_wait3A_104, %dma_wait3A_105] : memref<10240x32xf32, #tpu.memory_space<vmem_shared>> -> memref<10240x32xf32, #tpu.memory_space<vmem_shared>>
        tpu.wait_indirect_dma semaphore(%run_scoped3A : memref<!tpu.dma_semaphore, #tpu.memory_space<semaphore_mem>>) src(%arg10 : memref<128x32xf32, #tpu.memory_space<vmem>>) dst(%dma_wait3A_106 : memref<10240x32xf32, #tpu.memory_space<vmem_shared>>)
        tpu.yield
      }) : () -> ()
    }
    %scan3A_7 = arith.constant 5 : i32
    %barrier3A_8 = arith.constant 0 : index
    tpu.barrier barrier_id(%barrier3A_8)
    "tpu.region"() ({
      %run_scoped3A = tpu.sem_alloc : memref<!tpu.dma_semaphore, #tpu.memory_space<semaphore_mem>>
      %dma_start3A = arith.constant 0 : i32
      %dma_start3A_12 = tpu.memref_slice %arg16[%mul3A_2, %dma_start3A] : memref<10240x32xf32, #tpu.memory_space<vmem_shared>> -> memref<640x32xf32, #tpu.memory_space<vmem_shared>>
      %dma_start3A_13 = arith.constant 0 : i32
      %dma_start3A_14 = tpu.memref_slice %arg16[%mul3A_2, %dma_start3A_13] : memref<10240x32xf32, #tpu.memory_space<vmem_shared>> -> memref<640x32xf32, #tpu.memory_space<vmem_shared>>
      tpu.enqueue_dma source(%dma_start3A_14 : memref<640x32xf32, #tpu.memory_space<vmem_shared>>) target(%arg15 : memref<640x32xf32, #tpu.memory_space<vmem>>) target_semaphore(%run_scoped3A : memref<!tpu.dma_semaphore, #tpu.memory_space<semaphore_mem>>)
      %dma_wait3A = arith.constant 0 : i32
      %dma_wait3A_15 = tpu.memref_slice %arg16[%mul3A_2, %dma_wait3A] : memref<10240x32xf32, #tpu.memory_space<vmem_shared>> -> memref<640x32xf32, #tpu.memory_space<vmem_shared>>
      %dma_wait3A_16 = arith.constant 0 : i32
      %dma_wait3A_17 = tpu.memref_slice %arg16[%mul3A_2, %dma_wait3A_16] : memref<10240x32xf32, #tpu.memory_space<vmem_shared>> -> memref<640x32xf32, #tpu.memory_space<vmem_shared>>
      tpu.wait_dma2 semaphore(%run_scoped3A : memref<!tpu.dma_semaphore, #tpu.memory_space<semaphore_mem>>) src(%dma_wait3A_17 : memref<640x32xf32, #tpu.memory_space<vmem_shared>>) dst(%arg15 : memref<640x32xf32, #tpu.memory_space<vmem>>)
      tpu.yield
    }) : () -> ()
    %mul3A_9 = arith.constant 10240 : i32
    %mul3A_10 = arith.muli %arg0, %mul3A_9 : i32
    %add3A_11 = arith.addi %mul3A_10, %mul3A_2 : i32
    "tpu.region"() ({
      %run_scoped3A = tpu.sem_alloc : memref<!tpu.dma_semaphore, #tpu.memory_space<semaphore_mem>>
      %dma_start3A = arith.constant 0 : i32
      %dma_start3A_12 = tpu.memref_slice %arg5[%add3A_11, %dma_start3A] : memref<20480x32xf32, #tpu.memory_space<hbm>> -> memref<640x32xf32, #tpu.memory_space<hbm>>
      %dma_start3A_13 = arith.constant 0 : i32
      %dma_start3A_14 = tpu.memref_slice %arg5[%add3A_11, %dma_start3A_13] : memref<20480x32xf32, #tpu.memory_space<hbm>> -> memref<640x32xf32, #tpu.memory_space<hbm>>
      tpu.enqueue_dma source(%arg15 : memref<640x32xf32, #tpu.memory_space<vmem>>) target(%dma_start3A_14 : memref<640x32xf32, #tpu.memory_space<hbm>>) target_semaphore(%run_scoped3A : memref<!tpu.dma_semaphore, #tpu.memory_space<semaphore_mem>>)
      %dma_wait3A = arith.constant 0 : i32
      %dma_wait3A_15 = tpu.memref_slice %arg5[%add3A_11, %dma_wait3A] : memref<20480x32xf32, #tpu.memory_space<hbm>> -> memref<640x32xf32, #tpu.memory_space<hbm>>
      %dma_wait3A_16 = arith.constant 0 : i32
      %dma_wait3A_17 = tpu.memref_slice %arg5[%add3A_11, %dma_wait3A_16] : memref<20480x32xf32, #tpu.memory_space<hbm>> -> memref<640x32xf32, #tpu.memory_space<hbm>>
      tpu.wait_dma2 semaphore(%run_scoped3A : memref<!tpu.dma_semaphore, #tpu.memory_space<semaphore_mem>>) src(%arg15 : memref<640x32xf32, #tpu.memory_space<vmem>>) dst(%dma_wait3A_17 : memref<640x32xf32, #tpu.memory_space<hbm>>)
      tpu.yield
    }) : () -> ()
    return
  }
}

#map = affine_map<(d0, d1) -> (0, 0)>
#map1 = affine_map<(d0, d1) -> (0, 0, 0)>
module attributes {stable_mosaic.version = 14 : i64} {
  func.func @gk(%arg0: i32, %arg1: i32, %arg2: memref<10000x16xf32, #tpu.memory_space<hbm>>, %arg3: memref<32x20x128xi32, #tpu.memory_space<hbm>>, %arg4: memref<81920x16xf32, #tpu.memory_space<hbm>>, %arg5: memref<20x128xi32, #tpu.memory_space<vmem>>, %arg6: memref<128x16xf32, #tpu.memory_space<vmem>>, %arg7: memref<128x16xf32, #tpu.memory_space<vmem>>, %arg8: memref<128x16xf32, #tpu.memory_space<vmem>>, %arg9: memref<128x16xf32, #tpu.memory_space<vmem>>, %arg10: memref<!tpu.dma_semaphore, #tpu.memory_space<semaphore_mem>>, %arg11: memref<!tpu.dma_semaphore, #tpu.memory_space<semaphore_mem>>, %arg12: memref<!tpu.dma_semaphore, #tpu.memory_space<semaphore_mem>>, %arg13: memref<!tpu.dma_semaphore, #tpu.memory_space<semaphore_mem>>) attributes {dimension_semantics = [#tpu.dimension_semantics<core_parallel>, #tpu.dimension_semantics<subcore_parallel>], iteration_bounds = array<i64: 2, 16>, scalar_prefetch = 0 : i64, scratch_operands = 9 : i64, tpu.core_type = #tpu.core_type<sc_vector_subcore>, window_params = [{transform_indices = #map}, {transform_indices = #map1}, {transform_indices = #map}]} {
    %mul3A = arith.constant 2 : i32
    %mul3A_0 = arith.muli %arg1, %mul3A : i32
    %add3A = arith.addi %mul3A_0, %arg0 : i32
    %mul3A_1 = arith.constant 2560 : i32
    %mul3A_2 = arith.muli %add3A, %mul3A_1 : i32
    "tpu.region"() ({
      %run_scoped3A = tpu.sem_alloc : memref<!tpu.dma_semaphore, #tpu.memory_space<semaphore_mem>>
      %dma_start3A = arith.constant 0 : i32
      %dma_start3A_8 = arith.constant 0 : i32
      %dma_start3A_9 = tpu.memref_slice %arg3[%add3A, %dma_start3A, %dma_start3A_8] : memref<32x20x128xi32, #tpu.memory_space<hbm>> -> memref<1x20x128xi32, #tpu.memory_space<hbm>>
      %dma_start3A_10 = tpu.memref_squeeze %dma_start3A_9 : memref<1x20x128xi32, #tpu.memory_space<hbm>> -> memref<20x128xi32, #tpu.memory_space<hbm>>
      %dma_start3A_11 = arith.constant 0 : i32
      %dma_start3A_12 = arith.constant 0 : i32
      %dma_start3A_13 = tpu.memref_slice %arg3[%add3A, %dma_start3A_11, %dma_start3A_12] : memref<32x20x128xi32, #tpu.memory_space<hbm>> -> memref<1x20x128xi32, #tpu.memory_space<hbm>>
      %dma_start3A_14 = tpu.memref_squeeze %dma_start3A_13 : memref<1x20x128xi32, #tpu.memory_space<hbm>> -> memref<20x128xi32, #tpu.memory_space<hbm>>
      tpu.enqueue_dma source(%dma_start3A_14 : memref<20x128xi32, #tpu.memory_space<hbm>>) target(%arg5 : memref<20x128xi32, #tpu.memory_space<vmem>>) target_semaphore(%run_scoped3A : memref<!tpu.dma_semaphore, #tpu.memory_space<semaphore_mem>>)
      %dma_wait3A = arith.constant 0 : i32
      %dma_wait3A_15 = arith.constant 0 : i32
      %dma_wait3A_16 = tpu.memref_slice %arg3[%add3A, %dma_wait3A, %dma_wait3A_15] : memref<32x20x128xi32, #tpu.memory_space<hbm>> -> memref<1x20x128xi32, #tpu.memory_space<hbm>>
      %dma_wait3A_17 = tpu.memref_squeeze %dma_wait3A_16 : memref<1x20x128xi32, #tpu.memory_space<hbm>> -> memref<20x128xi32, #tpu.memory_space<hbm>>
      %dma_wait3A_18 = arith.constant 0 : i32
      %dma_wait3A_19 = arith.constant 0 : i32
      %dma_wait3A_20 = tpu.memref_slice %arg3[%add3A, %dma_wait3A_18, %dma_wait3A_19] : memref<32x20x128xi32, #tpu.memory_space<hbm>> -> memref<1x20x128xi32, #tpu.memory_space<hbm>>
      %dma_wait3A_21 = tpu.memref_squeeze %dma_wait3A_20 : memref<1x20x128xi32, #tpu.memory_space<hbm>> -> memref<20x128xi32, #tpu.memory_space<hbm>>
      tpu.wait_dma2 semaphore(%run_scoped3A : memref<!tpu.dma_semaphore, #tpu.memory_space<semaphore_mem>>) src(%dma_wait3A_21 : memref<20x128xi32, #tpu.memory_space<hbm>>) dst(%arg5 : memref<20x128xi32, #tpu.memory_space<vmem>>)
      tpu.yield
    }) : () -> ()
    %scan3A = arith.constant 0 : i32
    %scan3A_3 = arith.constant 0 : i32
    %scan3A_4 = arith.constant 5 : i32
    %scan3A_5 = arith.addi %scan3A_3, %scan3A_4 : i32
    %scan3A_6 = arith.constant 1 : i32
    scf.for %scan3A_8 = %scan3A_3 to %scan3A_5 step %scan3A_6  : i32 {
      %mul3A_9 = arith.constant 4 : i32
      %mul3A_10 = arith.muli %scan3A_8, %mul3A_9 : i32
      %add3A_11 = arith.constant 0 : i32
      %add3A_12 = arith.addi %mul3A_10, %add3A_11 : i32
      %dma_start3A = arith.constant 0 : i32
      %dma_start3A_13 = tpu.memref_slice %arg5[%add3A_12, %dma_start3A] : memref<20x128xi32, #tpu.memory_space<vmem>> -> memref<1x128xi32, #tpu.memory_space<vmem>>
      %dma_start3A_14 = tpu.memref_squeeze %dma_start3A_13 : memref<1x128xi32, #tpu.memory_space<vmem>> -> memref<128xi32, #tpu.memory_space<vmem>>
      %dma_start3A_15 = arith.constant 0 : i32
      %dma_start3A_16 = arith.constant 0 : i32
      %dma_start3A_17 = tpu.memref_slice %arg2[%dma_start3A_15, %dma_start3A_16] : memref<10000x16xf32, #tpu.memory_space<hbm>> -> memref<10000x16xf32, #tpu.memory_space<hbm>>
      tpu.enqueue_indirect_dma source(%dma_start3A_17 : memref<10000x16xf32, #tpu.memory_space<hbm>>) target(%arg6 : memref<128x16xf32, #tpu.memory_space<vmem>>) offsets(%dma_start3A_14 : memref<128xi32, #tpu.memory_space<vmem>>) semaphore(%arg10 : memref<!tpu.dma_semaphore, #tpu.memory_space<semaphore_mem>>)
      %mul3A_18 = arith.constant 4 : i32
      %mul3A_19 = arith.muli %scan3A_8, %mul3A_18 : i32
      %add3A_20 = arith.constant 1 : i32
      %add3A_21 = arith.addi %mul3A_19, %add3A_20 : i32
      %dma_start3A_22 = arith.constant 0 : i32
      %dma_start3A_23 = tpu.memref_slice %arg5[%add3A_21, %dma_start3A_22] : memref<20x128xi32, #tpu.memory_space<vmem>> -> memref<1x128xi32, #tpu.memory_space<vmem>>
      %dma_start3A_24 = tpu.memref_squeeze %dma_start3A_23 : memref<1x128xi32, #tpu.memory_space<vmem>> -> memref<128xi32, #tpu.memory_space<vmem>>
      %dma_start3A_25 = arith.constant 0 : i32
      %dma_start3A_26 = arith.constant 0 : i32
      %dma_start3A_27 = tpu.memref_slice %arg2[%dma_start3A_25, %dma_start3A_26] : memref<10000x16xf32, #tpu.memory_space<hbm>> -> memref<10000x16xf32, #tpu.memory_space<hbm>>
      tpu.enqueue_indirect_dma source(%dma_start3A_27 : memref<10000x16xf32, #tpu.memory_space<hbm>>) target(%arg7 : memref<128x16xf32, #tpu.memory_space<vmem>>) offsets(%dma_start3A_24 : memref<128xi32, #tpu.memory_space<vmem>>) semaphore(%arg11 : memref<!tpu.dma_semaphore, #tpu.memory_space<semaphore_mem>>)
      %mul3A_28 = arith.constant 4 : i32
      %mul3A_29 = arith.muli %scan3A_8, %mul3A_28 : i32
      %add3A_30 = arith.constant 2 : i32
      %add3A_31 = arith.addi %mul3A_29, %add3A_30 : i32
      %dma_start3A_32 = arith.constant 0 : i32
      %dma_start3A_33 = tpu.memref_slice %arg5[%add3A_31, %dma_start3A_32] : memref<20x128xi32, #tpu.memory_space<vmem>> -> memref<1x128xi32, #tpu.memory_space<vmem>>
      %dma_start3A_34 = tpu.memref_squeeze %dma_start3A_33 : memref<1x128xi32, #tpu.memory_space<vmem>> -> memref<128xi32, #tpu.memory_space<vmem>>
      %dma_start3A_35 = arith.constant 0 : i32
      %dma_start3A_36 = arith.constant 0 : i32
      %dma_start3A_37 = tpu.memref_slice %arg2[%dma_start3A_35, %dma_start3A_36] : memref<10000x16xf32, #tpu.memory_space<hbm>> -> memref<10000x16xf32, #tpu.memory_space<hbm>>
      tpu.enqueue_indirect_dma source(%dma_start3A_37 : memref<10000x16xf32, #tpu.memory_space<hbm>>) target(%arg8 : memref<128x16xf32, #tpu.memory_space<vmem>>) offsets(%dma_start3A_34 : memref<128xi32, #tpu.memory_space<vmem>>) semaphore(%arg12 : memref<!tpu.dma_semaphore, #tpu.memory_space<semaphore_mem>>)
      %mul3A_38 = arith.constant 4 : i32
      %mul3A_39 = arith.muli %scan3A_8, %mul3A_38 : i32
      %add3A_40 = arith.constant 3 : i32
      %add3A_41 = arith.addi %mul3A_39, %add3A_40 : i32
      %dma_start3A_42 = arith.constant 0 : i32
      %dma_start3A_43 = tpu.memref_slice %arg5[%add3A_41, %dma_start3A_42] : memref<20x128xi32, #tpu.memory_space<vmem>> -> memref<1x128xi32, #tpu.memory_space<vmem>>
      %dma_start3A_44 = tpu.memref_squeeze %dma_start3A_43 : memref<1x128xi32, #tpu.memory_space<vmem>> -> memref<128xi32, #tpu.memory_space<vmem>>
      %dma_start3A_45 = arith.constant 0 : i32
      %dma_start3A_46 = arith.constant 0 : i32
      %dma_start3A_47 = tpu.memref_slice %arg2[%dma_start3A_45, %dma_start3A_46] : memref<10000x16xf32, #tpu.memory_space<hbm>> -> memref<10000x16xf32, #tpu.memory_space<hbm>>
      tpu.enqueue_indirect_dma source(%dma_start3A_47 : memref<10000x16xf32, #tpu.memory_space<hbm>>) target(%arg9 : memref<128x16xf32, #tpu.memory_space<vmem>>) offsets(%dma_start3A_44 : memref<128xi32, #tpu.memory_space<vmem>>) semaphore(%arg13 : memref<!tpu.dma_semaphore, #tpu.memory_space<semaphore_mem>>)
      %dma_wait3A = arith.constant 0 : i32
      %dma_wait3A_48 = tpu.memref_slice %arg5[%add3A_12, %dma_wait3A] : memref<20x128xi32, #tpu.memory_space<vmem>> -> memref<1x128xi32, #tpu.memory_space<vmem>>
      %dma_wait3A_49 = tpu.memref_squeeze %dma_wait3A_48 : memref<1x128xi32, #tpu.memory_space<vmem>> -> memref<128xi32, #tpu.memory_space<vmem>>
      %dma_wait3A_50 = arith.constant 0 : i32
      %dma_wait3A_51 = arith.constant 0 : i32
      %dma_wait3A_52 = tpu.memref_slice %arg2[%dma_wait3A_50, %dma_wait3A_51] : memref<10000x16xf32, #tpu.memory_space<hbm>> -> memref<10000x16xf32, #tpu.memory_space<hbm>>
      tpu.wait_indirect_dma semaphore(%arg10 : memref<!tpu.dma_semaphore, #tpu.memory_space<semaphore_mem>>) src(%dma_wait3A_52 : memref<10000x16xf32, #tpu.memory_space<hbm>>) dst(%arg6 : memref<128x16xf32, #tpu.memory_space<vmem>>)
      %mul3A_53 = arith.constant 4 : i32
      %mul3A_54 = arith.muli %scan3A_8, %mul3A_53 : i32
      %add3A_55 = arith.constant 0 : i32
      %add3A_56 = arith.addi %mul3A_54, %add3A_55 : i32
      %mul3A_57 = arith.constant 128 : i32
      %mul3A_58 = arith.muli %add3A_56, %mul3A_57 : i32
      %add3A_59 = arith.addi %mul3A_2, %mul3A_58 : i32
      "tpu.region"() ({
        %run_scoped3A = tpu.sem_alloc : memref<!tpu.dma_semaphore, #tpu.memory_space<semaphore_mem>>
        %dma_start3A_99 = arith.constant 0 : i32
        %dma_start3A_100 = tpu.memref_slice %arg4[%add3A_59, %dma_start3A_99] : memref<81920x16xf32, #tpu.memory_space<hbm>> -> memref<128x16xf32, #tpu.memory_space<hbm>>
        %dma_start3A_101 = arith.constant 0 : i32
        %dma_start3A_102 = tpu.memref_slice %arg4[%add3A_59, %dma_start3A_101] : memref<81920x16xf32, #tpu.memory_space<hbm>> -> memref<128x16xf32, #tpu.memory_space<hbm>>
        tpu.enqueue_dma source(%arg6 : memref<128x16xf32, #tpu.memory_space<vmem>>) target(%dma_start3A_102 : memref<128x16xf32, #tpu.memory_space<hbm>>) target_semaphore(%run_scoped3A : memref<!tpu.dma_semaphore, #tpu.memory_space<semaphore_mem>>)
        %dma_wait3A_103 = arith.constant 0 : i32
        %dma_wait3A_104 = tpu.memref_slice %arg4[%add3A_59, %dma_wait3A_103] : memref<81920x16xf32, #tpu.memory_space<hbm>> -> memref<128x16xf32, #tpu.memory_space<hbm>>
        %dma_wait3A_105 = arith.constant 0 : i32
        %dma_wait3A_106 = tpu.memref_slice %arg4[%add3A_59, %dma_wait3A_105] : memref<81920x16xf32, #tpu.memory_space<hbm>> -> memref<128x16xf32, #tpu.memory_space<hbm>>
        tpu.wait_dma2 semaphore(%run_scoped3A : memref<!tpu.dma_semaphore, #tpu.memory_space<semaphore_mem>>) src(%arg6 : memref<128x16xf32, #tpu.memory_space<vmem>>) dst(%dma_wait3A_106 : memref<128x16xf32, #tpu.memory_space<hbm>>)
        tpu.yield
      }) : () -> ()
      %dma_wait3A_60 = arith.constant 0 : i32
      %dma_wait3A_61 = tpu.memref_slice %arg5[%add3A_21, %dma_wait3A_60] : memref<20x128xi32, #tpu.memory_space<vmem>> -> memref<1x128xi32, #tpu.memory_space<vmem>>
      %dma_wait3A_62 = tpu.memref_squeeze %dma_wait3A_61 : memref<1x128xi32, #tpu.memory_space<vmem>> -> memref<128xi32, #tpu.memory_space<vmem>>
      %dma_wait3A_63 = arith.constant 0 : i32
      %dma_wait3A_64 = arith.constant 0 : i32
      %dma_wait3A_65 = tpu.memref_slice %arg2[%dma_wait3A_63, %dma_wait3A_64] : memref<10000x16xf32, #tpu.memory_space<hbm>> -> memref<10000x16xf32, #tpu.memory_space<hbm>>
      tpu.wait_indirect_dma semaphore(%arg11 : memref<!tpu.dma_semaphore, #tpu.memory_space<semaphore_mem>>) src(%dma_wait3A_65 : memref<10000x16xf32, #tpu.memory_space<hbm>>) dst(%arg7 : memref<128x16xf32, #tpu.memory_space<vmem>>)
      %mul3A_66 = arith.constant 4 : i32
      %mul3A_67 = arith.muli %scan3A_8, %mul3A_66 : i32
      %add3A_68 = arith.constant 1 : i32
      %add3A_69 = arith.addi %mul3A_67, %add3A_68 : i32
      %mul3A_70 = arith.constant 128 : i32
      %mul3A_71 = arith.muli %add3A_69, %mul3A_70 : i32
      %add3A_72 = arith.addi %mul3A_2, %mul3A_71 : i32
      "tpu.region"() ({
        %run_scoped3A = tpu.sem_alloc : memref<!tpu.dma_semaphore, #tpu.memory_space<semaphore_mem>>
        %dma_start3A_99 = arith.constant 0 : i32
        %dma_start3A_100 = tpu.memref_slice %arg4[%add3A_72, %dma_start3A_99] : memref<81920x16xf32, #tpu.memory_space<hbm>> -> memref<128x16xf32, #tpu.memory_space<hbm>>
        %dma_start3A_101 = arith.constant 0 : i32
        %dma_start3A_102 = tpu.memref_slice %arg4[%add3A_72, %dma_start3A_101] : memref<81920x16xf32, #tpu.memory_space<hbm>> -> memref<128x16xf32, #tpu.memory_space<hbm>>
        tpu.enqueue_dma source(%arg7 : memref<128x16xf32, #tpu.memory_space<vmem>>) target(%dma_start3A_102 : memref<128x16xf32, #tpu.memory_space<hbm>>) target_semaphore(%run_scoped3A : memref<!tpu.dma_semaphore, #tpu.memory_space<semaphore_mem>>)
        %dma_wait3A_103 = arith.constant 0 : i32
        %dma_wait3A_104 = tpu.memref_slice %arg4[%add3A_72, %dma_wait3A_103] : memref<81920x16xf32, #tpu.memory_space<hbm>> -> memref<128x16xf32, #tpu.memory_space<hbm>>
        %dma_wait3A_105 = arith.constant 0 : i32
        %dma_wait3A_106 = tpu.memref_slice %arg4[%add3A_72, %dma_wait3A_105] : memref<81920x16xf32, #tpu.memory_space<hbm>> -> memref<128x16xf32, #tpu.memory_space<hbm>>
        tpu.wait_dma2 semaphore(%run_scoped3A : memref<!tpu.dma_semaphore, #tpu.memory_space<semaphore_mem>>) src(%arg7 : memref<128x16xf32, #tpu.memory_space<vmem>>) dst(%dma_wait3A_106 : memref<128x16xf32, #tpu.memory_space<hbm>>)
        tpu.yield
      }) : () -> ()
      %dma_wait3A_73 = arith.constant 0 : i32
      %dma_wait3A_74 = tpu.memref_slice %arg5[%add3A_31, %dma_wait3A_73] : memref<20x128xi32, #tpu.memory_space<vmem>> -> memref<1x128xi32, #tpu.memory_space<vmem>>
      %dma_wait3A_75 = tpu.memref_squeeze %dma_wait3A_74 : memref<1x128xi32, #tpu.memory_space<vmem>> -> memref<128xi32, #tpu.memory_space<vmem>>
      %dma_wait3A_76 = arith.constant 0 : i32
      %dma_wait3A_77 = arith.constant 0 : i32
      %dma_wait3A_78 = tpu.memref_slice %arg2[%dma_wait3A_76, %dma_wait3A_77] : memref<10000x16xf32, #tpu.memory_space<hbm>> -> memref<10000x16xf32, #tpu.memory_space<hbm>>
      tpu.wait_indirect_dma semaphore(%arg12 : memref<!tpu.dma_semaphore, #tpu.memory_space<semaphore_mem>>) src(%dma_wait3A_78 : memref<10000x16xf32, #tpu.memory_space<hbm>>) dst(%arg8 : memref<128x16xf32, #tpu.memory_space<vmem>>)
      %mul3A_79 = arith.constant 4 : i32
      %mul3A_80 = arith.muli %scan3A_8, %mul3A_79 : i32
      %add3A_81 = arith.constant 2 : i32
      %add3A_82 = arith.addi %mul3A_80, %add3A_81 : i32
      %mul3A_83 = arith.constant 128 : i32
      %mul3A_84 = arith.muli %add3A_82, %mul3A_83 : i32
      %add3A_85 = arith.addi %mul3A_2, %mul3A_84 : i32
      "tpu.region"() ({
        %run_scoped3A = tpu.sem_alloc : memref<!tpu.dma_semaphore, #tpu.memory_space<semaphore_mem>>
        %dma_start3A_99 = arith.constant 0 : i32
        %dma_start3A_100 = tpu.memref_slice %arg4[%add3A_85, %dma_start3A_99] : memref<81920x16xf32, #tpu.memory_space<hbm>> -> memref<128x16xf32, #tpu.memory_space<hbm>>
        %dma_start3A_101 = arith.constant 0 : i32
        %dma_start3A_102 = tpu.memref_slice %arg4[%add3A_85, %dma_start3A_101] : memref<81920x16xf32, #tpu.memory_space<hbm>> -> memref<128x16xf32, #tpu.memory_space<hbm>>
        tpu.enqueue_dma source(%arg8 : memref<128x16xf32, #tpu.memory_space<vmem>>) target(%dma_start3A_102 : memref<128x16xf32, #tpu.memory_space<hbm>>) target_semaphore(%run_scoped3A : memref<!tpu.dma_semaphore, #tpu.memory_space<semaphore_mem>>)
        %dma_wait3A_103 = arith.constant 0 : i32
        %dma_wait3A_104 = tpu.memref_slice %arg4[%add3A_85, %dma_wait3A_103] : memref<81920x16xf32, #tpu.memory_space<hbm>> -> memref<128x16xf32, #tpu.memory_space<hbm>>
        %dma_wait3A_105 = arith.constant 0 : i32
        %dma_wait3A_106 = tpu.memref_slice %arg4[%add3A_85, %dma_wait3A_105] : memref<81920x16xf32, #tpu.memory_space<hbm>> -> memref<128x16xf32, #tpu.memory_space<hbm>>
        tpu.wait_dma2 semaphore(%run_scoped3A : memref<!tpu.dma_semaphore, #tpu.memory_space<semaphore_mem>>) src(%arg8 : memref<128x16xf32, #tpu.memory_space<vmem>>) dst(%dma_wait3A_106 : memref<128x16xf32, #tpu.memory_space<hbm>>)
        tpu.yield
      }) : () -> ()
      %dma_wait3A_86 = arith.constant 0 : i32
      %dma_wait3A_87 = tpu.memref_slice %arg5[%add3A_41, %dma_wait3A_86] : memref<20x128xi32, #tpu.memory_space<vmem>> -> memref<1x128xi32, #tpu.memory_space<vmem>>
      %dma_wait3A_88 = tpu.memref_squeeze %dma_wait3A_87 : memref<1x128xi32, #tpu.memory_space<vmem>> -> memref<128xi32, #tpu.memory_space<vmem>>
      %dma_wait3A_89 = arith.constant 0 : i32
      %dma_wait3A_90 = arith.constant 0 : i32
      %dma_wait3A_91 = tpu.memref_slice %arg2[%dma_wait3A_89, %dma_wait3A_90] : memref<10000x16xf32, #tpu.memory_space<hbm>> -> memref<10000x16xf32, #tpu.memory_space<hbm>>
      tpu.wait_indirect_dma semaphore(%arg13 : memref<!tpu.dma_semaphore, #tpu.memory_space<semaphore_mem>>) src(%dma_wait3A_91 : memref<10000x16xf32, #tpu.memory_space<hbm>>) dst(%arg9 : memref<128x16xf32, #tpu.memory_space<vmem>>)
      %mul3A_92 = arith.constant 4 : i32
      %mul3A_93 = arith.muli %scan3A_8, %mul3A_92 : i32
      %add3A_94 = arith.constant 3 : i32
      %add3A_95 = arith.addi %mul3A_93, %add3A_94 : i32
      %mul3A_96 = arith.constant 128 : i32
      %mul3A_97 = arith.muli %add3A_95, %mul3A_96 : i32
      %add3A_98 = arith.addi %mul3A_2, %mul3A_97 : i32
      "tpu.region"() ({
        %run_scoped3A = tpu.sem_alloc : memref<!tpu.dma_semaphore, #tpu.memory_space<semaphore_mem>>
        %dma_start3A_99 = arith.constant 0 : i32
        %dma_start3A_100 = tpu.memref_slice %arg4[%add3A_98, %dma_start3A_99] : memref<81920x16xf32, #tpu.memory_space<hbm>> -> memref<128x16xf32, #tpu.memory_space<hbm>>
        %dma_start3A_101 = arith.constant 0 : i32
        %dma_start3A_102 = tpu.memref_slice %arg4[%add3A_98, %dma_start3A_101] : memref<81920x16xf32, #tpu.memory_space<hbm>> -> memref<128x16xf32, #tpu.memory_space<hbm>>
        tpu.enqueue_dma source(%arg9 : memref<128x16xf32, #tpu.memory_space<vmem>>) target(%dma_start3A_102 : memref<128x16xf32, #tpu.memory_space<hbm>>) target_semaphore(%run_scoped3A : memref<!tpu.dma_semaphore, #tpu.memory_space<semaphore_mem>>)
        %dma_wait3A_103 = arith.constant 0 : i32
        %dma_wait3A_104 = tpu.memref_slice %arg4[%add3A_98, %dma_wait3A_103] : memref<81920x16xf32, #tpu.memory_space<hbm>> -> memref<128x16xf32, #tpu.memory_space<hbm>>
        %dma_wait3A_105 = arith.constant 0 : i32
        %dma_wait3A_106 = tpu.memref_slice %arg4[%add3A_98, %dma_wait3A_105] : memref<81920x16xf32, #tpu.memory_space<hbm>> -> memref<128x16xf32, #tpu.memory_space<hbm>>
        tpu.wait_dma2 semaphore(%run_scoped3A : memref<!tpu.dma_semaphore, #tpu.memory_space<semaphore_mem>>) src(%arg9 : memref<128x16xf32, #tpu.memory_space<vmem>>) dst(%dma_wait3A_106 : memref<128x16xf32, #tpu.memory_space<hbm>>)
        tpu.yield
      }) : () -> ()
    }
    %scan3A_7 = arith.constant 5 : i32
    return
  }
}

#map = affine_map<(d0, d1) -> (0, 0)>
#map1 = affine_map<(d0, d1) -> (0, 0, 0)>
module attributes {stable_mosaic.version = 14 : i64} {
  func.func @sc_scatter32(%arg0: i32, %arg1: i32, %arg2: memref<81920x32xf32, #tpu.memory_space<hbm>>, %arg3: memref<32x20x128xi32, #tpu.memory_space<hbm>>, %arg4: memref<10240x32xf32, #tpu.memory_space<hbm>>, %arg5: memref<20480x32xf32, #tpu.memory_space<hbm>>, %arg6: memref<20x128xi32, #tpu.memory_space<vmem>>, %arg7: memref<128x32xf32, #tpu.memory_space<vmem>>, %arg8: memref<128x32xf32, #tpu.memory_space<vmem>>, %arg9: memref<128x32xf32, #tpu.memory_space<vmem>>, %arg10: memref<128x32xf32, #tpu.memory_space<vmem>>, %arg11: memref<!tpu.dma_semaphore, #tpu.memory_space<semaphore_mem>>, %arg12: memref<!tpu.dma_semaphore, #tpu.memory_space<semaphore_mem>>, %arg13: memref<!tpu.dma_semaphore, #tpu.memory_space<semaphore_mem>>, %arg14: memref<!tpu.dma_semaphore, #tpu.memory_space<semaphore_mem>>, %arg15: memref<640x32xf32, #tpu.memory_space<vmem>>, %arg16: memref<10240x32xf32, #tpu.memory_space<vmem_shared>>) attributes {dimension_semantics = [#tpu.dimension_semantics<core_parallel>, #tpu.dimension_semantics<subcore_parallel>], iteration_bounds = array<i64: 2, 16>, scalar_prefetch = 0 : i64, scratch_operands = 11 : i64, tpu.core_type = #tpu.core_type<sc_vector_subcore>, window_params = [{transform_indices = #map}, {transform_indices = #map1}, {transform_indices = #map}, {transform_indices = #map}]} {
    %mul3A = arith.constant 2 : i32
    %mul3A_0 = arith.muli %arg1, %mul3A : i32
    %add3A = arith.addi %mul3A_0, %arg0 : i32
    %mul3A_1 = arith.constant 640 : i32
    %mul3A_2 = arith.muli %arg1, %mul3A_1 : i32
    "tpu.region"() ({
      %run_scoped3A = tpu.sem_alloc : memref<!tpu.dma_semaphore, #tpu.memory_space<semaphore_mem>>
      %dma_start3A = arith.constant 0 : i32
      %dma_start3A_12 = arith.constant 0 : i32
      %dma_start3A_13 = tpu.memref_slice %arg4[%dma_start3A, %dma_start3A_12] : memref<10240x32xf32, #tpu.memory_space<hbm>> -> memref<640x32xf32, #tpu.memory_space<hbm>>
      %dma_start3A_14 = arith.constant 0 : i32
      %dma_start3A_15 = arith.constant 0 : i32
      %dma_start3A_16 = tpu.memref_slice %arg4[%dma_start3A_14, %dma_start3A_15] : memref<10240x32xf32, #tpu.memory_space<hbm>> -> memref<640x32xf32, #tpu.memory_space<hbm>>
      tpu.enqueue_dma source(%dma_start3A_16 : memref<640x32xf32, #tpu.memory_space<hbm>>) target(%arg15 : memref<640x32xf32, #tpu.memory_space<vmem>>) target_semaphore(%run_scoped3A : memref<!tpu.dma_semaphore, #tpu.memory_space<semaphore_mem>>)
      %dma_wait3A = arith.constant 0 : i32
      %dma_wait3A_17 = arith.constant 0 : i32
      %dma_wait3A_18 = tpu.memref_slice %arg4[%dma_wait3A, %dma_wait3A_17] : memref<10240x32xf32, #tpu.memory_space<hbm>> -> memref<640x32xf32, #tpu.memory_space<hbm>>
      %dma_wait3A_19 = arith.constant 0 : i32
      %dma_wait3A_20 = arith.constant 0 : i32
      %dma_wait3A_21 = tpu.memref_slice %arg4[%dma_wait3A_19, %dma_wait3A_20] : memref<10240x32xf32, #tpu.memory_space<hbm>> -> memref<640x32xf32, #tpu.memory_space<hbm>>
      tpu.wait_dma2 semaphore(%run_scoped3A : memref<!tpu.dma_semaphore, #tpu.memory_space<semaphore_mem>>) src(%dma_wait3A_21 : memref<640x32xf32, #tpu.memory_space<hbm>>) dst(%arg15 : memref<640x32xf32, #tpu.memory_space<vmem>>)
      tpu.yield
    }) : () -> ()
    "tpu.region"() ({
      %run_scoped3A = tpu.sem_alloc : memref<!tpu.dma_semaphore, #tpu.memory_space<semaphore_mem>>
      %dma_start3A = arith.constant 0 : i32
      %dma_start3A_12 = tpu.memref_slice %arg16[%mul3A_2, %dma_start3A] : memref<10240x32xf32, #tpu.memory_space<vmem_shared>> -> memref<640x32xf32, #tpu.memory_space<vmem_shared>>
      %dma_start3A_13 = arith.constant 0 : i32
      %dma_start3A_14 = tpu.memref_slice %arg16[%mul3A_2, %dma_start3A_13] : memref<10240x32xf32, #tpu.memory_space<vmem_shared>> -> memref<640x32xf32, #tpu.memory_space<vmem_shared>>
      tpu.enqueue_dma source(%arg15 : memref<640x32xf32, #tpu.memory_space<vmem>>) target(%dma_start3A_14 : memref<640x32xf32, #tpu.memory_space<vmem_shared>>) target_semaphore(%run_scoped3A : memref<!tpu.dma_semaphore, #tpu.memory_space<semaphore_mem>>)
      %dma_wait3A = arith.constant 0 : i32
      %dma_wait3A_15 = tpu.memref_slice %arg16[%mul3A_2, %dma_wait3A] : memref<10240x32xf32, #tpu.memory_space<vmem_shared>> -> memref<640x32xf32, #tpu.memory_space<vmem_shared>>
      %dma_wait3A_16 = arith.constant 0 : i32
      %dma_wait3A_17 = tpu.memref_slice %arg16[%mul3A_2, %dma_wait3A_16] : memref<10240x32xf32, #tpu.memory_space<vmem_shared>> -> memref<640x32xf32, #tpu.memory_space<vmem_shared>>
      tpu.wait_dma2 semaphore(%run_scoped3A : memref<!tpu.dma_semaphore, #tpu.memory_space<semaphore_mem>>) src(%arg15 : memref<640x32xf32, #tpu.memory_space<vmem>>) dst(%dma_wait3A_17 : memref<640x32xf32, #tpu.memory_space<vmem_shared>>)
      tpu.yield
    }) : () -> ()
    %barrier3A = arith.constant 0 : index
    tpu.barrier barrier_id(%barrier3A)
    "tpu.region"() ({
      %run_scoped3A = tpu.sem_alloc : memref<!tpu.dma_semaphore, #tpu.memory_space<semaphore_mem>>
      %dma_start3A = arith.constant 0 : i32
      %dma_start3A_12 = arith.constant 0 : i32
      %dma_start3A_13 = tpu.memref_slice %arg3[%add3A, %dma_start3A, %dma_start3A_12] : memref<32x20x128xi32, #tpu.memory_space<hbm>> -> memref<1x20x128xi32, #tpu.memory_space<hbm>>
      %dma_start3A_14 = tpu.memref_squeeze %dma_start3A_13 : memref<1x20x128xi32, #tpu.memory_space<hbm>> -> memref<20x128xi32, #tpu.memory_space<hbm>>
      %dma_start3A_15 = arith.constant 0 : i32
      %dma_start3A_16 = arith.constant 0 : i32
      %dma_start3A_17 = tpu.memref_slice %arg3[%add3A, %dma_start3A_15, %dma_start3A_16] : memref<32x20x128xi32, #tpu.memory_space<hbm>> -> memref<1x20x128xi32, #tpu.memory_space<hbm>>
      %dma_start3A_18 = tpu.memref_squeeze %dma_start3A_17 : memref<1x20x128xi32, #tpu.memory_space<hbm>> -> memref<20x128xi32, #tpu.memory_space<hbm>>
      tpu.enqueue_dma source(%dma_start3A_18 : memref<20x128xi32, #tpu.memory_space<hbm>>) target(%arg6 : memref<20x128xi32, #tpu.memory_space<vmem>>) target_semaphore(%run_scoped3A : memref<!tpu.dma_semaphore, #tpu.memory_space<semaphore_mem>>)
      %dma_wait3A = arith.constant 0 : i32
      %dma_wait3A_19 = arith.constant 0 : i32
      %dma_wait3A_20 = tpu.memref_slice %arg3[%add3A, %dma_wait3A, %dma_wait3A_19] : memref<32x20x128xi32, #tpu.memory_space<hbm>> -> memref<1x20x128xi32, #tpu.memory_space<hbm>>
      %dma_wait3A_21 = tpu.memref_squeeze %dma_wait3A_20 : memref<1x20x128xi32, #tpu.memory_space<hbm>> -> memref<20x128xi32, #tpu.memory_space<hbm>>
      %dma_wait3A_22 = arith.constant 0 : i32
      %dma_wait3A_23 = arith.constant 0 : i32
      %dma_wait3A_24 = tpu.memref_slice %arg3[%add3A, %dma_wait3A_22, %dma_wait3A_23] : memref<32x20x128xi32, #tpu.memory_space<hbm>> -> memref<1x20x128xi32, #tpu.memory_space<hbm>>
      %dma_wait3A_25 = tpu.memref_squeeze %dma_wait3A_24 : memref<1x20x128xi32, #tpu.memory_space<hbm>> -> memref<20x128xi32, #tpu.memory_space<hbm>>
      tpu.wait_dma2 semaphore(%run_scoped3A : memref<!tpu.dma_semaphore, #tpu.memory_space<semaphore_mem>>) src(%dma_wait3A_25 : memref<20x128xi32, #tpu.memory_space<hbm>>) dst(%arg6 : memref<20x128xi32, #tpu.memory_space<vmem>>)
      tpu.yield
    }) : () -> ()
    %scan3A = arith.constant 0 : i32
    %scan3A_3 = arith.constant 0 : i32
    %scan3A_4 = arith.constant 5 : i32
    %scan3A_5 = arith.addi %scan3A_3, %scan3A_4 : i32
    %scan3A_6 = arith.constant 1 : i32
    scf.for %scan3A_12 = %scan3A_3 to %scan3A_5 step %scan3A_6  : i32 {
      %mul3A_13 = arith.constant 2560 : i32
      %mul3A_14 = arith.muli %add3A, %mul3A_13 : i32
      %mul3A_15 = arith.constant 4 : i32
      %mul3A_16 = arith.muli %scan3A_12, %mul3A_15 : i32
      %add3A_17 = arith.constant 0 : i32
      %add3A_18 = arith.addi %mul3A_16, %add3A_17 : i32
      %mul3A_19 = arith.constant 128 : i32
      %mul3A_20 = arith.muli %add3A_18, %mul3A_19 : i32
      %add3A_21 = arith.addi %mul3A_14, %mul3A_20 : i32
      %dma_start3A = arith.constant 0 : i32
      %dma_start3A_22 = tpu.memref_slice %arg2[%add3A_21, %dma_start3A] : memref<81920x32xf32, #tpu.memory_space<hbm>> -> memref<128x32xf32, #tpu.memory_space<hbm>>
      %dma_start3A_23 = arith.constant 0 : i32
      %dma_start3A_24 = tpu.memref_slice %arg2[%add3A_21, %dma_start3A_23] : memref<81920x32xf32, #tpu.memory_space<hbm>> -> memref<128x32xf32, #tpu.memory_space<hbm>>
      tpu.enqueue_dma source(%dma_start3A_24 : memref<128x32xf32, #tpu.memory_space<hbm>>) target(%arg7 : memref<128x32xf32, #tpu.memory_space<vmem>>) target_semaphore(%arg11 : memref<!tpu.dma_semaphore, #tpu.memory_space<semaphore_mem>>)
      %mul3A_25 = arith.constant 2560 : i32
      %mul3A_26 = arith.muli %add3A, %mul3A_25 : i32
      %mul3A_27 = arith.constant 4 : i32
      %mul3A_28 = arith.muli %scan3A_12, %mul3A_27 : i32
      %add3A_29 = arith.constant 1 : i32
      %add3A_30 = arith.addi %mul3A_28, %add3A_29 : i32
      %mul3A_31 = arith.constant 128 : i32
      %mul3A_32 = arith.muli %add3A_30, %mul3A_31 : i32
      %add3A_33 = arith.addi %mul3A_26, %mul3A_32 : i32
      %dma_start3A_34 = arith.constant 0 : i32
      %dma_start3A_35 = tpu.memref_slice %arg2[%add3A_33, %dma_start3A_34] : memref<81920x32xf32, #tpu.memory_space<hbm>> -> memref<128x32xf32, #tpu.memory_space<hbm>>
      %dma_start3A_36 = arith.constant 0 : i32
      %dma_start3A_37 = tpu.memref_slice %arg2[%add3A_33, %dma_start3A_36] : memref<81920x32xf32, #tpu.memory_space<hbm>> -> memref<128x32xf32, #tpu.memory_space<hbm>>
      tpu.enqueue_dma source(%dma_start3A_37 : memref<128x32xf32, #tpu.memory_space<hbm>>) target(%arg8 : memref<128x32xf32, #tpu.memory_space<vmem>>) target_semaphore(%arg12 : memref<!tpu.dma_semaphore, #tpu.memory_space<semaphore_mem>>)
      %mul3A_38 = arith.constant 2560 : i32
      %mul3A_39 = arith.muli %add3A, %mul3A_38 : i32
      %mul3A_40 = arith.constant 4 : i32
      %mul3A_41 = arith.muli %scan3A_12, %mul3A_40 : i32
      %add3A_42 = arith.constant 2 : i32
      %add3A_43 = arith.addi %mul3A_41, %add3A_42 : i32
      %mul3A_44 = arith.constant 128 : i32
      %mul3A_45 = arith.muli %add3A_43, %mul3A_44 : i32
      %add3A_46 = arith.addi %mul3A_39, %mul3A_45 : i32
      %dma_start3A_47 = arith.constant 0 : i32
      %dma_start3A_48 = tpu.memref_slice %arg2[%add3A_46, %dma_start3A_47] : memref<81920x32xf32, #tpu.memory_space<hbm>> -> memref<128x32xf32, #tpu.memory_space<hbm>>
      %dma_start3A_49 = arith.constant 0 : i32
      %dma_start3A_50 = tpu.memref_slice %arg2[%add3A_46, %dma_start3A_49] : memref<81920x32xf32, #tpu.memory_space<hbm>> -> memref<128x32xf32, #tpu.memory_space<hbm>>
      tpu.enqueue_dma source(%dma_start3A_50 : memref<128x32xf32, #tpu.memory_space<hbm>>) target(%arg9 : memref<128x32xf32, #tpu.memory_space<vmem>>) target_semaphore(%arg13 : memref<!tpu.dma_semaphore, #tpu.memory_space<semaphore_mem>>)
      %mul3A_51 = arith.constant 2560 : i32
      %mul3A_52 = arith.muli %add3A, %mul3A_51 : i32
      %mul3A_53 = arith.constant 4 : i32
      %mul3A_54 = arith.muli %scan3A_12, %mul3A_53 : i32
      %add3A_55 = arith.constant 3 : i32
      %add3A_56 = arith.addi %mul3A_54, %add3A_55 : i32
      %mul3A_57 = arith.constant 128 : i32
      %mul3A_58 = arith.muli %add3A_56, %mul3A_57 : i32
      %add3A_59 = arith.addi %mul3A_52, %mul3A_58 : i32
      %dma_start3A_60 = arith.constant 0 : i32
      %dma_start3A_61 = tpu.memref_slice %arg2[%add3A_59, %dma_start3A_60] : memref<81920x32xf32, #tpu.memory_space<hbm>> -> memref<128x32xf32, #tpu.memory_space<hbm>>
      %dma_start3A_62 = arith.constant 0 : i32
      %dma_start3A_63 = tpu.memref_slice %arg2[%add3A_59, %dma_start3A_62] : memref<81920x32xf32, #tpu.memory_space<hbm>> -> memref<128x32xf32, #tpu.memory_space<hbm>>
      tpu.enqueue_dma source(%dma_start3A_63 : memref<128x32xf32, #tpu.memory_space<hbm>>) target(%arg10 : memref<128x32xf32, #tpu.memory_space<vmem>>) target_semaphore(%arg14 : memref<!tpu.dma_semaphore, #tpu.memory_space<semaphore_mem>>)
      %dma_wait3A = arith.constant 0 : i32
      %dma_wait3A_64 = tpu.memref_slice %arg2[%add3A_21, %dma_wait3A] : memref<81920x32xf32, #tpu.memory_space<hbm>> -> memref<128x32xf32, #tpu.memory_space<hbm>>
      %dma_wait3A_65 = arith.constant 0 : i32
      %dma_wait3A_66 = tpu.memref_slice %arg2[%add3A_21, %dma_wait3A_65] : memref<81920x32xf32, #tpu.memory_space<hbm>> -> memref<128x32xf32, #tpu.memory_space<hbm>>
      tpu.wait_dma2 semaphore(%arg11 : memref<!tpu.dma_semaphore, #tpu.memory_space<semaphore_mem>>) src(%dma_wait3A_66 : memref<128x32xf32, #tpu.memory_space<hbm>>) dst(%arg7 : memref<128x32xf32, #tpu.memory_space<vmem>>)
      %mul3A_67 = arith.constant 4 : i32
      %mul3A_68 = arith.muli %scan3A_12, %mul3A_67 : i32
      %add3A_69 = arith.constant 0 : i32
      %add3A_70 = arith.addi %mul3A_68, %add3A_69 : i32
      "tpu.region"() ({
        %run_scoped3A = tpu.sem_alloc : memref<!tpu.dma_semaphore, #tpu.memory_space<semaphore_mem>>
        %dma_start3A_95 = arith.constant 0 : i32
        %dma_start3A_96 = tpu.memref_slice %arg6[%add3A_70, %dma_start3A_95] : memref<20x128xi32, #tpu.memory_space<vmem>> -> memref<1x128xi32, #tpu.memory_space<vmem>>
        %dma_start3A_97 = tpu.memref_squeeze %dma_start3A_96 : memref<1x128xi32, #tpu.memory_space<vmem>> -> memref<128xi32, #tpu.memory_space<vmem>>
        %dma_start3A_98 = arith.constant 0 : i32
        %dma_start3A_99 = arith.constant 0 : i32
        %dma_start3A_100 = tpu.memref_slice %arg16[%dma_start3A_98, %dma_start3A_99] : memref<10240x32xf32, #tpu.memory_space<vmem_shared>> -> memref<10240x32xf32, #tpu.memory_space<vmem_shared>>
        tpu.enqueue_indirect_dma source(%arg7 : memref<128x32xf32, #tpu.memory_space<vmem>>) target(%dma_start3A_100 : memref<10240x32xf32, #tpu.memory_space<vmem_shared>>) offsets(%dma_start3A_97 : memref<128xi32, #tpu.memory_space<vmem>>) semaphore(%run_scoped3A : memref<!tpu.dma_semaphore, #tpu.memory_space<semaphore_mem>>) {add = true}
        %dma_wait3A_101 = arith.constant 0 : i32
        %dma_wait3A_102 = tpu.memref_slice %arg6[%add3A_70, %dma_wait3A_101] : memref<20x128xi32, #tpu.memory_space<vmem>> -> memref<1x128xi32, #tpu.memory_space<vmem>>
        %dma_wait3A_103 = tpu.memref_squeeze %dma_wait3A_102 : memref<1x128xi32, #tpu.memory_space<vmem>> -> memref<128xi32, #tpu.memory_space<vmem>>
        %dma_wait3A_104 = arith.constant 0 : i32
        %dma_wait3A_105 = arith.constant 0 : i32
        %dma_wait3A_106 = tpu.memref_slice %arg16[%dma_wait3A_104, %dma_wait3A_105] : memref<10240x32xf32, #tpu.memory_space<vmem_shared>> -> memref<10240x32xf32, #tpu.memory_space<vmem_shared>>
        tpu.wait_indirect_dma semaphore(%run_scoped3A : memref<!tpu.dma_semaphore, #tpu.memory_space<semaphore_mem>>) src(%arg7 : memref<128x32xf32, #tpu.memory_space<vmem>>) dst(%dma_wait3A_106 : memref<10240x32xf32, #tpu.memory_space<vmem_shared>>)
        tpu.yield
      }) : () -> ()
      %dma_wait3A_71 = arith.constant 0 : i32
      %dma_wait3A_72 = tpu.memref_slice %arg2[%add3A_33, %dma_wait3A_71] : memref<81920x32xf32, #tpu.memory_space<hbm>> -> memref<128x32xf32, #tpu.memory_space<hbm>>
      %dma_wait3A_73 = arith.constant 0 : i32
      %dma_wait3A_74 = tpu.memref_slice %arg2[%add3A_33, %dma_wait3A_73] : memref<81920x32xf32, #tpu.memory_space<hbm>> -> memref<128x32xf32, #tpu.memory_space<hbm>>
      tpu.wait_dma2 semaphore(%arg12 : memref<!tpu.dma_semaphore, #tpu.memory_space<semaphore_mem>>) src(%dma_wait3A_74 : memref<128x32xf32, #tpu.memory_space<hbm>>) dst(%arg8 : memref<128x32xf32, #tpu.memory_space<vmem>>)
      %mul3A_75 = arith.constant 4 : i32
      %mul3A_76 = arith.muli %scan3A_12, %mul3A_75 : i32
      %add3A_77 = arith.constant 1 : i32
      %add3A_78 = arith.addi %mul3A_76, %add3A_77 : i32
      "tpu.region"() ({
        %run_scoped3A = tpu.sem_alloc : memref<!tpu.dma_semaphore, #tpu.memory_space<semaphore_mem>>
        %dma_start3A_95 = arith.constant 0 : i32
        %dma_start3A_96 = tpu.memref_slice %arg6[%add3A_78, %dma_start3A_95] : memref<20x128xi32, #tpu.memory_space<vmem>> -> memref<1x128xi32, #tpu.memory_space<vmem>>
        %dma_start3A_97 = tpu.memref_squeeze %dma_start3A_96 : memref<1x128xi32, #tpu.memory_space<vmem>> -> memref<128xi32, #tpu.memory_space<vmem>>
        %dma_start3A_98 = arith.constant 0 : i32
        %dma_start3A_99 = arith.constant 0 : i32
        %dma_start3A_100 = tpu.memref_slice %arg16[%dma_start3A_98, %dma_start3A_99] : memref<10240x32xf32, #tpu.memory_space<vmem_shared>> -> memref<10240x32xf32, #tpu.memory_space<vmem_shared>>
        tpu.enqueue_indirect_dma source(%arg8 : memref<128x32xf32, #tpu.memory_space<vmem>>) target(%dma_start3A_100 : memref<10240x32xf32, #tpu.memory_space<vmem_shared>>) offsets(%dma_start3A_97 : memref<128xi32, #tpu.memory_space<vmem>>) semaphore(%run_scoped3A : memref<!tpu.dma_semaphore, #tpu.memory_space<semaphore_mem>>) {add = true}
        %dma_wait3A_101 = arith.constant 0 : i32
        %dma_wait3A_102 = tpu.memref_slice %arg6[%add3A_78, %dma_wait3A_101] : memref<20x128xi32, #tpu.memory_space<vmem>> -> memref<1x128xi32, #tpu.memory_space<vmem>>
        %dma_wait3A_103 = tpu.memref_squeeze %dma_wait3A_102 : memref<1x128xi32, #tpu.memory_space<vmem>> -> memref<128xi32, #tpu.memory_space<vmem>>
        %dma_wait3A_104 = arith.constant 0 : i32
        %dma_wait3A_105 = arith.constant 0 : i32
        %dma_wait3A_106 = tpu.memref_slice %arg16[%dma_wait3A_104, %dma_wait3A_105] : memref<10240x32xf32, #tpu.memory_space<vmem_shared>> -> memref<10240x32xf32, #tpu.memory_space<vmem_shared>>
        tpu.wait_indirect_dma semaphore(%run_scoped3A : memref<!tpu.dma_semaphore, #tpu.memory_space<semaphore_mem>>) src(%arg8 : memref<128x32xf32, #tpu.memory_space<vmem>>) dst(%dma_wait3A_106 : memref<10240x32xf32, #tpu.memory_space<vmem_shared>>)
        tpu.yield
      }) : () -> ()
      %dma_wait3A_79 = arith.constant 0 : i32
      %dma_wait3A_80 = tpu.memref_slice %arg2[%add3A_46, %dma_wait3A_79] : memref<81920x32xf32, #tpu.memory_space<hbm>> -> memref<128x32xf32, #tpu.memory_space<hbm>>
      %dma_wait3A_81 = arith.constant 0 : i32
      %dma_wait3A_82 = tpu.memref_slice %arg2[%add3A_46, %dma_wait3A_81] : memref<81920x32xf32, #tpu.memory_space<hbm>> -> memref<128x32xf32, #tpu.memory_space<hbm>>
      tpu.wait_dma2 semaphore(%arg13 : memref<!tpu.dma_semaphore, #tpu.memory_space<semaphore_mem>>) src(%dma_wait3A_82 : memref<128x32xf32, #tpu.memory_space<hbm>>) dst(%arg9 : memref<128x32xf32, #tpu.memory_space<vmem>>)
      %mul3A_83 = arith.constant 4 : i32
      %mul3A_84 = arith.muli %scan3A_12, %mul3A_83 : i32
      %add3A_85 = arith.constant 2 : i32
      %add3A_86 = arith.addi %mul3A_84, %add3A_85 : i32
      "tpu.region"() ({
        %run_scoped3A = tpu.sem_alloc : memref<!tpu.dma_semaphore, #tpu.memory_space<semaphore_mem>>
        %dma_start3A_95 = arith.constant 0 : i32
        %dma_start3A_96 = tpu.memref_slice %arg6[%add3A_86, %dma_start3A_95] : memref<20x128xi32, #tpu.memory_space<vmem>> -> memref<1x128xi32, #tpu.memory_space<vmem>>
        %dma_start3A_97 = tpu.memref_squeeze %dma_start3A_96 : memref<1x128xi32, #tpu.memory_space<vmem>> -> memref<128xi32, #tpu.memory_space<vmem>>
        %dma_start3A_98 = arith.constant 0 : i32
        %dma_start3A_99 = arith.constant 0 : i32
        %dma_start3A_100 = tpu.memref_slice %arg16[%dma_start3A_98, %dma_start3A_99] : memref<10240x32xf32, #tpu.memory_space<vmem_shared>> -> memref<10240x32xf32, #tpu.memory_space<vmem_shared>>
        tpu.enqueue_indirect_dma source(%arg9 : memref<128x32xf32, #tpu.memory_space<vmem>>) target(%dma_start3A_100 : memref<10240x32xf32, #tpu.memory_space<vmem_shared>>) offsets(%dma_start3A_97 : memref<128xi32, #tpu.memory_space<vmem>>) semaphore(%run_scoped3A : memref<!tpu.dma_semaphore, #tpu.memory_space<semaphore_mem>>) {add = true}
        %dma_wait3A_101 = arith.constant 0 : i32
        %dma_wait3A_102 = tpu.memref_slice %arg6[%add3A_86, %dma_wait3A_101] : memref<20x128xi32, #tpu.memory_space<vmem>> -> memref<1x128xi32, #tpu.memory_space<vmem>>
        %dma_wait3A_103 = tpu.memref_squeeze %dma_wait3A_102 : memref<1x128xi32, #tpu.memory_space<vmem>> -> memref<128xi32, #tpu.memory_space<vmem>>
        %dma_wait3A_104 = arith.constant 0 : i32
        %dma_wait3A_105 = arith.constant 0 : i32
        %dma_wait3A_106 = tpu.memref_slice %arg16[%dma_wait3A_104, %dma_wait3A_105] : memref<10240x32xf32, #tpu.memory_space<vmem_shared>> -> memref<10240x32xf32, #tpu.memory_space<vmem_shared>>
        tpu.wait_indirect_dma semaphore(%run_scoped3A : memref<!tpu.dma_semaphore, #tpu.memory_space<semaphore_mem>>) src(%arg9 : memref<128x32xf32, #tpu.memory_space<vmem>>) dst(%dma_wait3A_106 : memref<10240x32xf32, #tpu.memory_space<vmem_shared>>)
        tpu.yield
      }) : () -> ()
      %dma_wait3A_87 = arith.constant 0 : i32
      %dma_wait3A_88 = tpu.memref_slice %arg2[%add3A_59, %dma_wait3A_87] : memref<81920x32xf32, #tpu.memory_space<hbm>> -> memref<128x32xf32, #tpu.memory_space<hbm>>
      %dma_wait3A_89 = arith.constant 0 : i32
      %dma_wait3A_90 = tpu.memref_slice %arg2[%add3A_59, %dma_wait3A_89] : memref<81920x32xf32, #tpu.memory_space<hbm>> -> memref<128x32xf32, #tpu.memory_space<hbm>>
      tpu.wait_dma2 semaphore(%arg14 : memref<!tpu.dma_semaphore, #tpu.memory_space<semaphore_mem>>) src(%dma_wait3A_90 : memref<128x32xf32, #tpu.memory_space<hbm>>) dst(%arg10 : memref<128x32xf32, #tpu.memory_space<vmem>>)
      %mul3A_91 = arith.constant 4 : i32
      %mul3A_92 = arith.muli %scan3A_12, %mul3A_91 : i32
      %add3A_93 = arith.constant 3 : i32
      %add3A_94 = arith.addi %mul3A_92, %add3A_93 : i32
      "tpu.region"() ({
        %run_scoped3A = tpu.sem_alloc : memref<!tpu.dma_semaphore, #tpu.memory_space<semaphore_mem>>
        %dma_start3A_95 = arith.constant 0 : i32
        %dma_start3A_96 = tpu.memref_slice %arg6[%add3A_94, %dma_start3A_95] : memref<20x128xi32, #tpu.memory_space<vmem>> -> memref<1x128xi32, #tpu.memory_space<vmem>>
        %dma_start3A_97 = tpu.memref_squeeze %dma_start3A_96 : memref<1x128xi32, #tpu.memory_space<vmem>> -> memref<128xi32, #tpu.memory_space<vmem>>
        %dma_start3A_98 = arith.constant 0 : i32
        %dma_start3A_99 = arith.constant 0 : i32
        %dma_start3A_100 = tpu.memref_slice %arg16[%dma_start3A_98, %dma_start3A_99] : memref<10240x32xf32, #tpu.memory_space<vmem_shared>> -> memref<10240x32xf32, #tpu.memory_space<vmem_shared>>
        tpu.enqueue_indirect_dma source(%arg10 : memref<128x32xf32, #tpu.memory_space<vmem>>) target(%dma_start3A_100 : memref<10240x32xf32, #tpu.memory_space<vmem_shared>>) offsets(%dma_start3A_97 : memref<128xi32, #tpu.memory_space<vmem>>) semaphore(%run_scoped3A : memref<!tpu.dma_semaphore, #tpu.memory_space<semaphore_mem>>) {add = true}
        %dma_wait3A_101 = arith.constant 0 : i32
        %dma_wait3A_102 = tpu.memref_slice %arg6[%add3A_94, %dma_wait3A_101] : memref<20x128xi32, #tpu.memory_space<vmem>> -> memref<1x128xi32, #tpu.memory_space<vmem>>
        %dma_wait3A_103 = tpu.memref_squeeze %dma_wait3A_102 : memref<1x128xi32, #tpu.memory_space<vmem>> -> memref<128xi32, #tpu.memory_space<vmem>>
        %dma_wait3A_104 = arith.constant 0 : i32
        %dma_wait3A_105 = arith.constant 0 : i32
        %dma_wait3A_106 = tpu.memref_slice %arg16[%dma_wait3A_104, %dma_wait3A_105] : memref<10240x32xf32, #tpu.memory_space<vmem_shared>> -> memref<10240x32xf32, #tpu.memory_space<vmem_shared>>
        tpu.wait_indirect_dma semaphore(%run_scoped3A : memref<!tpu.dma_semaphore, #tpu.memory_space<semaphore_mem>>) src(%arg10 : memref<128x32xf32, #tpu.memory_space<vmem>>) dst(%dma_wait3A_106 : memref<10240x32xf32, #tpu.memory_space<vmem_shared>>)
        tpu.yield
      }) : () -> ()
    }
    %scan3A_7 = arith.constant 5 : i32
    %barrier3A_8 = arith.constant 0 : index
    tpu.barrier barrier_id(%barrier3A_8)
    "tpu.region"() ({
      %run_scoped3A = tpu.sem_alloc : memref<!tpu.dma_semaphore, #tpu.memory_space<semaphore_mem>>
      %dma_start3A = arith.constant 0 : i32
      %dma_start3A_12 = tpu.memref_slice %arg16[%mul3A_2, %dma_start3A] : memref<10240x32xf32, #tpu.memory_space<vmem_shared>> -> memref<640x32xf32, #tpu.memory_space<vmem_shared>>
      %dma_start3A_13 = arith.constant 0 : i32
      %dma_start3A_14 = tpu.memref_slice %arg16[%mul3A_2, %dma_start3A_13] : memref<10240x32xf32, #tpu.memory_space<vmem_shared>> -> memref<640x32xf32, #tpu.memory_space<vmem_shared>>
      tpu.enqueue_dma source(%dma_start3A_14 : memref<640x32xf32, #tpu.memory_space<vmem_shared>>) target(%arg15 : memref<640x32xf32, #tpu.memory_space<vmem>>) target_semaphore(%run_scoped3A : memref<!tpu.dma_semaphore, #tpu.memory_space<semaphore_mem>>)
      %dma_wait3A = arith.constant 0 : i32
      %dma_wait3A_15 = tpu.memref_slice %arg16[%mul3A_2, %dma_wait3A] : memref<10240x32xf32, #tpu.memory_space<vmem_shared>> -> memref<640x32xf32, #tpu.memory_space<vmem_shared>>
      %dma_wait3A_16 = arith.constant 0 : i32
      %dma_wait3A_17 = tpu.memref_slice %arg16[%mul3A_2, %dma_wait3A_16] : memref<10240x32xf32, #tpu.memory_space<vmem_shared>> -> memref<640x32xf32, #tpu.memory_space<vmem_shared>>
      tpu.wait_dma2 semaphore(%run_scoped3A : memref<!tpu.dma_semaphore, #tpu.memory_space<semaphore_mem>>) src(%dma_wait3A_17 : memref<640x32xf32, #tpu.memory_space<vmem_shared>>) dst(%arg15 : memref<640x32xf32, #tpu.memory_space<vmem>>)
      tpu.yield
    }) : () -> ()
    %mul3A_9 = arith.constant 10240 : i32
    %mul3A_10 = arith.muli %arg0, %mul3A_9 : i32
    %add3A_11 = arith.addi %mul3A_10, %mul3A_2 : i32
    "tpu.region"() ({
      %run_scoped3A = tpu.sem_alloc : memref<!tpu.dma_semaphore, #tpu.memory_space<semaphore_mem>>
      %dma_start3A = arith.constant 0 : i32
      %dma_start3A_12 = tpu.memref_slice %arg5[%add3A_11, %dma_start3A] : memref<20480x32xf32, #tpu.memory_space<hbm>> -> memref<640x32xf32, #tpu.memory_space<hbm>>
      %dma_start3A_13 = arith.constant 0 : i32
      %dma_start3A_14 = tpu.memref_slice %arg5[%add3A_11, %dma_start3A_13] : memref<20480x32xf32, #tpu.memory_space<hbm>> -> memref<640x32xf32, #tpu.memory_space<hbm>>
      tpu.enqueue_dma source(%arg15 : memref<640x32xf32, #tpu.memory_space<vmem>>) target(%dma_start3A_14 : memref<640x32xf32, #tpu.memory_space<hbm>>) target_semaphore(%run_scoped3A : memref<!tpu.dma_semaphore, #tpu.memory_space<semaphore_mem>>)
      %dma_wait3A = arith.constant 0 : i32
      %dma_wait3A_15 = tpu.memref_slice %arg5[%add3A_11, %dma_wait3A] : memref<20480x32xf32, #tpu.memory_space<hbm>> -> memref<640x32xf32, #tpu.memory_space<hbm>>
      %dma_wait3A_16 = arith.constant 0 : i32
      %dma_wait3A_17 = tpu.memref_slice %arg5[%add3A_11, %dma_wait3A_16] : memref<20480x32xf32, #tpu.memory_space<hbm>> -> memref<640x32xf32, #tpu.memory_space<hbm>>
      tpu.wait_dma2 semaphore(%run_scoped3A : memref<!tpu.dma_semaphore, #tpu.memory_space<semaphore_mem>>) src(%arg15 : memref<640x32xf32, #tpu.memory_space<vmem>>) dst(%dma_wait3A_17 : memref<640x32xf32, #tpu.memory_space<hbm>>)
      tpu.yield
    }) : () -> ()
    return
  }
}

#map = affine_map<(d0, d1) -> (0, 0)>
#map1 = affine_map<(d0, d1) -> (0, 0, 0)>
module attributes {stable_mosaic.version = 14 : i64} {
  func.func @gk(%arg0: i32, %arg1: i32, %arg2: memref<10000x32xf32, #tpu.memory_space<hbm>>, %arg3: memref<32x20x128xi32, #tpu.memory_space<hbm>>, %arg4: memref<81920x32xf32, #tpu.memory_space<hbm>>, %arg5: memref<20x128xi32, #tpu.memory_space<vmem>>, %arg6: memref<128x32xf32, #tpu.memory_space<vmem>>, %arg7: memref<128x32xf32, #tpu.memory_space<vmem>>, %arg8: memref<128x32xf32, #tpu.memory_space<vmem>>, %arg9: memref<128x32xf32, #tpu.memory_space<vmem>>, %arg10: memref<!tpu.dma_semaphore, #tpu.memory_space<semaphore_mem>>, %arg11: memref<!tpu.dma_semaphore, #tpu.memory_space<semaphore_mem>>, %arg12: memref<!tpu.dma_semaphore, #tpu.memory_space<semaphore_mem>>, %arg13: memref<!tpu.dma_semaphore, #tpu.memory_space<semaphore_mem>>) attributes {dimension_semantics = [#tpu.dimension_semantics<core_parallel>, #tpu.dimension_semantics<subcore_parallel>], iteration_bounds = array<i64: 2, 16>, scalar_prefetch = 0 : i64, scratch_operands = 9 : i64, tpu.core_type = #tpu.core_type<sc_vector_subcore>, window_params = [{transform_indices = #map}, {transform_indices = #map1}, {transform_indices = #map}]} {
    %mul3A = arith.constant 2 : i32
    %mul3A_0 = arith.muli %arg1, %mul3A : i32
    %add3A = arith.addi %mul3A_0, %arg0 : i32
    %mul3A_1 = arith.constant 2560 : i32
    %mul3A_2 = arith.muli %add3A, %mul3A_1 : i32
    "tpu.region"() ({
      %run_scoped3A = tpu.sem_alloc : memref<!tpu.dma_semaphore, #tpu.memory_space<semaphore_mem>>
      %dma_start3A = arith.constant 0 : i32
      %dma_start3A_8 = arith.constant 0 : i32
      %dma_start3A_9 = tpu.memref_slice %arg3[%add3A, %dma_start3A, %dma_start3A_8] : memref<32x20x128xi32, #tpu.memory_space<hbm>> -> memref<1x20x128xi32, #tpu.memory_space<hbm>>
      %dma_start3A_10 = tpu.memref_squeeze %dma_start3A_9 : memref<1x20x128xi32, #tpu.memory_space<hbm>> -> memref<20x128xi32, #tpu.memory_space<hbm>>
      %dma_start3A_11 = arith.constant 0 : i32
      %dma_start3A_12 = arith.constant 0 : i32
      %dma_start3A_13 = tpu.memref_slice %arg3[%add3A, %dma_start3A_11, %dma_start3A_12] : memref<32x20x128xi32, #tpu.memory_space<hbm>> -> memref<1x20x128xi32, #tpu.memory_space<hbm>>
      %dma_start3A_14 = tpu.memref_squeeze %dma_start3A_13 : memref<1x20x128xi32, #tpu.memory_space<hbm>> -> memref<20x128xi32, #tpu.memory_space<hbm>>
      tpu.enqueue_dma source(%dma_start3A_14 : memref<20x128xi32, #tpu.memory_space<hbm>>) target(%arg5 : memref<20x128xi32, #tpu.memory_space<vmem>>) target_semaphore(%run_scoped3A : memref<!tpu.dma_semaphore, #tpu.memory_space<semaphore_mem>>)
      %dma_wait3A = arith.constant 0 : i32
      %dma_wait3A_15 = arith.constant 0 : i32
      %dma_wait3A_16 = tpu.memref_slice %arg3[%add3A, %dma_wait3A, %dma_wait3A_15] : memref<32x20x128xi32, #tpu.memory_space<hbm>> -> memref<1x20x128xi32, #tpu.memory_space<hbm>>
      %dma_wait3A_17 = tpu.memref_squeeze %dma_wait3A_16 : memref<1x20x128xi32, #tpu.memory_space<hbm>> -> memref<20x128xi32, #tpu.memory_space<hbm>>
      %dma_wait3A_18 = arith.constant 0 : i32
      %dma_wait3A_19 = arith.constant 0 : i32
      %dma_wait3A_20 = tpu.memref_slice %arg3[%add3A, %dma_wait3A_18, %dma_wait3A_19] : memref<32x20x128xi32, #tpu.memory_space<hbm>> -> memref<1x20x128xi32, #tpu.memory_space<hbm>>
      %dma_wait3A_21 = tpu.memref_squeeze %dma_wait3A_20 : memref<1x20x128xi32, #tpu.memory_space<hbm>> -> memref<20x128xi32, #tpu.memory_space<hbm>>
      tpu.wait_dma2 semaphore(%run_scoped3A : memref<!tpu.dma_semaphore, #tpu.memory_space<semaphore_mem>>) src(%dma_wait3A_21 : memref<20x128xi32, #tpu.memory_space<hbm>>) dst(%arg5 : memref<20x128xi32, #tpu.memory_space<vmem>>)
      tpu.yield
    }) : () -> ()
    %scan3A = arith.constant 0 : i32
    %scan3A_3 = arith.constant 0 : i32
    %scan3A_4 = arith.constant 5 : i32
    %scan3A_5 = arith.addi %scan3A_3, %scan3A_4 : i32
    %scan3A_6 = arith.constant 1 : i32
    scf.for %scan3A_8 = %scan3A_3 to %scan3A_5 step %scan3A_6  : i32 {
      %mul3A_9 = arith.constant 4 : i32
      %mul3A_10 = arith.muli %scan3A_8, %mul3A_9 : i32
      %add3A_11 = arith.constant 0 : i32
      %add3A_12 = arith.addi %mul3A_10, %add3A_11 : i32
      %dma_start3A = arith.constant 0 : i32
      %dma_start3A_13 = tpu.memref_slice %arg5[%add3A_12, %dma_start3A] : memref<20x128xi32, #tpu.memory_space<vmem>> -> memref<1x128xi32, #tpu.memory_space<vmem>>
      %dma_start3A_14 = tpu.memref_squeeze %dma_start3A_13 : memref<1x128xi32, #tpu.memory_space<vmem>> -> memref<128xi32, #tpu.memory_space<vmem>>
      %dma_start3A_15 = arith.constant 0 : i32
      %dma_start3A_16 = arith.constant 0 : i32
      %dma_start3A_17 = tpu.memref_slice %arg2[%dma_start3A_15, %dma_start3A_16] : memref<10000x32xf32, #tpu.memory_space<hbm>> -> memref<10000x32xf32, #tpu.memory_space<hbm>>
      tpu.enqueue_indirect_dma source(%dma_start3A_17 : memref<10000x32xf32, #tpu.memory_space<hbm>>) target(%arg6 : memref<128x32xf32, #tpu.memory_space<vmem>>) offsets(%dma_start3A_14 : memref<128xi32, #tpu.memory_space<vmem>>) semaphore(%arg10 : memref<!tpu.dma_semaphore, #tpu.memory_space<semaphore_mem>>)
      %mul3A_18 = arith.constant 4 : i32
      %mul3A_19 = arith.muli %scan3A_8, %mul3A_18 : i32
      %add3A_20 = arith.constant 1 : i32
      %add3A_21 = arith.addi %mul3A_19, %add3A_20 : i32
      %dma_start3A_22 = arith.constant 0 : i32
      %dma_start3A_23 = tpu.memref_slice %arg5[%add3A_21, %dma_start3A_22] : memref<20x128xi32, #tpu.memory_space<vmem>> -> memref<1x128xi32, #tpu.memory_space<vmem>>
      %dma_start3A_24 = tpu.memref_squeeze %dma_start3A_23 : memref<1x128xi32, #tpu.memory_space<vmem>> -> memref<128xi32, #tpu.memory_space<vmem>>
      %dma_start3A_25 = arith.constant 0 : i32
      %dma_start3A_26 = arith.constant 0 : i32
      %dma_start3A_27 = tpu.memref_slice %arg2[%dma_start3A_25, %dma_start3A_26] : memref<10000x32xf32, #tpu.memory_space<hbm>> -> memref<10000x32xf32, #tpu.memory_space<hbm>>
      tpu.enqueue_indirect_dma source(%dma_start3A_27 : memref<10000x32xf32, #tpu.memory_space<hbm>>) target(%arg7 : memref<128x32xf32, #tpu.memory_space<vmem>>) offsets(%dma_start3A_24 : memref<128xi32, #tpu.memory_space<vmem>>) semaphore(%arg11 : memref<!tpu.dma_semaphore, #tpu.memory_space<semaphore_mem>>)
      %mul3A_28 = arith.constant 4 : i32
      %mul3A_29 = arith.muli %scan3A_8, %mul3A_28 : i32
      %add3A_30 = arith.constant 2 : i32
      %add3A_31 = arith.addi %mul3A_29, %add3A_30 : i32
      %dma_start3A_32 = arith.constant 0 : i32
      %dma_start3A_33 = tpu.memref_slice %arg5[%add3A_31, %dma_start3A_32] : memref<20x128xi32, #tpu.memory_space<vmem>> -> memref<1x128xi32, #tpu.memory_space<vmem>>
      %dma_start3A_34 = tpu.memref_squeeze %dma_start3A_33 : memref<1x128xi32, #tpu.memory_space<vmem>> -> memref<128xi32, #tpu.memory_space<vmem>>
      %dma_start3A_35 = arith.constant 0 : i32
      %dma_start3A_36 = arith.constant 0 : i32
      %dma_start3A_37 = tpu.memref_slice %arg2[%dma_start3A_35, %dma_start3A_36] : memref<10000x32xf32, #tpu.memory_space<hbm>> -> memref<10000x32xf32, #tpu.memory_space<hbm>>
      tpu.enqueue_indirect_dma source(%dma_start3A_37 : memref<10000x32xf32, #tpu.memory_space<hbm>>) target(%arg8 : memref<128x32xf32, #tpu.memory_space<vmem>>) offsets(%dma_start3A_34 : memref<128xi32, #tpu.memory_space<vmem>>) semaphore(%arg12 : memref<!tpu.dma_semaphore, #tpu.memory_space<semaphore_mem>>)
      %mul3A_38 = arith.constant 4 : i32
      %mul3A_39 = arith.muli %scan3A_8, %mul3A_38 : i32
      %add3A_40 = arith.constant 3 : i32
      %add3A_41 = arith.addi %mul3A_39, %add3A_40 : i32
      %dma_start3A_42 = arith.constant 0 : i32
      %dma_start3A_43 = tpu.memref_slice %arg5[%add3A_41, %dma_start3A_42] : memref<20x128xi32, #tpu.memory_space<vmem>> -> memref<1x128xi32, #tpu.memory_space<vmem>>
      %dma_start3A_44 = tpu.memref_squeeze %dma_start3A_43 : memref<1x128xi32, #tpu.memory_space<vmem>> -> memref<128xi32, #tpu.memory_space<vmem>>
      %dma_start3A_45 = arith.constant 0 : i32
      %dma_start3A_46 = arith.constant 0 : i32
      %dma_start3A_47 = tpu.memref_slice %arg2[%dma_start3A_45, %dma_start3A_46] : memref<10000x32xf32, #tpu.memory_space<hbm>> -> memref<10000x32xf32, #tpu.memory_space<hbm>>
      tpu.enqueue_indirect_dma source(%dma_start3A_47 : memref<10000x32xf32, #tpu.memory_space<hbm>>) target(%arg9 : memref<128x32xf32, #tpu.memory_space<vmem>>) offsets(%dma_start3A_44 : memref<128xi32, #tpu.memory_space<vmem>>) semaphore(%arg13 : memref<!tpu.dma_semaphore, #tpu.memory_space<semaphore_mem>>)
      %dma_wait3A = arith.constant 0 : i32
      %dma_wait3A_48 = tpu.memref_slice %arg5[%add3A_12, %dma_wait3A] : memref<20x128xi32, #tpu.memory_space<vmem>> -> memref<1x128xi32, #tpu.memory_space<vmem>>
      %dma_wait3A_49 = tpu.memref_squeeze %dma_wait3A_48 : memref<1x128xi32, #tpu.memory_space<vmem>> -> memref<128xi32, #tpu.memory_space<vmem>>
      %dma_wait3A_50 = arith.constant 0 : i32
      %dma_wait3A_51 = arith.constant 0 : i32
      %dma_wait3A_52 = tpu.memref_slice %arg2[%dma_wait3A_50, %dma_wait3A_51] : memref<10000x32xf32, #tpu.memory_space<hbm>> -> memref<10000x32xf32, #tpu.memory_space<hbm>>
      tpu.wait_indirect_dma semaphore(%arg10 : memref<!tpu.dma_semaphore, #tpu.memory_space<semaphore_mem>>) src(%dma_wait3A_52 : memref<10000x32xf32, #tpu.memory_space<hbm>>) dst(%arg6 : memref<128x32xf32, #tpu.memory_space<vmem>>)
      %mul3A_53 = arith.constant 4 : i32
      %mul3A_54 = arith.muli %scan3A_8, %mul3A_53 : i32
      %add3A_55 = arith.constant 0 : i32
      %add3A_56 = arith.addi %mul3A_54, %add3A_55 : i32
      %mul3A_57 = arith.constant 128 : i32
      %mul3A_58 = arith.muli %add3A_56, %mul3A_57 : i32
      %add3A_59 = arith.addi %mul3A_2, %mul3A_58 : i32
      "tpu.region"() ({
        %run_scoped3A = tpu.sem_alloc : memref<!tpu.dma_semaphore, #tpu.memory_space<semaphore_mem>>
        %dma_start3A_99 = arith.constant 0 : i32
        %dma_start3A_100 = tpu.memref_slice %arg4[%add3A_59, %dma_start3A_99] : memref<81920x32xf32, #tpu.memory_space<hbm>> -> memref<128x32xf32, #tpu.memory_space<hbm>>
        %dma_start3A_101 = arith.constant 0 : i32
        %dma_start3A_102 = tpu.memref_slice %arg4[%add3A_59, %dma_start3A_101] : memref<81920x32xf32, #tpu.memory_space<hbm>> -> memref<128x32xf32, #tpu.memory_space<hbm>>
        tpu.enqueue_dma source(%arg6 : memref<128x32xf32, #tpu.memory_space<vmem>>) target(%dma_start3A_102 : memref<128x32xf32, #tpu.memory_space<hbm>>) target_semaphore(%run_scoped3A : memref<!tpu.dma_semaphore, #tpu.memory_space<semaphore_mem>>)
        %dma_wait3A_103 = arith.constant 0 : i32
        %dma_wait3A_104 = tpu.memref_slice %arg4[%add3A_59, %dma_wait3A_103] : memref<81920x32xf32, #tpu.memory_space<hbm>> -> memref<128x32xf32, #tpu.memory_space<hbm>>
        %dma_wait3A_105 = arith.constant 0 : i32
        %dma_wait3A_106 = tpu.memref_slice %arg4[%add3A_59, %dma_wait3A_105] : memref<81920x32xf32, #tpu.memory_space<hbm>> -> memref<128x32xf32, #tpu.memory_space<hbm>>
        tpu.wait_dma2 semaphore(%run_scoped3A : memref<!tpu.dma_semaphore, #tpu.memory_space<semaphore_mem>>) src(%arg6 : memref<128x32xf32, #tpu.memory_space<vmem>>) dst(%dma_wait3A_106 : memref<128x32xf32, #tpu.memory_space<hbm>>)
        tpu.yield
      }) : () -> ()
      %dma_wait3A_60 = arith.constant 0 : i32
      %dma_wait3A_61 = tpu.memref_slice %arg5[%add3A_21, %dma_wait3A_60] : memref<20x128xi32, #tpu.memory_space<vmem>> -> memref<1x128xi32, #tpu.memory_space<vmem>>
      %dma_wait3A_62 = tpu.memref_squeeze %dma_wait3A_61 : memref<1x128xi32, #tpu.memory_space<vmem>> -> memref<128xi32, #tpu.memory_space<vmem>>
      %dma_wait3A_63 = arith.constant 0 : i32
      %dma_wait3A_64 = arith.constant 0 : i32
      %dma_wait3A_65 = tpu.memref_slice %arg2[%dma_wait3A_63, %dma_wait3A_64] : memref<10000x32xf32, #tpu.memory_space<hbm>> -> memref<10000x32xf32, #tpu.memory_space<hbm>>
      tpu.wait_indirect_dma semaphore(%arg11 : memref<!tpu.dma_semaphore, #tpu.memory_space<semaphore_mem>>) src(%dma_wait3A_65 : memref<10000x32xf32, #tpu.memory_space<hbm>>) dst(%arg7 : memref<128x32xf32, #tpu.memory_space<vmem>>)
      %mul3A_66 = arith.constant 4 : i32
      %mul3A_67 = arith.muli %scan3A_8, %mul3A_66 : i32
      %add3A_68 = arith.constant 1 : i32
      %add3A_69 = arith.addi %mul3A_67, %add3A_68 : i32
      %mul3A_70 = arith.constant 128 : i32
      %mul3A_71 = arith.muli %add3A_69, %mul3A_70 : i32
      %add3A_72 = arith.addi %mul3A_2, %mul3A_71 : i32
      "tpu.region"() ({
        %run_scoped3A = tpu.sem_alloc : memref<!tpu.dma_semaphore, #tpu.memory_space<semaphore_mem>>
        %dma_start3A_99 = arith.constant 0 : i32
        %dma_start3A_100 = tpu.memref_slice %arg4[%add3A_72, %dma_start3A_99] : memref<81920x32xf32, #tpu.memory_space<hbm>> -> memref<128x32xf32, #tpu.memory_space<hbm>>
        %dma_start3A_101 = arith.constant 0 : i32
        %dma_start3A_102 = tpu.memref_slice %arg4[%add3A_72, %dma_start3A_101] : memref<81920x32xf32, #tpu.memory_space<hbm>> -> memref<128x32xf32, #tpu.memory_space<hbm>>
        tpu.enqueue_dma source(%arg7 : memref<128x32xf32, #tpu.memory_space<vmem>>) target(%dma_start3A_102 : memref<128x32xf32, #tpu.memory_space<hbm>>) target_semaphore(%run_scoped3A : memref<!tpu.dma_semaphore, #tpu.memory_space<semaphore_mem>>)
        %dma_wait3A_103 = arith.constant 0 : i32
        %dma_wait3A_104 = tpu.memref_slice %arg4[%add3A_72, %dma_wait3A_103] : memref<81920x32xf32, #tpu.memory_space<hbm>> -> memref<128x32xf32, #tpu.memory_space<hbm>>
        %dma_wait3A_105 = arith.constant 0 : i32
        %dma_wait3A_106 = tpu.memref_slice %arg4[%add3A_72, %dma_wait3A_105] : memref<81920x32xf32, #tpu.memory_space<hbm>> -> memref<128x32xf32, #tpu.memory_space<hbm>>
        tpu.wait_dma2 semaphore(%run_scoped3A : memref<!tpu.dma_semaphore, #tpu.memory_space<semaphore_mem>>) src(%arg7 : memref<128x32xf32, #tpu.memory_space<vmem>>) dst(%dma_wait3A_106 : memref<128x32xf32, #tpu.memory_space<hbm>>)
        tpu.yield
      }) : () -> ()
      %dma_wait3A_73 = arith.constant 0 : i32
      %dma_wait3A_74 = tpu.memref_slice %arg5[%add3A_31, %dma_wait3A_73] : memref<20x128xi32, #tpu.memory_space<vmem>> -> memref<1x128xi32, #tpu.memory_space<vmem>>
      %dma_wait3A_75 = tpu.memref_squeeze %dma_wait3A_74 : memref<1x128xi32, #tpu.memory_space<vmem>> -> memref<128xi32, #tpu.memory_space<vmem>>
      %dma_wait3A_76 = arith.constant 0 : i32
      %dma_wait3A_77 = arith.constant 0 : i32
      %dma_wait3A_78 = tpu.memref_slice %arg2[%dma_wait3A_76, %dma_wait3A_77] : memref<10000x32xf32, #tpu.memory_space<hbm>> -> memref<10000x32xf32, #tpu.memory_space<hbm>>
      tpu.wait_indirect_dma semaphore(%arg12 : memref<!tpu.dma_semaphore, #tpu.memory_space<semaphore_mem>>) src(%dma_wait3A_78 : memref<10000x32xf32, #tpu.memory_space<hbm>>) dst(%arg8 : memref<128x32xf32, #tpu.memory_space<vmem>>)
      %mul3A_79 = arith.constant 4 : i32
      %mul3A_80 = arith.muli %scan3A_8, %mul3A_79 : i32
      %add3A_81 = arith.constant 2 : i32
      %add3A_82 = arith.addi %mul3A_80, %add3A_81 : i32
      %mul3A_83 = arith.constant 128 : i32
      %mul3A_84 = arith.muli %add3A_82, %mul3A_83 : i32
      %add3A_85 = arith.addi %mul3A_2, %mul3A_84 : i32
      "tpu.region"() ({
        %run_scoped3A = tpu.sem_alloc : memref<!tpu.dma_semaphore, #tpu.memory_space<semaphore_mem>>
        %dma_start3A_99 = arith.constant 0 : i32
        %dma_start3A_100 = tpu.memref_slice %arg4[%add3A_85, %dma_start3A_99] : memref<81920x32xf32, #tpu.memory_space<hbm>> -> memref<128x32xf32, #tpu.memory_space<hbm>>
        %dma_start3A_101 = arith.constant 0 : i32
        %dma_start3A_102 = tpu.memref_slice %arg4[%add3A_85, %dma_start3A_101] : memref<81920x32xf32, #tpu.memory_space<hbm>> -> memref<128x32xf32, #tpu.memory_space<hbm>>
        tpu.enqueue_dma source(%arg8 : memref<128x32xf32, #tpu.memory_space<vmem>>) target(%dma_start3A_102 : memref<128x32xf32, #tpu.memory_space<hbm>>) target_semaphore(%run_scoped3A : memref<!tpu.dma_semaphore, #tpu.memory_space<semaphore_mem>>)
        %dma_wait3A_103 = arith.constant 0 : i32
        %dma_wait3A_104 = tpu.memref_slice %arg4[%add3A_85, %dma_wait3A_103] : memref<81920x32xf32, #tpu.memory_space<hbm>> -> memref<128x32xf32, #tpu.memory_space<hbm>>
        %dma_wait3A_105 = arith.constant 0 : i32
        %dma_wait3A_106 = tpu.memref_slice %arg4[%add3A_85, %dma_wait3A_105] : memref<81920x32xf32, #tpu.memory_space<hbm>> -> memref<128x32xf32, #tpu.memory_space<hbm>>
        tpu.wait_dma2 semaphore(%run_scoped3A : memref<!tpu.dma_semaphore, #tpu.memory_space<semaphore_mem>>) src(%arg8 : memref<128x32xf32, #tpu.memory_space<vmem>>) dst(%dma_wait3A_106 : memref<128x32xf32, #tpu.memory_space<hbm>>)
        tpu.yield
      }) : () -> ()
      %dma_wait3A_86 = arith.constant 0 : i32
      %dma_wait3A_87 = tpu.memref_slice %arg5[%add3A_41, %dma_wait3A_86] : memref<20x128xi32, #tpu.memory_space<vmem>> -> memref<1x128xi32, #tpu.memory_space<vmem>>
      %dma_wait3A_88 = tpu.memref_squeeze %dma_wait3A_87 : memref<1x128xi32, #tpu.memory_space<vmem>> -> memref<128xi32, #tpu.memory_space<vmem>>
      %dma_wait3A_89 = arith.constant 0 : i32
      %dma_wait3A_90 = arith.constant 0 : i32
      %dma_wait3A_91 = tpu.memref_slice %arg2[%dma_wait3A_89, %dma_wait3A_90] : memref<10000x32xf32, #tpu.memory_space<hbm>> -> memref<10000x32xf32, #tpu.memory_space<hbm>>
      tpu.wait_indirect_dma semaphore(%arg13 : memref<!tpu.dma_semaphore, #tpu.memory_space<semaphore_mem>>) src(%dma_wait3A_91 : memref<10000x32xf32, #tpu.memory_space<hbm>>) dst(%arg9 : memref<128x32xf32, #tpu.memory_space<vmem>>)
      %mul3A_92 = arith.constant 4 : i32
      %mul3A_93 = arith.muli %scan3A_8, %mul3A_92 : i32
      %add3A_94 = arith.constant 3 : i32
      %add3A_95 = arith.addi %mul3A_93, %add3A_94 : i32
      %mul3A_96 = arith.constant 128 : i32
      %mul3A_97 = arith.muli %add3A_95, %mul3A_96 : i32
      %add3A_98 = arith.addi %mul3A_2, %mul3A_97 : i32
      "tpu.region"() ({
        %run_scoped3A = tpu.sem_alloc : memref<!tpu.dma_semaphore, #tpu.memory_space<semaphore_mem>>
        %dma_start3A_99 = arith.constant 0 : i32
        %dma_start3A_100 = tpu.memref_slice %arg4[%add3A_98, %dma_start3A_99] : memref<81920x32xf32, #tpu.memory_space<hbm>> -> memref<128x32xf32, #tpu.memory_space<hbm>>
        %dma_start3A_101 = arith.constant 0 : i32
        %dma_start3A_102 = tpu.memref_slice %arg4[%add3A_98, %dma_start3A_101] : memref<81920x32xf32, #tpu.memory_space<hbm>> -> memref<128x32xf32, #tpu.memory_space<hbm>>
        tpu.enqueue_dma source(%arg9 : memref<128x32xf32, #tpu.memory_space<vmem>>) target(%dma_start3A_102 : memref<128x32xf32, #tpu.memory_space<hbm>>) target_semaphore(%run_scoped3A : memref<!tpu.dma_semaphore, #tpu.memory_space<semaphore_mem>>)
        %dma_wait3A_103 = arith.constant 0 : i32
        %dma_wait3A_104 = tpu.memref_slice %arg4[%add3A_98, %dma_wait3A_103] : memref<81920x32xf32, #tpu.memory_space<hbm>> -> memref<128x32xf32, #tpu.memory_space<hbm>>
        %dma_wait3A_105 = arith.constant 0 : i32
        %dma_wait3A_106 = tpu.memref_slice %arg4[%add3A_98, %dma_wait3A_105] : memref<81920x32xf32, #tpu.memory_space<hbm>> -> memref<128x32xf32, #tpu.memory_space<hbm>>
        tpu.wait_dma2 semaphore(%run_scoped3A : memref<!tpu.dma_semaphore, #tpu.memory_space<semaphore_mem>>) src(%arg9 : memref<128x32xf32, #tpu.memory_space<vmem>>) dst(%dma_wait3A_106 : memref<128x32xf32, #tpu.memory_space<hbm>>)
        tpu.yield
      }) : () -> ()
    }
    %scan3A_7 = arith.constant 5 : i32
    return
  }
}

#map = affine_map<(d0, d1) -> (0, 0)>
#map1 = affine_map<(d0, d1) -> (0, 0, 0)>
module attributes {stable_mosaic.version = 14 : i64} {
  func.func @gk(%arg0: i32, %arg1: i32, %arg2: memref<10000x32xf32, #tpu.memory_space<hbm>>, %arg3: memref<32x20x128xi32, #tpu.memory_space<hbm>>, %arg4: memref<81920x32xf32, #tpu.memory_space<hbm>>, %arg5: memref<20x128xi32, #tpu.memory_space<vmem>>, %arg6: memref<128x32xf32, #tpu.memory_space<vmem>>, %arg7: memref<128x32xf32, #tpu.memory_space<vmem>>, %arg8: memref<128x32xf32, #tpu.memory_space<vmem>>, %arg9: memref<128x32xf32, #tpu.memory_space<vmem>>, %arg10: memref<!tpu.dma_semaphore, #tpu.memory_space<semaphore_mem>>, %arg11: memref<!tpu.dma_semaphore, #tpu.memory_space<semaphore_mem>>, %arg12: memref<!tpu.dma_semaphore, #tpu.memory_space<semaphore_mem>>, %arg13: memref<!tpu.dma_semaphore, #tpu.memory_space<semaphore_mem>>) attributes {dimension_semantics = [#tpu.dimension_semantics<core_parallel>, #tpu.dimension_semantics<subcore_parallel>], iteration_bounds = array<i64: 2, 16>, scalar_prefetch = 0 : i64, scratch_operands = 9 : i64, tpu.core_type = #tpu.core_type<sc_vector_subcore>, window_params = [{transform_indices = #map}, {transform_indices = #map1}, {transform_indices = #map}]} {
    %mul3A = arith.constant 2 : i32
    %mul3A_0 = arith.muli %arg1, %mul3A : i32
    %add3A = arith.addi %mul3A_0, %arg0 : i32
    %mul3A_1 = arith.constant 2560 : i32
    %mul3A_2 = arith.muli %add3A, %mul3A_1 : i32
    "tpu.region"() ({
      %run_scoped3A = tpu.sem_alloc : memref<!tpu.dma_semaphore, #tpu.memory_space<semaphore_mem>>
      %dma_start3A = arith.constant 0 : i32
      %dma_start3A_8 = arith.constant 0 : i32
      %dma_start3A_9 = tpu.memref_slice %arg3[%add3A, %dma_start3A, %dma_start3A_8] : memref<32x20x128xi32, #tpu.memory_space<hbm>> -> memref<1x20x128xi32, #tpu.memory_space<hbm>>
      %dma_start3A_10 = tpu.memref_squeeze %dma_start3A_9 : memref<1x20x128xi32, #tpu.memory_space<hbm>> -> memref<20x128xi32, #tpu.memory_space<hbm>>
      %dma_start3A_11 = arith.constant 0 : i32
      %dma_start3A_12 = arith.constant 0 : i32
      %dma_start3A_13 = tpu.memref_slice %arg3[%add3A, %dma_start3A_11, %dma_start3A_12] : memref<32x20x128xi32, #tpu.memory_space<hbm>> -> memref<1x20x128xi32, #tpu.memory_space<hbm>>
      %dma_start3A_14 = tpu.memref_squeeze %dma_start3A_13 : memref<1x20x128xi32, #tpu.memory_space<hbm>> -> memref<20x128xi32, #tpu.memory_space<hbm>>
      tpu.enqueue_dma source(%dma_start3A_14 : memref<20x128xi32, #tpu.memory_space<hbm>>) target(%arg5 : memref<20x128xi32, #tpu.memory_space<vmem>>) target_semaphore(%run_scoped3A : memref<!tpu.dma_semaphore, #tpu.memory_space<semaphore_mem>>)
      %dma_wait3A = arith.constant 0 : i32
      %dma_wait3A_15 = arith.constant 0 : i32
      %dma_wait3A_16 = tpu.memref_slice %arg3[%add3A, %dma_wait3A, %dma_wait3A_15] : memref<32x20x128xi32, #tpu.memory_space<hbm>> -> memref<1x20x128xi32, #tpu.memory_space<hbm>>
      %dma_wait3A_17 = tpu.memref_squeeze %dma_wait3A_16 : memref<1x20x128xi32, #tpu.memory_space<hbm>> -> memref<20x128xi32, #tpu.memory_space<hbm>>
      %dma_wait3A_18 = arith.constant 0 : i32
      %dma_wait3A_19 = arith.constant 0 : i32
      %dma_wait3A_20 = tpu.memref_slice %arg3[%add3A, %dma_wait3A_18, %dma_wait3A_19] : memref<32x20x128xi32, #tpu.memory_space<hbm>> -> memref<1x20x128xi32, #tpu.memory_space<hbm>>
      %dma_wait3A_21 = tpu.memref_squeeze %dma_wait3A_20 : memref<1x20x128xi32, #tpu.memory_space<hbm>> -> memref<20x128xi32, #tpu.memory_space<hbm>>
      tpu.wait_dma2 semaphore(%run_scoped3A : memref<!tpu.dma_semaphore, #tpu.memory_space<semaphore_mem>>) src(%dma_wait3A_21 : memref<20x128xi32, #tpu.memory_space<hbm>>) dst(%arg5 : memref<20x128xi32, #tpu.memory_space<vmem>>)
      tpu.yield
    }) : () -> ()
    %scan3A = arith.constant 0 : i32
    %scan3A_3 = arith.constant 0 : i32
    %scan3A_4 = arith.constant 5 : i32
    %scan3A_5 = arith.addi %scan3A_3, %scan3A_4 : i32
    %scan3A_6 = arith.constant 1 : i32
    scf.for %scan3A_8 = %scan3A_3 to %scan3A_5 step %scan3A_6  : i32 {
      %mul3A_9 = arith.constant 4 : i32
      %mul3A_10 = arith.muli %scan3A_8, %mul3A_9 : i32
      %add3A_11 = arith.constant 0 : i32
      %add3A_12 = arith.addi %mul3A_10, %add3A_11 : i32
      %dma_start3A = arith.constant 0 : i32
      %dma_start3A_13 = tpu.memref_slice %arg5[%add3A_12, %dma_start3A] : memref<20x128xi32, #tpu.memory_space<vmem>> -> memref<1x128xi32, #tpu.memory_space<vmem>>
      %dma_start3A_14 = tpu.memref_squeeze %dma_start3A_13 : memref<1x128xi32, #tpu.memory_space<vmem>> -> memref<128xi32, #tpu.memory_space<vmem>>
      %dma_start3A_15 = arith.constant 0 : i32
      %dma_start3A_16 = arith.constant 0 : i32
      %dma_start3A_17 = tpu.memref_slice %arg2[%dma_start3A_15, %dma_start3A_16] : memref<10000x32xf32, #tpu.memory_space<hbm>> -> memref<10000x32xf32, #tpu.memory_space<hbm>>
      tpu.enqueue_indirect_dma source(%dma_start3A_17 : memref<10000x32xf32, #tpu.memory_space<hbm>>) target(%arg6 : memref<128x32xf32, #tpu.memory_space<vmem>>) offsets(%dma_start3A_14 : memref<128xi32, #tpu.memory_space<vmem>>) semaphore(%arg10 : memref<!tpu.dma_semaphore, #tpu.memory_space<semaphore_mem>>)
      %mul3A_18 = arith.constant 4 : i32
      %mul3A_19 = arith.muli %scan3A_8, %mul3A_18 : i32
      %add3A_20 = arith.constant 1 : i32
      %add3A_21 = arith.addi %mul3A_19, %add3A_20 : i32
      %dma_start3A_22 = arith.constant 0 : i32
      %dma_start3A_23 = tpu.memref_slice %arg5[%add3A_21, %dma_start3A_22] : memref<20x128xi32, #tpu.memory_space<vmem>> -> memref<1x128xi32, #tpu.memory_space<vmem>>
      %dma_start3A_24 = tpu.memref_squeeze %dma_start3A_23 : memref<1x128xi32, #tpu.memory_space<vmem>> -> memref<128xi32, #tpu.memory_space<vmem>>
      %dma_start3A_25 = arith.constant 0 : i32
      %dma_start3A_26 = arith.constant 0 : i32
      %dma_start3A_27 = tpu.memref_slice %arg2[%dma_start3A_25, %dma_start3A_26] : memref<10000x32xf32, #tpu.memory_space<hbm>> -> memref<10000x32xf32, #tpu.memory_space<hbm>>
      tpu.enqueue_indirect_dma source(%dma_start3A_27 : memref<10000x32xf32, #tpu.memory_space<hbm>>) target(%arg7 : memref<128x32xf32, #tpu.memory_space<vmem>>) offsets(%dma_start3A_24 : memref<128xi32, #tpu.memory_space<vmem>>) semaphore(%arg11 : memref<!tpu.dma_semaphore, #tpu.memory_space<semaphore_mem>>)
      %mul3A_28 = arith.constant 4 : i32
      %mul3A_29 = arith.muli %scan3A_8, %mul3A_28 : i32
      %add3A_30 = arith.constant 2 : i32
      %add3A_31 = arith.addi %mul3A_29, %add3A_30 : i32
      %dma_start3A_32 = arith.constant 0 : i32
      %dma_start3A_33 = tpu.memref_slice %arg5[%add3A_31, %dma_start3A_32] : memref<20x128xi32, #tpu.memory_space<vmem>> -> memref<1x128xi32, #tpu.memory_space<vmem>>
      %dma_start3A_34 = tpu.memref_squeeze %dma_start3A_33 : memref<1x128xi32, #tpu.memory_space<vmem>> -> memref<128xi32, #tpu.memory_space<vmem>>
      %dma_start3A_35 = arith.constant 0 : i32
      %dma_start3A_36 = arith.constant 0 : i32
      %dma_start3A_37 = tpu.memref_slice %arg2[%dma_start3A_35, %dma_start3A_36] : memref<10000x32xf32, #tpu.memory_space<hbm>> -> memref<10000x32xf32, #tpu.memory_space<hbm>>
      tpu.enqueue_indirect_dma source(%dma_start3A_37 : memref<10000x32xf32, #tpu.memory_space<hbm>>) target(%arg8 : memref<128x32xf32, #tpu.memory_space<vmem>>) offsets(%dma_start3A_34 : memref<128xi32, #tpu.memory_space<vmem>>) semaphore(%arg12 : memref<!tpu.dma_semaphore, #tpu.memory_space<semaphore_mem>>)
      %mul3A_38 = arith.constant 4 : i32
      %mul3A_39 = arith.muli %scan3A_8, %mul3A_38 : i32
      %add3A_40 = arith.constant 3 : i32
      %add3A_41 = arith.addi %mul3A_39, %add3A_40 : i32
      %dma_start3A_42 = arith.constant 0 : i32
      %dma_start3A_43 = tpu.memref_slice %arg5[%add3A_41, %dma_start3A_42] : memref<20x128xi32, #tpu.memory_space<vmem>> -> memref<1x128xi32, #tpu.memory_space<vmem>>
      %dma_start3A_44 = tpu.memref_squeeze %dma_start3A_43 : memref<1x128xi32, #tpu.memory_space<vmem>> -> memref<128xi32, #tpu.memory_space<vmem>>
      %dma_start3A_45 = arith.constant 0 : i32
      %dma_start3A_46 = arith.constant 0 : i32
      %dma_start3A_47 = tpu.memref_slice %arg2[%dma_start3A_45, %dma_start3A_46] : memref<10000x32xf32, #tpu.memory_space<hbm>> -> memref<10000x32xf32, #tpu.memory_space<hbm>>
      tpu.enqueue_indirect_dma source(%dma_start3A_47 : memref<10000x32xf32, #tpu.memory_space<hbm>>) target(%arg9 : memref<128x32xf32, #tpu.memory_space<vmem>>) offsets(%dma_start3A_44 : memref<128xi32, #tpu.memory_space<vmem>>) semaphore(%arg13 : memref<!tpu.dma_semaphore, #tpu.memory_space<semaphore_mem>>)
      %dma_wait3A = arith.constant 0 : i32
      %dma_wait3A_48 = tpu.memref_slice %arg5[%add3A_12, %dma_wait3A] : memref<20x128xi32, #tpu.memory_space<vmem>> -> memref<1x128xi32, #tpu.memory_space<vmem>>
      %dma_wait3A_49 = tpu.memref_squeeze %dma_wait3A_48 : memref<1x128xi32, #tpu.memory_space<vmem>> -> memref<128xi32, #tpu.memory_space<vmem>>
      %dma_wait3A_50 = arith.constant 0 : i32
      %dma_wait3A_51 = arith.constant 0 : i32
      %dma_wait3A_52 = tpu.memref_slice %arg2[%dma_wait3A_50, %dma_wait3A_51] : memref<10000x32xf32, #tpu.memory_space<hbm>> -> memref<10000x32xf32, #tpu.memory_space<hbm>>
      tpu.wait_indirect_dma semaphore(%arg10 : memref<!tpu.dma_semaphore, #tpu.memory_space<semaphore_mem>>) src(%dma_wait3A_52 : memref<10000x32xf32, #tpu.memory_space<hbm>>) dst(%arg6 : memref<128x32xf32, #tpu.memory_space<vmem>>)
      %mul3A_53 = arith.constant 4 : i32
      %mul3A_54 = arith.muli %scan3A_8, %mul3A_53 : i32
      %add3A_55 = arith.constant 0 : i32
      %add3A_56 = arith.addi %mul3A_54, %add3A_55 : i32
      %mul3A_57 = arith.constant 128 : i32
      %mul3A_58 = arith.muli %add3A_56, %mul3A_57 : i32
      %add3A_59 = arith.addi %mul3A_2, %mul3A_58 : i32
      "tpu.region"() ({
        %run_scoped3A = tpu.sem_alloc : memref<!tpu.dma_semaphore, #tpu.memory_space<semaphore_mem>>
        %dma_start3A_99 = arith.constant 0 : i32
        %dma_start3A_100 = tpu.memref_slice %arg4[%add3A_59, %dma_start3A_99] : memref<81920x32xf32, #tpu.memory_space<hbm>> -> memref<128x32xf32, #tpu.memory_space<hbm>>
        %dma_start3A_101 = arith.constant 0 : i32
        %dma_start3A_102 = tpu.memref_slice %arg4[%add3A_59, %dma_start3A_101] : memref<81920x32xf32, #tpu.memory_space<hbm>> -> memref<128x32xf32, #tpu.memory_space<hbm>>
        tpu.enqueue_dma source(%arg6 : memref<128x32xf32, #tpu.memory_space<vmem>>) target(%dma_start3A_102 : memref<128x32xf32, #tpu.memory_space<hbm>>) target_semaphore(%run_scoped3A : memref<!tpu.dma_semaphore, #tpu.memory_space<semaphore_mem>>)
        %dma_wait3A_103 = arith.constant 0 : i32
        %dma_wait3A_104 = tpu.memref_slice %arg4[%add3A_59, %dma_wait3A_103] : memref<81920x32xf32, #tpu.memory_space<hbm>> -> memref<128x32xf32, #tpu.memory_space<hbm>>
        %dma_wait3A_105 = arith.constant 0 : i32
        %dma_wait3A_106 = tpu.memref_slice %arg4[%add3A_59, %dma_wait3A_105] : memref<81920x32xf32, #tpu.memory_space<hbm>> -> memref<128x32xf32, #tpu.memory_space<hbm>>
        tpu.wait_dma2 semaphore(%run_scoped3A : memref<!tpu.dma_semaphore, #tpu.memory_space<semaphore_mem>>) src(%arg6 : memref<128x32xf32, #tpu.memory_space<vmem>>) dst(%dma_wait3A_106 : memref<128x32xf32, #tpu.memory_space<hbm>>)
        tpu.yield
      }) : () -> ()
      %dma_wait3A_60 = arith.constant 0 : i32
      %dma_wait3A_61 = tpu.memref_slice %arg5[%add3A_21, %dma_wait3A_60] : memref<20x128xi32, #tpu.memory_space<vmem>> -> memref<1x128xi32, #tpu.memory_space<vmem>>
      %dma_wait3A_62 = tpu.memref_squeeze %dma_wait3A_61 : memref<1x128xi32, #tpu.memory_space<vmem>> -> memref<128xi32, #tpu.memory_space<vmem>>
      %dma_wait3A_63 = arith.constant 0 : i32
      %dma_wait3A_64 = arith.constant 0 : i32
      %dma_wait3A_65 = tpu.memref_slice %arg2[%dma_wait3A_63, %dma_wait3A_64] : memref<10000x32xf32, #tpu.memory_space<hbm>> -> memref<10000x32xf32, #tpu.memory_space<hbm>>
      tpu.wait_indirect_dma semaphore(%arg11 : memref<!tpu.dma_semaphore, #tpu.memory_space<semaphore_mem>>) src(%dma_wait3A_65 : memref<10000x32xf32, #tpu.memory_space<hbm>>) dst(%arg7 : memref<128x32xf32, #tpu.memory_space<vmem>>)
      %mul3A_66 = arith.constant 4 : i32
      %mul3A_67 = arith.muli %scan3A_8, %mul3A_66 : i32
      %add3A_68 = arith.constant 1 : i32
      %add3A_69 = arith.addi %mul3A_67, %add3A_68 : i32
      %mul3A_70 = arith.constant 128 : i32
      %mul3A_71 = arith.muli %add3A_69, %mul3A_70 : i32
      %add3A_72 = arith.addi %mul3A_2, %mul3A_71 : i32
      "tpu.region"() ({
        %run_scoped3A = tpu.sem_alloc : memref<!tpu.dma_semaphore, #tpu.memory_space<semaphore_mem>>
        %dma_start3A_99 = arith.constant 0 : i32
        %dma_start3A_100 = tpu.memref_slice %arg4[%add3A_72, %dma_start3A_99] : memref<81920x32xf32, #tpu.memory_space<hbm>> -> memref<128x32xf32, #tpu.memory_space<hbm>>
        %dma_start3A_101 = arith.constant 0 : i32
        %dma_start3A_102 = tpu.memref_slice %arg4[%add3A_72, %dma_start3A_101] : memref<81920x32xf32, #tpu.memory_space<hbm>> -> memref<128x32xf32, #tpu.memory_space<hbm>>
        tpu.enqueue_dma source(%arg7 : memref<128x32xf32, #tpu.memory_space<vmem>>) target(%dma_start3A_102 : memref<128x32xf32, #tpu.memory_space<hbm>>) target_semaphore(%run_scoped3A : memref<!tpu.dma_semaphore, #tpu.memory_space<semaphore_mem>>)
        %dma_wait3A_103 = arith.constant 0 : i32
        %dma_wait3A_104 = tpu.memref_slice %arg4[%add3A_72, %dma_wait3A_103] : memref<81920x32xf32, #tpu.memory_space<hbm>> -> memref<128x32xf32, #tpu.memory_space<hbm>>
        %dma_wait3A_105 = arith.constant 0 : i32
        %dma_wait3A_106 = tpu.memref_slice %arg4[%add3A_72, %dma_wait3A_105] : memref<81920x32xf32, #tpu.memory_space<hbm>> -> memref<128x32xf32, #tpu.memory_space<hbm>>
        tpu.wait_dma2 semaphore(%run_scoped3A : memref<!tpu.dma_semaphore, #tpu.memory_space<semaphore_mem>>) src(%arg7 : memref<128x32xf32, #tpu.memory_space<vmem>>) dst(%dma_wait3A_106 : memref<128x32xf32, #tpu.memory_space<hbm>>)
        tpu.yield
      }) : () -> ()
      %dma_wait3A_73 = arith.constant 0 : i32
      %dma_wait3A_74 = tpu.memref_slice %arg5[%add3A_31, %dma_wait3A_73] : memref<20x128xi32, #tpu.memory_space<vmem>> -> memref<1x128xi32, #tpu.memory_space<vmem>>
      %dma_wait3A_75 = tpu.memref_squeeze %dma_wait3A_74 : memref<1x128xi32, #tpu.memory_space<vmem>> -> memref<128xi32, #tpu.memory_space<vmem>>
      %dma_wait3A_76 = arith.constant 0 : i32
      %dma_wait3A_77 = arith.constant 0 : i32
      %dma_wait3A_78 = tpu.memref_slice %arg2[%dma_wait3A_76, %dma_wait3A_77] : memref<10000x32xf32, #tpu.memory_space<hbm>> -> memref<10000x32xf32, #tpu.memory_space<hbm>>
      tpu.wait_indirect_dma semaphore(%arg12 : memref<!tpu.dma_semaphore, #tpu.memory_space<semaphore_mem>>) src(%dma_wait3A_78 : memref<10000x32xf32, #tpu.memory_space<hbm>>) dst(%arg8 : memref<128x32xf32, #tpu.memory_space<vmem>>)
      %mul3A_79 = arith.constant 4 : i32
      %mul3A_80 = arith.muli %scan3A_8, %mul3A_79 : i32
      %add3A_81 = arith.constant 2 : i32
      %add3A_82 = arith.addi %mul3A_80, %add3A_81 : i32
      %mul3A_83 = arith.constant 128 : i32
      %mul3A_84 = arith.muli %add3A_82, %mul3A_83 : i32
      %add3A_85 = arith.addi %mul3A_2, %mul3A_84 : i32
      "tpu.region"() ({
        %run_scoped3A = tpu.sem_alloc : memref<!tpu.dma_semaphore, #tpu.memory_space<semaphore_mem>>
        %dma_start3A_99 = arith.constant 0 : i32
        %dma_start3A_100 = tpu.memref_slice %arg4[%add3A_85, %dma_start3A_99] : memref<81920x32xf32, #tpu.memory_space<hbm>> -> memref<128x32xf32, #tpu.memory_space<hbm>>
        %dma_start3A_101 = arith.constant 0 : i32
        %dma_start3A_102 = tpu.memref_slice %arg4[%add3A_85, %dma_start3A_101] : memref<81920x32xf32, #tpu.memory_space<hbm>> -> memref<128x32xf32, #tpu.memory_space<hbm>>
        tpu.enqueue_dma source(%arg8 : memref<128x32xf32, #tpu.memory_space<vmem>>) target(%dma_start3A_102 : memref<128x32xf32, #tpu.memory_space<hbm>>) target_semaphore(%run_scoped3A : memref<!tpu.dma_semaphore, #tpu.memory_space<semaphore_mem>>)
        %dma_wait3A_103 = arith.constant 0 : i32
        %dma_wait3A_104 = tpu.memref_slice %arg4[%add3A_85, %dma_wait3A_103] : memref<81920x32xf32, #tpu.memory_space<hbm>> -> memref<128x32xf32, #tpu.memory_space<hbm>>
        %dma_wait3A_105 = arith.constant 0 : i32
        %dma_wait3A_106 = tpu.memref_slice %arg4[%add3A_85, %dma_wait3A_105] : memref<81920x32xf32, #tpu.memory_space<hbm>> -> memref<128x32xf32, #tpu.memory_space<hbm>>
        tpu.wait_dma2 semaphore(%run_scoped3A : memref<!tpu.dma_semaphore, #tpu.memory_space<semaphore_mem>>) src(%arg8 : memref<128x32xf32, #tpu.memory_space<vmem>>) dst(%dma_wait3A_106 : memref<128x32xf32, #tpu.memory_space<hbm>>)
        tpu.yield
      }) : () -> ()
      %dma_wait3A_86 = arith.constant 0 : i32
      %dma_wait3A_87 = tpu.memref_slice %arg5[%add3A_41, %dma_wait3A_86] : memref<20x128xi32, #tpu.memory_space<vmem>> -> memref<1x128xi32, #tpu.memory_space<vmem>>
      %dma_wait3A_88 = tpu.memref_squeeze %dma_wait3A_87 : memref<1x128xi32, #tpu.memory_space<vmem>> -> memref<128xi32, #tpu.memory_space<vmem>>
      %dma_wait3A_89 = arith.constant 0 : i32
      %dma_wait3A_90 = arith.constant 0 : i32
      %dma_wait3A_91 = tpu.memref_slice %arg2[%dma_wait3A_89, %dma_wait3A_90] : memref<10000x32xf32, #tpu.memory_space<hbm>> -> memref<10000x32xf32, #tpu.memory_space<hbm>>
      tpu.wait_indirect_dma semaphore(%arg13 : memref<!tpu.dma_semaphore, #tpu.memory_space<semaphore_mem>>) src(%dma_wait3A_91 : memref<10000x32xf32, #tpu.memory_space<hbm>>) dst(%arg9 : memref<128x32xf32, #tpu.memory_space<vmem>>)
      %mul3A_92 = arith.constant 4 : i32
      %mul3A_93 = arith.muli %scan3A_8, %mul3A_92 : i32
      %add3A_94 = arith.constant 3 : i32
      %add3A_95 = arith.addi %mul3A_93, %add3A_94 : i32
      %mul3A_96 = arith.constant 128 : i32
      %mul3A_97 = arith.muli %add3A_95, %mul3A_96 : i32
      %add3A_98 = arith.addi %mul3A_2, %mul3A_97 : i32
      "tpu.region"() ({
        %run_scoped3A = tpu.sem_alloc : memref<!tpu.dma_semaphore, #tpu.memory_space<semaphore_mem>>
        %dma_start3A_99 = arith.constant 0 : i32
        %dma_start3A_100 = tpu.memref_slice %arg4[%add3A_98, %dma_start3A_99] : memref<81920x32xf32, #tpu.memory_space<hbm>> -> memref<128x32xf32, #tpu.memory_space<hbm>>
        %dma_start3A_101 = arith.constant 0 : i32
        %dma_start3A_102 = tpu.memref_slice %arg4[%add3A_98, %dma_start3A_101] : memref<81920x32xf32, #tpu.memory_space<hbm>> -> memref<128x32xf32, #tpu.memory_space<hbm>>
        tpu.enqueue_dma source(%arg9 : memref<128x32xf32, #tpu.memory_space<vmem>>) target(%dma_start3A_102 : memref<128x32xf32, #tpu.memory_space<hbm>>) target_semaphore(%run_scoped3A : memref<!tpu.dma_semaphore, #tpu.memory_space<semaphore_mem>>)
        %dma_wait3A_103 = arith.constant 0 : i32
        %dma_wait3A_104 = tpu.memref_slice %arg4[%add3A_98, %dma_wait3A_103] : memref<81920x32xf32, #tpu.memory_space<hbm>> -> memref<128x32xf32, #tpu.memory_space<hbm>>
        %dma_wait3A_105 = arith.constant 0 : i32
        %dma_wait3A_106 = tpu.memref_slice %arg4[%add3A_98, %dma_wait3A_105] : memref<81920x32xf32, #tpu.memory_space<hbm>> -> memref<128x32xf32, #tpu.memory_space<hbm>>
        tpu.wait_dma2 semaphore(%run_scoped3A : memref<!tpu.dma_semaphore, #tpu.memory_space<semaphore_mem>>) src(%arg9 : memref<128x32xf32, #tpu.memory_space<vmem>>) dst(%dma_wait3A_106 : memref<128x32xf32, #tpu.memory_space<hbm>>)
        tpu.yield
      }) : () -> ()
    }
    %scan3A_7 = arith.constant 5 : i32
    return
  }
}

#map = affine_map<(d0, d1) -> (0, 0)>
#map1 = affine_map<(d0, d1) -> (0, 0, 0)>
module attributes {stable_mosaic.version = 14 : i64} {
  func.func @sc_scatter64(%arg0: i32, %arg1: i32, %arg2: memref<81920x64xf32, #tpu.memory_space<hbm>>, %arg3: memref<32x20x128xi32, #tpu.memory_space<hbm>>, %arg4: memref<10240x64xf32, #tpu.memory_space<hbm>>, %arg5: memref<20480x64xf32, #tpu.memory_space<hbm>>, %arg6: memref<20x128xi32, #tpu.memory_space<vmem>>, %arg7: memref<128x64xf32, #tpu.memory_space<vmem>>, %arg8: memref<128x64xf32, #tpu.memory_space<vmem>>, %arg9: memref<128x64xf32, #tpu.memory_space<vmem>>, %arg10: memref<128x64xf32, #tpu.memory_space<vmem>>, %arg11: memref<!tpu.dma_semaphore, #tpu.memory_space<semaphore_mem>>, %arg12: memref<!tpu.dma_semaphore, #tpu.memory_space<semaphore_mem>>, %arg13: memref<!tpu.dma_semaphore, #tpu.memory_space<semaphore_mem>>, %arg14: memref<!tpu.dma_semaphore, #tpu.memory_space<semaphore_mem>>, %arg15: memref<640x64xf32, #tpu.memory_space<vmem>>, %arg16: memref<10240x64xf32, #tpu.memory_space<vmem_shared>>) attributes {dimension_semantics = [#tpu.dimension_semantics<core_parallel>, #tpu.dimension_semantics<subcore_parallel>], iteration_bounds = array<i64: 2, 16>, scalar_prefetch = 0 : i64, scratch_operands = 11 : i64, tpu.core_type = #tpu.core_type<sc_vector_subcore>, window_params = [{transform_indices = #map}, {transform_indices = #map1}, {transform_indices = #map}, {transform_indices = #map}]} {
    %mul3A = arith.constant 2 : i32
    %mul3A_0 = arith.muli %arg1, %mul3A : i32
    %add3A = arith.addi %mul3A_0, %arg0 : i32
    %mul3A_1 = arith.constant 640 : i32
    %mul3A_2 = arith.muli %arg1, %mul3A_1 : i32
    "tpu.region"() ({
      %run_scoped3A = tpu.sem_alloc : memref<!tpu.dma_semaphore, #tpu.memory_space<semaphore_mem>>
      %dma_start3A = arith.constant 0 : i32
      %dma_start3A_12 = arith.constant 0 : i32
      %dma_start3A_13 = tpu.memref_slice %arg4[%dma_start3A, %dma_start3A_12] : memref<10240x64xf32, #tpu.memory_space<hbm>> -> memref<640x64xf32, #tpu.memory_space<hbm>>
      %dma_start3A_14 = arith.constant 0 : i32
      %dma_start3A_15 = arith.constant 0 : i32
      %dma_start3A_16 = tpu.memref_slice %arg4[%dma_start3A_14, %dma_start3A_15] : memref<10240x64xf32, #tpu.memory_space<hbm>> -> memref<640x64xf32, #tpu.memory_space<hbm>>
      tpu.enqueue_dma source(%dma_start3A_16 : memref<640x64xf32, #tpu.memory_space<hbm>>) target(%arg15 : memref<640x64xf32, #tpu.memory_space<vmem>>) target_semaphore(%run_scoped3A : memref<!tpu.dma_semaphore, #tpu.memory_space<semaphore_mem>>)
      %dma_wait3A = arith.constant 0 : i32
      %dma_wait3A_17 = arith.constant 0 : i32
      %dma_wait3A_18 = tpu.memref_slice %arg4[%dma_wait3A, %dma_wait3A_17] : memref<10240x64xf32, #tpu.memory_space<hbm>> -> memref<640x64xf32, #tpu.memory_space<hbm>>
      %dma_wait3A_19 = arith.constant 0 : i32
      %dma_wait3A_20 = arith.constant 0 : i32
      %dma_wait3A_21 = tpu.memref_slice %arg4[%dma_wait3A_19, %dma_wait3A_20] : memref<10240x64xf32, #tpu.memory_space<hbm>> -> memref<640x64xf32, #tpu.memory_space<hbm>>
      tpu.wait_dma2 semaphore(%run_scoped3A : memref<!tpu.dma_semaphore, #tpu.memory_space<semaphore_mem>>) src(%dma_wait3A_21 : memref<640x64xf32, #tpu.memory_space<hbm>>) dst(%arg15 : memref<640x64xf32, #tpu.memory_space<vmem>>)
      tpu.yield
    }) : () -> ()
    "tpu.region"() ({
      %run_scoped3A = tpu.sem_alloc : memref<!tpu.dma_semaphore, #tpu.memory_space<semaphore_mem>>
      %dma_start3A = arith.constant 0 : i32
      %dma_start3A_12 = tpu.memref_slice %arg16[%mul3A_2, %dma_start3A] : memref<10240x64xf32, #tpu.memory_space<vmem_shared>> -> memref<640x64xf32, #tpu.memory_space<vmem_shared>>
      %dma_start3A_13 = arith.constant 0 : i32
      %dma_start3A_14 = tpu.memref_slice %arg16[%mul3A_2, %dma_start3A_13] : memref<10240x64xf32, #tpu.memory_space<vmem_shared>> -> memref<640x64xf32, #tpu.memory_space<vmem_shared>>
      tpu.enqueue_dma source(%arg15 : memref<640x64xf32, #tpu.memory_space<vmem>>) target(%dma_start3A_14 : memref<640x64xf32, #tpu.memory_space<vmem_shared>>) target_semaphore(%run_scoped3A : memref<!tpu.dma_semaphore, #tpu.memory_space<semaphore_mem>>)
      %dma_wait3A = arith.constant 0 : i32
      %dma_wait3A_15 = tpu.memref_slice %arg16[%mul3A_2, %dma_wait3A] : memref<10240x64xf32, #tpu.memory_space<vmem_shared>> -> memref<640x64xf32, #tpu.memory_space<vmem_shared>>
      %dma_wait3A_16 = arith.constant 0 : i32
      %dma_wait3A_17 = tpu.memref_slice %arg16[%mul3A_2, %dma_wait3A_16] : memref<10240x64xf32, #tpu.memory_space<vmem_shared>> -> memref<640x64xf32, #tpu.memory_space<vmem_shared>>
      tpu.wait_dma2 semaphore(%run_scoped3A : memref<!tpu.dma_semaphore, #tpu.memory_space<semaphore_mem>>) src(%arg15 : memref<640x64xf32, #tpu.memory_space<vmem>>) dst(%dma_wait3A_17 : memref<640x64xf32, #tpu.memory_space<vmem_shared>>)
      tpu.yield
    }) : () -> ()
    %barrier3A = arith.constant 0 : index
    tpu.barrier barrier_id(%barrier3A)
    "tpu.region"() ({
      %run_scoped3A = tpu.sem_alloc : memref<!tpu.dma_semaphore, #tpu.memory_space<semaphore_mem>>
      %dma_start3A = arith.constant 0 : i32
      %dma_start3A_12 = arith.constant 0 : i32
      %dma_start3A_13 = tpu.memref_slice %arg3[%add3A, %dma_start3A, %dma_start3A_12] : memref<32x20x128xi32, #tpu.memory_space<hbm>> -> memref<1x20x128xi32, #tpu.memory_space<hbm>>
      %dma_start3A_14 = tpu.memref_squeeze %dma_start3A_13 : memref<1x20x128xi32, #tpu.memory_space<hbm>> -> memref<20x128xi32, #tpu.memory_space<hbm>>
      %dma_start3A_15 = arith.constant 0 : i32
      %dma_start3A_16 = arith.constant 0 : i32
      %dma_start3A_17 = tpu.memref_slice %arg3[%add3A, %dma_start3A_15, %dma_start3A_16] : memref<32x20x128xi32, #tpu.memory_space<hbm>> -> memref<1x20x128xi32, #tpu.memory_space<hbm>>
      %dma_start3A_18 = tpu.memref_squeeze %dma_start3A_17 : memref<1x20x128xi32, #tpu.memory_space<hbm>> -> memref<20x128xi32, #tpu.memory_space<hbm>>
      tpu.enqueue_dma source(%dma_start3A_18 : memref<20x128xi32, #tpu.memory_space<hbm>>) target(%arg6 : memref<20x128xi32, #tpu.memory_space<vmem>>) target_semaphore(%run_scoped3A : memref<!tpu.dma_semaphore, #tpu.memory_space<semaphore_mem>>)
      %dma_wait3A = arith.constant 0 : i32
      %dma_wait3A_19 = arith.constant 0 : i32
      %dma_wait3A_20 = tpu.memref_slice %arg3[%add3A, %dma_wait3A, %dma_wait3A_19] : memref<32x20x128xi32, #tpu.memory_space<hbm>> -> memref<1x20x128xi32, #tpu.memory_space<hbm>>
      %dma_wait3A_21 = tpu.memref_squeeze %dma_wait3A_20 : memref<1x20x128xi32, #tpu.memory_space<hbm>> -> memref<20x128xi32, #tpu.memory_space<hbm>>
      %dma_wait3A_22 = arith.constant 0 : i32
      %dma_wait3A_23 = arith.constant 0 : i32
      %dma_wait3A_24 = tpu.memref_slice %arg3[%add3A, %dma_wait3A_22, %dma_wait3A_23] : memref<32x20x128xi32, #tpu.memory_space<hbm>> -> memref<1x20x128xi32, #tpu.memory_space<hbm>>
      %dma_wait3A_25 = tpu.memref_squeeze %dma_wait3A_24 : memref<1x20x128xi32, #tpu.memory_space<hbm>> -> memref<20x128xi32, #tpu.memory_space<hbm>>
      tpu.wait_dma2 semaphore(%run_scoped3A : memref<!tpu.dma_semaphore, #tpu.memory_space<semaphore_mem>>) src(%dma_wait3A_25 : memref<20x128xi32, #tpu.memory_space<hbm>>) dst(%arg6 : memref<20x128xi32, #tpu.memory_space<vmem>>)
      tpu.yield
    }) : () -> ()
    %scan3A = arith.constant 0 : i32
    %scan3A_3 = arith.constant 0 : i32
    %scan3A_4 = arith.constant 5 : i32
    %scan3A_5 = arith.addi %scan3A_3, %scan3A_4 : i32
    %scan3A_6 = arith.constant 1 : i32
    scf.for %scan3A_12 = %scan3A_3 to %scan3A_5 step %scan3A_6  : i32 {
      %mul3A_13 = arith.constant 2560 : i32
      %mul3A_14 = arith.muli %add3A, %mul3A_13 : i32
      %mul3A_15 = arith.constant 4 : i32
      %mul3A_16 = arith.muli %scan3A_12, %mul3A_15 : i32
      %add3A_17 = arith.constant 0 : i32
      %add3A_18 = arith.addi %mul3A_16, %add3A_17 : i32
      %mul3A_19 = arith.constant 128 : i32
      %mul3A_20 = arith.muli %add3A_18, %mul3A_19 : i32
      %add3A_21 = arith.addi %mul3A_14, %mul3A_20 : i32
      %dma_start3A = arith.constant 0 : i32
      %dma_start3A_22 = tpu.memref_slice %arg2[%add3A_21, %dma_start3A] : memref<81920x64xf32, #tpu.memory_space<hbm>> -> memref<128x64xf32, #tpu.memory_space<hbm>>
      %dma_start3A_23 = arith.constant 0 : i32
      %dma_start3A_24 = tpu.memref_slice %arg2[%add3A_21, %dma_start3A_23] : memref<81920x64xf32, #tpu.memory_space<hbm>> -> memref<128x64xf32, #tpu.memory_space<hbm>>
      tpu.enqueue_dma source(%dma_start3A_24 : memref<128x64xf32, #tpu.memory_space<hbm>>) target(%arg7 : memref<128x64xf32, #tpu.memory_space<vmem>>) target_semaphore(%arg11 : memref<!tpu.dma_semaphore, #tpu.memory_space<semaphore_mem>>)
      %mul3A_25 = arith.constant 2560 : i32
      %mul3A_26 = arith.muli %add3A, %mul3A_25 : i32
      %mul3A_27 = arith.constant 4 : i32
      %mul3A_28 = arith.muli %scan3A_12, %mul3A_27 : i32
      %add3A_29 = arith.constant 1 : i32
      %add3A_30 = arith.addi %mul3A_28, %add3A_29 : i32
      %mul3A_31 = arith.constant 128 : i32
      %mul3A_32 = arith.muli %add3A_30, %mul3A_31 : i32
      %add3A_33 = arith.addi %mul3A_26, %mul3A_32 : i32
      %dma_start3A_34 = arith.constant 0 : i32
      %dma_start3A_35 = tpu.memref_slice %arg2[%add3A_33, %dma_start3A_34] : memref<81920x64xf32, #tpu.memory_space<hbm>> -> memref<128x64xf32, #tpu.memory_space<hbm>>
      %dma_start3A_36 = arith.constant 0 : i32
      %dma_start3A_37 = tpu.memref_slice %arg2[%add3A_33, %dma_start3A_36] : memref<81920x64xf32, #tpu.memory_space<hbm>> -> memref<128x64xf32, #tpu.memory_space<hbm>>
      tpu.enqueue_dma source(%dma_start3A_37 : memref<128x64xf32, #tpu.memory_space<hbm>>) target(%arg8 : memref<128x64xf32, #tpu.memory_space<vmem>>) target_semaphore(%arg12 : memref<!tpu.dma_semaphore, #tpu.memory_space<semaphore_mem>>)
      %mul3A_38 = arith.constant 2560 : i32
      %mul3A_39 = arith.muli %add3A, %mul3A_38 : i32
      %mul3A_40 = arith.constant 4 : i32
      %mul3A_41 = arith.muli %scan3A_12, %mul3A_40 : i32
      %add3A_42 = arith.constant 2 : i32
      %add3A_43 = arith.addi %mul3A_41, %add3A_42 : i32
      %mul3A_44 = arith.constant 128 : i32
      %mul3A_45 = arith.muli %add3A_43, %mul3A_44 : i32
      %add3A_46 = arith.addi %mul3A_39, %mul3A_45 : i32
      %dma_start3A_47 = arith.constant 0 : i32
      %dma_start3A_48 = tpu.memref_slice %arg2[%add3A_46, %dma_start3A_47] : memref<81920x64xf32, #tpu.memory_space<hbm>> -> memref<128x64xf32, #tpu.memory_space<hbm>>
      %dma_start3A_49 = arith.constant 0 : i32
      %dma_start3A_50 = tpu.memref_slice %arg2[%add3A_46, %dma_start3A_49] : memref<81920x64xf32, #tpu.memory_space<hbm>> -> memref<128x64xf32, #tpu.memory_space<hbm>>
      tpu.enqueue_dma source(%dma_start3A_50 : memref<128x64xf32, #tpu.memory_space<hbm>>) target(%arg9 : memref<128x64xf32, #tpu.memory_space<vmem>>) target_semaphore(%arg13 : memref<!tpu.dma_semaphore, #tpu.memory_space<semaphore_mem>>)
      %mul3A_51 = arith.constant 2560 : i32
      %mul3A_52 = arith.muli %add3A, %mul3A_51 : i32
      %mul3A_53 = arith.constant 4 : i32
      %mul3A_54 = arith.muli %scan3A_12, %mul3A_53 : i32
      %add3A_55 = arith.constant 3 : i32
      %add3A_56 = arith.addi %mul3A_54, %add3A_55 : i32
      %mul3A_57 = arith.constant 128 : i32
      %mul3A_58 = arith.muli %add3A_56, %mul3A_57 : i32
      %add3A_59 = arith.addi %mul3A_52, %mul3A_58 : i32
      %dma_start3A_60 = arith.constant 0 : i32
      %dma_start3A_61 = tpu.memref_slice %arg2[%add3A_59, %dma_start3A_60] : memref<81920x64xf32, #tpu.memory_space<hbm>> -> memref<128x64xf32, #tpu.memory_space<hbm>>
      %dma_start3A_62 = arith.constant 0 : i32
      %dma_start3A_63 = tpu.memref_slice %arg2[%add3A_59, %dma_start3A_62] : memref<81920x64xf32, #tpu.memory_space<hbm>> -> memref<128x64xf32, #tpu.memory_space<hbm>>
      tpu.enqueue_dma source(%dma_start3A_63 : memref<128x64xf32, #tpu.memory_space<hbm>>) target(%arg10 : memref<128x64xf32, #tpu.memory_space<vmem>>) target_semaphore(%arg14 : memref<!tpu.dma_semaphore, #tpu.memory_space<semaphore_mem>>)
      %dma_wait3A = arith.constant 0 : i32
      %dma_wait3A_64 = tpu.memref_slice %arg2[%add3A_21, %dma_wait3A] : memref<81920x64xf32, #tpu.memory_space<hbm>> -> memref<128x64xf32, #tpu.memory_space<hbm>>
      %dma_wait3A_65 = arith.constant 0 : i32
      %dma_wait3A_66 = tpu.memref_slice %arg2[%add3A_21, %dma_wait3A_65] : memref<81920x64xf32, #tpu.memory_space<hbm>> -> memref<128x64xf32, #tpu.memory_space<hbm>>
      tpu.wait_dma2 semaphore(%arg11 : memref<!tpu.dma_semaphore, #tpu.memory_space<semaphore_mem>>) src(%dma_wait3A_66 : memref<128x64xf32, #tpu.memory_space<hbm>>) dst(%arg7 : memref<128x64xf32, #tpu.memory_space<vmem>>)
      %mul3A_67 = arith.constant 4 : i32
      %mul3A_68 = arith.muli %scan3A_12, %mul3A_67 : i32
      %add3A_69 = arith.constant 0 : i32
      %add3A_70 = arith.addi %mul3A_68, %add3A_69 : i32
      "tpu.region"() ({
        %run_scoped3A = tpu.sem_alloc : memref<!tpu.dma_semaphore, #tpu.memory_space<semaphore_mem>>
        %dma_start3A_95 = arith.constant 0 : i32
        %dma_start3A_96 = tpu.memref_slice %arg6[%add3A_70, %dma_start3A_95] : memref<20x128xi32, #tpu.memory_space<vmem>> -> memref<1x128xi32, #tpu.memory_space<vmem>>
        %dma_start3A_97 = tpu.memref_squeeze %dma_start3A_96 : memref<1x128xi32, #tpu.memory_space<vmem>> -> memref<128xi32, #tpu.memory_space<vmem>>
        %dma_start3A_98 = arith.constant 0 : i32
        %dma_start3A_99 = arith.constant 0 : i32
        %dma_start3A_100 = tpu.memref_slice %arg16[%dma_start3A_98, %dma_start3A_99] : memref<10240x64xf32, #tpu.memory_space<vmem_shared>> -> memref<10240x64xf32, #tpu.memory_space<vmem_shared>>
        tpu.enqueue_indirect_dma source(%arg7 : memref<128x64xf32, #tpu.memory_space<vmem>>) target(%dma_start3A_100 : memref<10240x64xf32, #tpu.memory_space<vmem_shared>>) offsets(%dma_start3A_97 : memref<128xi32, #tpu.memory_space<vmem>>) semaphore(%run_scoped3A : memref<!tpu.dma_semaphore, #tpu.memory_space<semaphore_mem>>) {add = true}
        %dma_wait3A_101 = arith.constant 0 : i32
        %dma_wait3A_102 = tpu.memref_slice %arg6[%add3A_70, %dma_wait3A_101] : memref<20x128xi32, #tpu.memory_space<vmem>> -> memref<1x128xi32, #tpu.memory_space<vmem>>
        %dma_wait3A_103 = tpu.memref_squeeze %dma_wait3A_102 : memref<1x128xi32, #tpu.memory_space<vmem>> -> memref<128xi32, #tpu.memory_space<vmem>>
        %dma_wait3A_104 = arith.constant 0 : i32
        %dma_wait3A_105 = arith.constant 0 : i32
        %dma_wait3A_106 = tpu.memref_slice %arg16[%dma_wait3A_104, %dma_wait3A_105] : memref<10240x64xf32, #tpu.memory_space<vmem_shared>> -> memref<10240x64xf32, #tpu.memory_space<vmem_shared>>
        tpu.wait_indirect_dma semaphore(%run_scoped3A : memref<!tpu.dma_semaphore, #tpu.memory_space<semaphore_mem>>) src(%arg7 : memref<128x64xf32, #tpu.memory_space<vmem>>) dst(%dma_wait3A_106 : memref<10240x64xf32, #tpu.memory_space<vmem_shared>>)
        tpu.yield
      }) : () -> ()
      %dma_wait3A_71 = arith.constant 0 : i32
      %dma_wait3A_72 = tpu.memref_slice %arg2[%add3A_33, %dma_wait3A_71] : memref<81920x64xf32, #tpu.memory_space<hbm>> -> memref<128x64xf32, #tpu.memory_space<hbm>>
      %dma_wait3A_73 = arith.constant 0 : i32
      %dma_wait3A_74 = tpu.memref_slice %arg2[%add3A_33, %dma_wait3A_73] : memref<81920x64xf32, #tpu.memory_space<hbm>> -> memref<128x64xf32, #tpu.memory_space<hbm>>
      tpu.wait_dma2 semaphore(%arg12 : memref<!tpu.dma_semaphore, #tpu.memory_space<semaphore_mem>>) src(%dma_wait3A_74 : memref<128x64xf32, #tpu.memory_space<hbm>>) dst(%arg8 : memref<128x64xf32, #tpu.memory_space<vmem>>)
      %mul3A_75 = arith.constant 4 : i32
      %mul3A_76 = arith.muli %scan3A_12, %mul3A_75 : i32
      %add3A_77 = arith.constant 1 : i32
      %add3A_78 = arith.addi %mul3A_76, %add3A_77 : i32
      "tpu.region"() ({
        %run_scoped3A = tpu.sem_alloc : memref<!tpu.dma_semaphore, #tpu.memory_space<semaphore_mem>>
        %dma_start3A_95 = arith.constant 0 : i32
        %dma_start3A_96 = tpu.memref_slice %arg6[%add3A_78, %dma_start3A_95] : memref<20x128xi32, #tpu.memory_space<vmem>> -> memref<1x128xi32, #tpu.memory_space<vmem>>
        %dma_start3A_97 = tpu.memref_squeeze %dma_start3A_96 : memref<1x128xi32, #tpu.memory_space<vmem>> -> memref<128xi32, #tpu.memory_space<vmem>>
        %dma_start3A_98 = arith.constant 0 : i32
        %dma_start3A_99 = arith.constant 0 : i32
        %dma_start3A_100 = tpu.memref_slice %arg16[%dma_start3A_98, %dma_start3A_99] : memref<10240x64xf32, #tpu.memory_space<vmem_shared>> -> memref<10240x64xf32, #tpu.memory_space<vmem_shared>>
        tpu.enqueue_indirect_dma source(%arg8 : memref<128x64xf32, #tpu.memory_space<vmem>>) target(%dma_start3A_100 : memref<10240x64xf32, #tpu.memory_space<vmem_shared>>) offsets(%dma_start3A_97 : memref<128xi32, #tpu.memory_space<vmem>>) semaphore(%run_scoped3A : memref<!tpu.dma_semaphore, #tpu.memory_space<semaphore_mem>>) {add = true}
        %dma_wait3A_101 = arith.constant 0 : i32
        %dma_wait3A_102 = tpu.memref_slice %arg6[%add3A_78, %dma_wait3A_101] : memref<20x128xi32, #tpu.memory_space<vmem>> -> memref<1x128xi32, #tpu.memory_space<vmem>>
        %dma_wait3A_103 = tpu.memref_squeeze %dma_wait3A_102 : memref<1x128xi32, #tpu.memory_space<vmem>> -> memref<128xi32, #tpu.memory_space<vmem>>
        %dma_wait3A_104 = arith.constant 0 : i32
        %dma_wait3A_105 = arith.constant 0 : i32
        %dma_wait3A_106 = tpu.memref_slice %arg16[%dma_wait3A_104, %dma_wait3A_105] : memref<10240x64xf32, #tpu.memory_space<vmem_shared>> -> memref<10240x64xf32, #tpu.memory_space<vmem_shared>>
        tpu.wait_indirect_dma semaphore(%run_scoped3A : memref<!tpu.dma_semaphore, #tpu.memory_space<semaphore_mem>>) src(%arg8 : memref<128x64xf32, #tpu.memory_space<vmem>>) dst(%dma_wait3A_106 : memref<10240x64xf32, #tpu.memory_space<vmem_shared>>)
        tpu.yield
      }) : () -> ()
      %dma_wait3A_79 = arith.constant 0 : i32
      %dma_wait3A_80 = tpu.memref_slice %arg2[%add3A_46, %dma_wait3A_79] : memref<81920x64xf32, #tpu.memory_space<hbm>> -> memref<128x64xf32, #tpu.memory_space<hbm>>
      %dma_wait3A_81 = arith.constant 0 : i32
      %dma_wait3A_82 = tpu.memref_slice %arg2[%add3A_46, %dma_wait3A_81] : memref<81920x64xf32, #tpu.memory_space<hbm>> -> memref<128x64xf32, #tpu.memory_space<hbm>>
      tpu.wait_dma2 semaphore(%arg13 : memref<!tpu.dma_semaphore, #tpu.memory_space<semaphore_mem>>) src(%dma_wait3A_82 : memref<128x64xf32, #tpu.memory_space<hbm>>) dst(%arg9 : memref<128x64xf32, #tpu.memory_space<vmem>>)
      %mul3A_83 = arith.constant 4 : i32
      %mul3A_84 = arith.muli %scan3A_12, %mul3A_83 : i32
      %add3A_85 = arith.constant 2 : i32
      %add3A_86 = arith.addi %mul3A_84, %add3A_85 : i32
      "tpu.region"() ({
        %run_scoped3A = tpu.sem_alloc : memref<!tpu.dma_semaphore, #tpu.memory_space<semaphore_mem>>
        %dma_start3A_95 = arith.constant 0 : i32
        %dma_start3A_96 = tpu.memref_slice %arg6[%add3A_86, %dma_start3A_95] : memref<20x128xi32, #tpu.memory_space<vmem>> -> memref<1x128xi32, #tpu.memory_space<vmem>>
        %dma_start3A_97 = tpu.memref_squeeze %dma_start3A_96 : memref<1x128xi32, #tpu.memory_space<vmem>> -> memref<128xi32, #tpu.memory_space<vmem>>
        %dma_start3A_98 = arith.constant 0 : i32
        %dma_start3A_99 = arith.constant 0 : i32
        %dma_start3A_100 = tpu.memref_slice %arg16[%dma_start3A_98, %dma_start3A_99] : memref<10240x64xf32, #tpu.memory_space<vmem_shared>> -> memref<10240x64xf32, #tpu.memory_space<vmem_shared>>
        tpu.enqueue_indirect_dma source(%arg9 : memref<128x64xf32, #tpu.memory_space<vmem>>) target(%dma_start3A_100 : memref<10240x64xf32, #tpu.memory_space<vmem_shared>>) offsets(%dma_start3A_97 : memref<128xi32, #tpu.memory_space<vmem>>) semaphore(%run_scoped3A : memref<!tpu.dma_semaphore, #tpu.memory_space<semaphore_mem>>) {add = true}
        %dma_wait3A_101 = arith.constant 0 : i32
        %dma_wait3A_102 = tpu.memref_slice %arg6[%add3A_86, %dma_wait3A_101] : memref<20x128xi32, #tpu.memory_space<vmem>> -> memref<1x128xi32, #tpu.memory_space<vmem>>
        %dma_wait3A_103 = tpu.memref_squeeze %dma_wait3A_102 : memref<1x128xi32, #tpu.memory_space<vmem>> -> memref<128xi32, #tpu.memory_space<vmem>>
        %dma_wait3A_104 = arith.constant 0 : i32
        %dma_wait3A_105 = arith.constant 0 : i32
        %dma_wait3A_106 = tpu.memref_slice %arg16[%dma_wait3A_104, %dma_wait3A_105] : memref<10240x64xf32, #tpu.memory_space<vmem_shared>> -> memref<10240x64xf32, #tpu.memory_space<vmem_shared>>
        tpu.wait_indirect_dma semaphore(%run_scoped3A : memref<!tpu.dma_semaphore, #tpu.memory_space<semaphore_mem>>) src(%arg9 : memref<128x64xf32, #tpu.memory_space<vmem>>) dst(%dma_wait3A_106 : memref<10240x64xf32, #tpu.memory_space<vmem_shared>>)
        tpu.yield
      }) : () -> ()
      %dma_wait3A_87 = arith.constant 0 : i32
      %dma_wait3A_88 = tpu.memref_slice %arg2[%add3A_59, %dma_wait3A_87] : memref<81920x64xf32, #tpu.memory_space<hbm>> -> memref<128x64xf32, #tpu.memory_space<hbm>>
      %dma_wait3A_89 = arith.constant 0 : i32
      %dma_wait3A_90 = tpu.memref_slice %arg2[%add3A_59, %dma_wait3A_89] : memref<81920x64xf32, #tpu.memory_space<hbm>> -> memref<128x64xf32, #tpu.memory_space<hbm>>
      tpu.wait_dma2 semaphore(%arg14 : memref<!tpu.dma_semaphore, #tpu.memory_space<semaphore_mem>>) src(%dma_wait3A_90 : memref<128x64xf32, #tpu.memory_space<hbm>>) dst(%arg10 : memref<128x64xf32, #tpu.memory_space<vmem>>)
      %mul3A_91 = arith.constant 4 : i32
      %mul3A_92 = arith.muli %scan3A_12, %mul3A_91 : i32
      %add3A_93 = arith.constant 3 : i32
      %add3A_94 = arith.addi %mul3A_92, %add3A_93 : i32
      "tpu.region"() ({
        %run_scoped3A = tpu.sem_alloc : memref<!tpu.dma_semaphore, #tpu.memory_space<semaphore_mem>>
        %dma_start3A_95 = arith.constant 0 : i32
        %dma_start3A_96 = tpu.memref_slice %arg6[%add3A_94, %dma_start3A_95] : memref<20x128xi32, #tpu.memory_space<vmem>> -> memref<1x128xi32, #tpu.memory_space<vmem>>
        %dma_start3A_97 = tpu.memref_squeeze %dma_start3A_96 : memref<1x128xi32, #tpu.memory_space<vmem>> -> memref<128xi32, #tpu.memory_space<vmem>>
        %dma_start3A_98 = arith.constant 0 : i32
        %dma_start3A_99 = arith.constant 0 : i32
        %dma_start3A_100 = tpu.memref_slice %arg16[%dma_start3A_98, %dma_start3A_99] : memref<10240x64xf32, #tpu.memory_space<vmem_shared>> -> memref<10240x64xf32, #tpu.memory_space<vmem_shared>>
        tpu.enqueue_indirect_dma source(%arg10 : memref<128x64xf32, #tpu.memory_space<vmem>>) target(%dma_start3A_100 : memref<10240x64xf32, #tpu.memory_space<vmem_shared>>) offsets(%dma_start3A_97 : memref<128xi32, #tpu.memory_space<vmem>>) semaphore(%run_scoped3A : memref<!tpu.dma_semaphore, #tpu.memory_space<semaphore_mem>>) {add = true}
        %dma_wait3A_101 = arith.constant 0 : i32
        %dma_wait3A_102 = tpu.memref_slice %arg6[%add3A_94, %dma_wait3A_101] : memref<20x128xi32, #tpu.memory_space<vmem>> -> memref<1x128xi32, #tpu.memory_space<vmem>>
        %dma_wait3A_103 = tpu.memref_squeeze %dma_wait3A_102 : memref<1x128xi32, #tpu.memory_space<vmem>> -> memref<128xi32, #tpu.memory_space<vmem>>
        %dma_wait3A_104 = arith.constant 0 : i32
        %dma_wait3A_105 = arith.constant 0 : i32
        %dma_wait3A_106 = tpu.memref_slice %arg16[%dma_wait3A_104, %dma_wait3A_105] : memref<10240x64xf32, #tpu.memory_space<vmem_shared>> -> memref<10240x64xf32, #tpu.memory_space<vmem_shared>>
        tpu.wait_indirect_dma semaphore(%run_scoped3A : memref<!tpu.dma_semaphore, #tpu.memory_space<semaphore_mem>>) src(%arg10 : memref<128x64xf32, #tpu.memory_space<vmem>>) dst(%dma_wait3A_106 : memref<10240x64xf32, #tpu.memory_space<vmem_shared>>)
        tpu.yield
      }) : () -> ()
    }
    %scan3A_7 = arith.constant 5 : i32
    %barrier3A_8 = arith.constant 0 : index
    tpu.barrier barrier_id(%barrier3A_8)
    "tpu.region"() ({
      %run_scoped3A = tpu.sem_alloc : memref<!tpu.dma_semaphore, #tpu.memory_space<semaphore_mem>>
      %dma_start3A = arith.constant 0 : i32
      %dma_start3A_12 = tpu.memref_slice %arg16[%mul3A_2, %dma_start3A] : memref<10240x64xf32, #tpu.memory_space<vmem_shared>> -> memref<640x64xf32, #tpu.memory_space<vmem_shared>>
      %dma_start3A_13 = arith.constant 0 : i32
      %dma_start3A_14 = tpu.memref_slice %arg16[%mul3A_2, %dma_start3A_13] : memref<10240x64xf32, #tpu.memory_space<vmem_shared>> -> memref<640x64xf32, #tpu.memory_space<vmem_shared>>
      tpu.enqueue_dma source(%dma_start3A_14 : memref<640x64xf32, #tpu.memory_space<vmem_shared>>) target(%arg15 : memref<640x64xf32, #tpu.memory_space<vmem>>) target_semaphore(%run_scoped3A : memref<!tpu.dma_semaphore, #tpu.memory_space<semaphore_mem>>)
      %dma_wait3A = arith.constant 0 : i32
      %dma_wait3A_15 = tpu.memref_slice %arg16[%mul3A_2, %dma_wait3A] : memref<10240x64xf32, #tpu.memory_space<vmem_shared>> -> memref<640x64xf32, #tpu.memory_space<vmem_shared>>
      %dma_wait3A_16 = arith.constant 0 : i32
      %dma_wait3A_17 = tpu.memref_slice %arg16[%mul3A_2, %dma_wait3A_16] : memref<10240x64xf32, #tpu.memory_space<vmem_shared>> -> memref<640x64xf32, #tpu.memory_space<vmem_shared>>
      tpu.wait_dma2 semaphore(%run_scoped3A : memref<!tpu.dma_semaphore, #tpu.memory_space<semaphore_mem>>) src(%dma_wait3A_17 : memref<640x64xf32, #tpu.memory_space<vmem_shared>>) dst(%arg15 : memref<640x64xf32, #tpu.memory_space<vmem>>)
      tpu.yield
    }) : () -> ()
    %mul3A_9 = arith.constant 10240 : i32
    %mul3A_10 = arith.muli %arg0, %mul3A_9 : i32
    %add3A_11 = arith.addi %mul3A_10, %mul3A_2 : i32
    "tpu.region"() ({
      %run_scoped3A = tpu.sem_alloc : memref<!tpu.dma_semaphore, #tpu.memory_space<semaphore_mem>>
      %dma_start3A = arith.constant 0 : i32
      %dma_start3A_12 = tpu.memref_slice %arg5[%add3A_11, %dma_start3A] : memref<20480x64xf32, #tpu.memory_space<hbm>> -> memref<640x64xf32, #tpu.memory_space<hbm>>
      %dma_start3A_13 = arith.constant 0 : i32
      %dma_start3A_14 = tpu.memref_slice %arg5[%add3A_11, %dma_start3A_13] : memref<20480x64xf32, #tpu.memory_space<hbm>> -> memref<640x64xf32, #tpu.memory_space<hbm>>
      tpu.enqueue_dma source(%arg15 : memref<640x64xf32, #tpu.memory_space<vmem>>) target(%dma_start3A_14 : memref<640x64xf32, #tpu.memory_space<hbm>>) target_semaphore(%run_scoped3A : memref<!tpu.dma_semaphore, #tpu.memory_space<semaphore_mem>>)
      %dma_wait3A = arith.constant 0 : i32
      %dma_wait3A_15 = tpu.memref_slice %arg5[%add3A_11, %dma_wait3A] : memref<20480x64xf32, #tpu.memory_space<hbm>> -> memref<640x64xf32, #tpu.memory_space<hbm>>
      %dma_wait3A_16 = arith.constant 0 : i32
      %dma_wait3A_17 = tpu.memref_slice %arg5[%add3A_11, %dma_wait3A_16] : memref<20480x64xf32, #tpu.memory_space<hbm>> -> memref<640x64xf32, #tpu.memory_space<hbm>>
      tpu.wait_dma2 semaphore(%run_scoped3A : memref<!tpu.dma_semaphore, #tpu.memory_space<semaphore_mem>>) src(%arg15 : memref<640x64xf32, #tpu.memory_space<vmem>>) dst(%dma_wait3A_17 : memref<640x64xf32, #tpu.memory_space<hbm>>)
      tpu.yield
    }) : () -> ()
    return
  }
}

#map = affine_map<(d0, d1) -> (0, 0)>
#map1 = affine_map<(d0, d1) -> (0, 0, 0)>
module attributes {stable_mosaic.version = 14 : i64} {
  func.func @sc_scatter64(%arg0: i32, %arg1: i32, %arg2: memref<81920x64xf32, #tpu.memory_space<hbm>>, %arg3: memref<32x20x128xi32, #tpu.memory_space<hbm>>, %arg4: memref<10240x64xf32, #tpu.memory_space<hbm>>, %arg5: memref<20480x64xf32, #tpu.memory_space<hbm>>, %arg6: memref<20x128xi32, #tpu.memory_space<vmem>>, %arg7: memref<128x64xf32, #tpu.memory_space<vmem>>, %arg8: memref<128x64xf32, #tpu.memory_space<vmem>>, %arg9: memref<128x64xf32, #tpu.memory_space<vmem>>, %arg10: memref<128x64xf32, #tpu.memory_space<vmem>>, %arg11: memref<!tpu.dma_semaphore, #tpu.memory_space<semaphore_mem>>, %arg12: memref<!tpu.dma_semaphore, #tpu.memory_space<semaphore_mem>>, %arg13: memref<!tpu.dma_semaphore, #tpu.memory_space<semaphore_mem>>, %arg14: memref<!tpu.dma_semaphore, #tpu.memory_space<semaphore_mem>>, %arg15: memref<640x64xf32, #tpu.memory_space<vmem>>, %arg16: memref<10240x64xf32, #tpu.memory_space<vmem_shared>>) attributes {dimension_semantics = [#tpu.dimension_semantics<core_parallel>, #tpu.dimension_semantics<subcore_parallel>], iteration_bounds = array<i64: 2, 16>, scalar_prefetch = 0 : i64, scratch_operands = 11 : i64, tpu.core_type = #tpu.core_type<sc_vector_subcore>, window_params = [{transform_indices = #map}, {transform_indices = #map1}, {transform_indices = #map}, {transform_indices = #map}]} {
    %mul3A = arith.constant 2 : i32
    %mul3A_0 = arith.muli %arg1, %mul3A : i32
    %add3A = arith.addi %mul3A_0, %arg0 : i32
    %mul3A_1 = arith.constant 640 : i32
    %mul3A_2 = arith.muli %arg1, %mul3A_1 : i32
    "tpu.region"() ({
      %run_scoped3A = tpu.sem_alloc : memref<!tpu.dma_semaphore, #tpu.memory_space<semaphore_mem>>
      %dma_start3A = arith.constant 0 : i32
      %dma_start3A_12 = arith.constant 0 : i32
      %dma_start3A_13 = tpu.memref_slice %arg4[%dma_start3A, %dma_start3A_12] : memref<10240x64xf32, #tpu.memory_space<hbm>> -> memref<640x64xf32, #tpu.memory_space<hbm>>
      %dma_start3A_14 = arith.constant 0 : i32
      %dma_start3A_15 = arith.constant 0 : i32
      %dma_start3A_16 = tpu.memref_slice %arg4[%dma_start3A_14, %dma_start3A_15] : memref<10240x64xf32, #tpu.memory_space<hbm>> -> memref<640x64xf32, #tpu.memory_space<hbm>>
      tpu.enqueue_dma source(%dma_start3A_16 : memref<640x64xf32, #tpu.memory_space<hbm>>) target(%arg15 : memref<640x64xf32, #tpu.memory_space<vmem>>) target_semaphore(%run_scoped3A : memref<!tpu.dma_semaphore, #tpu.memory_space<semaphore_mem>>)
      %dma_wait3A = arith.constant 0 : i32
      %dma_wait3A_17 = arith.constant 0 : i32
      %dma_wait3A_18 = tpu.memref_slice %arg4[%dma_wait3A, %dma_wait3A_17] : memref<10240x64xf32, #tpu.memory_space<hbm>> -> memref<640x64xf32, #tpu.memory_space<hbm>>
      %dma_wait3A_19 = arith.constant 0 : i32
      %dma_wait3A_20 = arith.constant 0 : i32
      %dma_wait3A_21 = tpu.memref_slice %arg4[%dma_wait3A_19, %dma_wait3A_20] : memref<10240x64xf32, #tpu.memory_space<hbm>> -> memref<640x64xf32, #tpu.memory_space<hbm>>
      tpu.wait_dma2 semaphore(%run_scoped3A : memref<!tpu.dma_semaphore, #tpu.memory_space<semaphore_mem>>) src(%dma_wait3A_21 : memref<640x64xf32, #tpu.memory_space<hbm>>) dst(%arg15 : memref<640x64xf32, #tpu.memory_space<vmem>>)
      tpu.yield
    }) : () -> ()
    "tpu.region"() ({
      %run_scoped3A = tpu.sem_alloc : memref<!tpu.dma_semaphore, #tpu.memory_space<semaphore_mem>>
      %dma_start3A = arith.constant 0 : i32
      %dma_start3A_12 = tpu.memref_slice %arg16[%mul3A_2, %dma_start3A] : memref<10240x64xf32, #tpu.memory_space<vmem_shared>> -> memref<640x64xf32, #tpu.memory_space<vmem_shared>>
      %dma_start3A_13 = arith.constant 0 : i32
      %dma_start3A_14 = tpu.memref_slice %arg16[%mul3A_2, %dma_start3A_13] : memref<10240x64xf32, #tpu.memory_space<vmem_shared>> -> memref<640x64xf32, #tpu.memory_space<vmem_shared>>
      tpu.enqueue_dma source(%arg15 : memref<640x64xf32, #tpu.memory_space<vmem>>) target(%dma_start3A_14 : memref<640x64xf32, #tpu.memory_space<vmem_shared>>) target_semaphore(%run_scoped3A : memref<!tpu.dma_semaphore, #tpu.memory_space<semaphore_mem>>)
      %dma_wait3A = arith.constant 0 : i32
      %dma_wait3A_15 = tpu.memref_slice %arg16[%mul3A_2, %dma_wait3A] : memref<10240x64xf32, #tpu.memory_space<vmem_shared>> -> memref<640x64xf32, #tpu.memory_space<vmem_shared>>
      %dma_wait3A_16 = arith.constant 0 : i32
      %dma_wait3A_17 = tpu.memref_slice %arg16[%mul3A_2, %dma_wait3A_16] : memref<10240x64xf32, #tpu.memory_space<vmem_shared>> -> memref<640x64xf32, #tpu.memory_space<vmem_shared>>
      tpu.wait_dma2 semaphore(%run_scoped3A : memref<!tpu.dma_semaphore, #tpu.memory_space<semaphore_mem>>) src(%arg15 : memref<640x64xf32, #tpu.memory_space<vmem>>) dst(%dma_wait3A_17 : memref<640x64xf32, #tpu.memory_space<vmem_shared>>)
      tpu.yield
    }) : () -> ()
    %barrier3A = arith.constant 0 : index
    tpu.barrier barrier_id(%barrier3A)
    "tpu.region"() ({
      %run_scoped3A = tpu.sem_alloc : memref<!tpu.dma_semaphore, #tpu.memory_space<semaphore_mem>>
      %dma_start3A = arith.constant 0 : i32
      %dma_start3A_12 = arith.constant 0 : i32
      %dma_start3A_13 = tpu.memref_slice %arg3[%add3A, %dma_start3A, %dma_start3A_12] : memref<32x20x128xi32, #tpu.memory_space<hbm>> -> memref<1x20x128xi32, #tpu.memory_space<hbm>>
      %dma_start3A_14 = tpu.memref_squeeze %dma_start3A_13 : memref<1x20x128xi32, #tpu.memory_space<hbm>> -> memref<20x128xi32, #tpu.memory_space<hbm>>
      %dma_start3A_15 = arith.constant 0 : i32
      %dma_start3A_16 = arith.constant 0 : i32
      %dma_start3A_17 = tpu.memref_slice %arg3[%add3A, %dma_start3A_15, %dma_start3A_16] : memref<32x20x128xi32, #tpu.memory_space<hbm>> -> memref<1x20x128xi32, #tpu.memory_space<hbm>>
      %dma_start3A_18 = tpu.memref_squeeze %dma_start3A_17 : memref<1x20x128xi32, #tpu.memory_space<hbm>> -> memref<20x128xi32, #tpu.memory_space<hbm>>
      tpu.enqueue_dma source(%dma_start3A_18 : memref<20x128xi32, #tpu.memory_space<hbm>>) target(%arg6 : memref<20x128xi32, #tpu.memory_space<vmem>>) target_semaphore(%run_scoped3A : memref<!tpu.dma_semaphore, #tpu.memory_space<semaphore_mem>>)
      %dma_wait3A = arith.constant 0 : i32
      %dma_wait3A_19 = arith.constant 0 : i32
      %dma_wait3A_20 = tpu.memref_slice %arg3[%add3A, %dma_wait3A, %dma_wait3A_19] : memref<32x20x128xi32, #tpu.memory_space<hbm>> -> memref<1x20x128xi32, #tpu.memory_space<hbm>>
      %dma_wait3A_21 = tpu.memref_squeeze %dma_wait3A_20 : memref<1x20x128xi32, #tpu.memory_space<hbm>> -> memref<20x128xi32, #tpu.memory_space<hbm>>
      %dma_wait3A_22 = arith.constant 0 : i32
      %dma_wait3A_23 = arith.constant 0 : i32
      %dma_wait3A_24 = tpu.memref_slice %arg3[%add3A, %dma_wait3A_22, %dma_wait3A_23] : memref<32x20x128xi32, #tpu.memory_space<hbm>> -> memref<1x20x128xi32, #tpu.memory_space<hbm>>
      %dma_wait3A_25 = tpu.memref_squeeze %dma_wait3A_24 : memref<1x20x128xi32, #tpu.memory_space<hbm>> -> memref<20x128xi32, #tpu.memory_space<hbm>>
      tpu.wait_dma2 semaphore(%run_scoped3A : memref<!tpu.dma_semaphore, #tpu.memory_space<semaphore_mem>>) src(%dma_wait3A_25 : memref<20x128xi32, #tpu.memory_space<hbm>>) dst(%arg6 : memref<20x128xi32, #tpu.memory_space<vmem>>)
      tpu.yield
    }) : () -> ()
    %scan3A = arith.constant 0 : i32
    %scan3A_3 = arith.constant 0 : i32
    %scan3A_4 = arith.constant 5 : i32
    %scan3A_5 = arith.addi %scan3A_3, %scan3A_4 : i32
    %scan3A_6 = arith.constant 1 : i32
    scf.for %scan3A_12 = %scan3A_3 to %scan3A_5 step %scan3A_6  : i32 {
      %mul3A_13 = arith.constant 2560 : i32
      %mul3A_14 = arith.muli %add3A, %mul3A_13 : i32
      %mul3A_15 = arith.constant 4 : i32
      %mul3A_16 = arith.muli %scan3A_12, %mul3A_15 : i32
      %add3A_17 = arith.constant 0 : i32
      %add3A_18 = arith.addi %mul3A_16, %add3A_17 : i32
      %mul3A_19 = arith.constant 128 : i32
      %mul3A_20 = arith.muli %add3A_18, %mul3A_19 : i32
      %add3A_21 = arith.addi %mul3A_14, %mul3A_20 : i32
      %dma_start3A = arith.constant 0 : i32
      %dma_start3A_22 = tpu.memref_slice %arg2[%add3A_21, %dma_start3A] : memref<81920x64xf32, #tpu.memory_space<hbm>> -> memref<128x64xf32, #tpu.memory_space<hbm>>
      %dma_start3A_23 = arith.constant 0 : i32
      %dma_start3A_24 = tpu.memref_slice %arg2[%add3A_21, %dma_start3A_23] : memref<81920x64xf32, #tpu.memory_space<hbm>> -> memref<128x64xf32, #tpu.memory_space<hbm>>
      tpu.enqueue_dma source(%dma_start3A_24 : memref<128x64xf32, #tpu.memory_space<hbm>>) target(%arg7 : memref<128x64xf32, #tpu.memory_space<vmem>>) target_semaphore(%arg11 : memref<!tpu.dma_semaphore, #tpu.memory_space<semaphore_mem>>)
      %mul3A_25 = arith.constant 2560 : i32
      %mul3A_26 = arith.muli %add3A, %mul3A_25 : i32
      %mul3A_27 = arith.constant 4 : i32
      %mul3A_28 = arith.muli %scan3A_12, %mul3A_27 : i32
      %add3A_29 = arith.constant 1 : i32
      %add3A_30 = arith.addi %mul3A_28, %add3A_29 : i32
      %mul3A_31 = arith.constant 128 : i32
      %mul3A_32 = arith.muli %add3A_30, %mul3A_31 : i32
      %add3A_33 = arith.addi %mul3A_26, %mul3A_32 : i32
      %dma_start3A_34 = arith.constant 0 : i32
      %dma_start3A_35 = tpu.memref_slice %arg2[%add3A_33, %dma_start3A_34] : memref<81920x64xf32, #tpu.memory_space<hbm>> -> memref<128x64xf32, #tpu.memory_space<hbm>>
      %dma_start3A_36 = arith.constant 0 : i32
      %dma_start3A_37 = tpu.memref_slice %arg2[%add3A_33, %dma_start3A_36] : memref<81920x64xf32, #tpu.memory_space<hbm>> -> memref<128x64xf32, #tpu.memory_space<hbm>>
      tpu.enqueue_dma source(%dma_start3A_37 : memref<128x64xf32, #tpu.memory_space<hbm>>) target(%arg8 : memref<128x64xf32, #tpu.memory_space<vmem>>) target_semaphore(%arg12 : memref<!tpu.dma_semaphore, #tpu.memory_space<semaphore_mem>>)
      %mul3A_38 = arith.constant 2560 : i32
      %mul3A_39 = arith.muli %add3A, %mul3A_38 : i32
      %mul3A_40 = arith.constant 4 : i32
      %mul3A_41 = arith.muli %scan3A_12, %mul3A_40 : i32
      %add3A_42 = arith.constant 2 : i32
      %add3A_43 = arith.addi %mul3A_41, %add3A_42 : i32
      %mul3A_44 = arith.constant 128 : i32
      %mul3A_45 = arith.muli %add3A_43, %mul3A_44 : i32
      %add3A_46 = arith.addi %mul3A_39, %mul3A_45 : i32
      %dma_start3A_47 = arith.constant 0 : i32
      %dma_start3A_48 = tpu.memref_slice %arg2[%add3A_46, %dma_start3A_47] : memref<81920x64xf32, #tpu.memory_space<hbm>> -> memref<128x64xf32, #tpu.memory_space<hbm>>
      %dma_start3A_49 = arith.constant 0 : i32
      %dma_start3A_50 = tpu.memref_slice %arg2[%add3A_46, %dma_start3A_49] : memref<81920x64xf32, #tpu.memory_space<hbm>> -> memref<128x64xf32, #tpu.memory_space<hbm>>
      tpu.enqueue_dma source(%dma_start3A_50 : memref<128x64xf32, #tpu.memory_space<hbm>>) target(%arg9 : memref<128x64xf32, #tpu.memory_space<vmem>>) target_semaphore(%arg13 : memref<!tpu.dma_semaphore, #tpu.memory_space<semaphore_mem>>)
      %mul3A_51 = arith.constant 2560 : i32
      %mul3A_52 = arith.muli %add3A, %mul3A_51 : i32
      %mul3A_53 = arith.constant 4 : i32
      %mul3A_54 = arith.muli %scan3A_12, %mul3A_53 : i32
      %add3A_55 = arith.constant 3 : i32
      %add3A_56 = arith.addi %mul3A_54, %add3A_55 : i32
      %mul3A_57 = arith.constant 128 : i32
      %mul3A_58 = arith.muli %add3A_56, %mul3A_57 : i32
      %add3A_59 = arith.addi %mul3A_52, %mul3A_58 : i32
      %dma_start3A_60 = arith.constant 0 : i32
      %dma_start3A_61 = tpu.memref_slice %arg2[%add3A_59, %dma_start3A_60] : memref<81920x64xf32, #tpu.memory_space<hbm>> -> memref<128x64xf32, #tpu.memory_space<hbm>>
      %dma_start3A_62 = arith.constant 0 : i32
      %dma_start3A_63 = tpu.memref_slice %arg2[%add3A_59, %dma_start3A_62] : memref<81920x64xf32, #tpu.memory_space<hbm>> -> memref<128x64xf32, #tpu.memory_space<hbm>>
      tpu.enqueue_dma source(%dma_start3A_63 : memref<128x64xf32, #tpu.memory_space<hbm>>) target(%arg10 : memref<128x64xf32, #tpu.memory_space<vmem>>) target_semaphore(%arg14 : memref<!tpu.dma_semaphore, #tpu.memory_space<semaphore_mem>>)
      %dma_wait3A = arith.constant 0 : i32
      %dma_wait3A_64 = tpu.memref_slice %arg2[%add3A_21, %dma_wait3A] : memref<81920x64xf32, #tpu.memory_space<hbm>> -> memref<128x64xf32, #tpu.memory_space<hbm>>
      %dma_wait3A_65 = arith.constant 0 : i32
      %dma_wait3A_66 = tpu.memref_slice %arg2[%add3A_21, %dma_wait3A_65] : memref<81920x64xf32, #tpu.memory_space<hbm>> -> memref<128x64xf32, #tpu.memory_space<hbm>>
      tpu.wait_dma2 semaphore(%arg11 : memref<!tpu.dma_semaphore, #tpu.memory_space<semaphore_mem>>) src(%dma_wait3A_66 : memref<128x64xf32, #tpu.memory_space<hbm>>) dst(%arg7 : memref<128x64xf32, #tpu.memory_space<vmem>>)
      %mul3A_67 = arith.constant 4 : i32
      %mul3A_68 = arith.muli %scan3A_12, %mul3A_67 : i32
      %add3A_69 = arith.constant 0 : i32
      %add3A_70 = arith.addi %mul3A_68, %add3A_69 : i32
      "tpu.region"() ({
        %run_scoped3A = tpu.sem_alloc : memref<!tpu.dma_semaphore, #tpu.memory_space<semaphore_mem>>
        %dma_start3A_95 = arith.constant 0 : i32
        %dma_start3A_96 = tpu.memref_slice %arg6[%add3A_70, %dma_start3A_95] : memref<20x128xi32, #tpu.memory_space<vmem>> -> memref<1x128xi32, #tpu.memory_space<vmem>>
        %dma_start3A_97 = tpu.memref_squeeze %dma_start3A_96 : memref<1x128xi32, #tpu.memory_space<vmem>> -> memref<128xi32, #tpu.memory_space<vmem>>
        %dma_start3A_98 = arith.constant 0 : i32
        %dma_start3A_99 = arith.constant 0 : i32
        %dma_start3A_100 = tpu.memref_slice %arg16[%dma_start3A_98, %dma_start3A_99] : memref<10240x64xf32, #tpu.memory_space<vmem_shared>> -> memref<10240x64xf32, #tpu.memory_space<vmem_shared>>
        tpu.enqueue_indirect_dma source(%arg7 : memref<128x64xf32, #tpu.memory_space<vmem>>) target(%dma_start3A_100 : memref<10240x64xf32, #tpu.memory_space<vmem_shared>>) offsets(%dma_start3A_97 : memref<128xi32, #tpu.memory_space<vmem>>) semaphore(%run_scoped3A : memref<!tpu.dma_semaphore, #tpu.memory_space<semaphore_mem>>) {add = true}
        %dma_wait3A_101 = arith.constant 0 : i32
        %dma_wait3A_102 = tpu.memref_slice %arg6[%add3A_70, %dma_wait3A_101] : memref<20x128xi32, #tpu.memory_space<vmem>> -> memref<1x128xi32, #tpu.memory_space<vmem>>
        %dma_wait3A_103 = tpu.memref_squeeze %dma_wait3A_102 : memref<1x128xi32, #tpu.memory_space<vmem>> -> memref<128xi32, #tpu.memory_space<vmem>>
        %dma_wait3A_104 = arith.constant 0 : i32
        %dma_wait3A_105 = arith.constant 0 : i32
        %dma_wait3A_106 = tpu.memref_slice %arg16[%dma_wait3A_104, %dma_wait3A_105] : memref<10240x64xf32, #tpu.memory_space<vmem_shared>> -> memref<10240x64xf32, #tpu.memory_space<vmem_shared>>
        tpu.wait_indirect_dma semaphore(%run_scoped3A : memref<!tpu.dma_semaphore, #tpu.memory_space<semaphore_mem>>) src(%arg7 : memref<128x64xf32, #tpu.memory_space<vmem>>) dst(%dma_wait3A_106 : memref<10240x64xf32, #tpu.memory_space<vmem_shared>>)
        tpu.yield
      }) : () -> ()
      %dma_wait3A_71 = arith.constant 0 : i32
      %dma_wait3A_72 = tpu.memref_slice %arg2[%add3A_33, %dma_wait3A_71] : memref<81920x64xf32, #tpu.memory_space<hbm>> -> memref<128x64xf32, #tpu.memory_space<hbm>>
      %dma_wait3A_73 = arith.constant 0 : i32
      %dma_wait3A_74 = tpu.memref_slice %arg2[%add3A_33, %dma_wait3A_73] : memref<81920x64xf32, #tpu.memory_space<hbm>> -> memref<128x64xf32, #tpu.memory_space<hbm>>
      tpu.wait_dma2 semaphore(%arg12 : memref<!tpu.dma_semaphore, #tpu.memory_space<semaphore_mem>>) src(%dma_wait3A_74 : memref<128x64xf32, #tpu.memory_space<hbm>>) dst(%arg8 : memref<128x64xf32, #tpu.memory_space<vmem>>)
      %mul3A_75 = arith.constant 4 : i32
      %mul3A_76 = arith.muli %scan3A_12, %mul3A_75 : i32
      %add3A_77 = arith.constant 1 : i32
      %add3A_78 = arith.addi %mul3A_76, %add3A_77 : i32
      "tpu.region"() ({
        %run_scoped3A = tpu.sem_alloc : memref<!tpu.dma_semaphore, #tpu.memory_space<semaphore_mem>>
        %dma_start3A_95 = arith.constant 0 : i32
        %dma_start3A_96 = tpu.memref_slice %arg6[%add3A_78, %dma_start3A_95] : memref<20x128xi32, #tpu.memory_space<vmem>> -> memref<1x128xi32, #tpu.memory_space<vmem>>
        %dma_start3A_97 = tpu.memref_squeeze %dma_start3A_96 : memref<1x128xi32, #tpu.memory_space<vmem>> -> memref<128xi32, #tpu.memory_space<vmem>>
        %dma_start3A_98 = arith.constant 0 : i32
        %dma_start3A_99 = arith.constant 0 : i32
        %dma_start3A_100 = tpu.memref_slice %arg16[%dma_start3A_98, %dma_start3A_99] : memref<10240x64xf32, #tpu.memory_space<vmem_shared>> -> memref<10240x64xf32, #tpu.memory_space<vmem_shared>>
        tpu.enqueue_indirect_dma source(%arg8 : memref<128x64xf32, #tpu.memory_space<vmem>>) target(%dma_start3A_100 : memref<10240x64xf32, #tpu.memory_space<vmem_shared>>) offsets(%dma_start3A_97 : memref<128xi32, #tpu.memory_space<vmem>>) semaphore(%run_scoped3A : memref<!tpu.dma_semaphore, #tpu.memory_space<semaphore_mem>>) {add = true}
        %dma_wait3A_101 = arith.constant 0 : i32
        %dma_wait3A_102 = tpu.memref_slice %arg6[%add3A_78, %dma_wait3A_101] : memref<20x128xi32, #tpu.memory_space<vmem>> -> memref<1x128xi32, #tpu.memory_space<vmem>>
        %dma_wait3A_103 = tpu.memref_squeeze %dma_wait3A_102 : memref<1x128xi32, #tpu.memory_space<vmem>> -> memref<128xi32, #tpu.memory_space<vmem>>
        %dma_wait3A_104 = arith.constant 0 : i32
        %dma_wait3A_105 = arith.constant 0 : i32
        %dma_wait3A_106 = tpu.memref_slice %arg16[%dma_wait3A_104, %dma_wait3A_105] : memref<10240x64xf32, #tpu.memory_space<vmem_shared>> -> memref<10240x64xf32, #tpu.memory_space<vmem_shared>>
        tpu.wait_indirect_dma semaphore(%run_scoped3A : memref<!tpu.dma_semaphore, #tpu.memory_space<semaphore_mem>>) src(%arg8 : memref<128x64xf32, #tpu.memory_space<vmem>>) dst(%dma_wait3A_106 : memref<10240x64xf32, #tpu.memory_space<vmem_shared>>)
        tpu.yield
      }) : () -> ()
      %dma_wait3A_79 = arith.constant 0 : i32
      %dma_wait3A_80 = tpu.memref_slice %arg2[%add3A_46, %dma_wait3A_79] : memref<81920x64xf32, #tpu.memory_space<hbm>> -> memref<128x64xf32, #tpu.memory_space<hbm>>
      %dma_wait3A_81 = arith.constant 0 : i32
      %dma_wait3A_82 = tpu.memref_slice %arg2[%add3A_46, %dma_wait3A_81] : memref<81920x64xf32, #tpu.memory_space<hbm>> -> memref<128x64xf32, #tpu.memory_space<hbm>>
      tpu.wait_dma2 semaphore(%arg13 : memref<!tpu.dma_semaphore, #tpu.memory_space<semaphore_mem>>) src(%dma_wait3A_82 : memref<128x64xf32, #tpu.memory_space<hbm>>) dst(%arg9 : memref<128x64xf32, #tpu.memory_space<vmem>>)
      %mul3A_83 = arith.constant 4 : i32
      %mul3A_84 = arith.muli %scan3A_12, %mul3A_83 : i32
      %add3A_85 = arith.constant 2 : i32
      %add3A_86 = arith.addi %mul3A_84, %add3A_85 : i32
      "tpu.region"() ({
        %run_scoped3A = tpu.sem_alloc : memref<!tpu.dma_semaphore, #tpu.memory_space<semaphore_mem>>
        %dma_start3A_95 = arith.constant 0 : i32
        %dma_start3A_96 = tpu.memref_slice %arg6[%add3A_86, %dma_start3A_95] : memref<20x128xi32, #tpu.memory_space<vmem>> -> memref<1x128xi32, #tpu.memory_space<vmem>>
        %dma_start3A_97 = tpu.memref_squeeze %dma_start3A_96 : memref<1x128xi32, #tpu.memory_space<vmem>> -> memref<128xi32, #tpu.memory_space<vmem>>
        %dma_start3A_98 = arith.constant 0 : i32
        %dma_start3A_99 = arith.constant 0 : i32
        %dma_start3A_100 = tpu.memref_slice %arg16[%dma_start3A_98, %dma_start3A_99] : memref<10240x64xf32, #tpu.memory_space<vmem_shared>> -> memref<10240x64xf32, #tpu.memory_space<vmem_shared>>
        tpu.enqueue_indirect_dma source(%arg9 : memref<128x64xf32, #tpu.memory_space<vmem>>) target(%dma_start3A_100 : memref<10240x64xf32, #tpu.memory_space<vmem_shared>>) offsets(%dma_start3A_97 : memref<128xi32, #tpu.memory_space<vmem>>) semaphore(%run_scoped3A : memref<!tpu.dma_semaphore, #tpu.memory_space<semaphore_mem>>) {add = true}
        %dma_wait3A_101 = arith.constant 0 : i32
        %dma_wait3A_102 = tpu.memref_slice %arg6[%add3A_86, %dma_wait3A_101] : memref<20x128xi32, #tpu.memory_space<vmem>> -> memref<1x128xi32, #tpu.memory_space<vmem>>
        %dma_wait3A_103 = tpu.memref_squeeze %dma_wait3A_102 : memref<1x128xi32, #tpu.memory_space<vmem>> -> memref<128xi32, #tpu.memory_space<vmem>>
        %dma_wait3A_104 = arith.constant 0 : i32
        %dma_wait3A_105 = arith.constant 0 : i32
        %dma_wait3A_106 = tpu.memref_slice %arg16[%dma_wait3A_104, %dma_wait3A_105] : memref<10240x64xf32, #tpu.memory_space<vmem_shared>> -> memref<10240x64xf32, #tpu.memory_space<vmem_shared>>
        tpu.wait_indirect_dma semaphore(%run_scoped3A : memref<!tpu.dma_semaphore, #tpu.memory_space<semaphore_mem>>) src(%arg9 : memref<128x64xf32, #tpu.memory_space<vmem>>) dst(%dma_wait3A_106 : memref<10240x64xf32, #tpu.memory_space<vmem_shared>>)
        tpu.yield
      }) : () -> ()
      %dma_wait3A_87 = arith.constant 0 : i32
      %dma_wait3A_88 = tpu.memref_slice %arg2[%add3A_59, %dma_wait3A_87] : memref<81920x64xf32, #tpu.memory_space<hbm>> -> memref<128x64xf32, #tpu.memory_space<hbm>>
      %dma_wait3A_89 = arith.constant 0 : i32
      %dma_wait3A_90 = tpu.memref_slice %arg2[%add3A_59, %dma_wait3A_89] : memref<81920x64xf32, #tpu.memory_space<hbm>> -> memref<128x64xf32, #tpu.memory_space<hbm>>
      tpu.wait_dma2 semaphore(%arg14 : memref<!tpu.dma_semaphore, #tpu.memory_space<semaphore_mem>>) src(%dma_wait3A_90 : memref<128x64xf32, #tpu.memory_space<hbm>>) dst(%arg10 : memref<128x64xf32, #tpu.memory_space<vmem>>)
      %mul3A_91 = arith.constant 4 : i32
      %mul3A_92 = arith.muli %scan3A_12, %mul3A_91 : i32
      %add3A_93 = arith.constant 3 : i32
      %add3A_94 = arith.addi %mul3A_92, %add3A_93 : i32
      "tpu.region"() ({
        %run_scoped3A = tpu.sem_alloc : memref<!tpu.dma_semaphore, #tpu.memory_space<semaphore_mem>>
        %dma_start3A_95 = arith.constant 0 : i32
        %dma_start3A_96 = tpu.memref_slice %arg6[%add3A_94, %dma_start3A_95] : memref<20x128xi32, #tpu.memory_space<vmem>> -> memref<1x128xi32, #tpu.memory_space<vmem>>
        %dma_start3A_97 = tpu.memref_squeeze %dma_start3A_96 : memref<1x128xi32, #tpu.memory_space<vmem>> -> memref<128xi32, #tpu.memory_space<vmem>>
        %dma_start3A_98 = arith.constant 0 : i32
        %dma_start3A_99 = arith.constant 0 : i32
        %dma_start3A_100 = tpu.memref_slice %arg16[%dma_start3A_98, %dma_start3A_99] : memref<10240x64xf32, #tpu.memory_space<vmem_shared>> -> memref<10240x64xf32, #tpu.memory_space<vmem_shared>>
        tpu.enqueue_indirect_dma source(%arg10 : memref<128x64xf32, #tpu.memory_space<vmem>>) target(%dma_start3A_100 : memref<10240x64xf32, #tpu.memory_space<vmem_shared>>) offsets(%dma_start3A_97 : memref<128xi32, #tpu.memory_space<vmem>>) semaphore(%run_scoped3A : memref<!tpu.dma_semaphore, #tpu.memory_space<semaphore_mem>>) {add = true}
        %dma_wait3A_101 = arith.constant 0 : i32
        %dma_wait3A_102 = tpu.memref_slice %arg6[%add3A_94, %dma_wait3A_101] : memref<20x128xi32, #tpu.memory_space<vmem>> -> memref<1x128xi32, #tpu.memory_space<vmem>>
        %dma_wait3A_103 = tpu.memref_squeeze %dma_wait3A_102 : memref<1x128xi32, #tpu.memory_space<vmem>> -> memref<128xi32, #tpu.memory_space<vmem>>
        %dma_wait3A_104 = arith.constant 0 : i32
        %dma_wait3A_105 = arith.constant 0 : i32
        %dma_wait3A_106 = tpu.memref_slice %arg16[%dma_wait3A_104, %dma_wait3A_105] : memref<10240x64xf32, #tpu.memory_space<vmem_shared>> -> memref<10240x64xf32, #tpu.memory_space<vmem_shared>>
        tpu.wait_indirect_dma semaphore(%run_scoped3A : memref<!tpu.dma_semaphore, #tpu.memory_space<semaphore_mem>>) src(%arg10 : memref<128x64xf32, #tpu.memory_space<vmem>>) dst(%dma_wait3A_106 : memref<10240x64xf32, #tpu.memory_space<vmem_shared>>)
        tpu.yield
      }) : () -> ()
    }
    %scan3A_7 = arith.constant 5 : i32
    %barrier3A_8 = arith.constant 0 : index
    tpu.barrier barrier_id(%barrier3A_8)
    "tpu.region"() ({
      %run_scoped3A = tpu.sem_alloc : memref<!tpu.dma_semaphore, #tpu.memory_space<semaphore_mem>>
      %dma_start3A = arith.constant 0 : i32
      %dma_start3A_12 = tpu.memref_slice %arg16[%mul3A_2, %dma_start3A] : memref<10240x64xf32, #tpu.memory_space<vmem_shared>> -> memref<640x64xf32, #tpu.memory_space<vmem_shared>>
      %dma_start3A_13 = arith.constant 0 : i32
      %dma_start3A_14 = tpu.memref_slice %arg16[%mul3A_2, %dma_start3A_13] : memref<10240x64xf32, #tpu.memory_space<vmem_shared>> -> memref<640x64xf32, #tpu.memory_space<vmem_shared>>
      tpu.enqueue_dma source(%dma_start3A_14 : memref<640x64xf32, #tpu.memory_space<vmem_shared>>) target(%arg15 : memref<640x64xf32, #tpu.memory_space<vmem>>) target_semaphore(%run_scoped3A : memref<!tpu.dma_semaphore, #tpu.memory_space<semaphore_mem>>)
      %dma_wait3A = arith.constant 0 : i32
      %dma_wait3A_15 = tpu.memref_slice %arg16[%mul3A_2, %dma_wait3A] : memref<10240x64xf32, #tpu.memory_space<vmem_shared>> -> memref<640x64xf32, #tpu.memory_space<vmem_shared>>
      %dma_wait3A_16 = arith.constant 0 : i32
      %dma_wait3A_17 = tpu.memref_slice %arg16[%mul3A_2, %dma_wait3A_16] : memref<10240x64xf32, #tpu.memory_space<vmem_shared>> -> memref<640x64xf32, #tpu.memory_space<vmem_shared>>
      tpu.wait_dma2 semaphore(%run_scoped3A : memref<!tpu.dma_semaphore, #tpu.memory_space<semaphore_mem>>) src(%dma_wait3A_17 : memref<640x64xf32, #tpu.memory_space<vmem_shared>>) dst(%arg15 : memref<640x64xf32, #tpu.memory_space<vmem>>)
      tpu.yield
    }) : () -> ()
    %mul3A_9 = arith.constant 10240 : i32
    %mul3A_10 = arith.muli %arg0, %mul3A_9 : i32
    %add3A_11 = arith.addi %mul3A_10, %mul3A_2 : i32
    "tpu.region"() ({
      %run_scoped3A = tpu.sem_alloc : memref<!tpu.dma_semaphore, #tpu.memory_space<semaphore_mem>>
      %dma_start3A = arith.constant 0 : i32
      %dma_start3A_12 = tpu.memref_slice %arg5[%add3A_11, %dma_start3A] : memref<20480x64xf32, #tpu.memory_space<hbm>> -> memref<640x64xf32, #tpu.memory_space<hbm>>
      %dma_start3A_13 = arith.constant 0 : i32
      %dma_start3A_14 = tpu.memref_slice %arg5[%add3A_11, %dma_start3A_13] : memref<20480x64xf32, #tpu.memory_space<hbm>> -> memref<640x64xf32, #tpu.memory_space<hbm>>
      tpu.enqueue_dma source(%arg15 : memref<640x64xf32, #tpu.memory_space<vmem>>) target(%dma_start3A_14 : memref<640x64xf32, #tpu.memory_space<hbm>>) target_semaphore(%run_scoped3A : memref<!tpu.dma_semaphore, #tpu.memory_space<semaphore_mem>>)
      %dma_wait3A = arith.constant 0 : i32
      %dma_wait3A_15 = tpu.memref_slice %arg5[%add3A_11, %dma_wait3A] : memref<20480x64xf32, #tpu.memory_space<hbm>> -> memref<640x64xf32, #tpu.memory_space<hbm>>
      %dma_wait3A_16 = arith.constant 0 : i32
      %dma_wait3A_17 = tpu.memref_slice %arg5[%add3A_11, %dma_wait3A_16] : memref<20480x64xf32, #tpu.memory_space<hbm>> -> memref<640x64xf32, #tpu.memory_space<hbm>>
      tpu.wait_dma2 semaphore(%run_scoped3A : memref<!tpu.dma_semaphore, #tpu.memory_space<semaphore_mem>>) src(%arg15 : memref<640x64xf32, #tpu.memory_space<vmem>>) dst(%dma_wait3A_17 : memref<640x64xf32, #tpu.memory_space<hbm>>)
      tpu.yield
    }) : () -> ()
    return
  }
}

module attributes {stable_mosaic.version = 14 : i64} {
  func.func @_edge_body(%arg0: i32, %arg1: memref<1024x4xf32, #tpu.memory_space<vmem>>, %arg2: memref<1024x16xf32, #tpu.memory_space<vmem>>, %arg3: memref<4x128xf32, #tpu.memory_space<vmem>>, %arg4: memref<1x128xf32, #tpu.memory_space<vmem>>, %arg5: memref<128x160xf32, #tpu.memory_space<vmem>>, %arg6: memref<1x160xf32, #tpu.memory_space<vmem>>, %arg7: memref<1024x32xf32, #tpu.memory_space<vmem>>) attributes {dimension_semantics = [#tpu.dimension_semantics<arbitrary>], iteration_bounds = array<i64: 80>, scalar_prefetch = 0 : i64, scratch_operands = 0 : i64, tpu.core_type = #tpu.core_type<tc>, window_params = [{transform_indices = @transform_0, window_bounds = array<i64: 1024, 4>}, {transform_indices = @transform_1, window_bounds = array<i64: 1024, 16>}, {pipeline_mode = #tpu.pipeline_mode<synchronous>, transform_indices = @transform_2, window_bounds = array<i64: 4, 128>}, {pipeline_mode = #tpu.pipeline_mode<synchronous>, transform_indices = @transform_3, window_bounds = array<i64: 1, 128>}, {pipeline_mode = #tpu.pipeline_mode<synchronous>, transform_indices = @transform_4, window_bounds = array<i64: 128, 160>}, {pipeline_mode = #tpu.pipeline_mode<synchronous>, transform_indices = @transform_5, window_bounds = array<i64: 1, 160>}, {transform_indices = @transform_6, window_bounds = array<i64: 1024, 32>}]} {
    %get3A = arith.constant 0 : index
    %get3A_0 = arith.constant 0 : index
    %get3A_1 = vector.load %arg1[%get3A, %get3A_0] : memref<1024x4xf32, #tpu.memory_space<vmem>>, vector<1024x4xf32>
    %get3A_2 = arith.constant 0 : index
    %get3A_3 = arith.constant 0 : index
    %get3A_4 = vector.load %arg3[%get3A_2, %get3A_3] : memref<4x128xf32, #tpu.memory_space<vmem>>, vector<4x128xf32>
    %convert_element_type3A = arith.truncf %get3A_1 : vector<1024x4xf32> to vector<1024x4xbf16>
    %convert_element_type3A_5 = arith.truncf %get3A_4 : vector<4x128xf32> to vector<4x128xbf16>
    %dot_general3A = arith.constant dense<0.000000e+00> : vector<1024x128xf32>
    %dot_general3A_6 = tpu.matmul %convert_element_type3A, %convert_element_type3A_5, %dot_general3A {dimension_numbers = #tpu.dot_dimension_numbers<[1], [0], [0], [1], [0, 0, 1, 1], [], []>, transpose_lhs_hint = false} : vector<1024x4xbf16>, vector<4x128xbf16>, vector<1024x128xf32> -> vector<1024x128xf32>
    %get3A_7 = arith.constant 0 : index
    %get3A_8 = arith.constant 0 : index
    %get3A_9 = vector.load %arg4[%get3A_7, %get3A_8] : memref<1x128xf32, #tpu.memory_space<vmem>>, vector<1x128xf32>
    %add3A = vector.broadcast %get3A_9 : vector<1x128xf32> to vector<1024x128xf32>
    %add3A_10 = arith.addf %dot_general3A_6, %add3A : vector<1024x128xf32>
    %max3A = arith.constant 0.000000e+00 : f32
    %max3A_11 = vector.broadcast %max3A : f32 to vector<1024x128xf32>
    %max3A_12 = arith.maximumf %add3A_10, %max3A_11 : vector<1024x128xf32>
    %get3A_13 = arith.constant 0 : index
    %get3A_14 = arith.constant 0 : index
    %get3A_15 = vector.load %arg5[%get3A_13, %get3A_14] : memref<128x160xf32, #tpu.memory_space<vmem>>, vector<128x160xf32>
    %convert_element_type3A_16 = arith.truncf %max3A_12 : vector<1024x128xf32> to vector<1024x128xbf16>
    %convert_element_type3A_17 = arith.truncf %get3A_15 : vector<128x160xf32> to vector<128x160xbf16>
    %dot_general3A_18 = arith.constant dense<0.000000e+00> : vector<1024x160xf32>
    %dot_general3A_19 = tpu.matmul %convert_element_type3A_16, %convert_element_type3A_17, %dot_general3A_18 {dimension_numbers = #tpu.dot_dimension_numbers<[1], [0], [0], [1], [0, 0, 1, 1], [], []>, transpose_lhs_hint = false} : vector<1024x128xbf16>, vector<128x160xbf16>, vector<1024x160xf32> -> vector<1024x160xf32>
    %get3A_20 = arith.constant 0 : index
    %get3A_21 = arith.constant 0 : index
    %get3A_22 = vector.load %arg6[%get3A_20, %get3A_21] : memref<1x160xf32, #tpu.memory_space<vmem>>, vector<1x160xf32>
    %add3A_23 = vector.broadcast %get3A_22 : vector<1x160xf32> to vector<1024x160xf32>
    %add3A_24 = arith.addf %dot_general3A_19, %add3A_23 : vector<1024x160xf32>
    %convert_element_type3A_25 = arith.truncf %add3A_24 : vector<1024x160xf32> to vector<1024x160xbf16>
    %convert_element_type3A_26 = arith.extf %convert_element_type3A_25 : vector<1024x160xbf16> to vector<1024x160xf32>
    %get3A_27 = arith.constant 0 : index
    %get3A_28 = arith.constant 0 : index
    %get3A_29 = vector.load %arg2[%get3A_27, %get3A_28] : memref<1024x16xf32, #tpu.memory_space<vmem>>, vector<1024x16xf32>
    %convert_element_type3A_30 = arith.truncf %get3A_29 : vector<1024x16xf32> to vector<1024x16xbf16>
    %convert_element_type3A_31 = arith.extf %convert_element_type3A_30 : vector<1024x16xbf16> to vector<1024x16xf32>
    %slice3A = vector.extract_strided_slice %convert_element_type3A_31 {offsets = [0, 0], sizes = [1024, 1], strides = [1, 1]} : vector<1024x16xf32> to vector<1024x1xf32>
    %slice3A_32 = vector.extract_strided_slice %convert_element_type3A_26 {offsets = [0, 0], sizes = [1024, 32], strides = [1, 1]} : vector<1024x160xf32> to vector<1024x32xf32>
    %mul3A = vector.broadcast %slice3A : vector<1024x1xf32> to vector<1024x32xf32>
    %mul3A_33 = arith.mulf %mul3A, %slice3A_32 : vector<1024x32xf32>
    %slice3A_34 = vector.extract_strided_slice %convert_element_type3A_31 {offsets = [0, 1], sizes = [1024, 1], strides = [1, 1]} : vector<1024x16xf32> to vector<1024x1xf32>
    %slice3A_35 = vector.extract_strided_slice %convert_element_type3A_26 {offsets = [0, 32], sizes = [1024, 32], strides = [1, 1]} : vector<1024x160xf32> to vector<1024x32xf32>
    %mul3A_36 = vector.broadcast %slice3A_34 : vector<1024x1xf32> to vector<1024x32xf32>
    %mul3A_37 = arith.mulf %mul3A_36, %slice3A_35 : vector<1024x32xf32>
    %add3A_38 = arith.addf %mul3A_33, %mul3A_37 : vector<1024x32xf32>
    %slice3A_39 = vector.extract_strided_slice %convert_element_type3A_31 {offsets = [0, 2], sizes = [1024, 1], strides = [1, 1]} : vector<1024x16xf32> to vector<1024x1xf32>
    %slice3A_40 = vector.extract_strided_slice %convert_element_type3A_26 {offsets = [0, 64], sizes = [1024, 32], strides = [1, 1]} : vector<1024x160xf32> to vector<1024x32xf32>
    %mul3A_41 = vector.broadcast %slice3A_39 : vector<1024x1xf32> to vector<1024x32xf32>
    %mul3A_42 = arith.mulf %mul3A_41, %slice3A_40 : vector<1024x32xf32>
    %add3A_43 = arith.addf %add3A_38, %mul3A_42 : vector<1024x32xf32>
    %slice3A_44 = vector.extract_strided_slice %convert_element_type3A_31 {offsets = [0, 3], sizes = [1024, 1], strides = [1, 1]} : vector<1024x16xf32> to vector<1024x1xf32>
    %slice3A_45 = vector.extract_strided_slice %convert_element_type3A_26 {offsets = [0, 96], sizes = [1024, 32], strides = [1, 1]} : vector<1024x160xf32> to vector<1024x32xf32>
    %mul3A_46 = vector.broadcast %slice3A_44 : vector<1024x1xf32> to vector<1024x32xf32>
    %mul3A_47 = arith.mulf %mul3A_46, %slice3A_45 : vector<1024x32xf32>
    %add3A_48 = arith.addf %add3A_43, %mul3A_47 : vector<1024x32xf32>
    %slice3A_49 = vector.extract_strided_slice %convert_element_type3A_31 {offsets = [0, 4], sizes = [1024, 1], strides = [1, 1]} : vector<1024x16xf32> to vector<1024x1xf32>
    %slice3A_50 = vector.extract_strided_slice %convert_element_type3A_26 {offsets = [0, 128], sizes = [1024, 32], strides = [1, 1]} : vector<1024x160xf32> to vector<1024x32xf32>
    %mul3A_51 = vector.broadcast %slice3A_49 : vector<1024x1xf32> to vector<1024x32xf32>
    %mul3A_52 = arith.mulf %mul3A_51, %slice3A_50 : vector<1024x32xf32>
    %add3A_53 = arith.addf %add3A_48, %mul3A_52 : vector<1024x32xf32>
    %mul3A_54 = arith.constant 1024 : i32
    %mul3A_55 = arith.muli %arg0, %mul3A_54 : i32
    %add3A_56 = arith.constant 81920 : i32
    %add3A_57 = arith.addi %add3A_56, %mul3A_55 : i32
    %iota3A = tpu.iota {dimensions = array<i32: 0>} : vector<1024x1xi32>
    %add3A_58 = vector.broadcast %add3A_57 : i32 to vector<1024x1xi32>
    %add3A_59 = arith.addi %add3A_58, %iota3A : vector<1024x1xi32>
    %lt3A = arith.constant 160000 : i32
    %lt3A_60 = vector.broadcast %lt3A : i32 to vector<1024x1xi32>
    %lt3A_61 = arith.cmpi slt, %add3A_59, %lt3A_60 : vector<1024x1xi32>
    %jit3A = arith.constant 0.000000e+00 : f32
    %broadcast_in_dim3A = vector.shape_cast %lt3A_61 : vector<1024x1xi1> to vector<1024x1xi1>
    %broadcast_in_dim3A_62 = vector.broadcast %broadcast_in_dim3A : vector<1024x1xi1> to vector<1024x32xi1>
    %broadcast_in_dim3A_63 = vector.broadcast %jit3A : f32 to vector<1024x32xf32>
    %select_n3A = arith.select %broadcast_in_dim3A_62, %add3A_53, %broadcast_in_dim3A_63 : vector<1024x32xi1>, vector<1024x32xf32>
    %swap3A = arith.constant 0 : index
    %swap3A_64 = arith.constant 0 : index
    %swap3A_65 = vector.load %arg7[%swap3A, %swap3A_64] : memref<1024x32xf32, #tpu.memory_space<vmem>>, vector<1024x32xf32>
    tpu.vector_store %arg7[%swap3A, %swap3A_64], %select_n3A {strides = array<i32>} : memref<1024x32xf32, #tpu.memory_space<vmem>>, vector<1024x32xf32>,
    return
  }
  func.func @transform_0(%arg0: i32) -> (i32, i32) {
    %c0_i32 = arith.constant 0 : i32
    %c0_i32_0 = arith.constant 0 : i32
    return %arg0, %c0_i32 : i32, i32
  }
  func.func @transform_1(%arg0: i32) -> (i32, i32) {
    %c0_i32 = arith.constant 0 : i32
    %c0_i32_0 = arith.constant 0 : i32
    return %arg0, %c0_i32 : i32, i32
  }
  func.func @transform_2(%arg0: i32) -> (i32, i32) {
    %c0_i32 = arith.constant 0 : i32
    %c0_i32_0 = arith.constant 0 : i32
    %c0_i32_1 = arith.constant 0 : i32
    return %c0_i32, %c0_i32_0 : i32, i32
  }
  func.func @transform_3(%arg0: i32) -> (i32, i32) {
    %c0_i32 = arith.constant 0 : i32
    %c0_i32_0 = arith.constant 0 : i32
    %c0_i32_1 = arith.constant 0 : i32
    return %c0_i32, %c0_i32_0 : i32, i32
  }
  func.func @transform_4(%arg0: i32) -> (i32, i32) {
    %c0_i32 = arith.constant 0 : i32
    %c0_i32_0 = arith.constant 0 : i32
    %c0_i32_1 = arith.constant 0 : i32
    return %c0_i32, %c0_i32_0 : i32, i32
  }
  func.func @transform_5(%arg0: i32) -> (i32, i32) {
    %c0_i32 = arith.constant 0 : i32
    %c0_i32_0 = arith.constant 0 : i32
    %c0_i32_1 = arith.constant 0 : i32
    return %c0_i32, %c0_i32_0 : i32, i32
  }
  func.func @transform_6(%arg0: i32) -> (i32, i32) {
    %c0_i32 = arith.constant 0 : i32
    %c0_i32_0 = arith.constant 0 : i32
    return %arg0, %c0_i32 : i32, i32
  }
}

module attributes {stable_mosaic.version = 14 : i64} {
  func.func @_edge_body(%arg0: i32, %arg1: memref<1024x4xf32, #tpu.memory_space<vmem>>, %arg2: memref<1024x16xf32, #tpu.memory_space<vmem>>, %arg3: memref<4x128xf32, #tpu.memory_space<vmem>>, %arg4: memref<1x128xf32, #tpu.memory_space<vmem>>, %arg5: memref<128x160xf32, #tpu.memory_space<vmem>>, %arg6: memref<1x160xf32, #tpu.memory_space<vmem>>, %arg7: memref<1024x32xf32, #tpu.memory_space<vmem>>) attributes {dimension_semantics = [#tpu.dimension_semantics<arbitrary>], iteration_bounds = array<i64: 80>, scalar_prefetch = 0 : i64, scratch_operands = 0 : i64, tpu.core_type = #tpu.core_type<tc>, window_params = [{transform_indices = @transform_0, window_bounds = array<i64: 1024, 4>}, {transform_indices = @transform_1, window_bounds = array<i64: 1024, 16>}, {pipeline_mode = #tpu.pipeline_mode<synchronous>, transform_indices = @transform_2, window_bounds = array<i64: 4, 128>}, {pipeline_mode = #tpu.pipeline_mode<synchronous>, transform_indices = @transform_3, window_bounds = array<i64: 1, 128>}, {pipeline_mode = #tpu.pipeline_mode<synchronous>, transform_indices = @transform_4, window_bounds = array<i64: 128, 160>}, {pipeline_mode = #tpu.pipeline_mode<synchronous>, transform_indices = @transform_5, window_bounds = array<i64: 1, 160>}, {transform_indices = @transform_6, window_bounds = array<i64: 1024, 32>}]} {
    %get3A = arith.constant 0 : index
    %get3A_0 = arith.constant 0 : index
    %get3A_1 = vector.load %arg1[%get3A, %get3A_0] : memref<1024x4xf32, #tpu.memory_space<vmem>>, vector<1024x4xf32>
    %get3A_2 = arith.constant 0 : index
    %get3A_3 = arith.constant 0 : index
    %get3A_4 = vector.load %arg3[%get3A_2, %get3A_3] : memref<4x128xf32, #tpu.memory_space<vmem>>, vector<4x128xf32>
    %convert_element_type3A = arith.truncf %get3A_1 : vector<1024x4xf32> to vector<1024x4xbf16>
    %convert_element_type3A_5 = arith.truncf %get3A_4 : vector<4x128xf32> to vector<4x128xbf16>
    %dot_general3A = arith.constant dense<0.000000e+00> : vector<1024x128xf32>
    %dot_general3A_6 = tpu.matmul %convert_element_type3A, %convert_element_type3A_5, %dot_general3A {dimension_numbers = #tpu.dot_dimension_numbers<[1], [0], [0], [1], [0, 0, 1, 1], [], []>, transpose_lhs_hint = false} : vector<1024x4xbf16>, vector<4x128xbf16>, vector<1024x128xf32> -> vector<1024x128xf32>
    %get3A_7 = arith.constant 0 : index
    %get3A_8 = arith.constant 0 : index
    %get3A_9 = vector.load %arg4[%get3A_7, %get3A_8] : memref<1x128xf32, #tpu.memory_space<vmem>>, vector<1x128xf32>
    %add3A = vector.broadcast %get3A_9 : vector<1x128xf32> to vector<1024x128xf32>
    %add3A_10 = arith.addf %dot_general3A_6, %add3A : vector<1024x128xf32>
    %max3A = arith.constant 0.000000e+00 : f32
    %max3A_11 = vector.broadcast %max3A : f32 to vector<1024x128xf32>
    %max3A_12 = arith.maximumf %add3A_10, %max3A_11 : vector<1024x128xf32>
    %get3A_13 = arith.constant 0 : index
    %get3A_14 = arith.constant 0 : index
    %get3A_15 = vector.load %arg5[%get3A_13, %get3A_14] : memref<128x160xf32, #tpu.memory_space<vmem>>, vector<128x160xf32>
    %convert_element_type3A_16 = arith.truncf %max3A_12 : vector<1024x128xf32> to vector<1024x128xbf16>
    %convert_element_type3A_17 = arith.truncf %get3A_15 : vector<128x160xf32> to vector<128x160xbf16>
    %dot_general3A_18 = arith.constant dense<0.000000e+00> : vector<1024x160xf32>
    %dot_general3A_19 = tpu.matmul %convert_element_type3A_16, %convert_element_type3A_17, %dot_general3A_18 {dimension_numbers = #tpu.dot_dimension_numbers<[1], [0], [0], [1], [0, 0, 1, 1], [], []>, transpose_lhs_hint = false} : vector<1024x128xbf16>, vector<128x160xbf16>, vector<1024x160xf32> -> vector<1024x160xf32>
    %get3A_20 = arith.constant 0 : index
    %get3A_21 = arith.constant 0 : index
    %get3A_22 = vector.load %arg6[%get3A_20, %get3A_21] : memref<1x160xf32, #tpu.memory_space<vmem>>, vector<1x160xf32>
    %add3A_23 = vector.broadcast %get3A_22 : vector<1x160xf32> to vector<1024x160xf32>
    %add3A_24 = arith.addf %dot_general3A_19, %add3A_23 : vector<1024x160xf32>
    %convert_element_type3A_25 = arith.truncf %add3A_24 : vector<1024x160xf32> to vector<1024x160xbf16>
    %convert_element_type3A_26 = arith.extf %convert_element_type3A_25 : vector<1024x160xbf16> to vector<1024x160xf32>
    %get3A_27 = arith.constant 0 : index
    %get3A_28 = arith.constant 0 : index
    %get3A_29 = vector.load %arg2[%get3A_27, %get3A_28] : memref<1024x16xf32, #tpu.memory_space<vmem>>, vector<1024x16xf32>
    %convert_element_type3A_30 = arith.truncf %get3A_29 : vector<1024x16xf32> to vector<1024x16xbf16>
    %convert_element_type3A_31 = arith.extf %convert_element_type3A_30 : vector<1024x16xbf16> to vector<1024x16xf32>
    %slice3A = vector.extract_strided_slice %convert_element_type3A_31 {offsets = [0, 0], sizes = [1024, 1], strides = [1, 1]} : vector<1024x16xf32> to vector<1024x1xf32>
    %slice3A_32 = vector.extract_strided_slice %convert_element_type3A_26 {offsets = [0, 0], sizes = [1024, 32], strides = [1, 1]} : vector<1024x160xf32> to vector<1024x32xf32>
    %mul3A = vector.broadcast %slice3A : vector<1024x1xf32> to vector<1024x32xf32>
    %mul3A_33 = arith.mulf %mul3A, %slice3A_32 : vector<1024x32xf32>
    %slice3A_34 = vector.extract_strided_slice %convert_element_type3A_31 {offsets = [0, 1], sizes = [1024, 1], strides = [1, 1]} : vector<1024x16xf32> to vector<1024x1xf32>
    %slice3A_35 = vector.extract_strided_slice %convert_element_type3A_26 {offsets = [0, 32], sizes = [1024, 32], strides = [1, 1]} : vector<1024x160xf32> to vector<1024x32xf32>
    %mul3A_36 = vector.broadcast %slice3A_34 : vector<1024x1xf32> to vector<1024x32xf32>
    %mul3A_37 = arith.mulf %mul3A_36, %slice3A_35 : vector<1024x32xf32>
    %add3A_38 = arith.addf %mul3A_33, %mul3A_37 : vector<1024x32xf32>
    %slice3A_39 = vector.extract_strided_slice %convert_element_type3A_31 {offsets = [0, 2], sizes = [1024, 1], strides = [1, 1]} : vector<1024x16xf32> to vector<1024x1xf32>
    %slice3A_40 = vector.extract_strided_slice %convert_element_type3A_26 {offsets = [0, 64], sizes = [1024, 32], strides = [1, 1]} : vector<1024x160xf32> to vector<1024x32xf32>
    %mul3A_41 = vector.broadcast %slice3A_39 : vector<1024x1xf32> to vector<1024x32xf32>
    %mul3A_42 = arith.mulf %mul3A_41, %slice3A_40 : vector<1024x32xf32>
    %add3A_43 = arith.addf %add3A_38, %mul3A_42 : vector<1024x32xf32>
    %slice3A_44 = vector.extract_strided_slice %convert_element_type3A_31 {offsets = [0, 3], sizes = [1024, 1], strides = [1, 1]} : vector<1024x16xf32> to vector<1024x1xf32>
    %slice3A_45 = vector.extract_strided_slice %convert_element_type3A_26 {offsets = [0, 96], sizes = [1024, 32], strides = [1, 1]} : vector<1024x160xf32> to vector<1024x32xf32>
    %mul3A_46 = vector.broadcast %slice3A_44 : vector<1024x1xf32> to vector<1024x32xf32>
    %mul3A_47 = arith.mulf %mul3A_46, %slice3A_45 : vector<1024x32xf32>
    %add3A_48 = arith.addf %add3A_43, %mul3A_47 : vector<1024x32xf32>
    %slice3A_49 = vector.extract_strided_slice %convert_element_type3A_31 {offsets = [0, 4], sizes = [1024, 1], strides = [1, 1]} : vector<1024x16xf32> to vector<1024x1xf32>
    %slice3A_50 = vector.extract_strided_slice %convert_element_type3A_26 {offsets = [0, 128], sizes = [1024, 32], strides = [1, 1]} : vector<1024x160xf32> to vector<1024x32xf32>
    %mul3A_51 = vector.broadcast %slice3A_49 : vector<1024x1xf32> to vector<1024x32xf32>
    %mul3A_52 = arith.mulf %mul3A_51, %slice3A_50 : vector<1024x32xf32>
    %add3A_53 = arith.addf %add3A_48, %mul3A_52 : vector<1024x32xf32>
    %mul3A_54 = arith.constant 1024 : i32
    %mul3A_55 = arith.muli %arg0, %mul3A_54 : i32
    %add3A_56 = arith.constant 0 : i32
    %add3A_57 = arith.addi %add3A_56, %mul3A_55 : i32
    %iota3A = tpu.iota {dimensions = array<i32: 0>} : vector<1024x1xi32>
    %add3A_58 = vector.broadcast %add3A_57 : i32 to vector<1024x1xi32>
    %add3A_59 = arith.addi %add3A_58, %iota3A : vector<1024x1xi32>
    %lt3A = arith.constant 160000 : i32
    %lt3A_60 = vector.broadcast %lt3A : i32 to vector<1024x1xi32>
    %lt3A_61 = arith.cmpi slt, %add3A_59, %lt3A_60 : vector<1024x1xi32>
    %jit3A = arith.constant 0.000000e+00 : f32
    %broadcast_in_dim3A = vector.shape_cast %lt3A_61 : vector<1024x1xi1> to vector<1024x1xi1>
    %broadcast_in_dim3A_62 = vector.broadcast %broadcast_in_dim3A : vector<1024x1xi1> to vector<1024x32xi1>
    %broadcast_in_dim3A_63 = vector.broadcast %jit3A : f32 to vector<1024x32xf32>
    %select_n3A = arith.select %broadcast_in_dim3A_62, %add3A_53, %broadcast_in_dim3A_63 : vector<1024x32xi1>, vector<1024x32xf32>
    %swap3A = arith.constant 0 : index
    %swap3A_64 = arith.constant 0 : index
    %swap3A_65 = vector.load %arg7[%swap3A, %swap3A_64] : memref<1024x32xf32, #tpu.memory_space<vmem>>, vector<1024x32xf32>
    tpu.vector_store %arg7[%swap3A, %swap3A_64], %select_n3A {strides = array<i32>} : memref<1024x32xf32, #tpu.memory_space<vmem>>, vector<1024x32xf32>,
    return
  }
  func.func @transform_0(%arg0: i32) -> (i32, i32) {
    %c0_i32 = arith.constant 0 : i32
    %c0_i32_0 = arith.constant 0 : i32
    return %arg0, %c0_i32 : i32, i32
  }
  func.func @transform_1(%arg0: i32) -> (i32, i32) {
    %c0_i32 = arith.constant 0 : i32
    %c0_i32_0 = arith.constant 0 : i32
    return %arg0, %c0_i32 : i32, i32
  }
  func.func @transform_2(%arg0: i32) -> (i32, i32) {
    %c0_i32 = arith.constant 0 : i32
    %c0_i32_0 = arith.constant 0 : i32
    %c0_i32_1 = arith.constant 0 : i32
    return %c0_i32, %c0_i32_0 : i32, i32
  }
  func.func @transform_3(%arg0: i32) -> (i32, i32) {
    %c0_i32 = arith.constant 0 : i32
    %c0_i32_0 = arith.constant 0 : i32
    %c0_i32_1 = arith.constant 0 : i32
    return %c0_i32, %c0_i32_0 : i32, i32
  }
  func.func @transform_4(%arg0: i32) -> (i32, i32) {
    %c0_i32 = arith.constant 0 : i32
    %c0_i32_0 = arith.constant 0 : i32
    %c0_i32_1 = arith.constant 0 : i32
    return %c0_i32, %c0_i32_0 : i32, i32
  }
  func.func @transform_5(%arg0: i32) -> (i32, i32) {
    %c0_i32 = arith.constant 0 : i32
    %c0_i32_0 = arith.constant 0 : i32
    %c0_i32_1 = arith.constant 0 : i32
    return %c0_i32, %c0_i32_0 : i32, i32
  }
  func.func @transform_6(%arg0: i32) -> (i32, i32) {
    %c0_i32 = arith.constant 0 : i32
    %c0_i32_0 = arith.constant 0 : i32
    return %arg0, %c0_i32 : i32, i32
  }
}

module attributes {stable_mosaic.version = 14 : i64} {
  func.func @_node_body(%arg0: i32, %arg1: memref<1000x5xf32, #tpu.memory_space<vmem>>, %arg2: memref<1000x32xf32, #tpu.memory_space<vmem>>, %arg3: memref<1000x32xf32, #tpu.memory_space<vmem>>, %arg4: memref<1000x32xf32, #tpu.memory_space<vmem>>, %arg5: memref<1000x32xf32, #tpu.memory_space<vmem>>, %arg6: memref<5x32xf32, #tpu.memory_space<vmem>>, %arg7: memref<1x32xf32, #tpu.memory_space<vmem>>, %arg8: memref<1000x32xf32, #tpu.memory_space<vmem>>) attributes {dimension_semantics = [#tpu.dimension_semantics<arbitrary>], iteration_bounds = array<i64: 10>, scalar_prefetch = 0 : i64, scratch_operands = 0 : i64, tpu.core_type = #tpu.core_type<tc>, window_params = [{transform_indices = @transform_0, window_bounds = array<i64: 1000, 5>}, {transform_indices = @transform_1, window_bounds = array<i64: 1000, 32>}, {transform_indices = @transform_2, window_bounds = array<i64: 1000, 32>}, {transform_indices = @transform_3, window_bounds = array<i64: 1000, 32>}, {transform_indices = @transform_4, window_bounds = array<i64: 1000, 32>}, {pipeline_mode = #tpu.pipeline_mode<synchronous>, transform_indices = @transform_5, window_bounds = array<i64: 5, 32>}, {pipeline_mode = #tpu.pipeline_mode<synchronous>, transform_indices = @transform_6, window_bounds = array<i64: 1, 32>}, {transform_indices = @transform_7, window_bounds = array<i64: 1000, 32>}]} {
    %get3A = arith.constant 0 : index
    %get3A_0 = arith.constant 0 : index
    %get3A_1 = vector.load %arg1[%get3A, %get3A_0] : memref<1000x5xf32, #tpu.memory_space<vmem>>, vector<1000x5xf32>
    %get3A_2 = arith.constant 0 : index
    %get3A_3 = arith.constant 0 : index
    %get3A_4 = vector.load %arg6[%get3A_2, %get3A_3] : memref<5x32xf32, #tpu.memory_space<vmem>>, vector<5x32xf32>
    %convert_element_type3A = arith.truncf %get3A_1 : vector<1000x5xf32> to vector<1000x5xbf16>
    %convert_element_type3A_5 = arith.truncf %get3A_4 : vector<5x32xf32> to vector<5x32xbf16>
    %dot_general3A = arith.constant dense<0.000000e+00> : vector<1000x32xf32>
    %dot_general3A_6 = tpu.matmul %convert_element_type3A, %convert_element_type3A_5, %dot_general3A {dimension_numbers = #tpu.dot_dimension_numbers<[1], [0], [0], [1], [0, 0, 1, 1], [], []>, transpose_lhs_hint = false} : vector<1000x5xbf16>, vector<5x32xbf16>, vector<1000x32xf32> -> vector<1000x32xf32>
    %get3A_7 = arith.constant 0 : index
    %get3A_8 = arith.constant 0 : index
    %get3A_9 = vector.load %arg2[%get3A_7, %get3A_8] : memref<1000x32xf32, #tpu.memory_space<vmem>>, vector<1000x32xf32>
    %get3A_10 = arith.constant 0 : index
    %get3A_11 = arith.constant 0 : index
    %get3A_12 = vector.load %arg3[%get3A_10, %get3A_11] : memref<1000x32xf32, #tpu.memory_space<vmem>>, vector<1000x32xf32>
    %add3A = arith.addf %get3A_9, %get3A_12 : vector<1000x32xf32>
    %add3A_13 = arith.addf %dot_general3A_6, %add3A : vector<1000x32xf32>
    %get3A_14 = arith.constant 0 : index
    %get3A_15 = arith.constant 0 : index
    %get3A_16 = vector.load %arg4[%get3A_14, %get3A_15] : memref<1000x32xf32, #tpu.memory_space<vmem>>, vector<1000x32xf32>
    %get3A_17 = arith.constant 0 : index
    %get3A_18 = arith.constant 0 : index
    %get3A_19 = vector.load %arg5[%get3A_17, %get3A_18] : memref<1000x32xf32, #tpu.memory_space<vmem>>, vector<1000x32xf32>
    %add3A_20 = arith.addf %get3A_16, %get3A_19 : vector<1000x32xf32>
    %add3A_21 = arith.addf %add3A_13, %add3A_20 : vector<1000x32xf32>
    %get3A_22 = arith.constant 0 : index
    %get3A_23 = arith.constant 0 : index
    %get3A_24 = vector.load %arg7[%get3A_22, %get3A_23] : memref<1x32xf32, #tpu.memory_space<vmem>>, vector<1x32xf32>
    %add3A_25 = vector.broadcast %get3A_24 : vector<1x32xf32> to vector<1000x32xf32>
    %add3A_26 = arith.addf %add3A_21, %add3A_25 : vector<1000x32xf32>
    %gt3A = arith.constant 0.000000e+00 : f32
    %gt3A_27 = vector.broadcast %gt3A : f32 to vector<1000x32xf32>
    %gt3A_28 = arith.cmpf ogt, %add3A_26, %gt3A_27 : vector<1000x32xf32>
    %min3A = arith.constant 0.000000e+00 : f32
    %min3A_29 = vector.broadcast %min3A : f32 to vector<1000x32xf32>
    %min3A_30 = arith.minimumf %add3A_26, %min3A_29 : vector<1000x32xf32>
    %exp3A = math.exp %min3A_30 : vector<1000x32xf32>
    %sub3A = arith.constant 1.000000e+00 : f32
    %sub3A_31 = vector.broadcast %sub3A : f32 to vector<1000x32xf32>
    %sub3A_32 = arith.subf %exp3A, %sub3A_31 : vector<1000x32xf32>
    %select_n3A = arith.select %gt3A_28, %add3A_26, %sub3A_32 : vector<1000x32xi1>, vector<1000x32xf32>
    %swap3A = arith.constant 0 : index
    %swap3A_33 = arith.constant 0 : index
    %swap3A_34 = vector.load %arg8[%swap3A, %swap3A_33] : memref<1000x32xf32, #tpu.memory_space<vmem>>, vector<1000x32xf32>
    tpu.vector_store %arg8[%swap3A, %swap3A_33], %select_n3A {strides = array<i32>} : memref<1000x32xf32, #tpu.memory_space<vmem>>, vector<1000x32xf32>,
    return
  }
  func.func @transform_0(%arg0: i32) -> (i32, i32) {
    %c0_i32 = arith.constant 0 : i32
    %c0_i32_0 = arith.constant 0 : i32
    return %arg0, %c0_i32 : i32, i32
  }
  func.func @transform_1(%arg0: i32) -> (i32, i32) {
    %c0_i32 = arith.constant 0 : i32
    %c0_i32_0 = arith.constant 0 : i32
    return %arg0, %c0_i32 : i32, i32
  }
  func.func @transform_2(%arg0: i32) -> (i32, i32) {
    %c0_i32 = arith.constant 0 : i32
    %c0_i32_0 = arith.constant 0 : i32
    return %arg0, %c0_i32 : i32, i32
  }
  func.func @transform_3(%arg0: i32) -> (i32, i32) {
    %c0_i32 = arith.constant 0 : i32
    %c0_i32_0 = arith.constant 0 : i32
    return %arg0, %c0_i32 : i32, i32
  }
  func.func @transform_4(%arg0: i32) -> (i32, i32) {
    %c0_i32 = arith.constant 0 : i32
    %c0_i32_0 = arith.constant 0 : i32
    return %arg0, %c0_i32 : i32, i32
  }
  func.func @transform_5(%arg0: i32) -> (i32, i32) {
    %c0_i32 = arith.constant 0 : i32
    %c0_i32_0 = arith.constant 0 : i32
    %c0_i32_1 = arith.constant 0 : i32
    return %c0_i32, %c0_i32_0 : i32, i32
  }
  func.func @transform_6(%arg0: i32) -> (i32, i32) {
    %c0_i32 = arith.constant 0 : i32
    %c0_i32_0 = arith.constant 0 : i32
    %c0_i32_1 = arith.constant 0 : i32
    return %c0_i32, %c0_i32_0 : i32, i32
  }
  func.func @transform_7(%arg0: i32) -> (i32, i32) {
    %c0_i32 = arith.constant 0 : i32
    %c0_i32_0 = arith.constant 0 : i32
    return %arg0, %c0_i32 : i32, i32
  }
}

module attributes {stable_mosaic.version = 14 : i64} {
  func.func @_edge_body(%arg0: i32, %arg1: memref<1024x4xf32, #tpu.memory_space<vmem>>, %arg2: memref<1024x32xf32, #tpu.memory_space<vmem>>, %arg3: memref<4x128xf32, #tpu.memory_space<vmem>>, %arg4: memref<1x128xf32, #tpu.memory_space<vmem>>, %arg5: memref<128x2048xf32, #tpu.memory_space<vmem>>, %arg6: memref<1x2048xf32, #tpu.memory_space<vmem>>, %arg7: memref<1024x64xf32, #tpu.memory_space<vmem>>) attributes {dimension_semantics = [#tpu.dimension_semantics<arbitrary>], iteration_bounds = array<i64: 80>, scalar_prefetch = 0 : i64, scratch_operands = 0 : i64, tpu.core_type = #tpu.core_type<tc>, window_params = [{transform_indices = @transform_0, window_bounds = array<i64: 1024, 4>}, {transform_indices = @transform_1, window_bounds = array<i64: 1024, 32>}, {pipeline_mode = #tpu.pipeline_mode<synchronous>, transform_indices = @transform_2, window_bounds = array<i64: 4, 128>}, {pipeline_mode = #tpu.pipeline_mode<synchronous>, transform_indices = @transform_3, window_bounds = array<i64: 1, 128>}, {pipeline_mode = #tpu.pipeline_mode<synchronous>, transform_indices = @transform_4, window_bounds = array<i64: 128, 2048>}, {pipeline_mode = #tpu.pipeline_mode<synchronous>, transform_indices = @transform_5, window_bounds = array<i64: 1, 2048>}, {transform_indices = @transform_6, window_bounds = array<i64: 1024, 64>}]} {
    %get3A = arith.constant 0 : index
    %get3A_0 = arith.constant 0 : index
    %get3A_1 = vector.load %arg1[%get3A, %get3A_0] : memref<1024x4xf32, #tpu.memory_space<vmem>>, vector<1024x4xf32>
    %get3A_2 = arith.constant 0 : index
    %get3A_3 = arith.constant 0 : index
    %get3A_4 = vector.load %arg3[%get3A_2, %get3A_3] : memref<4x128xf32, #tpu.memory_space<vmem>>, vector<4x128xf32>
    %convert_element_type3A = arith.truncf %get3A_1 : vector<1024x4xf32> to vector<1024x4xbf16>
    %convert_element_type3A_5 = arith.truncf %get3A_4 : vector<4x128xf32> to vector<4x128xbf16>
    %dot_general3A = arith.constant dense<0.000000e+00> : vector<1024x128xf32>
    %dot_general3A_6 = tpu.matmul %convert_element_type3A, %convert_element_type3A_5, %dot_general3A {dimension_numbers = #tpu.dot_dimension_numbers<[1], [0], [0], [1], [0, 0, 1, 1], [], []>, transpose_lhs_hint = false} : vector<1024x4xbf16>, vector<4x128xbf16>, vector<1024x128xf32> -> vector<1024x128xf32>
    %get3A_7 = arith.constant 0 : index
    %get3A_8 = arith.constant 0 : index
    %get3A_9 = vector.load %arg4[%get3A_7, %get3A_8] : memref<1x128xf32, #tpu.memory_space<vmem>>, vector<1x128xf32>
    %add3A = vector.broadcast %get3A_9 : vector<1x128xf32> to vector<1024x128xf32>
    %add3A_10 = arith.addf %dot_general3A_6, %add3A : vector<1024x128xf32>
    %max3A = arith.constant 0.000000e+00 : f32
    %max3A_11 = vector.broadcast %max3A : f32 to vector<1024x128xf32>
    %max3A_12 = arith.maximumf %add3A_10, %max3A_11 : vector<1024x128xf32>
    %get3A_13 = arith.constant 0 : index
    %get3A_14 = arith.constant 0 : index
    %get3A_15 = vector.load %arg5[%get3A_13, %get3A_14] : memref<128x2048xf32, #tpu.memory_space<vmem>>, vector<128x2048xf32>
    %convert_element_type3A_16 = arith.truncf %max3A_12 : vector<1024x128xf32> to vector<1024x128xbf16>
    %convert_element_type3A_17 = arith.truncf %get3A_15 : vector<128x2048xf32> to vector<128x2048xbf16>
    %dot_general3A_18 = arith.constant dense<0.000000e+00> : vector<1024x2048xf32>
    %dot_general3A_19 = tpu.matmul %convert_element_type3A_16, %convert_element_type3A_17, %dot_general3A_18 {dimension_numbers = #tpu.dot_dimension_numbers<[1], [0], [0], [1], [0, 0, 1, 1], [], []>, transpose_lhs_hint = false} : vector<1024x128xbf16>, vector<128x2048xbf16>, vector<1024x2048xf32> -> vector<1024x2048xf32>
    %get3A_20 = arith.constant 0 : index
    %get3A_21 = arith.constant 0 : index
    %get3A_22 = vector.load %arg6[%get3A_20, %get3A_21] : memref<1x2048xf32, #tpu.memory_space<vmem>>, vector<1x2048xf32>
    %add3A_23 = vector.broadcast %get3A_22 : vector<1x2048xf32> to vector<1024x2048xf32>
    %add3A_24 = arith.addf %dot_general3A_19, %add3A_23 : vector<1024x2048xf32>
    %convert_element_type3A_25 = arith.truncf %add3A_24 : vector<1024x2048xf32> to vector<1024x2048xbf16>
    %convert_element_type3A_26 = arith.extf %convert_element_type3A_25 : vector<1024x2048xbf16> to vector<1024x2048xf32>
    %get3A_27 = arith.constant 0 : index
    %get3A_28 = arith.constant 0 : index
    %get3A_29 = vector.load %arg2[%get3A_27, %get3A_28] : memref<1024x32xf32, #tpu.memory_space<vmem>>, vector<1024x32xf32>
    %convert_element_type3A_30 = arith.truncf %get3A_29 : vector<1024x32xf32> to vector<1024x32xbf16>
    %convert_element_type3A_31 = arith.extf %convert_element_type3A_30 : vector<1024x32xbf16> to vector<1024x32xf32>
    %slice3A = vector.extract_strided_slice %convert_element_type3A_31 {offsets = [0, 0], sizes = [1024, 1], strides = [1, 1]} : vector<1024x32xf32> to vector<1024x1xf32>
    %slice3A_32 = vector.extract_strided_slice %convert_element_type3A_26 {offsets = [0, 0], sizes = [1024, 64], strides = [1, 1]} : vector<1024x2048xf32> to vector<1024x64xf32>
    %mul3A = vector.broadcast %slice3A : vector<1024x1xf32> to vector<1024x64xf32>
    %mul3A_33 = arith.mulf %mul3A, %slice3A_32 : vector<1024x64xf32>
    %slice3A_34 = vector.extract_strided_slice %convert_element_type3A_31 {offsets = [0, 1], sizes = [1024, 1], strides = [1, 1]} : vector<1024x32xf32> to vector<1024x1xf32>
    %slice3A_35 = vector.extract_strided_slice %convert_element_type3A_26 {offsets = [0, 64], sizes = [1024, 64], strides = [1, 1]} : vector<1024x2048xf32> to vector<1024x64xf32>
    %mul3A_36 = vector.broadcast %slice3A_34 : vector<1024x1xf32> to vector<1024x64xf32>
    %mul3A_37 = arith.mulf %mul3A_36, %slice3A_35 : vector<1024x64xf32>
    %add3A_38 = arith.addf %mul3A_33, %mul3A_37 : vector<1024x64xf32>
    %slice3A_39 = vector.extract_strided_slice %convert_element_type3A_31 {offsets = [0, 2], sizes = [1024, 1], strides = [1, 1]} : vector<1024x32xf32> to vector<1024x1xf32>
    %slice3A_40 = vector.extract_strided_slice %convert_element_type3A_26 {offsets = [0, 128], sizes = [1024, 64], strides = [1, 1]} : vector<1024x2048xf32> to vector<1024x64xf32>
    %mul3A_41 = vector.broadcast %slice3A_39 : vector<1024x1xf32> to vector<1024x64xf32>
    %mul3A_42 = arith.mulf %mul3A_41, %slice3A_40 : vector<1024x64xf32>
    %add3A_43 = arith.addf %add3A_38, %mul3A_42 : vector<1024x64xf32>
    %slice3A_44 = vector.extract_strided_slice %convert_element_type3A_31 {offsets = [0, 3], sizes = [1024, 1], strides = [1, 1]} : vector<1024x32xf32> to vector<1024x1xf32>
    %slice3A_45 = vector.extract_strided_slice %convert_element_type3A_26 {offsets = [0, 192], sizes = [1024, 64], strides = [1, 1]} : vector<1024x2048xf32> to vector<1024x64xf32>
    %mul3A_46 = vector.broadcast %slice3A_44 : vector<1024x1xf32> to vector<1024x64xf32>
    %mul3A_47 = arith.mulf %mul3A_46, %slice3A_45 : vector<1024x64xf32>
    %add3A_48 = arith.addf %add3A_43, %mul3A_47 : vector<1024x64xf32>
    %slice3A_49 = vector.extract_strided_slice %convert_element_type3A_31 {offsets = [0, 4], sizes = [1024, 1], strides = [1, 1]} : vector<1024x32xf32> to vector<1024x1xf32>
    %slice3A_50 = vector.extract_strided_slice %convert_element_type3A_26 {offsets = [0, 256], sizes = [1024, 64], strides = [1, 1]} : vector<1024x2048xf32> to vector<1024x64xf32>
    %mul3A_51 = vector.broadcast %slice3A_49 : vector<1024x1xf32> to vector<1024x64xf32>
    %mul3A_52 = arith.mulf %mul3A_51, %slice3A_50 : vector<1024x64xf32>
    %add3A_53 = arith.addf %add3A_48, %mul3A_52 : vector<1024x64xf32>
    %slice3A_54 = vector.extract_strided_slice %convert_element_type3A_31 {offsets = [0, 5], sizes = [1024, 1], strides = [1, 1]} : vector<1024x32xf32> to vector<1024x1xf32>
    %slice3A_55 = vector.extract_strided_slice %convert_element_type3A_26 {offsets = [0, 320], sizes = [1024, 64], strides = [1, 1]} : vector<1024x2048xf32> to vector<1024x64xf32>
    %mul3A_56 = vector.broadcast %slice3A_54 : vector<1024x1xf32> to vector<1024x64xf32>
    %mul3A_57 = arith.mulf %mul3A_56, %slice3A_55 : vector<1024x64xf32>
    %add3A_58 = arith.addf %add3A_53, %mul3A_57 : vector<1024x64xf32>
    %slice3A_59 = vector.extract_strided_slice %convert_element_type3A_31 {offsets = [0, 6], sizes = [1024, 1], strides = [1, 1]} : vector<1024x32xf32> to vector<1024x1xf32>
    %slice3A_60 = vector.extract_strided_slice %convert_element_type3A_26 {offsets = [0, 384], sizes = [1024, 64], strides = [1, 1]} : vector<1024x2048xf32> to vector<1024x64xf32>
    %mul3A_61 = vector.broadcast %slice3A_59 : vector<1024x1xf32> to vector<1024x64xf32>
    %mul3A_62 = arith.mulf %mul3A_61, %slice3A_60 : vector<1024x64xf32>
    %add3A_63 = arith.addf %add3A_58, %mul3A_62 : vector<1024x64xf32>
    %slice3A_64 = vector.extract_strided_slice %convert_element_type3A_31 {offsets = [0, 7], sizes = [1024, 1], strides = [1, 1]} : vector<1024x32xf32> to vector<1024x1xf32>
    %slice3A_65 = vector.extract_strided_slice %convert_element_type3A_26 {offsets = [0, 448], sizes = [1024, 64], strides = [1, 1]} : vector<1024x2048xf32> to vector<1024x64xf32>
    %mul3A_66 = vector.broadcast %slice3A_64 : vector<1024x1xf32> to vector<1024x64xf32>
    %mul3A_67 = arith.mulf %mul3A_66, %slice3A_65 : vector<1024x64xf32>
    %add3A_68 = arith.addf %add3A_63, %mul3A_67 : vector<1024x64xf32>
    %slice3A_69 = vector.extract_strided_slice %convert_element_type3A_31 {offsets = [0, 8], sizes = [1024, 1], strides = [1, 1]} : vector<1024x32xf32> to vector<1024x1xf32>
    %slice3A_70 = vector.extract_strided_slice %convert_element_type3A_26 {offsets = [0, 512], sizes = [1024, 64], strides = [1, 1]} : vector<1024x2048xf32> to vector<1024x64xf32>
    %mul3A_71 = vector.broadcast %slice3A_69 : vector<1024x1xf32> to vector<1024x64xf32>
    %mul3A_72 = arith.mulf %mul3A_71, %slice3A_70 : vector<1024x64xf32>
    %add3A_73 = arith.addf %add3A_68, %mul3A_72 : vector<1024x64xf32>
    %slice3A_74 = vector.extract_strided_slice %convert_element_type3A_31 {offsets = [0, 9], sizes = [1024, 1], strides = [1, 1]} : vector<1024x32xf32> to vector<1024x1xf32>
    %slice3A_75 = vector.extract_strided_slice %convert_element_type3A_26 {offsets = [0, 576], sizes = [1024, 64], strides = [1, 1]} : vector<1024x2048xf32> to vector<1024x64xf32>
    %mul3A_76 = vector.broadcast %slice3A_74 : vector<1024x1xf32> to vector<1024x64xf32>
    %mul3A_77 = arith.mulf %mul3A_76, %slice3A_75 : vector<1024x64xf32>
    %add3A_78 = arith.addf %add3A_73, %mul3A_77 : vector<1024x64xf32>
    %slice3A_79 = vector.extract_strided_slice %convert_element_type3A_31 {offsets = [0, 10], sizes = [1024, 1], strides = [1, 1]} : vector<1024x32xf32> to vector<1024x1xf32>
    %slice3A_80 = vector.extract_strided_slice %convert_element_type3A_26 {offsets = [0, 640], sizes = [1024, 64], strides = [1, 1]} : vector<1024x2048xf32> to vector<1024x64xf32>
    %mul3A_81 = vector.broadcast %slice3A_79 : vector<1024x1xf32> to vector<1024x64xf32>
    %mul3A_82 = arith.mulf %mul3A_81, %slice3A_80 : vector<1024x64xf32>
    %add3A_83 = arith.addf %add3A_78, %mul3A_82 : vector<1024x64xf32>
    %slice3A_84 = vector.extract_strided_slice %convert_element_type3A_31 {offsets = [0, 11], sizes = [1024, 1], strides = [1, 1]} : vector<1024x32xf32> to vector<1024x1xf32>
    %slice3A_85 = vector.extract_strided_slice %convert_element_type3A_26 {offsets = [0, 704], sizes = [1024, 64], strides = [1, 1]} : vector<1024x2048xf32> to vector<1024x64xf32>
    %mul3A_86 = vector.broadcast %slice3A_84 : vector<1024x1xf32> to vector<1024x64xf32>
    %mul3A_87 = arith.mulf %mul3A_86, %slice3A_85 : vector<1024x64xf32>
    %add3A_88 = arith.addf %add3A_83, %mul3A_87 : vector<1024x64xf32>
    %slice3A_89 = vector.extract_strided_slice %convert_element_type3A_31 {offsets = [0, 12], sizes = [1024, 1], strides = [1, 1]} : vector<1024x32xf32> to vector<1024x1xf32>
    %slice3A_90 = vector.extract_strided_slice %convert_element_type3A_26 {offsets = [0, 768], sizes = [1024, 64], strides = [1, 1]} : vector<1024x2048xf32> to vector<1024x64xf32>
    %mul3A_91 = vector.broadcast %slice3A_89 : vector<1024x1xf32> to vector<1024x64xf32>
    %mul3A_92 = arith.mulf %mul3A_91, %slice3A_90 : vector<1024x64xf32>
    %add3A_93 = arith.addf %add3A_88, %mul3A_92 : vector<1024x64xf32>
    %slice3A_94 = vector.extract_strided_slice %convert_element_type3A_31 {offsets = [0, 13], sizes = [1024, 1], strides = [1, 1]} : vector<1024x32xf32> to vector<1024x1xf32>
    %slice3A_95 = vector.extract_strided_slice %convert_element_type3A_26 {offsets = [0, 832], sizes = [1024, 64], strides = [1, 1]} : vector<1024x2048xf32> to vector<1024x64xf32>
    %mul3A_96 = vector.broadcast %slice3A_94 : vector<1024x1xf32> to vector<1024x64xf32>
    %mul3A_97 = arith.mulf %mul3A_96, %slice3A_95 : vector<1024x64xf32>
    %add3A_98 = arith.addf %add3A_93, %mul3A_97 : vector<1024x64xf32>
    %slice3A_99 = vector.extract_strided_slice %convert_element_type3A_31 {offsets = [0, 14], sizes = [1024, 1], strides = [1, 1]} : vector<1024x32xf32> to vector<1024x1xf32>
    %slice3A_100 = vector.extract_strided_slice %convert_element_type3A_26 {offsets = [0, 896], sizes = [1024, 64], strides = [1, 1]} : vector<1024x2048xf32> to vector<1024x64xf32>
    %mul3A_101 = vector.broadcast %slice3A_99 : vector<1024x1xf32> to vector<1024x64xf32>
    %mul3A_102 = arith.mulf %mul3A_101, %slice3A_100 : vector<1024x64xf32>
    %add3A_103 = arith.addf %add3A_98, %mul3A_102 : vector<1024x64xf32>
    %slice3A_104 = vector.extract_strided_slice %convert_element_type3A_31 {offsets = [0, 15], sizes = [1024, 1], strides = [1, 1]} : vector<1024x32xf32> to vector<1024x1xf32>
    %slice3A_105 = vector.extract_strided_slice %convert_element_type3A_26 {offsets = [0, 960], sizes = [1024, 64], strides = [1, 1]} : vector<1024x2048xf32> to vector<1024x64xf32>
    %mul3A_106 = vector.broadcast %slice3A_104 : vector<1024x1xf32> to vector<1024x64xf32>
    %mul3A_107 = arith.mulf %mul3A_106, %slice3A_105 : vector<1024x64xf32>
    %add3A_108 = arith.addf %add3A_103, %mul3A_107 : vector<1024x64xf32>
    %slice3A_109 = vector.extract_strided_slice %convert_element_type3A_31 {offsets = [0, 16], sizes = [1024, 1], strides = [1, 1]} : vector<1024x32xf32> to vector<1024x1xf32>
    %slice3A_110 = vector.extract_strided_slice %convert_element_type3A_26 {offsets = [0, 1024], sizes = [1024, 64], strides = [1, 1]} : vector<1024x2048xf32> to vector<1024x64xf32>
    %mul3A_111 = vector.broadcast %slice3A_109 : vector<1024x1xf32> to vector<1024x64xf32>
    %mul3A_112 = arith.mulf %mul3A_111, %slice3A_110 : vector<1024x64xf32>
    %add3A_113 = arith.addf %add3A_108, %mul3A_112 : vector<1024x64xf32>
    %slice3A_114 = vector.extract_strided_slice %convert_element_type3A_31 {offsets = [0, 17], sizes = [1024, 1], strides = [1, 1]} : vector<1024x32xf32> to vector<1024x1xf32>
    %slice3A_115 = vector.extract_strided_slice %convert_element_type3A_26 {offsets = [0, 1088], sizes = [1024, 64], strides = [1, 1]} : vector<1024x2048xf32> to vector<1024x64xf32>
    %mul3A_116 = vector.broadcast %slice3A_114 : vector<1024x1xf32> to vector<1024x64xf32>
    %mul3A_117 = arith.mulf %mul3A_116, %slice3A_115 : vector<1024x64xf32>
    %add3A_118 = arith.addf %add3A_113, %mul3A_117 : vector<1024x64xf32>
    %slice3A_119 = vector.extract_strided_slice %convert_element_type3A_31 {offsets = [0, 18], sizes = [1024, 1], strides = [1, 1]} : vector<1024x32xf32> to vector<1024x1xf32>
    %slice3A_120 = vector.extract_strided_slice %convert_element_type3A_26 {offsets = [0, 1152], sizes = [1024, 64], strides = [1, 1]} : vector<1024x2048xf32> to vector<1024x64xf32>
    %mul3A_121 = vector.broadcast %slice3A_119 : vector<1024x1xf32> to vector<1024x64xf32>
    %mul3A_122 = arith.mulf %mul3A_121, %slice3A_120 : vector<1024x64xf32>
    %add3A_123 = arith.addf %add3A_118, %mul3A_122 : vector<1024x64xf32>
    %slice3A_124 = vector.extract_strided_slice %convert_element_type3A_31 {offsets = [0, 19], sizes = [1024, 1], strides = [1, 1]} : vector<1024x32xf32> to vector<1024x1xf32>
    %slice3A_125 = vector.extract_strided_slice %convert_element_type3A_26 {offsets = [0, 1216], sizes = [1024, 64], strides = [1, 1]} : vector<1024x2048xf32> to vector<1024x64xf32>
    %mul3A_126 = vector.broadcast %slice3A_124 : vector<1024x1xf32> to vector<1024x64xf32>
    %mul3A_127 = arith.mulf %mul3A_126, %slice3A_125 : vector<1024x64xf32>
    %add3A_128 = arith.addf %add3A_123, %mul3A_127 : vector<1024x64xf32>
    %slice3A_129 = vector.extract_strided_slice %convert_element_type3A_31 {offsets = [0, 20], sizes = [1024, 1], strides = [1, 1]} : vector<1024x32xf32> to vector<1024x1xf32>
    %slice3A_130 = vector.extract_strided_slice %convert_element_type3A_26 {offsets = [0, 1280], sizes = [1024, 64], strides = [1, 1]} : vector<1024x2048xf32> to vector<1024x64xf32>
    %mul3A_131 = vector.broadcast %slice3A_129 : vector<1024x1xf32> to vector<1024x64xf32>
    %mul3A_132 = arith.mulf %mul3A_131, %slice3A_130 : vector<1024x64xf32>
    %add3A_133 = arith.addf %add3A_128, %mul3A_132 : vector<1024x64xf32>
    %slice3A_134 = vector.extract_strided_slice %convert_element_type3A_31 {offsets = [0, 21], sizes = [1024, 1], strides = [1, 1]} : vector<1024x32xf32> to vector<1024x1xf32>
    %slice3A_135 = vector.extract_strided_slice %convert_element_type3A_26 {offsets = [0, 1344], sizes = [1024, 64], strides = [1, 1]} : vector<1024x2048xf32> to vector<1024x64xf32>
    %mul3A_136 = vector.broadcast %slice3A_134 : vector<1024x1xf32> to vector<1024x64xf32>
    %mul3A_137 = arith.mulf %mul3A_136, %slice3A_135 : vector<1024x64xf32>
    %add3A_138 = arith.addf %add3A_133, %mul3A_137 : vector<1024x64xf32>
    %slice3A_139 = vector.extract_strided_slice %convert_element_type3A_31 {offsets = [0, 22], sizes = [1024, 1], strides = [1, 1]} : vector<1024x32xf32> to vector<1024x1xf32>
    %slice3A_140 = vector.extract_strided_slice %convert_element_type3A_26 {offsets = [0, 1408], sizes = [1024, 64], strides = [1, 1]} : vector<1024x2048xf32> to vector<1024x64xf32>
    %mul3A_141 = vector.broadcast %slice3A_139 : vector<1024x1xf32> to vector<1024x64xf32>
    %mul3A_142 = arith.mulf %mul3A_141, %slice3A_140 : vector<1024x64xf32>
    %add3A_143 = arith.addf %add3A_138, %mul3A_142 : vector<1024x64xf32>
    %slice3A_144 = vector.extract_strided_slice %convert_element_type3A_31 {offsets = [0, 23], sizes = [1024, 1], strides = [1, 1]} : vector<1024x32xf32> to vector<1024x1xf32>
    %slice3A_145 = vector.extract_strided_slice %convert_element_type3A_26 {offsets = [0, 1472], sizes = [1024, 64], strides = [1, 1]} : vector<1024x2048xf32> to vector<1024x64xf32>
    %mul3A_146 = vector.broadcast %slice3A_144 : vector<1024x1xf32> to vector<1024x64xf32>
    %mul3A_147 = arith.mulf %mul3A_146, %slice3A_145 : vector<1024x64xf32>
    %add3A_148 = arith.addf %add3A_143, %mul3A_147 : vector<1024x64xf32>
    %slice3A_149 = vector.extract_strided_slice %convert_element_type3A_31 {offsets = [0, 24], sizes = [1024, 1], strides = [1, 1]} : vector<1024x32xf32> to vector<1024x1xf32>
    %slice3A_150 = vector.extract_strided_slice %convert_element_type3A_26 {offsets = [0, 1536], sizes = [1024, 64], strides = [1, 1]} : vector<1024x2048xf32> to vector<1024x64xf32>
    %mul3A_151 = vector.broadcast %slice3A_149 : vector<1024x1xf32> to vector<1024x64xf32>
    %mul3A_152 = arith.mulf %mul3A_151, %slice3A_150 : vector<1024x64xf32>
    %add3A_153 = arith.addf %add3A_148, %mul3A_152 : vector<1024x64xf32>
    %slice3A_154 = vector.extract_strided_slice %convert_element_type3A_31 {offsets = [0, 25], sizes = [1024, 1], strides = [1, 1]} : vector<1024x32xf32> to vector<1024x1xf32>
    %slice3A_155 = vector.extract_strided_slice %convert_element_type3A_26 {offsets = [0, 1600], sizes = [1024, 64], strides = [1, 1]} : vector<1024x2048xf32> to vector<1024x64xf32>
    %mul3A_156 = vector.broadcast %slice3A_154 : vector<1024x1xf32> to vector<1024x64xf32>
    %mul3A_157 = arith.mulf %mul3A_156, %slice3A_155 : vector<1024x64xf32>
    %add3A_158 = arith.addf %add3A_153, %mul3A_157 : vector<1024x64xf32>
    %slice3A_159 = vector.extract_strided_slice %convert_element_type3A_31 {offsets = [0, 26], sizes = [1024, 1], strides = [1, 1]} : vector<1024x32xf32> to vector<1024x1xf32>
    %slice3A_160 = vector.extract_strided_slice %convert_element_type3A_26 {offsets = [0, 1664], sizes = [1024, 64], strides = [1, 1]} : vector<1024x2048xf32> to vector<1024x64xf32>
    %mul3A_161 = vector.broadcast %slice3A_159 : vector<1024x1xf32> to vector<1024x64xf32>
    %mul3A_162 = arith.mulf %mul3A_161, %slice3A_160 : vector<1024x64xf32>
    %add3A_163 = arith.addf %add3A_158, %mul3A_162 : vector<1024x64xf32>
    %slice3A_164 = vector.extract_strided_slice %convert_element_type3A_31 {offsets = [0, 27], sizes = [1024, 1], strides = [1, 1]} : vector<1024x32xf32> to vector<1024x1xf32>
    %slice3A_165 = vector.extract_strided_slice %convert_element_type3A_26 {offsets = [0, 1728], sizes = [1024, 64], strides = [1, 1]} : vector<1024x2048xf32> to vector<1024x64xf32>
    %mul3A_166 = vector.broadcast %slice3A_164 : vector<1024x1xf32> to vector<1024x64xf32>
    %mul3A_167 = arith.mulf %mul3A_166, %slice3A_165 : vector<1024x64xf32>
    %add3A_168 = arith.addf %add3A_163, %mul3A_167 : vector<1024x64xf32>
    %slice3A_169 = vector.extract_strided_slice %convert_element_type3A_31 {offsets = [0, 28], sizes = [1024, 1], strides = [1, 1]} : vector<1024x32xf32> to vector<1024x1xf32>
    %slice3A_170 = vector.extract_strided_slice %convert_element_type3A_26 {offsets = [0, 1792], sizes = [1024, 64], strides = [1, 1]} : vector<1024x2048xf32> to vector<1024x64xf32>
    %mul3A_171 = vector.broadcast %slice3A_169 : vector<1024x1xf32> to vector<1024x64xf32>
    %mul3A_172 = arith.mulf %mul3A_171, %slice3A_170 : vector<1024x64xf32>
    %add3A_173 = arith.addf %add3A_168, %mul3A_172 : vector<1024x64xf32>
    %slice3A_174 = vector.extract_strided_slice %convert_element_type3A_31 {offsets = [0, 29], sizes = [1024, 1], strides = [1, 1]} : vector<1024x32xf32> to vector<1024x1xf32>
    %slice3A_175 = vector.extract_strided_slice %convert_element_type3A_26 {offsets = [0, 1856], sizes = [1024, 64], strides = [1, 1]} : vector<1024x2048xf32> to vector<1024x64xf32>
    %mul3A_176 = vector.broadcast %slice3A_174 : vector<1024x1xf32> to vector<1024x64xf32>
    %mul3A_177 = arith.mulf %mul3A_176, %slice3A_175 : vector<1024x64xf32>
    %add3A_178 = arith.addf %add3A_173, %mul3A_177 : vector<1024x64xf32>
    %slice3A_179 = vector.extract_strided_slice %convert_element_type3A_31 {offsets = [0, 30], sizes = [1024, 1], strides = [1, 1]} : vector<1024x32xf32> to vector<1024x1xf32>
    %slice3A_180 = vector.extract_strided_slice %convert_element_type3A_26 {offsets = [0, 1920], sizes = [1024, 64], strides = [1, 1]} : vector<1024x2048xf32> to vector<1024x64xf32>
    %mul3A_181 = vector.broadcast %slice3A_179 : vector<1024x1xf32> to vector<1024x64xf32>
    %mul3A_182 = arith.mulf %mul3A_181, %slice3A_180 : vector<1024x64xf32>
    %add3A_183 = arith.addf %add3A_178, %mul3A_182 : vector<1024x64xf32>
    %slice3A_184 = vector.extract_strided_slice %convert_element_type3A_31 {offsets = [0, 31], sizes = [1024, 1], strides = [1, 1]} : vector<1024x32xf32> to vector<1024x1xf32>
    %slice3A_185 = vector.extract_strided_slice %convert_element_type3A_26 {offsets = [0, 1984], sizes = [1024, 64], strides = [1, 1]} : vector<1024x2048xf32> to vector<1024x64xf32>
    %mul3A_186 = vector.broadcast %slice3A_184 : vector<1024x1xf32> to vector<1024x64xf32>
    %mul3A_187 = arith.mulf %mul3A_186, %slice3A_185 : vector<1024x64xf32>
    %add3A_188 = arith.addf %add3A_183, %mul3A_187 : vector<1024x64xf32>
    %mul3A_189 = arith.constant 1024 : i32
    %mul3A_190 = arith.muli %arg0, %mul3A_189 : i32
    %add3A_191 = arith.constant 0 : i32
    %add3A_192 = arith.addi %add3A_191, %mul3A_190 : i32
    %iota3A = tpu.iota {dimensions = array<i32: 0>} : vector<1024x1xi32>
    %add3A_193 = vector.broadcast %add3A_192 : i32 to vector<1024x1xi32>
    %add3A_194 = arith.addi %add3A_193, %iota3A : vector<1024x1xi32>
    %lt3A = arith.constant 160000 : i32
    %lt3A_195 = vector.broadcast %lt3A : i32 to vector<1024x1xi32>
    %lt3A_196 = arith.cmpi slt, %add3A_194, %lt3A_195 : vector<1024x1xi32>
    %jit3A = arith.constant 0.000000e+00 : f32
    %broadcast_in_dim3A = vector.shape_cast %lt3A_196 : vector<1024x1xi1> to vector<1024x1xi1>
    %broadcast_in_dim3A_197 = vector.broadcast %broadcast_in_dim3A : vector<1024x1xi1> to vector<1024x64xi1>
    %broadcast_in_dim3A_198 = vector.broadcast %jit3A : f32 to vector<1024x64xf32>
    %select_n3A = arith.select %broadcast_in_dim3A_197, %add3A_188, %broadcast_in_dim3A_198 : vector<1024x64xi1>, vector<1024x64xf32>
    %swap3A = arith.constant 0 : index
    %swap3A_199 = arith.constant 0 : index
    %swap3A_200 = vector.load %arg7[%swap3A, %swap3A_199] : memref<1024x64xf32, #tpu.memory_space<vmem>>, vector<1024x64xf32>
    tpu.vector_store %arg7[%swap3A, %swap3A_199], %select_n3A {strides = array<i32>} : memref<1024x64xf32, #tpu.memory_space<vmem>>, vector<1024x64xf32>,
    return
  }
  func.func @transform_0(%arg0: i32) -> (i32, i32) {
    %c0_i32 = arith.constant 0 : i32
    %c0_i32_0 = arith.constant 0 : i32
    return %arg0, %c0_i32 : i32, i32
  }
  func.func @transform_1(%arg0: i32) -> (i32, i32) {
    %c0_i32 = arith.constant 0 : i32
    %c0_i32_0 = arith.constant 0 : i32
    return %arg0, %c0_i32 : i32, i32
  }
  func.func @transform_2(%arg0: i32) -> (i32, i32) {
    %c0_i32 = arith.constant 0 : i32
    %c0_i32_0 = arith.constant 0 : i32
    %c0_i32_1 = arith.constant 0 : i32
    return %c0_i32, %c0_i32_0 : i32, i32
  }
  func.func @transform_3(%arg0: i32) -> (i32, i32) {
    %c0_i32 = arith.constant 0 : i32
    %c0_i32_0 = arith.constant 0 : i32
    %c0_i32_1 = arith.constant 0 : i32
    return %c0_i32, %c0_i32_0 : i32, i32
  }
  func.func @transform_4(%arg0: i32) -> (i32, i32) {
    %c0_i32 = arith.constant 0 : i32
    %c0_i32_0 = arith.constant 0 : i32
    %c0_i32_1 = arith.constant 0 : i32
    return %c0_i32, %c0_i32_0 : i32, i32
  }
  func.func @transform_5(%arg0: i32) -> (i32, i32) {
    %c0_i32 = arith.constant 0 : i32
    %c0_i32_0 = arith.constant 0 : i32
    %c0_i32_1 = arith.constant 0 : i32
    return %c0_i32, %c0_i32_0 : i32, i32
  }
  func.func @transform_6(%arg0: i32) -> (i32, i32) {
    %c0_i32 = arith.constant 0 : i32
    %c0_i32_0 = arith.constant 0 : i32
    return %arg0, %c0_i32 : i32, i32
  }
}

module attributes {stable_mosaic.version = 14 : i64} {
  func.func @_edge_body(%arg0: i32, %arg1: memref<1024x4xf32, #tpu.memory_space<vmem>>, %arg2: memref<1024x32xf32, #tpu.memory_space<vmem>>, %arg3: memref<4x128xf32, #tpu.memory_space<vmem>>, %arg4: memref<1x128xf32, #tpu.memory_space<vmem>>, %arg5: memref<128x2048xf32, #tpu.memory_space<vmem>>, %arg6: memref<1x2048xf32, #tpu.memory_space<vmem>>, %arg7: memref<1024x64xf32, #tpu.memory_space<vmem>>) attributes {dimension_semantics = [#tpu.dimension_semantics<arbitrary>], iteration_bounds = array<i64: 80>, scalar_prefetch = 0 : i64, scratch_operands = 0 : i64, tpu.core_type = #tpu.core_type<tc>, window_params = [{transform_indices = @transform_0, window_bounds = array<i64: 1024, 4>}, {transform_indices = @transform_1, window_bounds = array<i64: 1024, 32>}, {pipeline_mode = #tpu.pipeline_mode<synchronous>, transform_indices = @transform_2, window_bounds = array<i64: 4, 128>}, {pipeline_mode = #tpu.pipeline_mode<synchronous>, transform_indices = @transform_3, window_bounds = array<i64: 1, 128>}, {pipeline_mode = #tpu.pipeline_mode<synchronous>, transform_indices = @transform_4, window_bounds = array<i64: 128, 2048>}, {pipeline_mode = #tpu.pipeline_mode<synchronous>, transform_indices = @transform_5, window_bounds = array<i64: 1, 2048>}, {transform_indices = @transform_6, window_bounds = array<i64: 1024, 64>}]} {
    %get3A = arith.constant 0 : index
    %get3A_0 = arith.constant 0 : index
    %get3A_1 = vector.load %arg1[%get3A, %get3A_0] : memref<1024x4xf32, #tpu.memory_space<vmem>>, vector<1024x4xf32>
    %get3A_2 = arith.constant 0 : index
    %get3A_3 = arith.constant 0 : index
    %get3A_4 = vector.load %arg3[%get3A_2, %get3A_3] : memref<4x128xf32, #tpu.memory_space<vmem>>, vector<4x128xf32>
    %convert_element_type3A = arith.truncf %get3A_1 : vector<1024x4xf32> to vector<1024x4xbf16>
    %convert_element_type3A_5 = arith.truncf %get3A_4 : vector<4x128xf32> to vector<4x128xbf16>
    %dot_general3A = arith.constant dense<0.000000e+00> : vector<1024x128xf32>
    %dot_general3A_6 = tpu.matmul %convert_element_type3A, %convert_element_type3A_5, %dot_general3A {dimension_numbers = #tpu.dot_dimension_numbers<[1], [0], [0], [1], [0, 0, 1, 1], [], []>, transpose_lhs_hint = false} : vector<1024x4xbf16>, vector<4x128xbf16>, vector<1024x128xf32> -> vector<1024x128xf32>
    %get3A_7 = arith.constant 0 : index
    %get3A_8 = arith.constant 0 : index
    %get3A_9 = vector.load %arg4[%get3A_7, %get3A_8] : memref<1x128xf32, #tpu.memory_space<vmem>>, vector<1x128xf32>
    %add3A = vector.broadcast %get3A_9 : vector<1x128xf32> to vector<1024x128xf32>
    %add3A_10 = arith.addf %dot_general3A_6, %add3A : vector<1024x128xf32>
    %max3A = arith.constant 0.000000e+00 : f32
    %max3A_11 = vector.broadcast %max3A : f32 to vector<1024x128xf32>
    %max3A_12 = arith.maximumf %add3A_10, %max3A_11 : vector<1024x128xf32>
    %get3A_13 = arith.constant 0 : index
    %get3A_14 = arith.constant 0 : index
    %get3A_15 = vector.load %arg5[%get3A_13, %get3A_14] : memref<128x2048xf32, #tpu.memory_space<vmem>>, vector<128x2048xf32>
    %convert_element_type3A_16 = arith.truncf %max3A_12 : vector<1024x128xf32> to vector<1024x128xbf16>
    %convert_element_type3A_17 = arith.truncf %get3A_15 : vector<128x2048xf32> to vector<128x2048xbf16>
    %dot_general3A_18 = arith.constant dense<0.000000e+00> : vector<1024x2048xf32>
    %dot_general3A_19 = tpu.matmul %convert_element_type3A_16, %convert_element_type3A_17, %dot_general3A_18 {dimension_numbers = #tpu.dot_dimension_numbers<[1], [0], [0], [1], [0, 0, 1, 1], [], []>, transpose_lhs_hint = false} : vector<1024x128xbf16>, vector<128x2048xbf16>, vector<1024x2048xf32> -> vector<1024x2048xf32>
    %get3A_20 = arith.constant 0 : index
    %get3A_21 = arith.constant 0 : index
    %get3A_22 = vector.load %arg6[%get3A_20, %get3A_21] : memref<1x2048xf32, #tpu.memory_space<vmem>>, vector<1x2048xf32>
    %add3A_23 = vector.broadcast %get3A_22 : vector<1x2048xf32> to vector<1024x2048xf32>
    %add3A_24 = arith.addf %dot_general3A_19, %add3A_23 : vector<1024x2048xf32>
    %convert_element_type3A_25 = arith.truncf %add3A_24 : vector<1024x2048xf32> to vector<1024x2048xbf16>
    %convert_element_type3A_26 = arith.extf %convert_element_type3A_25 : vector<1024x2048xbf16> to vector<1024x2048xf32>
    %get3A_27 = arith.constant 0 : index
    %get3A_28 = arith.constant 0 : index
    %get3A_29 = vector.load %arg2[%get3A_27, %get3A_28] : memref<1024x32xf32, #tpu.memory_space<vmem>>, vector<1024x32xf32>
    %convert_element_type3A_30 = arith.truncf %get3A_29 : vector<1024x32xf32> to vector<1024x32xbf16>
    %convert_element_type3A_31 = arith.extf %convert_element_type3A_30 : vector<1024x32xbf16> to vector<1024x32xf32>
    %slice3A = vector.extract_strided_slice %convert_element_type3A_31 {offsets = [0, 0], sizes = [1024, 1], strides = [1, 1]} : vector<1024x32xf32> to vector<1024x1xf32>
    %slice3A_32 = vector.extract_strided_slice %convert_element_type3A_26 {offsets = [0, 0], sizes = [1024, 64], strides = [1, 1]} : vector<1024x2048xf32> to vector<1024x64xf32>
    %mul3A = vector.broadcast %slice3A : vector<1024x1xf32> to vector<1024x64xf32>
    %mul3A_33 = arith.mulf %mul3A, %slice3A_32 : vector<1024x64xf32>
    %slice3A_34 = vector.extract_strided_slice %convert_element_type3A_31 {offsets = [0, 1], sizes = [1024, 1], strides = [1, 1]} : vector<1024x32xf32> to vector<1024x1xf32>
    %slice3A_35 = vector.extract_strided_slice %convert_element_type3A_26 {offsets = [0, 64], sizes = [1024, 64], strides = [1, 1]} : vector<1024x2048xf32> to vector<1024x64xf32>
    %mul3A_36 = vector.broadcast %slice3A_34 : vector<1024x1xf32> to vector<1024x64xf32>
    %mul3A_37 = arith.mulf %mul3A_36, %slice3A_35 : vector<1024x64xf32>
    %add3A_38 = arith.addf %mul3A_33, %mul3A_37 : vector<1024x64xf32>
    %slice3A_39 = vector.extract_strided_slice %convert_element_type3A_31 {offsets = [0, 2], sizes = [1024, 1], strides = [1, 1]} : vector<1024x32xf32> to vector<1024x1xf32>
    %slice3A_40 = vector.extract_strided_slice %convert_element_type3A_26 {offsets = [0, 128], sizes = [1024, 64], strides = [1, 1]} : vector<1024x2048xf32> to vector<1024x64xf32>
    %mul3A_41 = vector.broadcast %slice3A_39 : vector<1024x1xf32> to vector<1024x64xf32>
    %mul3A_42 = arith.mulf %mul3A_41, %slice3A_40 : vector<1024x64xf32>
    %add3A_43 = arith.addf %add3A_38, %mul3A_42 : vector<1024x64xf32>
    %slice3A_44 = vector.extract_strided_slice %convert_element_type3A_31 {offsets = [0, 3], sizes = [1024, 1], strides = [1, 1]} : vector<1024x32xf32> to vector<1024x1xf32>
    %slice3A_45 = vector.extract_strided_slice %convert_element_type3A_26 {offsets = [0, 192], sizes = [1024, 64], strides = [1, 1]} : vector<1024x2048xf32> to vector<1024x64xf32>
    %mul3A_46 = vector.broadcast %slice3A_44 : vector<1024x1xf32> to vector<1024x64xf32>
    %mul3A_47 = arith.mulf %mul3A_46, %slice3A_45 : vector<1024x64xf32>
    %add3A_48 = arith.addf %add3A_43, %mul3A_47 : vector<1024x64xf32>
    %slice3A_49 = vector.extract_strided_slice %convert_element_type3A_31 {offsets = [0, 4], sizes = [1024, 1], strides = [1, 1]} : vector<1024x32xf32> to vector<1024x1xf32>
    %slice3A_50 = vector.extract_strided_slice %convert_element_type3A_26 {offsets = [0, 256], sizes = [1024, 64], strides = [1, 1]} : vector<1024x2048xf32> to vector<1024x64xf32>
    %mul3A_51 = vector.broadcast %slice3A_49 : vector<1024x1xf32> to vector<1024x64xf32>
    %mul3A_52 = arith.mulf %mul3A_51, %slice3A_50 : vector<1024x64xf32>
    %add3A_53 = arith.addf %add3A_48, %mul3A_52 : vector<1024x64xf32>
    %slice3A_54 = vector.extract_strided_slice %convert_element_type3A_31 {offsets = [0, 5], sizes = [1024, 1], strides = [1, 1]} : vector<1024x32xf32> to vector<1024x1xf32>
    %slice3A_55 = vector.extract_strided_slice %convert_element_type3A_26 {offsets = [0, 320], sizes = [1024, 64], strides = [1, 1]} : vector<1024x2048xf32> to vector<1024x64xf32>
    %mul3A_56 = vector.broadcast %slice3A_54 : vector<1024x1xf32> to vector<1024x64xf32>
    %mul3A_57 = arith.mulf %mul3A_56, %slice3A_55 : vector<1024x64xf32>
    %add3A_58 = arith.addf %add3A_53, %mul3A_57 : vector<1024x64xf32>
    %slice3A_59 = vector.extract_strided_slice %convert_element_type3A_31 {offsets = [0, 6], sizes = [1024, 1], strides = [1, 1]} : vector<1024x32xf32> to vector<1024x1xf32>
    %slice3A_60 = vector.extract_strided_slice %convert_element_type3A_26 {offsets = [0, 384], sizes = [1024, 64], strides = [1, 1]} : vector<1024x2048xf32> to vector<1024x64xf32>
    %mul3A_61 = vector.broadcast %slice3A_59 : vector<1024x1xf32> to vector<1024x64xf32>
    %mul3A_62 = arith.mulf %mul3A_61, %slice3A_60 : vector<1024x64xf32>
    %add3A_63 = arith.addf %add3A_58, %mul3A_62 : vector<1024x64xf32>
    %slice3A_64 = vector.extract_strided_slice %convert_element_type3A_31 {offsets = [0, 7], sizes = [1024, 1], strides = [1, 1]} : vector<1024x32xf32> to vector<1024x1xf32>
    %slice3A_65 = vector.extract_strided_slice %convert_element_type3A_26 {offsets = [0, 448], sizes = [1024, 64], strides = [1, 1]} : vector<1024x2048xf32> to vector<1024x64xf32>
    %mul3A_66 = vector.broadcast %slice3A_64 : vector<1024x1xf32> to vector<1024x64xf32>
    %mul3A_67 = arith.mulf %mul3A_66, %slice3A_65 : vector<1024x64xf32>
    %add3A_68 = arith.addf %add3A_63, %mul3A_67 : vector<1024x64xf32>
    %slice3A_69 = vector.extract_strided_slice %convert_element_type3A_31 {offsets = [0, 8], sizes = [1024, 1], strides = [1, 1]} : vector<1024x32xf32> to vector<1024x1xf32>
    %slice3A_70 = vector.extract_strided_slice %convert_element_type3A_26 {offsets = [0, 512], sizes = [1024, 64], strides = [1, 1]} : vector<1024x2048xf32> to vector<1024x64xf32>
    %mul3A_71 = vector.broadcast %slice3A_69 : vector<1024x1xf32> to vector<1024x64xf32>
    %mul3A_72 = arith.mulf %mul3A_71, %slice3A_70 : vector<1024x64xf32>
    %add3A_73 = arith.addf %add3A_68, %mul3A_72 : vector<1024x64xf32>
    %slice3A_74 = vector.extract_strided_slice %convert_element_type3A_31 {offsets = [0, 9], sizes = [1024, 1], strides = [1, 1]} : vector<1024x32xf32> to vector<1024x1xf32>
    %slice3A_75 = vector.extract_strided_slice %convert_element_type3A_26 {offsets = [0, 576], sizes = [1024, 64], strides = [1, 1]} : vector<1024x2048xf32> to vector<1024x64xf32>
    %mul3A_76 = vector.broadcast %slice3A_74 : vector<1024x1xf32> to vector<1024x64xf32>
    %mul3A_77 = arith.mulf %mul3A_76, %slice3A_75 : vector<1024x64xf32>
    %add3A_78 = arith.addf %add3A_73, %mul3A_77 : vector<1024x64xf32>
    %slice3A_79 = vector.extract_strided_slice %convert_element_type3A_31 {offsets = [0, 10], sizes = [1024, 1], strides = [1, 1]} : vector<1024x32xf32> to vector<1024x1xf32>
    %slice3A_80 = vector.extract_strided_slice %convert_element_type3A_26 {offsets = [0, 640], sizes = [1024, 64], strides = [1, 1]} : vector<1024x2048xf32> to vector<1024x64xf32>
    %mul3A_81 = vector.broadcast %slice3A_79 : vector<1024x1xf32> to vector<1024x64xf32>
    %mul3A_82 = arith.mulf %mul3A_81, %slice3A_80 : vector<1024x64xf32>
    %add3A_83 = arith.addf %add3A_78, %mul3A_82 : vector<1024x64xf32>
    %slice3A_84 = vector.extract_strided_slice %convert_element_type3A_31 {offsets = [0, 11], sizes = [1024, 1], strides = [1, 1]} : vector<1024x32xf32> to vector<1024x1xf32>
    %slice3A_85 = vector.extract_strided_slice %convert_element_type3A_26 {offsets = [0, 704], sizes = [1024, 64], strides = [1, 1]} : vector<1024x2048xf32> to vector<1024x64xf32>
    %mul3A_86 = vector.broadcast %slice3A_84 : vector<1024x1xf32> to vector<1024x64xf32>
    %mul3A_87 = arith.mulf %mul3A_86, %slice3A_85 : vector<1024x64xf32>
    %add3A_88 = arith.addf %add3A_83, %mul3A_87 : vector<1024x64xf32>
    %slice3A_89 = vector.extract_strided_slice %convert_element_type3A_31 {offsets = [0, 12], sizes = [1024, 1], strides = [1, 1]} : vector<1024x32xf32> to vector<1024x1xf32>
    %slice3A_90 = vector.extract_strided_slice %convert_element_type3A_26 {offsets = [0, 768], sizes = [1024, 64], strides = [1, 1]} : vector<1024x2048xf32> to vector<1024x64xf32>
    %mul3A_91 = vector.broadcast %slice3A_89 : vector<1024x1xf32> to vector<1024x64xf32>
    %mul3A_92 = arith.mulf %mul3A_91, %slice3A_90 : vector<1024x64xf32>
    %add3A_93 = arith.addf %add3A_88, %mul3A_92 : vector<1024x64xf32>
    %slice3A_94 = vector.extract_strided_slice %convert_element_type3A_31 {offsets = [0, 13], sizes = [1024, 1], strides = [1, 1]} : vector<1024x32xf32> to vector<1024x1xf32>
    %slice3A_95 = vector.extract_strided_slice %convert_element_type3A_26 {offsets = [0, 832], sizes = [1024, 64], strides = [1, 1]} : vector<1024x2048xf32> to vector<1024x64xf32>
    %mul3A_96 = vector.broadcast %slice3A_94 : vector<1024x1xf32> to vector<1024x64xf32>
    %mul3A_97 = arith.mulf %mul3A_96, %slice3A_95 : vector<1024x64xf32>
    %add3A_98 = arith.addf %add3A_93, %mul3A_97 : vector<1024x64xf32>
    %slice3A_99 = vector.extract_strided_slice %convert_element_type3A_31 {offsets = [0, 14], sizes = [1024, 1], strides = [1, 1]} : vector<1024x32xf32> to vector<1024x1xf32>
    %slice3A_100 = vector.extract_strided_slice %convert_element_type3A_26 {offsets = [0, 896], sizes = [1024, 64], strides = [1, 1]} : vector<1024x2048xf32> to vector<1024x64xf32>
    %mul3A_101 = vector.broadcast %slice3A_99 : vector<1024x1xf32> to vector<1024x64xf32>
    %mul3A_102 = arith.mulf %mul3A_101, %slice3A_100 : vector<1024x64xf32>
    %add3A_103 = arith.addf %add3A_98, %mul3A_102 : vector<1024x64xf32>
    %slice3A_104 = vector.extract_strided_slice %convert_element_type3A_31 {offsets = [0, 15], sizes = [1024, 1], strides = [1, 1]} : vector<1024x32xf32> to vector<1024x1xf32>
    %slice3A_105 = vector.extract_strided_slice %convert_element_type3A_26 {offsets = [0, 960], sizes = [1024, 64], strides = [1, 1]} : vector<1024x2048xf32> to vector<1024x64xf32>
    %mul3A_106 = vector.broadcast %slice3A_104 : vector<1024x1xf32> to vector<1024x64xf32>
    %mul3A_107 = arith.mulf %mul3A_106, %slice3A_105 : vector<1024x64xf32>
    %add3A_108 = arith.addf %add3A_103, %mul3A_107 : vector<1024x64xf32>
    %slice3A_109 = vector.extract_strided_slice %convert_element_type3A_31 {offsets = [0, 16], sizes = [1024, 1], strides = [1, 1]} : vector<1024x32xf32> to vector<1024x1xf32>
    %slice3A_110 = vector.extract_strided_slice %convert_element_type3A_26 {offsets = [0, 1024], sizes = [1024, 64], strides = [1, 1]} : vector<1024x2048xf32> to vector<1024x64xf32>
    %mul3A_111 = vector.broadcast %slice3A_109 : vector<1024x1xf32> to vector<1024x64xf32>
    %mul3A_112 = arith.mulf %mul3A_111, %slice3A_110 : vector<1024x64xf32>
    %add3A_113 = arith.addf %add3A_108, %mul3A_112 : vector<1024x64xf32>
    %slice3A_114 = vector.extract_strided_slice %convert_element_type3A_31 {offsets = [0, 17], sizes = [1024, 1], strides = [1, 1]} : vector<1024x32xf32> to vector<1024x1xf32>
    %slice3A_115 = vector.extract_strided_slice %convert_element_type3A_26 {offsets = [0, 1088], sizes = [1024, 64], strides = [1, 1]} : vector<1024x2048xf32> to vector<1024x64xf32>
    %mul3A_116 = vector.broadcast %slice3A_114 : vector<1024x1xf32> to vector<1024x64xf32>
    %mul3A_117 = arith.mulf %mul3A_116, %slice3A_115 : vector<1024x64xf32>
    %add3A_118 = arith.addf %add3A_113, %mul3A_117 : vector<1024x64xf32>
    %slice3A_119 = vector.extract_strided_slice %convert_element_type3A_31 {offsets = [0, 18], sizes = [1024, 1], strides = [1, 1]} : vector<1024x32xf32> to vector<1024x1xf32>
    %slice3A_120 = vector.extract_strided_slice %convert_element_type3A_26 {offsets = [0, 1152], sizes = [1024, 64], strides = [1, 1]} : vector<1024x2048xf32> to vector<1024x64xf32>
    %mul3A_121 = vector.broadcast %slice3A_119 : vector<1024x1xf32> to vector<1024x64xf32>
    %mul3A_122 = arith.mulf %mul3A_121, %slice3A_120 : vector<1024x64xf32>
    %add3A_123 = arith.addf %add3A_118, %mul3A_122 : vector<1024x64xf32>
    %slice3A_124 = vector.extract_strided_slice %convert_element_type3A_31 {offsets = [0, 19], sizes = [1024, 1], strides = [1, 1]} : vector<1024x32xf32> to vector<1024x1xf32>
    %slice3A_125 = vector.extract_strided_slice %convert_element_type3A_26 {offsets = [0, 1216], sizes = [1024, 64], strides = [1, 1]} : vector<1024x2048xf32> to vector<1024x64xf32>
    %mul3A_126 = vector.broadcast %slice3A_124 : vector<1024x1xf32> to vector<1024x64xf32>
    %mul3A_127 = arith.mulf %mul3A_126, %slice3A_125 : vector<1024x64xf32>
    %add3A_128 = arith.addf %add3A_123, %mul3A_127 : vector<1024x64xf32>
    %slice3A_129 = vector.extract_strided_slice %convert_element_type3A_31 {offsets = [0, 20], sizes = [1024, 1], strides = [1, 1]} : vector<1024x32xf32> to vector<1024x1xf32>
    %slice3A_130 = vector.extract_strided_slice %convert_element_type3A_26 {offsets = [0, 1280], sizes = [1024, 64], strides = [1, 1]} : vector<1024x2048xf32> to vector<1024x64xf32>
    %mul3A_131 = vector.broadcast %slice3A_129 : vector<1024x1xf32> to vector<1024x64xf32>
    %mul3A_132 = arith.mulf %mul3A_131, %slice3A_130 : vector<1024x64xf32>
    %add3A_133 = arith.addf %add3A_128, %mul3A_132 : vector<1024x64xf32>
    %slice3A_134 = vector.extract_strided_slice %convert_element_type3A_31 {offsets = [0, 21], sizes = [1024, 1], strides = [1, 1]} : vector<1024x32xf32> to vector<1024x1xf32>
    %slice3A_135 = vector.extract_strided_slice %convert_element_type3A_26 {offsets = [0, 1344], sizes = [1024, 64], strides = [1, 1]} : vector<1024x2048xf32> to vector<1024x64xf32>
    %mul3A_136 = vector.broadcast %slice3A_134 : vector<1024x1xf32> to vector<1024x64xf32>
    %mul3A_137 = arith.mulf %mul3A_136, %slice3A_135 : vector<1024x64xf32>
    %add3A_138 = arith.addf %add3A_133, %mul3A_137 : vector<1024x64xf32>
    %slice3A_139 = vector.extract_strided_slice %convert_element_type3A_31 {offsets = [0, 22], sizes = [1024, 1], strides = [1, 1]} : vector<1024x32xf32> to vector<1024x1xf32>
    %slice3A_140 = vector.extract_strided_slice %convert_element_type3A_26 {offsets = [0, 1408], sizes = [1024, 64], strides = [1, 1]} : vector<1024x2048xf32> to vector<1024x64xf32>
    %mul3A_141 = vector.broadcast %slice3A_139 : vector<1024x1xf32> to vector<1024x64xf32>
    %mul3A_142 = arith.mulf %mul3A_141, %slice3A_140 : vector<1024x64xf32>
    %add3A_143 = arith.addf %add3A_138, %mul3A_142 : vector<1024x64xf32>
    %slice3A_144 = vector.extract_strided_slice %convert_element_type3A_31 {offsets = [0, 23], sizes = [1024, 1], strides = [1, 1]} : vector<1024x32xf32> to vector<1024x1xf32>
    %slice3A_145 = vector.extract_strided_slice %convert_element_type3A_26 {offsets = [0, 1472], sizes = [1024, 64], strides = [1, 1]} : vector<1024x2048xf32> to vector<1024x64xf32>
    %mul3A_146 = vector.broadcast %slice3A_144 : vector<1024x1xf32> to vector<1024x64xf32>
    %mul3A_147 = arith.mulf %mul3A_146, %slice3A_145 : vector<1024x64xf32>
    %add3A_148 = arith.addf %add3A_143, %mul3A_147 : vector<1024x64xf32>
    %slice3A_149 = vector.extract_strided_slice %convert_element_type3A_31 {offsets = [0, 24], sizes = [1024, 1], strides = [1, 1]} : vector<1024x32xf32> to vector<1024x1xf32>
    %slice3A_150 = vector.extract_strided_slice %convert_element_type3A_26 {offsets = [0, 1536], sizes = [1024, 64], strides = [1, 1]} : vector<1024x2048xf32> to vector<1024x64xf32>
    %mul3A_151 = vector.broadcast %slice3A_149 : vector<1024x1xf32> to vector<1024x64xf32>
    %mul3A_152 = arith.mulf %mul3A_151, %slice3A_150 : vector<1024x64xf32>
    %add3A_153 = arith.addf %add3A_148, %mul3A_152 : vector<1024x64xf32>
    %slice3A_154 = vector.extract_strided_slice %convert_element_type3A_31 {offsets = [0, 25], sizes = [1024, 1], strides = [1, 1]} : vector<1024x32xf32> to vector<1024x1xf32>
    %slice3A_155 = vector.extract_strided_slice %convert_element_type3A_26 {offsets = [0, 1600], sizes = [1024, 64], strides = [1, 1]} : vector<1024x2048xf32> to vector<1024x64xf32>
    %mul3A_156 = vector.broadcast %slice3A_154 : vector<1024x1xf32> to vector<1024x64xf32>
    %mul3A_157 = arith.mulf %mul3A_156, %slice3A_155 : vector<1024x64xf32>
    %add3A_158 = arith.addf %add3A_153, %mul3A_157 : vector<1024x64xf32>
    %slice3A_159 = vector.extract_strided_slice %convert_element_type3A_31 {offsets = [0, 26], sizes = [1024, 1], strides = [1, 1]} : vector<1024x32xf32> to vector<1024x1xf32>
    %slice3A_160 = vector.extract_strided_slice %convert_element_type3A_26 {offsets = [0, 1664], sizes = [1024, 64], strides = [1, 1]} : vector<1024x2048xf32> to vector<1024x64xf32>
    %mul3A_161 = vector.broadcast %slice3A_159 : vector<1024x1xf32> to vector<1024x64xf32>
    %mul3A_162 = arith.mulf %mul3A_161, %slice3A_160 : vector<1024x64xf32>
    %add3A_163 = arith.addf %add3A_158, %mul3A_162 : vector<1024x64xf32>
    %slice3A_164 = vector.extract_strided_slice %convert_element_type3A_31 {offsets = [0, 27], sizes = [1024, 1], strides = [1, 1]} : vector<1024x32xf32> to vector<1024x1xf32>
    %slice3A_165 = vector.extract_strided_slice %convert_element_type3A_26 {offsets = [0, 1728], sizes = [1024, 64], strides = [1, 1]} : vector<1024x2048xf32> to vector<1024x64xf32>
    %mul3A_166 = vector.broadcast %slice3A_164 : vector<1024x1xf32> to vector<1024x64xf32>
    %mul3A_167 = arith.mulf %mul3A_166, %slice3A_165 : vector<1024x64xf32>
    %add3A_168 = arith.addf %add3A_163, %mul3A_167 : vector<1024x64xf32>
    %slice3A_169 = vector.extract_strided_slice %convert_element_type3A_31 {offsets = [0, 28], sizes = [1024, 1], strides = [1, 1]} : vector<1024x32xf32> to vector<1024x1xf32>
    %slice3A_170 = vector.extract_strided_slice %convert_element_type3A_26 {offsets = [0, 1792], sizes = [1024, 64], strides = [1, 1]} : vector<1024x2048xf32> to vector<1024x64xf32>
    %mul3A_171 = vector.broadcast %slice3A_169 : vector<1024x1xf32> to vector<1024x64xf32>
    %mul3A_172 = arith.mulf %mul3A_171, %slice3A_170 : vector<1024x64xf32>
    %add3A_173 = arith.addf %add3A_168, %mul3A_172 : vector<1024x64xf32>
    %slice3A_174 = vector.extract_strided_slice %convert_element_type3A_31 {offsets = [0, 29], sizes = [1024, 1], strides = [1, 1]} : vector<1024x32xf32> to vector<1024x1xf32>
    %slice3A_175 = vector.extract_strided_slice %convert_element_type3A_26 {offsets = [0, 1856], sizes = [1024, 64], strides = [1, 1]} : vector<1024x2048xf32> to vector<1024x64xf32>
    %mul3A_176 = vector.broadcast %slice3A_174 : vector<1024x1xf32> to vector<1024x64xf32>
    %mul3A_177 = arith.mulf %mul3A_176, %slice3A_175 : vector<1024x64xf32>
    %add3A_178 = arith.addf %add3A_173, %mul3A_177 : vector<1024x64xf32>
    %slice3A_179 = vector.extract_strided_slice %convert_element_type3A_31 {offsets = [0, 30], sizes = [1024, 1], strides = [1, 1]} : vector<1024x32xf32> to vector<1024x1xf32>
    %slice3A_180 = vector.extract_strided_slice %convert_element_type3A_26 {offsets = [0, 1920], sizes = [1024, 64], strides = [1, 1]} : vector<1024x2048xf32> to vector<1024x64xf32>
    %mul3A_181 = vector.broadcast %slice3A_179 : vector<1024x1xf32> to vector<1024x64xf32>
    %mul3A_182 = arith.mulf %mul3A_181, %slice3A_180 : vector<1024x64xf32>
    %add3A_183 = arith.addf %add3A_178, %mul3A_182 : vector<1024x64xf32>
    %slice3A_184 = vector.extract_strided_slice %convert_element_type3A_31 {offsets = [0, 31], sizes = [1024, 1], strides = [1, 1]} : vector<1024x32xf32> to vector<1024x1xf32>
    %slice3A_185 = vector.extract_strided_slice %convert_element_type3A_26 {offsets = [0, 1984], sizes = [1024, 64], strides = [1, 1]} : vector<1024x2048xf32> to vector<1024x64xf32>
    %mul3A_186 = vector.broadcast %slice3A_184 : vector<1024x1xf32> to vector<1024x64xf32>
    %mul3A_187 = arith.mulf %mul3A_186, %slice3A_185 : vector<1024x64xf32>
    %add3A_188 = arith.addf %add3A_183, %mul3A_187 : vector<1024x64xf32>
    %mul3A_189 = arith.constant 1024 : i32
    %mul3A_190 = arith.muli %arg0, %mul3A_189 : i32
    %add3A_191 = arith.constant 81920 : i32
    %add3A_192 = arith.addi %add3A_191, %mul3A_190 : i32
    %iota3A = tpu.iota {dimensions = array<i32: 0>} : vector<1024x1xi32>
    %add3A_193 = vector.broadcast %add3A_192 : i32 to vector<1024x1xi32>
    %add3A_194 = arith.addi %add3A_193, %iota3A : vector<1024x1xi32>
    %lt3A = arith.constant 160000 : i32
    %lt3A_195 = vector.broadcast %lt3A : i32 to vector<1024x1xi32>
    %lt3A_196 = arith.cmpi slt, %add3A_194, %lt3A_195 : vector<1024x1xi32>
    %jit3A = arith.constant 0.000000e+00 : f32
    %broadcast_in_dim3A = vector.shape_cast %lt3A_196 : vector<1024x1xi1> to vector<1024x1xi1>
    %broadcast_in_dim3A_197 = vector.broadcast %broadcast_in_dim3A : vector<1024x1xi1> to vector<1024x64xi1>
    %broadcast_in_dim3A_198 = vector.broadcast %jit3A : f32 to vector<1024x64xf32>
    %select_n3A = arith.select %broadcast_in_dim3A_197, %add3A_188, %broadcast_in_dim3A_198 : vector<1024x64xi1>, vector<1024x64xf32>
    %swap3A = arith.constant 0 : index
    %swap3A_199 = arith.constant 0 : index
    %swap3A_200 = vector.load %arg7[%swap3A, %swap3A_199] : memref<1024x64xf32, #tpu.memory_space<vmem>>, vector<1024x64xf32>
    tpu.vector_store %arg7[%swap3A, %swap3A_199], %select_n3A {strides = array<i32>} : memref<1024x64xf32, #tpu.memory_space<vmem>>, vector<1024x64xf32>,
    return
  }
  func.func @transform_0(%arg0: i32) -> (i32, i32) {
    %c0_i32 = arith.constant 0 : i32
    %c0_i32_0 = arith.constant 0 : i32
    return %arg0, %c0_i32 : i32, i32
  }
  func.func @transform_1(%arg0: i32) -> (i32, i32) {
    %c0_i32 = arith.constant 0 : i32
    %c0_i32_0 = arith.constant 0 : i32
    return %arg0, %c0_i32 : i32, i32
  }
  func.func @transform_2(%arg0: i32) -> (i32, i32) {
    %c0_i32 = arith.constant 0 : i32
    %c0_i32_0 = arith.constant 0 : i32
    %c0_i32_1 = arith.constant 0 : i32
    return %c0_i32, %c0_i32_0 : i32, i32
  }
  func.func @transform_3(%arg0: i32) -> (i32, i32) {
    %c0_i32 = arith.constant 0 : i32
    %c0_i32_0 = arith.constant 0 : i32
    %c0_i32_1 = arith.constant 0 : i32
    return %c0_i32, %c0_i32_0 : i32, i32
  }
  func.func @transform_4(%arg0: i32) -> (i32, i32) {
    %c0_i32 = arith.constant 0 : i32
    %c0_i32_0 = arith.constant 0 : i32
    %c0_i32_1 = arith.constant 0 : i32
    return %c0_i32, %c0_i32_0 : i32, i32
  }
  func.func @transform_5(%arg0: i32) -> (i32, i32) {
    %c0_i32 = arith.constant 0 : i32
    %c0_i32_0 = arith.constant 0 : i32
    %c0_i32_1 = arith.constant 0 : i32
    return %c0_i32, %c0_i32_0 : i32, i32
  }
  func.func @transform_6(%arg0: i32) -> (i32, i32) {
    %c0_i32 = arith.constant 0 : i32
    %c0_i32_0 = arith.constant 0 : i32
    return %arg0, %c0_i32 : i32, i32
  }
}

module attributes {stable_mosaic.version = 14 : i64} {
  func.func @_node1pool_body(%arg0: i32, %arg1: memref<1x1x1000xi32, #tpu.memory_space<vmem>>, %arg2: memref<1000x32xf32, #tpu.memory_space<vmem>>, %arg3: memref<1000x64xf32, #tpu.memory_space<vmem>>, %arg4: memref<1000x64xf32, #tpu.memory_space<vmem>>, %arg5: memref<1000x64xf32, #tpu.memory_space<vmem>>, %arg6: memref<1000x64xf32, #tpu.memory_space<vmem>>, %arg7: memref<32x64xf32, #tpu.memory_space<vmem>>, %arg8: memref<1x64xf32, #tpu.memory_space<vmem>>, %arg9: memref<1000x11xf32, #tpu.memory_space<vmem>>, %arg10: memref<64x76xf32, #tpu.memory_space<vmem>>) attributes {dimension_semantics = [#tpu.dimension_semantics<arbitrary>], iteration_bounds = array<i64: 10>, scalar_prefetch = 0 : i64, scratch_operands = 0 : i64, tpu.core_type = #tpu.core_type<tc>, window_params = [{transform_indices = @transform_0, window_bounds = array<i64: 1, 1, 1000>}, {transform_indices = @transform_1, window_bounds = array<i64: 1000, 32>}, {transform_indices = @transform_2, window_bounds = array<i64: 1000, 64>}, {transform_indices = @transform_3, window_bounds = array<i64: 1000, 64>}, {transform_indices = @transform_4, window_bounds = array<i64: 1000, 64>}, {transform_indices = @transform_5, window_bounds = array<i64: 1000, 64>}, {pipeline_mode = #tpu.pipeline_mode<synchronous>, transform_indices = @transform_6, window_bounds = array<i64: 32, 64>}, {pipeline_mode = #tpu.pipeline_mode<synchronous>, transform_indices = @transform_7, window_bounds = array<i64: 1, 64>}, {transform_indices = @transform_8, window_bounds = array<i64: 1000, 11>}, {pipeline_mode = #tpu.pipeline_mode<synchronous>, transform_indices = @transform_9, window_bounds = array<i64: 64, 76>}]} {
    %eq3A = arith.constant 0 : i32
    %eq3A_0 = arith.cmpi eq, %arg0, %eq3A : i32
    %convert_element_type3A = arith.extui %eq3A_0 : i1 to i32
    %cond3A = arith.constant 0 : i32
    %cond3A_1 = arith.cmpi ne, %convert_element_type3A, %cond3A : i32
    scf.if %cond3A_1 {
      %broadcast_in_dim3A_57 = arith.constant 0.000000e+00 : f32
      %broadcast_in_dim3A_58 = vector.broadcast %broadcast_in_dim3A_57 : f32 to vector<64x76xf32>
      %swap3A_59 = arith.constant 0 : index
      %swap3A_60 = arith.constant 0 : index
      %swap3A_61 = vector.load %arg10[%swap3A_59, %swap3A_60] : memref<64x76xf32, #tpu.memory_space<vmem>>, vector<64x76xf32>
      tpu.vector_store %arg10[%swap3A_59, %swap3A_60], %broadcast_in_dim3A_58 {strides = array<i32>} : memref<64x76xf32, #tpu.memory_space<vmem>>, vector<64x76xf32>,
    } else {
    }
    %get3A = arith.constant 0 : index
    %get3A_2 = arith.constant 0 : index
    %get3A_3 = vector.load %arg2[%get3A, %get3A_2] : memref<1000x32xf32, #tpu.memory_space<vmem>>, vector<1000x32xf32>
    %get3A_4 = arith.constant 0 : index
    %get3A_5 = arith.constant 0 : index
    %get3A_6 = vector.load %arg7[%get3A_4, %get3A_5] : memref<32x64xf32, #tpu.memory_space<vmem>>, vector<32x64xf32>
    %convert_element_type3A_7 = arith.truncf %get3A_3 : vector<1000x32xf32> to vector<1000x32xbf16>
    %convert_element_type3A_8 = arith.truncf %get3A_6 : vector<32x64xf32> to vector<32x64xbf16>
    %dot_general3A = arith.constant dense<0.000000e+00> : vector<1000x64xf32>
    %dot_general3A_9 = tpu.matmul %convert_element_type3A_7, %convert_element_type3A_8, %dot_general3A {dimension_numbers = #tpu.dot_dimension_numbers<[1], [0], [0], [1], [0, 0, 1, 1], [], []>, transpose_lhs_hint = false} : vector<1000x32xbf16>, vector<32x64xbf16>, vector<1000x64xf32> -> vector<1000x64xf32>
    %get3A_10 = arith.constant 0 : index
    %get3A_11 = arith.constant 0 : index
    %get3A_12 = vector.load %arg3[%get3A_10, %get3A_11] : memref<1000x64xf32, #tpu.memory_space<vmem>>, vector<1000x64xf32>
    %get3A_13 = arith.constant 0 : index
    %get3A_14 = arith.constant 0 : index
    %get3A_15 = vector.load %arg4[%get3A_13, %get3A_14] : memref<1000x64xf32, #tpu.memory_space<vmem>>, vector<1000x64xf32>
    %add3A = arith.addf %get3A_12, %get3A_15 : vector<1000x64xf32>
    %add3A_16 = arith.addf %dot_general3A_9, %add3A : vector<1000x64xf32>
    %get3A_17 = arith.constant 0 : index
    %get3A_18 = arith.constant 0 : index
    %get3A_19 = vector.load %arg5[%get3A_17, %get3A_18] : memref<1000x64xf32, #tpu.memory_space<vmem>>, vector<1000x64xf32>
    %get3A_20 = arith.constant 0 : index
    %get3A_21 = arith.constant 0 : index
    %get3A_22 = vector.load %arg6[%get3A_20, %get3A_21] : memref<1000x64xf32, #tpu.memory_space<vmem>>, vector<1000x64xf32>
    %add3A_23 = arith.addf %get3A_19, %get3A_22 : vector<1000x64xf32>
    %add3A_24 = arith.addf %add3A_16, %add3A_23 : vector<1000x64xf32>
    %get3A_25 = arith.constant 0 : index
    %get3A_26 = arith.constant 0 : index
    %get3A_27 = vector.load %arg8[%get3A_25, %get3A_26] : memref<1x64xf32, #tpu.memory_space<vmem>>, vector<1x64xf32>
    %add3A_28 = vector.broadcast %get3A_27 : vector<1x64xf32> to vector<1000x64xf32>
    %add3A_29 = arith.addf %add3A_24, %add3A_28 : vector<1000x64xf32>
    %gt3A = arith.constant 0.000000e+00 : f32
    %gt3A_30 = vector.broadcast %gt3A : f32 to vector<1000x64xf32>
    %gt3A_31 = arith.cmpf ogt, %add3A_29, %gt3A_30 : vector<1000x64xf32>
    %min3A = arith.constant 0.000000e+00 : f32
    %min3A_32 = vector.broadcast %min3A : f32 to vector<1000x64xf32>
    %min3A_33 = arith.minimumf %add3A_29, %min3A_32 : vector<1000x64xf32>
    %exp3A = math.exp %min3A_33 : vector<1000x64xf32>
    %sub3A = arith.constant 1.000000e+00 : f32
    %sub3A_34 = vector.broadcast %sub3A : f32 to vector<1000x64xf32>
    %sub3A_35 = arith.subf %exp3A, %sub3A_34 : vector<1000x64xf32>
    %select_n3A = arith.select %gt3A_31, %add3A_29, %sub3A_35 : vector<1000x64xi1>, vector<1000x64xf32>
    %get3A_36 = arith.constant 0 : index
    %get3A_37 = arith.constant 0 : index
    %get3A_38 = vector.load %arg9[%get3A_36, %get3A_37] : memref<1000x11xf32, #tpu.memory_space<vmem>>, vector<1000x11xf32>
    %broadcast_in_dim3A = arith.constant 1.000000e+00 : f32
    %broadcast_in_dim3A_39 = vector.broadcast %broadcast_in_dim3A : f32 to vector<1000x1xf32>
    %concatenate3A = tpu.concatenate %select_n3A, %get3A_38, %broadcast_in_dim3A_39 in 1 : vector<1000x64xf32>, vector<1000x11xf32>, vector<1000x1xf32> -> vector<1000x76xf32>
    %get3A_40 = arith.constant 0 : index
    %get3A_41 = arith.constant 0 : index
    %get3A_42 = arith.constant 0 : index
    %get3A_43 = vector.load %arg1[%get3A_40, %get3A_41, %get3A_42] : memref<1x1x1000xi32, #tpu.memory_space<vmem>>, vector<1x1x1000xi32>
    %get3A_44 = vector.shape_cast %get3A_43 : vector<1x1x1000xi32> to vector<1x1000xi32>
    %iota3A = tpu.iota {dimensions = array<i32: 0>} : vector<64x1000xi32>
    %eq3A_45 = vector.broadcast %get3A_44 : vector<1x1000xi32> to vector<64x1000xi32>
    %eq3A_46 = arith.cmpi eq, %iota3A, %eq3A_45 : vector<64x1000xi32>
    %convert_element_type3A_47 = arith.extui %eq3A_46 : vector<64x1000xi1> to vector<64x1000xi32>
    %convert_element_type3A_48 = arith.sitofp %convert_element_type3A_47 : vector<64x1000xi32> to vector<64x1000xf32>
    %get3A_49 = arith.constant 0 : index
    %get3A_50 = arith.constant 0 : index
    %get3A_51 = vector.load %arg10[%get3A_49, %get3A_50] : memref<64x76xf32, #tpu.memory_space<vmem>>, vector<64x76xf32>
    %dot_general3A_52 = arith.constant dense<0.000000e+00> : vector<64x76xf32>
    %dot_general3A_53 = tpu.matmul %convert_element_type3A_48, %concatenate3A, %dot_general3A_52 {dimension_numbers = #tpu.dot_dimension_numbers<[1], [0], [0], [1], [0, 0, 1, 1], [], []>, precision = #tpu.contract_precision<fp32>, transpose_lhs_hint = false} : vector<64x1000xf32>, vector<1000x76xf32>, vector<64x76xf32> -> vector<64x76xf32>
    %add3A_54 = arith.addf %get3A_51, %dot_general3A_53 : vector<64x76xf32>
    %swap3A = arith.constant 0 : index
    %swap3A_55 = arith.constant 0 : index
    %swap3A_56 = vector.load %arg10[%swap3A, %swap3A_55] : memref<64x76xf32, #tpu.memory_space<vmem>>, vector<64x76xf32>
    tpu.vector_store %arg10[%swap3A, %swap3A_55], %add3A_54 {strides = array<i32>} : memref<64x76xf32, #tpu.memory_space<vmem>>, vector<64x76xf32>,
    return
  }
  func.func @transform_0(%arg0: i32) -> (i32, i32, i32) {
    %c0_i32 = arith.constant 0 : i32
    %c0_i32_0 = arith.constant 0 : i32
    %c0_i32_1 = arith.constant 0 : i32
    return %arg0, %c0_i32, %c0_i32_0 : i32, i32, i32
  }
  func.func @transform_1(%arg0: i32) -> (i32, i32) {
    %c0_i32 = arith.constant 0 : i32
    %c0_i32_0 = arith.constant 0 : i32
    return %arg0, %c0_i32 : i32, i32
  }
  func.func @transform_2(%arg0: i32) -> (i32, i32) {
    %c0_i32 = arith.constant 0 : i32
    %c0_i32_0 = arith.constant 0 : i32
    return %arg0, %c0_i32 : i32, i32
  }
  func.func @transform_3(%arg0: i32) -> (i32, i32) {
    %c0_i32 = arith.constant 0 : i32
    %c0_i32_0 = arith.constant 0 : i32
    return %arg0, %c0_i32 : i32, i32
  }
  func.func @transform_4(%arg0: i32) -> (i32, i32) {
    %c0_i32 = arith.constant 0 : i32
    %c0_i32_0 = arith.constant 0 : i32
    return %arg0, %c0_i32 : i32, i32
  }
  func.func @transform_5(%arg0: i32) -> (i32, i32) {
    %c0_i32 = arith.constant 0 : i32
    %c0_i32_0 = arith.constant 0 : i32
    return %arg0, %c0_i32 : i32, i32
  }
  func.func @transform_6(%arg0: i32) -> (i32, i32) {
    %c0_i32 = arith.constant 0 : i32
    %c0_i32_0 = arith.constant 0 : i32
    %c0_i32_1 = arith.constant 0 : i32
    return %c0_i32, %c0_i32_0 : i32, i32
  }
  func.func @transform_7(%arg0: i32) -> (i32, i32) {
    %c0_i32 = arith.constant 0 : i32
    %c0_i32_0 = arith.constant 0 : i32
    %c0_i32_1 = arith.constant 0 : i32
    return %c0_i32, %c0_i32_0 : i32, i32
  }
  func.func @transform_8(%arg0: i32) -> (i32, i32) {
    %c0_i32 = arith.constant 0 : i32
    %c0_i32_0 = arith.constant 0 : i32
    return %arg0, %c0_i32 : i32, i32
  }
  func.func @transform_9(%arg0: i32) -> (i32, i32) {
    %c0_i32 = arith.constant 0 : i32
    %c0_i32_0 = arith.constant 0 : i32
    %c0_i32_1 = arith.constant 0 : i32
    return %c0_i32, %c0_i32_0 : i32, i32
  }
}

module attributes {stable_mosaic.version = 14 : i64} {
  func.func @_head_body(%arg0: memref<64x76xf32, #tpu.memory_space<vmem>>, %arg1: memref<75x32xf32, #tpu.memory_space<vmem>>, %arg2: memref<1x32xf32, #tpu.memory_space<vmem>>, %arg3: memref<32x16xf32, #tpu.memory_space<vmem>>, %arg4: memref<1x16xf32, #tpu.memory_space<vmem>>, %arg5: memref<16x1xf32, #tpu.memory_space<vmem>>, %arg6: memref<1x1xf32, #tpu.memory_space<vmem>>, %arg7: memref<64x1xf32, #tpu.memory_space<vmem>>) attributes {dimension_semantics = [], scalar_prefetch = 0 : i64, scratch_operands = 0 : i64, tpu.core_type = #tpu.core_type<tc>} {
    %get3A = arith.constant 0 : index
    %get3A_0 = arith.constant 0 : index
    %get3A_1 = vector.load %arg0[%get3A, %get3A_0] : memref<64x76xf32, #tpu.memory_space<vmem>>, vector<64x76xf32>
    %slice3A = vector.extract_strided_slice %get3A_1 {offsets = [0, 0], sizes = [64, 75], strides = [1, 1]} : vector<64x76xf32> to vector<64x75xf32>
    %slice3A_2 = vector.extract_strided_slice %get3A_1 {offsets = [0, 75], sizes = [64, 1], strides = [1, 1]} : vector<64x76xf32> to vector<64x1xf32>
    %max3A = arith.constant 1.000000e+00 : f32
    %max3A_3 = vector.broadcast %max3A : f32 to vector<64x1xf32>
    %max3A_4 = arith.maximumf %slice3A_2, %max3A_3 : vector<64x1xf32>
    %div3A = vector.broadcast %max3A_4 : vector<64x1xf32> to vector<64x75xf32>
    %div3A_5 = arith.divf %slice3A, %div3A : vector<64x75xf32>
    %get3A_6 = arith.constant 0 : index
    %get3A_7 = arith.constant 0 : index
    %get3A_8 = vector.load %arg1[%get3A_6, %get3A_7] : memref<75x32xf32, #tpu.memory_space<vmem>>, vector<75x32xf32>
    %convert_element_type3A = arith.truncf %div3A_5 : vector<64x75xf32> to vector<64x75xbf16>
    %convert_element_type3A_9 = arith.truncf %get3A_8 : vector<75x32xf32> to vector<75x32xbf16>
    %dot_general3A = arith.constant dense<0.000000e+00> : vector<64x32xf32>
    %dot_general3A_10 = tpu.matmul %convert_element_type3A, %convert_element_type3A_9, %dot_general3A {dimension_numbers = #tpu.dot_dimension_numbers<[1], [0], [0], [1], [0, 0, 1, 1], [], []>, transpose_lhs_hint = false} : vector<64x75xbf16>, vector<75x32xbf16>, vector<64x32xf32> -> vector<64x32xf32>
    %get3A_11 = arith.constant 0 : index
    %get3A_12 = arith.constant 0 : index
    %get3A_13 = vector.load %arg2[%get3A_11, %get3A_12] : memref<1x32xf32, #tpu.memory_space<vmem>>, vector<1x32xf32>
    %add3A = vector.broadcast %get3A_13 : vector<1x32xf32> to vector<64x32xf32>
    %add3A_14 = arith.addf %dot_general3A_10, %add3A : vector<64x32xf32>
    %gt3A = arith.constant 0.000000e+00 : f32
    %gt3A_15 = vector.broadcast %gt3A : f32 to vector<64x32xf32>
    %gt3A_16 = arith.cmpf ogt, %add3A_14, %gt3A_15 : vector<64x32xf32>
    %min3A = arith.constant 0.000000e+00 : f32
    %min3A_17 = vector.broadcast %min3A : f32 to vector<64x32xf32>
    %min3A_18 = arith.minimumf %add3A_14, %min3A_17 : vector<64x32xf32>
    %exp3A = math.exp %min3A_18 : vector<64x32xf32>
    %sub3A = arith.constant 1.000000e+00 : f32
    %sub3A_19 = vector.broadcast %sub3A : f32 to vector<64x32xf32>
    %sub3A_20 = arith.subf %exp3A, %sub3A_19 : vector<64x32xf32>
    %select_n3A = arith.select %gt3A_16, %add3A_14, %sub3A_20 : vector<64x32xi1>, vector<64x32xf32>
    %get3A_21 = arith.constant 0 : index
    %get3A_22 = arith.constant 0 : index
    %get3A_23 = vector.load %arg3[%get3A_21, %get3A_22] : memref<32x16xf32, #tpu.memory_space<vmem>>, vector<32x16xf32>
    %convert_element_type3A_24 = arith.truncf %select_n3A : vector<64x32xf32> to vector<64x32xbf16>
    %convert_element_type3A_25 = arith.truncf %get3A_23 : vector<32x16xf32> to vector<32x16xbf16>
    %dot_general3A_26 = arith.constant dense<0.000000e+00> : vector<64x16xf32>
    %dot_general3A_27 = tpu.matmul %convert_element_type3A_24, %convert_element_type3A_25, %dot_general3A_26 {dimension_numbers = #tpu.dot_dimension_numbers<[1], [0], [0], [1], [0, 0, 1, 1], [], []>, transpose_lhs_hint = false} : vector<64x32xbf16>, vector<32x16xbf16>, vector<64x16xf32> -> vector<64x16xf32>
    %get3A_28 = arith.constant 0 : index
    %get3A_29 = arith.constant 0 : index
    %get3A_30 = vector.load %arg4[%get3A_28, %get3A_29] : memref<1x16xf32, #tpu.memory_space<vmem>>, vector<1x16xf32>
    %add3A_31 = vector.broadcast %get3A_30 : vector<1x16xf32> to vector<64x16xf32>
    %add3A_32 = arith.addf %dot_general3A_27, %add3A_31 : vector<64x16xf32>
    %gt3A_33 = arith.constant 0.000000e+00 : f32
    %gt3A_34 = vector.broadcast %gt3A_33 : f32 to vector<64x16xf32>
    %gt3A_35 = arith.cmpf ogt, %add3A_32, %gt3A_34 : vector<64x16xf32>
    %min3A_36 = arith.constant 0.000000e+00 : f32
    %min3A_37 = vector.broadcast %min3A_36 : f32 to vector<64x16xf32>
    %min3A_38 = arith.minimumf %add3A_32, %min3A_37 : vector<64x16xf32>
    %exp3A_39 = math.exp %min3A_38 : vector<64x16xf32>
    %sub3A_40 = arith.constant 1.000000e+00 : f32
    %sub3A_41 = vector.broadcast %sub3A_40 : f32 to vector<64x16xf32>
    %sub3A_42 = arith.subf %exp3A_39, %sub3A_41 : vector<64x16xf32>
    %select_n3A_43 = arith.select %gt3A_35, %add3A_32, %sub3A_42 : vector<64x16xi1>, vector<64x16xf32>
    %get3A_44 = arith.constant 0 : index
    %get3A_45 = arith.constant 0 : index
    %get3A_46 = vector.load %arg5[%get3A_44, %get3A_45] : memref<16x1xf32, #tpu.memory_space<vmem>>, vector<16x1xf32>
    %convert_element_type3A_47 = arith.truncf %select_n3A_43 : vector<64x16xf32> to vector<64x16xbf16>
    %convert_element_type3A_48 = arith.truncf %get3A_46 : vector<16x1xf32> to vector<16x1xbf16>
    %dot_general3A_49 = arith.constant dense<0.000000e+00> : vector<64x1xf32>
    %dot_general3A_50 = tpu.matmul %convert_element_type3A_47, %convert_element_type3A_48, %dot_general3A_49 {dimension_numbers = #tpu.dot_dimension_numbers<[1], [0], [0], [1], [0, 0, 1, 1], [], []>, transpose_lhs_hint = false} : vector<64x16xbf16>, vector<16x1xbf16>, vector<64x1xf32> -> vector<64x1xf32>
    %get3A_51 = arith.constant 0 : index
    %get3A_52 = arith.constant 0 : index
    %get3A_53 = vector.load %arg6[%get3A_51, %get3A_52] : memref<1x1xf32, #tpu.memory_space<vmem>>, vector<1x1xf32>
    %add3A_54 = vector.broadcast %get3A_53 : vector<1x1xf32> to vector<64x1xf32>
    %add3A_55 = arith.addf %dot_general3A_50, %add3A_54 : vector<64x1xf32>
    %swap3A = arith.constant 0 : index
    %swap3A_56 = arith.constant 0 : index
    %swap3A_57 = vector.load %arg7[%swap3A, %swap3A_56] : memref<64x1xf32, #tpu.memory_space<vmem>>, vector<64x1xf32>
    tpu.vector_store %arg7[%swap3A, %swap3A_56], %add3A_55 {strides = array<i32>} : memref<64x1xf32, #tpu.memory_space<vmem>>, vector<64x1xf32>,
    return
  }
}

</mosaic_0001>

<sc_bundles>
// kernel: kernel.13.cloned.1.call-start
scs
__scs_entry_jumppad:
0x0: {  	(pc) =	sbr.rel $0x88, $3  }
0x1: {  	(tag) =	ssettag $0x0;
	lr =	simm.s32 $0x1  }
0x2: {  	[smem:$0x3F8B] =	sst lr;
	_ =	strace $0xD0000000  }
0x3: {  	_ = 	snop  }
0x4: {  	_ = 	snop  }
0x5: {  	_ = 	snop  }
0x6: {  	_ = 	snop  }
0x7: {  	_ = 	snop  }
__scs_overlays_trampoline_lowered:
0x8: {  	[smem:$0x3F9A] =	sst s0  }
0x9: {  	[smem:$0x3F9B] =	sst s1  }
0xa: {  	[smem:$0x3F9C] =	sst s2  }
0xb: {  	[smem:$0x3F9D] =	sst s3  }
0xc: {  	[smem:$0x3F9E] =	sst s4  }
0xd: {  	[smem:$0x3F9F] =	sst s5  }
0xe: {  	[smem:$0x3FA0] =	sst s6  }
0xf: {  	[smem:$0x3FA1] =	sst s7  }
0x10: {  	[smem:$0x3FA2] =	sst s8  }
0x11: {  	[smem:$0x3FA3] =	sst s9;
	s0 =	simm.s32 @!p0 $0x0  }
0x12: {  	s1 =	sld [smem:$0x3F89];
	s0 =	simm.s32 @p0 $0x1  }
0x13: {  	[smem:$0x3FA4] =	sst s0;
	s0 =	simm.s32 @!p1 $0x0  }
0x14: {  	s2 =	sld [smem:$0x3F88];
	s0 =	simm.s32 @p1 $0x1  }
0x15: {  	[smem:$0x3FA5] =	sst s0;
	s0 =	simm.s32 @!p2 $0x0  }
0x16: {  	s3 =	sld [smem:$0x3FDB];
	s0 =	simm.s32 @p2 $0x1  }
0x17: {  	s4 =	simm.s32 $0x1BF5;
	[smem:$0x3FA7] =	sst s0  }
0x18: {  	s0 =	sld [smem:$0x3F8A];
	_ =	swait.ge [sflag:s4], $0x0  }
0x19: {  	s7 =	sld [smem:$0x3F8B]  }
0x1a: {  	s8 =	sadd.s32 $0xFFFFE003, lr  }
0x1b: {  	s9 =	sadd.s32 $0xFFFFFEF7, lr;
	s5 =	simm.s32 $0xFFFFFFFF;
	p2 =	slt.u32 s8, $0xFFFFF086  }
0x1c: {  	p1 =	slt.u32 s9, $0xF7A;
	s5 =	simm.s32 @!p2 $0x0  }
0x1d: {  	s5 =	simm.s32 @p1 $0x1;
	p0 =	seq.s32 s7, s2  }
0x1e: {  	s7 =	smul.u32 @!p0 $0xF7A, s2;
	p2 =	seq.s32 @!p0 s5, $0x0  }
0x1f: {  	s9 =	smul.u32 $0xF7A, s1;
	s8 =	simm.s32 @!p0 $0x1BF5;
	p2 =	por !p2, p0  }
0x20: {  	[sflag:s8] =	ssyncset.s32 @!p0 $0xFFFFF086;
	s6 =	sadd.s32 @!p0 s3, s7;
	s7 =	simm.s32 @!p0 $0x108  }
0x21: {  	s3 =	sadd.s32 s3, s9;
	s6 =	sadd.s32 @!p0 $0x88, s6;
	s7 =	simm.s32 @p2 $0x1082  }
0x22: {  	[simem:s7], [sflag:s8] =	dma.local @!p0 [hbm:s6], $0xF7A  }
0x23: {  	s9 =	sor.u32 $0xD0000000, s2;
	s6 =	simm.s32 $0x108;
	_ =	swait.ge @!p0 [sflag:s8], $0x0  }
0x24: {  	s3 =	sadd.s32 $0x88, s3;
	s6 =	simm.s32 @!p1 $0x1082;
	[sflag:s4] =	ssyncset.s32 $0xFFFFF086  }
0x25: {  	[simem:s6], [sflag:s4] =	dma.local [hbm:s3], $0xF7A  }
0x26: {  	[smem:$0x3F8B] =	sst s1;
	(tag) =	ssettag s2;
	_ =	strace s9  }
0x27: {  	s1 =	sld [smem:$0x3F9B]  }
0x28: {  	s2 =	sld [smem:$0x3F9C]  }
0x29: {  	s4 =	sld [smem:$0x3F9E]  }
0x2a: {  	p0 =	seq.s32 s5, $0x0;
	s5 =	sld [smem:$0x3F9F]  }
0x2b: {  	s6 =	sld [smem:$0x3FA0]  }
0x2c: {  	s7 =	sld [smem:$0x3FA1]  }
0x2d: {  	s3 =	simm.s32 $0x108;
	s8 =	sld [smem:$0x3FA2]  }
0x2e: {  	s3 =	simm.s32 @!p0 $0x1082;
	s9 =	sld [smem:$0x3FA3]  }
0x2f: {  	lr =	sadd.s32 s0, s3;
	s0 =	sld [smem:$0x3F9A]  }
0x30: {  	s3 =	sld [smem:$0x3F9D]  }
0x31: {  	[smem:$0x3FA6] =	sst s10  }
0x32: {  	s10 =	sld [smem:$0x3FA4];
	_ =	sdelay $0x3  }
0x33: {  	p0 =	seq.s32 s10, $0x1;
	s10 =	sld [smem:$0x3FA6];
	_ =	sdelay $0x3  }
0x34: {  	[smem:$0x3FA6] =	sst s10  }
0x35: {  	s10 =	sld [smem:$0x3FA5];
	_ =	sdelay $0x3  }
0x36: {  	p1 =	seq.s32 s10, $0x1;
	s10 =	sld [smem:$0x3FA6];
	_ =	sdelay $0x3  }
0x37: {  	[smem:$0x3FA6] =	sst s10  }
0x38: {  	s10 =	sld [smem:$0x3FA7]  }
0x39: {  	_ = 	snop;
	(pc) =	sbr.ind lr, $3  }
0x3a: {  	_ = 	snop  }
0x3b: {  	_ = 	snop  }
0x3c: {  	p2 =	seq.s32 s10, $0x1;
	s10 =	sld [smem:$0x3FA6]  }
0x3d: {  	_ =	shalt  }
0x3e: {  	_ =	shalt  }
0x3f: {  	_ =	shalt  }
0x40: {  	_ =	shalt  }
0x41: {  	_ =	shalt  }
0x42: {  	_ =	shalt  }
0x43: {  	_ =	shalt  }
0x44: {  	_ =	shalt  }
0x45: {  	_ =	shalt  }
0x46: {  	_ =	shalt  }
0x47: {  	_ =	shalt  }
0x48: {  	_ =	shalt  }
0x49: {  	_ =	shalt  }
0x4a: {  	_ =	shalt  }
0x4b: {  	_ =	shalt  }
0x4c: {  	_ =	shalt  }
0x4d: {  	_ =	shalt  }
0x4e: {  	_ =	shalt  }
0x4f: {  	_ =	shalt  }
0x50: {  	_ =	shalt  }
0x51: {  	_ =	shalt  }
0x52: {  	_ =	shalt  }
0x53: {  	_ =	shalt  }
0x54: {  	_ =	shalt  }
0x55: {  	_ =	shalt  }
0x56: {  	_ =	shalt  }
0x57: {  	_ =	shalt  }
0x58: {  	_ =	shalt  }
0x59: {  	_ =	shalt  }
0x5a: {  	_ =	shalt  }
0x5b: {  	_ =	shalt  }
0x5c: {  	_ =	shalt  }
0x5d: {  	_ =	shalt  }
0x5e: {  	_ =	shalt  }
0x5f: {  	_ =	shalt  }
0x60: {  	_ =	shalt  }
0x61: {  	_ =	shalt  }
0x62: {  	_ =	shalt  }
0x63: {  	_ =	shalt  }
0x64: {  	_ =	shalt  }
0x65: {  	_ =	shalt  }
0x66: {  	_ =	shalt  }
0x67: {  	_ =	shalt  }
0x68: {  	_ =	shalt  }
0x69: {  	_ =	shalt  }
0x6a: {  	_ =	shalt  }
0x6b: {  	_ =	shalt  }
0x6c: {  	_ =	shalt  }
0x6d: {  	_ =	shalt  }
0x6e: {  	_ =	shalt  }
0x6f: {  	_ =	shalt  }
0x70: {  	_ =	shalt  }
0x71: {  	_ =	shalt  }
0x72: {  	_ =	shalt  }
0x73: {  	_ =	shalt  }
0x74: {  	_ =	shalt  }
0x75: {  	_ =	shalt  }
0x76: {  	_ =	shalt  }
0x77: {  	_ =	shalt  }
0x78: {  	_ =	shalt  }
0x79: {  	_ =	shalt  }
0x7a: {  	_ =	shalt  }
0x7b: {  	_ =	shalt  }
0x7c: {  	_ =	shalt  }
0x7d: {  	_ =	shalt  }
0x7e: {  	_ =	shalt  }
0x7f: {  	_ =	shalt  }
0x80: {  	_ =	shalt  }
0x81: {  	_ =	shalt  }
0x82: {  	_ =	shalt  }
0x83: {  	_ =	shalt  }
0x84: {  	_ =	shalt  }
0x85: {  	_ =	shalt  }
0x86: {  	_ =	shalt  }
0x87: {  	_ =	shalt  }
.Lfunc_end0:
.L_simem_size_0:
called_computation_lowered:
.L_overlay_start_0:
0x88: {  	s2 =	sld [smem:$0x3FD9]  }
0x89: {  	s3 =	sld [smem:$0x3FFE];
	_ =	sdelay $0x1  }
0x8a: {  	s1 =	srdreg.scid  }
0x8b: {  	s0 =	sand.u32 $0x1, s1  }
0x8c: {  	s17 =	sshll.u32 s0, $0xA;
	s2 =	sadd.s32 s3, s2  }
0x8d: {  	s2 =	sadd.s32 s2, s17  }
0x8e: {  	[smem:$0x3FB2] =	sst s2  }
0x8f: {  	_ = 	snop  }
0x90: {  	(tm) =	ssettm $0x1  }
0x91: {  	s18 =	sld [smem:$0x3FFB];
	_ =	sdelay $0x3  }
0x92: {  	_ =	strace s18  }
0x93: {  	s2 =	sld [smem:$0x3FFC];
	_ =	sdelay $0x3  }
0x94: {  	_ =	strace s2  }
0x95: {  	s2 =	sld [smem:$0x3FFD];
	_ =	sdelay $0x3  }
0x96: {  	_ =	strace s2  }
0x97: {  	_ =	strace $0x8FFFFFFF  }
0x98: {  	s19 =	sld [smem:$0x3FDB];
	_ =	sdelay $0x1  }
0x99: {  	s20 =	simm.s32 $_scs_section_size  }
0x9a: {  	s4 =	simm.s32 $_size__tile_overlayer_lowered;
	s5 =	simm.s32 $_tile_overlayer_lowered  }
0x9b: {  	s6 =	simm.s32 $0x1BFF;
	s21 =	sshll.u32 s5, $0x1;
	s3 =	sadd.s32 s20, s19  }
0x9c: {  	s22 =	simm.s32 $0x0;
	s4 =	sshll.u32 s4, $0x1;
	s5 =	sadd.s32 s21, s3  }
0x9d: {  	[timem:s22], [sflag:s6] =	dma.local [hbm:s5], s4  }
0x9e: {  	_ =	swait.ge [sflag:s6], s4  }
0x9f: {  	s4 =	ssub.s32 $0x0, s4;
	[sflag:s6] =	ssyncset.done $0x0  }
0xa0: {  	[sflag:s6] =	ssyncadd.s32 s4;
	_ =	sdelay $0x1  }
0xa1: {  	s23 =	simm.s32 $0x1B8B  }
0xa2: {  	_ =	swait.ge [sflag:s23], $0x1  }
0xa3: {  	[sflag:s23] =	ssyncset.done $0x0  }
0xa4: {  	[sflag:s23] =	ssyncadd.s32 $0xFFFFFFFF  }
0xa5: {  	s4 =	sld [smem:$0x0]  }
0xa6: {  	s5 =	sand.u32 $0xFFFFFFFE, s1  }
0xa7: {  	p0 =	sne.s32 s1, s5  }
0xa8: {  	s5 =	sshll.u32 @p0 s5, $0xE  }
0xa9: {  	s5 =	sadd.s32 @p0 $0x11B8D, s5;
	s6 =	sshll.u32 @p0 s4, $0x11  }
0xaa: {  	s5 =	sor.u32 @p0 s6, s5  }
0xab: {  	[sflag:s5] =	ssyncadd.remote.s32 @p0 $0x1;
	_ =	sdelay $0x1  }
0xac: {  	s5 =	simm.s32 @p0 $0x1B8D  }
0xad: {  	_ =	swait.eq @p0 [sflag:s5], $0x1  }
0xae: {  	[sflag:s5] =	ssyncadd.s32 @p0 $0xFFFFFFFF  }
0xaf: {  	s6 =	sshll.u32 @!p0 s1, $0xE  }
0xb0: {  	s6 =	sor.u32 @!p0 $0x4000, s6;
	s5 =	simm.s32 @!p0 $0x1B8D  }
0xb1: {  	s4 =	sshll.u32 @!p0 s4, $0x11;
	s6 =	sadd.s32 @!p0 $0x11B8D, s6;
	_ =	swait.eq @!p0 [sflag:s5], $0x1  }
0xb2: {  	s4 =	sor.u32 @!p0 s4, s6;
	[sflag:s5] =	ssyncadd.s32 @!p0 $0xFFFFFFFF  }
0xb3: {  	s25 =	simm.s32 $0x1B8E;
	s24 =	sld [smem:$0x3FFE];
	[sflag:s4] =	ssyncadd.remote.s32 @!p0 $0x1  }
0xb4: {  	s26 =	simm.s32 $execute0_lowered;
	[smem:$0x3FD2] =	sst s25  }
0xb5: {  	s5 =	sshll.u32 s26, $0x1;
	_ =	strace $0x80000049;
	[dreg:$0x1] =	wrdreg $0xFFFFFFFF  }
0xb6: {  	s28 =	simm.s32 $_size_execute0_lowered;
	s3 =	sadd.s32 s3, s5;
	[dreg:$0x0] =	wrdreg $0x0  }
0xb7: {  	s5 =	sshll.u32 s28, $0x1;
	[dreg:$0x2] =	wrdreg s3  }
0xb8: {  	[dreg:$0x3] =	wrdreg s5  }
0xb9: {  	[dreg:$0x4] =	wrdreg $0xC0  }
0xba: {  	_ =	task [dreg:s22], $0x5FFFF  }
0xbb: {  	[dreg:$0x1] =	wrdreg $0xFFFFFFFF  }
0xbc: {  	[dreg:$0x0] =	wrdreg $0x60  }
0xbd: {  	[dreg:$0x2] =	wrdreg s24  }
0xbe: {  	[dreg:$0x3] =	wrdreg $0x9  }
0xbf: {  	_ =	task.clear_ibuf [dreg:s22], $0x4FFFF;
	_ =	strace $0x90000049  }
0xc0: {  	s29 =	simm.s32 $0x9;
	_ =	strace $0x8000004B  }
0xc1: {  	_ =	swait.ge [sflag:s29], $0x1  }
0xc2: {  	[sflag:s29] =	ssyncadd.s32 $0xFFFFFFFF  }
0xc3: {  	_ =	strace $0x9000004B  }
0xc4: {  	_ =	sfence  }
0xc5: {  	s30 =	sld [smem:$0x0];
	_ =	sdelay $0x2  }
0xc6: {  	s31 =	sshll.u32 s1, $0xD;
	s1 =	sshrl.u32 s1, $0x2  }
0xc7: {  	s4 =	sand.u32 $0x4000, s31;
	s1 =	sadd.s32 s1, s30  }
0xc8: {  	s0 =	sor.u32 s4, s0;
	s1 =	sshll.u32 s1, $0x11  }
0xc9: {  	s0 =	sor.u32 s1, s0  }
0xca: {  	s0 =	sadd.s32 $0x8F2B, s0  }
0xcb: {  	[sflag:s0] =	ssyncadd.remote.s32 $0x1  }
0xcc: {  	_ =	sfence.sel $0xFFFF  }
0xcd: {  	[dreg:$0x0] =	wrdreg $0xFFFFFFFF;
	(pc) =	sbr.abs _section_cstart, $3  }
0xce: {  	[dreg:$0x1] =	wrdreg $0xFFFFFFFF  }
0xcf: {  	_ =	task.clear_ibuf [dreg:s22], $0x2FFFF;
	_ =	strace $0x9FFFFFFF  }
0xd0: {  	(tm) =	ssettm $0x7FFFFFFF  }
0xd1: {  	_ =	shalt  }
tec
execute0_lowered:
.L_overlay_start_1:
0x0: {  	(tag) =	ssettag $0x1  }
0x1: {  	s1 =	srdreg.scid;
	s0 =	stileid.u32  }
0x2: {  	s5 =	rddreg [dreg:$0x0];
	s2 =	simm.s32 $0x0;
	s14 =	simm.s32 $0x1A00  }
0x3: {  	s15 =	simm.s32 $0x2200;
	s16 =	simm.s32 $0x1;
	s17 =	simm.s32 $0x2  }
0x4: {  	s18 =	simm.s32 $0x3;
	s19 =	simm.s32 $0x4;
	s20 =	simm.s32 $0x0  }
0x5: {  	s4 =	sand.u32 $0x1, s1;
	s1 =	rddreg [dreg:$0x1];
	s7 =	smul.u32 $0x14000, s0  }
0x6: {  	s26 =	sshll.u32 s0, $0x1;
	[smem:$0x7FF] =	sst s2;
	s8 =	smul.u32 $0x1400, s0  }
0x7: {  	s13 =	sadd.s32 $0x61C00, s5;
	s3 =	sor.u32 s4, s26;
	s10 =	smul.u32 $0xA00, s4  }
0x8: {  	_ =	strace $0x8000004A;
	s9 =	ssub.s32 $0x2, s4;
	s12 =	smul.u32 $0xA000, s4  }
0x9: {  	s6 =	smul.u32 $0xA00, s3;
	s3 =	sadd.s32 $0x2D400, s5;
	s11 =	sshrl.u32 s9, $0x1  }
0xa: {  	s28 =	ssub.s32 s9, s11;
	s8 =	sadd.s32 s10, s8;
	s29 =	sadd.s32 s12, s7  }
0xb: {  	s10 =	simm.s32 $0x5;
	s11 =	simm.s32 $0x80;
	s6 =	sshrl.u32 s6, $0x3  }
0xc: {  	s12 =	simm.s32 $0xA00;
	s30 =	sshll.u32 s8, $0x1;
	s6 =	sadd.s32 s6, s5  }
0xd: {  	s5 =	smax.u32 s28, $0x1;
	s31 =	sadd.s32 s30, s13;
	s4 =	sadd.s32 $0x5CC00, s6  }
0xe: {  	s6 =	sshrl.u32 s29, $0x3;
	s7 =	sadd.s32 $0x200, s31;
	s8 =	sadd.s32 $0x100, s31  }
0xf: {  	s9 =	sadd.s32 $0x300, s31;
	s6 =	sadd.s32 s6, s13;
	s13 =	simm.s32 $0x1200  }
.LBB2_1:
0x10: {  	[tilespmem:s2], [sflag:$0x5] =	stream.linear.gather [hbm4b:s4+s2], $0xA00, $0x38;
	[tilespmem:$0x2A00] =	vst v63  }
0x11: {  	_ =	swait.ge [sflag:s10], $0xA00  }
0x12: {  	[sflag:s10] =	ssyncset.done $0x0  }
0x13: {  	[sflag:s10] =	ssyncadd.s32 $0xFFFFF600  }
0x14: {  	[tilespmem:s12], [sflag:$0x1] =	stream.indirect.gather [hbm4b:s3+s11], $0x10, s2, s11, $0xb8;
	[tilespmem:$0x2A00] =	vst v63  }
0x15: {  	s21 =	simm.s32 $0x80  }
0x16: {  	[tilespmem:s13], [sflag:$0x2] =	stream.indirect.gather [hbm4b:s3+s11], $0x10, s21, s11, $0xb8;
	[tilespmem:$0x2A00] =	vst v63  }
0x17: {  	s25 =	simm.s32 $0x100  }
0x18: {  	[tilespmem:s14], [sflag:$0x3] =	stream.indirect.gather [hbm4b:s3+s11], $0x10, s25, s11, $0xb8;
	[tilespmem:$0x2A00] =	vst v63  }
0x19: {  	s26 =	simm.s32 $0x180  }
0x1a: {  	[tilespmem:s15], [sflag:$0x4] =	stream.indirect.gather [hbm4b:s3+s11], $0x10, s26, s11, $0xb8;
	[tilespmem:$0x2A00] =	vst v63  }
0x1b: {  	_ =	swait.ge [sflag:s16], $0x800  }
0x1c: {  	[sflag:s16] =	ssyncset.done $0x0  }
0x1d: {  	s28 =	sadd.s32 $0x0, s6;
	[sflag:s16] =	ssyncadd.s32 $0xFFFFF800  }
0x1e: {  	[hbm4b:s28+s2] =	stream.linear.scatter [tilespmem:s12], [sflag:$0x5], $0x800, $0x38;
	[tilespmem:$0x2A00] =	vst v63  }
0x1f: {  	_ =	swait.ge [sflag:s10], $0x800  }
0x20: {  	[sflag:s10] =	ssyncset.done $0x0  }
0x21: {  	[sflag:s10] =	ssyncadd.s32 $0xFFFFF800  }
0x22: {  	_ =	swait.ge [sflag:s17], $0x800  }
0x23: {  	[sflag:s17] =	ssyncset.done $0x0  }
0x24: {  	s29 =	sadd.s32 $0x0, s8;
	[sflag:s17] =	ssyncadd.s32 $0xFFFFF800  }
0x25: {  	[hbm4b:s29+s2] =	stream.linear.scatter [tilespmem:s13], [sflag:$0x5], $0x800, $0x38;
	[tilespmem:$0x2A00] =	vst v63  }
0x26: {  	_ =	swait.ge [sflag:s10], $0x800  }
0x27: {  	[sflag:s10] =	ssyncset.done $0x0  }
0x28: {  	[sflag:s10] =	ssyncadd.s32 $0xFFFFF800  }
0x29: {  	_ =	swait.ge [sflag:s18], $0x800  }
0x2a: {  	[sflag:s18] =	ssyncset.done $0x0  }
0x2b: {  	s30 =	sadd.s32 $0x0, s7;
	[sflag:s18] =	ssyncadd.s32 $0xFFFFF800  }
0x2c: {  	[hbm4b:s30+s2] =	stream.linear.scatter [tilespmem:s14], [sflag:$0x5], $0x800, $0x38;
	[tilespmem:$0x2A00] =	vst v63  }
0x2d: {  	_ =	swait.ge [sflag:s10], $0x800  }
0x2e: {  	[sflag:s10] =	ssyncset.done $0x0  }
0x2f: {  	[sflag:s10] =	ssyncadd.s32 $0xFFFFF800  }
0x30: {  	_ =	swait.ge [sflag:s19], $0x800  }
0x31: {  	[sflag:s19] =	ssyncset.done $0x0  }
0x32: {  	s31 =	sadd.s32 $0x0, s9;
	[sflag:s19] =	ssyncadd.s32 $0xFFFFF800  }
0x33: {  	[hbm4b:s31+s2] =	stream.linear.scatter [tilespmem:s15], [sflag:$0x5], $0x800, $0x38;
	[tilespmem:$0x2A00] =	vst v63  }
0x34: {  	_ =	swait.ge [sflag:s10], $0x800  }
0x35: {  	s22 =	simm.s32 $0x0;
	s21 =	simm.s32 $0x400;
	[sflag:s10] =	ssyncset.done $0x0  }
.LBB2_2:
0x36: {  	p0 =	sne.s32 s21, $0x1000;
	[sflag:s10] =	ssyncadd.s32 $0xFFFFF800;
	s22 =	sadd.s32 $0x200, s22  }
0x37: {  	[tilespmem:s12], [sflag:$0x1] =	stream.indirect.gather [hbm4b:s3+s11], $0x10, s22, s11, $0xb8;
	[tilespmem:$0x2A00] =	vst v63  }
0x38: {  	s23 =	smov.u32 s21;
	s21 =	sadd.s32 $0x400, s21;
	s24 =	sadd.s32 $0x80, s22  }
0x39: {  	[tilespmem:s13], [sflag:$0x2] =	stream.indirect.gather [hbm4b:s3+s11], $0x10, s24, s11, $0xb8;
	[tilespmem:$0x2A00] =	vst v63  }
0x3a: {  	s24 =	sadd.s32 $0x100, s22  }
0x3b: {  	[tilespmem:s14], [sflag:$0x3] =	stream.indirect.gather [hbm4b:s3+s11], $0x10, s24, s11, $0xb8;
	[tilespmem:$0x2A00] =	vst v63  }
0x3c: {  	s24 =	sadd.s32 $0x180, s22  }
0x3d: {  	[tilespmem:s15], [sflag:$0x4] =	stream.indirect.gather [hbm4b:s3+s11], $0x10, s24, s11, $0xb8;
	[tilespmem:$0x2A00] =	vst v63  }
0x3e: {  	_ =	swait.ge [sflag:s16], $0x800  }
0x3f: {  	[sflag:s16] =	ssyncset.done $0x0  }
0x40: {  	s24 =	sadd.s32 s23, s6;
	[sflag:s16] =	ssyncadd.s32 $0xFFFFF800  }
0x41: {  	[hbm4b:s24+s2] =	stream.linear.scatter [tilespmem:s12], [sflag:$0x5], $0x800, $0x38;
	[tilespmem:$0x2A00] =	vst v63  }
0x42: {  	_ =	swait.ge [sflag:s10], $0x800  }
0x43: {  	[sflag:s10] =	ssyncset.done $0x0  }
0x44: {  	[sflag:s10] =	ssyncadd.s32 $0xFFFFF800  }
0x45: {  	_ =	swait.ge [sflag:s17], $0x800  }
0x46: {  	[sflag:s17] =	ssyncset.done $0x0  }
0x47: {  	s24 =	sadd.s32 s23, s8;
	[sflag:s17] =	ssyncadd.s32 $0xFFFFF800  }
0x48: {  	[hbm4b:s24+s2] =	stream.linear.scatter [tilespmem:s13], [sflag:$0x5], $0x800, $0x38;
	[tilespmem:$0x2A00] =	vst v63  }
0x49: {  	_ =	swait.ge [sflag:s10], $0x800  }
0x4a: {  	[sflag:s10] =	ssyncset.done $0x0  }
0x4b: {  	[sflag:s10] =	ssyncadd.s32 $0xFFFFF800  }
0x4c: {  	_ =	swait.ge [sflag:s18], $0x800  }
0x4d: {  	[sflag:s18] =	ssyncset.done $0x0  }
0x4e: {  	s24 =	sadd.s32 s23, s7;
	[sflag:s18] =	ssyncadd.s32 $0xFFFFF800  }
0x4f: {  	[hbm4b:s24+s2] =	stream.linear.scatter [tilespmem:s14], [sflag:$0x5], $0x800, $0x38;
	[tilespmem:$0x2A00] =	vst v63  }
0x50: {  	_ =	swait.ge [sflag:s10], $0x800  }
0x51: {  	[sflag:s10] =	ssyncset.done $0x0  }
0x52: {  	[sflag:s10] =	ssyncadd.s32 $0xFFFFF800  }
0x53: {  	_ =	swait.ge [sflag:s19], $0x800  }
.Ltmp0:
0x54: {  	[sflag:s19] =	ssyncset.done $0x0;
	(pc) =	sbr.rel @p0 .LBB2_2-.Ltmp0, $4  }
0x55: {  	s23 =	sadd.s32 s23, s9;
	[sflag:s19] =	ssyncadd.s32 $0xFFFFF800  }
0x56: {  	[hbm4b:s23+s2] =	stream.linear.scatter [tilespmem:s15], [sflag:$0x5], $0x800, $0x38;
	[tilespmem:$0x2A00] =	vst v63  }
0x57: {  	_ =	swait.ge [sflag:s10], $0x800  }
0x58: {  	[sflag:s10] =	ssyncset.done $0x0  }
0x59: {  	s20 =	sadd.s32 $0x1, s20  }
0x5a: {  	p0 =	sne.s32 s20, s5  }
.Ltmp1:
0x5b: {  	_ = 	snop;
	(pc) =	sbr.rel @p0 .LBB2_1-.Ltmp1, $2  }
0x5c: {  	_ =	sdelay $0x2  }
0x5d: {  	[sflag:s10] =	ssyncadd.s32 $0xFFFFF800  }
0x5e: {  	_ =	sfence.sel $0x180000  }
0x5f: {  	[bflag:$0x0] =	sbarrier.arrive $0xFFFF  }
0x60: {  	p0 =	sne.s32 s0, $0x0;
	_ =	strace $0x9000004A  }
0x61: {  	s0 =	sadd.s32 @!p0 $0x100000, s1;
	[bflag:$0x2] =	sbarrier.arrive $0xFFFF  }
0x62: {  	[sflag:s0] =	ssyncadd.tile.s32 @!p0 $0x1;
	_ =	shalt  }
.Lfunc_end2:
_tile_overlayer_lowered:
.L_overlay_start_2:
0x63: {  	(tag) =	ssettag $0x2  }
0x64: {  	s0 =	rddreg [dreg:$0x0];
	s2 =	stileid.u32  }
0x65: {  	s1 =	rddreg [dreg:$0x1];
	p0 =	sne.s32 s2, $0x0  }
0x66: {  	s3 =	rddreg [dreg:$0x2];
	[bflag:$0x3] =	sbarrier.arrive $0xFFFF;
	s2 =	simm.s32 @!p0 $0x1C05  }
0x67: {  	[timem:s3], [sflag:s2] =	dma.local @!p0 [hbm:s0], s1  }
0x68: {  	s0 =	simm.s32 @!p0 $0x5  }
0x69: {  	_ =	swait.ge @!p0 [sflag:s0], s1  }
0x6a: {  	s1 =	ssub.s32 @!p0 $0x0, s1;
	[sflag:s0] =	ssyncset.done @!p0 $0x0  }
0x6b: {  	[sflag:s0] =	ssyncadd.s32 @!p0 s1  }
0x6c: {  	[bflag:$0x3] =	sbarrier.arrive $0xFFFF  }
0x6d: {  	_ =	shalt  }

// kernel: kernel.16.cloned.1.call-start
scs
__scs_entry_jumppad:
0x0: {  	(pc) =	sbr.rel $0x88, $3  }
0x1: {  	(tag) =	ssettag $0x0;
	lr =	simm.s32 $0x1  }
0x2: {  	[smem:$0x3F8B] =	sst lr;
	_ =	strace $0xD0000000  }
0x3: {  	_ = 	snop  }
0x4: {  	_ = 	snop  }
0x5: {  	_ = 	snop  }
0x6: {  	_ = 	snop  }
0x7: {  	_ = 	snop  }
__scs_overlays_trampoline_lowered:
0x8: {  	[smem:$0x3F9A] =	sst s0  }
0x9: {  	[smem:$0x3F9B] =	sst s1  }
0xa: {  	[smem:$0x3F9C] =	sst s2  }
0xb: {  	[smem:$0x3F9D] =	sst s3  }
0xc: {  	[smem:$0x3F9E] =	sst s4  }
0xd: {  	[smem:$0x3F9F] =	sst s5  }
0xe: {  	[smem:$0x3FA0] =	sst s6  }
0xf: {  	[smem:$0x3FA1] =	sst s7  }
0x10: {  	[smem:$0x3FA2] =	sst s8  }
0x11: {  	[smem:$0x3FA3] =	sst s9;
	s0 =	simm.s32 @!p0 $0x0  }
0x12: {  	s1 =	sld [smem:$0x3F89];
	s0 =	simm.s32 @p0 $0x1  }
0x13: {  	[smem:$0x3FA4] =	sst s0;
	s0 =	simm.s32 @!p1 $0x0  }
0x14: {  	s2 =	sld [smem:$0x3F88];
	s0 =	simm.s32 @p1 $0x1  }
0x15: {  	[smem:$0x3FA5] =	sst s0;
	s0 =	simm.s32 @!p2 $0x0  }
0x16: {  	s3 =	sld [smem:$0x3FDB];
	s0 =	simm.s32 @p2 $0x1  }
0x17: {  	s4 =	simm.s32 $0x1BF5;
	[smem:$0x3FA7] =	sst s0  }
0x18: {  	s0 =	sld [smem:$0x3F8A];
	_ =	swait.ge [sflag:s4], $0x0  }
0x19: {  	s7 =	sld [smem:$0x3F8B]  }
0x1a: {  	s8 =	sadd.s32 $0xFFFFE003, lr  }
0x1b: {  	s9 =	sadd.s32 $0xFFFFFEF7, lr;
	s5 =	simm.s32 $0xFFFFFFFF;
	p2 =	slt.u32 s8, $0xFFFFF086  }
0x1c: {  	p1 =	slt.u32 s9, $0xF7A;
	s5 =	simm.s32 @!p2 $0x0  }
0x1d: {  	s5 =	simm.s32 @p1 $0x1;
	p0 =	seq.s32 s7, s2  }
0x1e: {  	s7 =	smul.u32 @!p0 $0xF7A, s2;
	p2 =	seq.s32 @!p0 s5, $0x0  }
0x1f: {  	s9 =	smul.u32 $0xF7A, s1;
	s8 =	simm.s32 @!p0 $0x1BF5;
	p2 =	por !p2, p0  }
0x20: {  	[sflag:s8] =	ssyncset.s32 @!p0 $0xFFFFF086;
	s6 =	sadd.s32 @!p0 s3, s7;
	s7 =	simm.s32 @!p0 $0x108  }
0x21: {  	s3 =	sadd.s32 s3, s9;
	s6 =	sadd.s32 @!p0 $0x88, s6;
	s7 =	simm.s32 @p2 $0x1082  }
0x22: {  	[simem:s7], [sflag:s8] =	dma.local @!p0 [hbm:s6], $0xF7A  }
0x23: {  	s9 =	sor.u32 $0xD0000000, s2;
	s6 =	simm.s32 $0x108;
	_ =	swait.ge @!p0 [sflag:s8], $0x0  }
0x24: {  	s3 =	sadd.s32 $0x88, s3;
	s6 =	simm.s32 @!p1 $0x1082;
	[sflag:s4] =	ssyncset.s32 $0xFFFFF086  }
0x25: {  	[simem:s6], [sflag:s4] =	dma.local [hbm:s3], $0xF7A  }
0x26: {  	[smem:$0x3F8B] =	sst s1;
	(tag) =	ssettag s2;
	_ =	strace s9  }
0x27: {  	s1 =	sld [smem:$0x3F9B]  }
0x28: {  	s2 =	sld [smem:$0x3F9C]  }
0x29: {  	s4 =	sld [smem:$0x3F9E]  }
0x2a: {  	p0 =	seq.s32 s5, $0x0;
	s5 =	sld [smem:$0x3F9F]  }
0x2b: {  	s6 =	sld [smem:$0x3FA0]  }
0x2c: {  	s7 =	sld [smem:$0x3FA1]  }
0x2d: {  	s3 =	simm.s32 $0x108;
	s8 =	sld [smem:$0x3FA2]  }
0x2e: {  	s3 =	simm.s32 @!p0 $0x1082;
	s9 =	sld [smem:$0x3FA3]  }
0x2f: {  	lr =	sadd.s32 s0, s3;
	s0 =	sld [smem:$0x3F9A]  }
0x30: {  	s3 =	sld [smem:$0x3F9D]  }
0x31: {  	[smem:$0x3FA6] =	sst s10  }
0x32: {  	s10 =	sld [smem:$0x3FA4];
	_ =	sdelay $0x3  }
0x33: {  	p0 =	seq.s32 s10, $0x1;
	s10 =	sld [smem:$0x3FA6];
	_ =	sdelay $0x3  }
0x34: {  	[smem:$0x3FA6] =	sst s10  }
0x35: {  	s10 =	sld [smem:$0x3FA5];
	_ =	sdelay $0x3  }
0x36: {  	p1 =	seq.s32 s10, $0x1;
	s10 =	sld [smem:$0x3FA6];
	_ =	sdelay $0x3  }
0x37: {  	[smem:$0x3FA6] =	sst s10  }
0x38: {  	s10 =	sld [smem:$0x3FA7]  }
0x39: {  	_ = 	snop;
	(pc) =	sbr.ind lr, $3  }
0x3a: {  	_ = 	snop  }
0x3b: {  	_ = 	snop  }
0x3c: {  	p2 =	seq.s32 s10, $0x1;
	s10 =	sld [smem:$0x3FA6]  }
0x3d: {  	_ =	shalt  }
0x3e: {  	_ =	shalt  }
0x3f: {  	_ =	shalt  }
0x40: {  	_ =	shalt  }
0x41: {  	_ =	shalt  }
0x42: {  	_ =	shalt  }
0x43: {  	_ =	shalt  }
0x44: {  	_ =	shalt  }
0x45: {  	_ =	shalt  }
0x46: {  	_ =	shalt  }
0x47: {  	_ =	shalt  }
0x48: {  	_ =	shalt  }
0x49: {  	_ =	shalt  }
0x4a: {  	_ =	shalt  }
0x4b: {  	_ =	shalt  }
0x4c: {  	_ =	shalt  }
0x4d: {  	_ =	shalt  }
0x4e: {  	_ =	shalt  }
0x4f: {  	_ =	shalt  }
0x50: {  	_ =	shalt  }
0x51: {  	_ =	shalt  }
0x52: {  	_ =	shalt  }
0x53: {  	_ =	shalt  }
0x54: {  	_ =	shalt  }
0x55: {  	_ =	shalt  }
0x56: {  	_ =	shalt  }
0x57: {  	_ =	shalt  }
0x58: {  	_ =	shalt  }
0x59: {  	_ =	shalt  }
0x5a: {  	_ =	shalt  }
0x5b: {  	_ =	shalt  }
0x5c: {  	_ =	shalt  }
0x5d: {  	_ =	shalt  }
0x5e: {  	_ =	shalt  }
0x5f: {  	_ =	shalt  }
0x60: {  	_ =	shalt  }
0x61: {  	_ =	shalt  }
0x62: {  	_ =	shalt  }
0x63: {  	_ =	shalt  }
0x64: {  	_ =	shalt  }
0x65: {  	_ =	shalt  }
0x66: {  	_ =	shalt  }
0x67: {  	_ =	shalt  }
0x68: {  	_ =	shalt  }
0x69: {  	_ =	shalt  }
0x6a: {  	_ =	shalt  }
0x6b: {  	_ =	shalt  }
0x6c: {  	_ =	shalt  }
0x6d: {  	_ =	shalt  }
0x6e: {  	_ =	shalt  }
0x6f: {  	_ =	shalt  }
0x70: {  	_ =	shalt  }
0x71: {  	_ =	shalt  }
0x72: {  	_ =	shalt  }
0x73: {  	_ =	shalt  }
0x74: {  	_ =	shalt  }
0x75: {  	_ =	shalt  }
0x76: {  	_ =	shalt  }
0x77: {  	_ =	shalt  }
0x78: {  	_ =	shalt  }
0x79: {  	_ =	shalt  }
0x7a: {  	_ =	shalt  }
0x7b: {  	_ =	shalt  }
0x7c: {  	_ =	shalt  }
0x7d: {  	_ =	shalt  }
0x7e: {  	_ =	shalt  }
0x7f: {  	_ =	shalt  }
0x80: {  	_ =	shalt  }
0x81: {  	_ =	shalt  }
0x82: {  	_ =	shalt  }
0x83: {  	_ =	shalt  }
0x84: {  	_ =	shalt  }
0x85: {  	_ =	shalt  }
0x86: {  	_ =	shalt  }
0x87: {  	_ =	shalt  }
.Lfunc_end0:
.L_simem_size_0:
called_computation.1_lowered:
.L_overlay_start_0:
0x88: {  	s2 =	sld [smem:$0x3FD9]  }
0x89: {  	s3 =	sld [smem:$0x3FFE];
	_ =	sdelay $0x1  }
0x8a: {  	s1 =	srdreg.scid  }
0x8b: {  	s0 =	sand.u32 $0x1, s1  }
0x8c: {  	s16 =	sshll.u32 s0, $0xA;
	s2 =	sadd.s32 s3, s2  }
0x8d: {  	s2 =	sadd.s32 s2, s16  }
0x8e: {  	[smem:$0x3FB2] =	sst s2  }
0x8f: {  	_ = 	snop  }
0x90: {  	(tm) =	ssettm $0x1  }
0x91: {  	s17 =	sld [smem:$0x3FFB];
	_ =	sdelay $0x3  }
0x92: {  	_ =	strace s17  }
0x93: {  	s2 =	sld [smem:$0x3FFC];
	_ =	sdelay $0x3  }
0x94: {  	_ =	strace s2  }
0x95: {  	s2 =	sld [smem:$0x3FFD];
	_ =	sdelay $0x3  }
0x96: {  	_ =	strace s2  }
0x97: {  	_ =	strace $0x8FFFFFFF  }
0x98: {  	s18 =	sld [smem:$0x3FDB];
	_ =	sdelay $0x1  }
0x99: {  	s19 =	simm.s32 $_scs_section_size  }
0x9a: {  	s4 =	simm.s32 $_size__tile_overlayer_lowered;
	s5 =	simm.s32 $_tile_overlayer_lowered  }
0x9b: {  	s22 =	simm.s32 $0x1BFF;
	s21 =	sshll.u32 s5, $0x1;
	s2 =	sadd.s32 s19, s18  }
0x9c: {  	s6 =	simm.s32 $0x0;
	s20 =	sshll.u32 s4, $0x1;
	s4 =	sadd.s32 s21, s2  }
0x9d: {  	[timem:s6], [sflag:s22] =	dma.local [hbm:s4], s20  }
0x9e: {  	_ =	swait.ge [sflag:s22], s20  }
0x9f: {  	s3 =	ssub.s32 $0x0, s20;
	[sflag:s22] =	ssyncset.done $0x0  }
0xa0: {  	[sflag:s22] =	ssyncadd.s32 s3;
	_ =	sdelay $0x1  }
0xa1: {  	s23 =	simm.s32 $0x1B8B  }
0xa2: {  	_ =	swait.ge [sflag:s23], $0x1  }
0xa3: {  	[sflag:s23] =	ssyncset.done $0x0  }
0xa4: {  	s25 =	simm.s32 $0x1B8E;
	s24 =	sld [smem:$0x3FFE];
	[sflag:s23] =	ssyncadd.s32 $0xFFFFFFFF  }
0xa5: {  	s26 =	simm.s32 $execute0_lowered;
	[smem:$0x3FD2] =	sst s25  }
0xa6: {  	s4 =	sshll.u32 s26, $0x1;
	_ =	strace $0x80000046;
	[dreg:$0x1] =	wrdreg $0xFFFFFFFF  }
0xa7: {  	s28 =	simm.s32 $_size_execute0_lowered;
	s2 =	sadd.s32 s2, s4;
	[dreg:$0x0] =	wrdreg $0x0  }
0xa8: {  	s4 =	sshll.u32 s28, $0x1;
	[dreg:$0x2] =	wrdreg s2  }
0xa9: {  	[dreg:$0x3] =	wrdreg s4  }
0xaa: {  	[dreg:$0x4] =	wrdreg $0xC0  }
0xab: {  	_ =	task [dreg:s6], $0x5FFFF  }
0xac: {  	[dreg:$0x1] =	wrdreg $0xFFFFFFFF  }
0xad: {  	[dreg:$0x0] =	wrdreg $0x60  }
0xae: {  	[dreg:$0x2] =	wrdreg s24  }
0xaf: {  	[dreg:$0x3] =	wrdreg $0xA  }
0xb0: {  	_ =	task.clear_ibuf [dreg:s6], $0x4FFFF;
	_ =	strace $0x90000046  }
0xb1: {  	s29 =	simm.s32 $0xA;
	_ =	strace $0x80000048  }
0xb2: {  	_ =	swait.ge [sflag:s29], $0x1  }
0xb3: {  	[sflag:s29] =	ssyncadd.s32 $0xFFFFFFFF  }
0xb4: {  	_ =	strace $0x90000048  }
0xb5: {  	_ =	sfence  }
0xb6: {  	s30 =	sld [smem:$0x0];
	_ =	sdelay $0x2  }
0xb7: {  	s31 =	sshll.u32 s1, $0xD;
	s1 =	sshrl.u32 s1, $0x2  }
0xb8: {  	s3 =	sand.u32 $0x4000, s31;
	s1 =	sadd.s32 s1, s30  }
0xb9: {  	s0 =	sor.u32 s3, s0;
	s1 =	sshll.u32 s1, $0x11  }
0xba: {  	s0 =	sor.u32 s1, s0  }
0xbb: {  	s0 =	sadd.s32 $0x8F2B, s0  }
0xbc: {  	[sflag:s0] =	ssyncadd.remote.s32 $0x1  }
0xbd: {  	_ =	sfence.sel $0xFFFF  }
0xbe: {  	[dreg:$0x0] =	wrdreg $0xFFFFFFFF;
	(pc) =	sbr.abs _section_cstart, $3  }
0xbf: {  	[dreg:$0x1] =	wrdreg $0xFFFFFFFF  }
0xc0: {  	_ =	task.clear_ibuf [dreg:s6], $0x2FFFF;
	_ =	strace $0x9FFFFFFF  }
0xc1: {  	(tm) =	ssettm $0x7FFFFFFF  }
tec
execute0_lowered:
.L_overlay_start_1:
0x0: {  	(tag) =	ssettag $0x1  }
0x1: {  	s1 =	srdreg.scid;
	s0 =	stileid.u32  }
0x2: {  	s5 =	rddreg [dreg:$0x0];
	s2 =	simm.s32 $0x0;
	s14 =	simm.s32 $0x1A00  }
0x3: {  	s15 =	simm.s32 $0x2200;
	s16 =	simm.s32 $0x1;
	s17 =	simm.s32 $0x2  }
0x4: {  	s18 =	simm.s32 $0x3;
	s19 =	simm.s32 $0x4;
	s20 =	simm.s32 $0x0  }
0x5: {  	s4 =	sand.u32 $0x1, s1;
	s1 =	rddreg [dreg:$0x1];
	s7 =	smul.u32 $0x14000, s0  }
0x6: {  	s26 =	sshll.u32 s0, $0x1;
	[smem:$0x7FF] =	sst s2;
	s8 =	smul.u32 $0x1400, s0  }
0x7: {  	s13 =	sadd.s32 $0x34C00, s5;
	s3 =	sor.u32 s4, s26;
	s10 =	smul.u32 $0xA00, s4  }
0x8: {  	_ =	strace $0x80000047;
	s9 =	ssub.s32 $0x2, s4;
	s12 =	smul.u32 $0xA000, s4  }
0x9: {  	s6 =	smul.u32 $0xA00, s3;
	s3 =	sadd.s32 $0x2D400, s5;
	s11 =	sshrl.u32 s9, $0x1  }
0xa: {  	s28 =	ssub.s32 s9, s11;
	s8 =	sadd.s32 s10, s8;
	s29 =	sadd.s32 s12, s7  }
0xb: {  	s10 =	simm.s32 $0x5;
	s11 =	simm.s32 $0x80;
	s6 =	sshrl.u32 s6, $0x3  }
0xc: {  	s12 =	simm.s32 $0xA00;
	s30 =	sshll.u32 s8, $0x1;
	s6 =	sadd.s32 s6, s5  }
0xd: {  	s5 =	smax.u32 s28, $0x1;
	s31 =	sadd.s32 s30, s13;
	s4 =	sadd.s32 $0x32400, s6  }
0xe: {  	s6 =	sshrl.u32 s29, $0x3;
	s7 =	sadd.s32 $0x200, s31;
	s8 =	sadd.s32 $0x100, s31  }
0xf: {  	s9 =	sadd.s32 $0x300, s31;
	s6 =	sadd.s32 s6, s13;
	s13 =	simm.s32 $0x1200  }
.LBB2_1:
0x10: {  	[tilespmem:s2], [sflag:$0x5] =	stream.linear.gather [hbm4b:s4+s2], $0xA00, $0x38;
	[tilespmem:$0x2A00] =	vst v63  }
0x11: {  	_ =	swait.ge [sflag:s10], $0xA00  }
0x12: {  	[sflag:s10] =	ssyncset.done $0x0  }
0x13: {  	[sflag:s10] =	ssyncadd.s32 $0xFFFFF600  }
0x14: {  	[tilespmem:s12], [sflag:$0x1] =	stream.indirect.gather [hbm4b:s3+s11], $0x10, s2, s11, $0xb8;
	[tilespmem:$0x2A00] =	vst v63  }
0x15: {  	s21 =	simm.s32 $0x80  }
0x16: {  	[tilespmem:s13], [sflag:$0x2] =	stream.indirect.gather [hbm4b:s3+s11], $0x10, s21, s11, $0xb8;
	[tilespmem:$0x2A00] =	vst v63  }
0x17: {  	s25 =	simm.s32 $0x100  }
0x18: {  	[tilespmem:s14], [sflag:$0x3] =	stream.indirect.gather [hbm4b:s3+s11], $0x10, s25, s11, $0xb8;
	[tilespmem:$0x2A00] =	vst v63  }
0x19: {  	s26 =	simm.s32 $0x180  }
0x1a: {  	[tilespmem:s15], [sflag:$0x4] =	stream.indirect.gather [hbm4b:s3+s11], $0x10, s26, s11, $0xb8;
	[tilespmem:$0x2A00] =	vst v63  }
0x1b: {  	_ =	swait.ge [sflag:s16], $0x800  }
0x1c: {  	[sflag:s16] =	ssyncset.done $0x0  }
0x1d: {  	s28 =	sadd.s32 $0x0, s6;
	[sflag:s16] =	ssyncadd.s32 $0xFFFFF800  }
0x1e: {  	[hbm4b:s28+s2] =	stream.linear.scatter [tilespmem:s12], [sflag:$0x5], $0x800, $0x38;
	[tilespmem:$0x2A00] =	vst v63  }
0x1f: {  	_ =	swait.ge [sflag:s10], $0x800  }
0x20: {  	[sflag:s10] =	ssyncset.done $0x0  }
0x21: {  	[sflag:s10] =	ssyncadd.s32 $0xFFFFF800  }
0x22: {  	_ =	swait.ge [sflag:s17], $0x800  }
0x23: {  	[sflag:s17] =	ssyncset.done $0x0  }
0x24: {  	s29 =	sadd.s32 $0x0, s8;
	[sflag:s17] =	ssyncadd.s32 $0xFFFFF800  }
0x25: {  	[hbm4b:s29+s2] =	stream.linear.scatter [tilespmem:s13], [sflag:$0x5], $0x800, $0x38;
	[tilespmem:$0x2A00] =	vst v63  }
0x26: {  	_ =	swait.ge [sflag:s10], $0x800  }
0x27: {  	[sflag:s10] =	ssyncset.done $0x0  }
0x28: {  	[sflag:s10] =	ssyncadd.s32 $0xFFFFF800  }
0x29: {  	_ =	swait.ge [sflag:s18], $0x800  }
0x2a: {  	[sflag:s18] =	ssyncset.done $0x0  }
0x2b: {  	s30 =	sadd.s32 $0x0, s7;
	[sflag:s18] =	ssyncadd.s32 $0xFFFFF800  }
0x2c: {  	[hbm4b:s30+s2] =	stream.linear.scatter [tilespmem:s14], [sflag:$0x5], $0x800, $0x38;
	[tilespmem:$0x2A00] =	vst v63  }
0x2d: {  	_ =	swait.ge [sflag:s10], $0x800  }
0x2e: {  	[sflag:s10] =	ssyncset.done $0x0  }
0x2f: {  	[sflag:s10] =	ssyncadd.s32 $0xFFFFF800  }
0x30: {  	_ =	swait.ge [sflag:s19], $0x800  }
0x31: {  	[sflag:s19] =	ssyncset.done $0x0  }
0x32: {  	s31 =	sadd.s32 $0x0, s9;
	[sflag:s19] =	ssyncadd.s32 $0xFFFFF800  }
0x33: {  	[hbm4b:s31+s2] =	stream.linear.scatter [tilespmem:s15], [sflag:$0x5], $0x800, $0x38;
	[tilespmem:$0x2A00] =	vst v63  }
0x34: {  	_ =	swait.ge [sflag:s10], $0x800  }
0x35: {  	s22 =	simm.s32 $0x0;
	s21 =	simm.s32 $0x400;
	[sflag:s10] =	ssyncset.done $0x0  }
.LBB2_2:
0x36: {  	p0 =	sne.s32 s21, $0x1000;
	[sflag:s10] =	ssyncadd.s32 $0xFFFFF800;
	s22 =	sadd.s32 $0x200, s22  }
0x37: {  	[tilespmem:s12], [sflag:$0x1] =	stream.indirect.gather [hbm4b:s3+s11], $0x10, s22, s11, $0xb8;
	[tilespmem:$0x2A00] =	vst v63  }
0x38: {  	s23 =	smov.u32 s21;
	s21 =	sadd.s32 $0x400, s21;
	s24 =	sadd.s32 $0x80, s22  }
0x39: {  	[tilespmem:s13], [sflag:$0x2] =	stream.indirect.gather [hbm4b:s3+s11], $0x10, s24, s11, $0xb8;
	[tilespmem:$0x2A00] =	vst v63  }
0x3a: {  	s24 =	sadd.s32 $0x100, s22  }
0x3b: {  	[tilespmem:s14], [sflag:$0x3] =	stream.indirect.gather [hbm4b:s3+s11], $0x10, s24, s11, $0xb8;
	[tilespmem:$0x2A00] =	vst v63  }
0x3c: {  	s24 =	sadd.s32 $0x180, s22  }
0x3d: {  	[tilespmem:s15], [sflag:$0x4] =	stream.indirect.gather [hbm4b:s3+s11], $0x10, s24, s11, $0xb8;
	[tilespmem:$0x2A00] =	vst v63  }
0x3e: {  	_ =	swait.ge [sflag:s16], $0x800  }
0x3f: {  	[sflag:s16] =	ssyncset.done $0x0  }
0x40: {  	s24 =	sadd.s32 s23, s6;
	[sflag:s16] =	ssyncadd.s32 $0xFFFFF800  }
0x41: {  	[hbm4b:s24+s2] =	stream.linear.scatter [tilespmem:s12], [sflag:$0x5], $0x800, $0x38;
	[tilespmem:$0x2A00] =	vst v63  }
0x42: {  	_ =	swait.ge [sflag:s10], $0x800  }
0x43: {  	[sflag:s10] =	ssyncset.done $0x0  }
0x44: {  	[sflag:s10] =	ssyncadd.s32 $0xFFFFF800  }
0x45: {  	_ =	swait.ge [sflag:s17], $0x800  }
0x46: {  	[sflag:s17] =	ssyncset.done $0x0  }
0x47: {  	s24 =	sadd.s32 s23, s8;
	[sflag:s17] =	ssyncadd.s32 $0xFFFFF800  }
0x48: {  	[hbm4b:s24+s2] =	stream.linear.scatter [tilespmem:s13], [sflag:$0x5], $0x800, $0x38;
	[tilespmem:$0x2A00] =	vst v63  }
0x49: {  	_ =	swait.ge [sflag:s10], $0x800  }
0x4a: {  	[sflag:s10] =	ssyncset.done $0x0  }
0x4b: {  	[sflag:s10] =	ssyncadd.s32 $0xFFFFF800  }
0x4c: {  	_ =	swait.ge [sflag:s18], $0x800  }
0x4d: {  	[sflag:s18] =	ssyncset.done $0x0  }
0x4e: {  	s24 =	sadd.s32 s23, s7;
	[sflag:s18] =	ssyncadd.s32 $0xFFFFF800  }
0x4f: {  	[hbm4b:s24+s2] =	stream.linear.scatter [tilespmem:s14], [sflag:$0x5], $0x800, $0x38;
	[tilespmem:$0x2A00] =	vst v63  }
0x50: {  	_ =	swait.ge [sflag:s10], $0x800  }
0x51: {  	[sflag:s10] =	ssyncset.done $0x0  }
0x52: {  	[sflag:s10] =	ssyncadd.s32 $0xFFFFF800  }
0x53: {  	_ =	swait.ge [sflag:s19], $0x800  }
.Ltmp0:
0x54: {  	[sflag:s19] =	ssyncset.done $0x0;
	(pc) =	sbr.rel @p0 .LBB2_2-.Ltmp0, $4  }
0x55: {  	s23 =	sadd.s32 s23, s9;
	[sflag:s19] =	ssyncadd.s32 $0xFFFFF800  }
0x56: {  	[hbm4b:s23+s2] =	stream.linear.scatter [tilespmem:s15], [sflag:$0x5], $0x800, $0x38;
	[tilespmem:$0x2A00] =	vst v63  }
0x57: {  	_ =	swait.ge [sflag:s10], $0x800  }
0x58: {  	[sflag:s10] =	ssyncset.done $0x0  }
0x59: {  	s20 =	sadd.s32 $0x1, s20  }
0x5a: {  	p0 =	sne.s32 s20, s5  }
.Ltmp1:
0x5b: {  	_ = 	snop;
	(pc) =	sbr.rel @p0 .LBB2_1-.Ltmp1, $2  }
0x5c: {  	_ =	sdelay $0x2  }
0x5d: {  	[sflag:s10] =	ssyncadd.s32 $0xFFFFF800  }
0x5e: {  	_ =	sfence.sel $0x180000  }
0x5f: {  	[bflag:$0x0] =	sbarrier.arrive $0xFFFF  }
0x60: {  	p0 =	sne.s32 s0, $0x0;
	_ =	strace $0x90000047  }
0x61: {  	s0 =	sadd.s32 @!p0 $0x100000, s1;
	[bflag:$0x2] =	sbarrier.arrive $0xFFFF  }
0x62: {  	[sflag:s0] =	ssyncadd.tile.s32 @!p0 $0x1;
	_ =	shalt  }
.Lfunc_end2:
_tile_overlayer_lowered:
.L_overlay_start_2:
0x63: {  	(tag) =	ssettag $0x2  }
0x64: {  	s0 =	rddreg [dreg:$0x0];
	s2 =	stileid.u32  }
0x65: {  	s1 =	rddreg [dreg:$0x1];
	p0 =	sne.s32 s2, $0x0  }
0x66: {  	s3 =	rddreg [dreg:$0x2];
	[bflag:$0x3] =	sbarrier.arrive $0xFFFF;
	s2 =	simm.s32 @!p0 $0x1C05  }
0x67: {  	[timem:s3], [sflag:s2] =	dma.local @!p0 [hbm:s0], s1  }
0x68: {  	s0 =	simm.s32 @!p0 $0x5  }
0x69: {  	_ =	swait.ge @!p0 [sflag:s0], s1  }
0x6a: {  	s1 =	ssub.s32 @!p0 $0x0, s1;
	[sflag:s0] =	ssyncset.done @!p0 $0x0  }
0x6b: {  	[sflag:s0] =	ssyncadd.s32 @!p0 s1  }
0x6c: {  	[bflag:$0x3] =	sbarrier.arrive $0xFFFF  }
0x6d: {  	_ =	shalt  }

// kernel: kernel.19.cloned.1.call-start
scs
__scs_entry_jumppad:
0x0: {  	(pc) =	sbr.rel $0x88, $3  }
0x1: {  	(tag) =	ssettag $0x0;
	lr =	simm.s32 $0x1  }
0x2: {  	[smem:$0x3F8B] =	sst lr;
	_ =	strace $0xD0000000  }
0x3: {  	_ = 	snop  }
0x4: {  	_ = 	snop  }
0x5: {  	_ = 	snop  }
0x6: {  	_ = 	snop  }
0x7: {  	_ = 	snop  }
__scs_overlays_trampoline_lowered:
0x8: {  	[smem:$0x3F9A] =	sst s0  }
0x9: {  	[smem:$0x3F9B] =	sst s1  }
0xa: {  	[smem:$0x3F9C] =	sst s2  }
0xb: {  	[smem:$0x3F9D] =	sst s3  }
0xc: {  	[smem:$0x3F9E] =	sst s4  }
0xd: {  	[smem:$0x3F9F] =	sst s5  }
0xe: {  	[smem:$0x3FA0] =	sst s6  }
0xf: {  	[smem:$0x3FA1] =	sst s7  }
0x10: {  	[smem:$0x3FA2] =	sst s8  }
0x11: {  	[smem:$0x3FA3] =	sst s9;
	s0 =	simm.s32 @!p0 $0x0  }
0x12: {  	s1 =	sld [smem:$0x3F89];
	s0 =	simm.s32 @p0 $0x1  }
0x13: {  	[smem:$0x3FA4] =	sst s0;
	s0 =	simm.s32 @!p1 $0x0  }
0x14: {  	s2 =	sld [smem:$0x3F88];
	s0 =	simm.s32 @p1 $0x1  }
0x15: {  	[smem:$0x3FA5] =	sst s0;
	s0 =	simm.s32 @!p2 $0x0  }
0x16: {  	s3 =	sld [smem:$0x3FDB];
	s0 =	simm.s32 @p2 $0x1  }
0x17: {  	s4 =	simm.s32 $0x1BF5;
	[smem:$0x3FA7] =	sst s0  }
0x18: {  	s0 =	sld [smem:$0x3F8A];
	_ =	swait.ge [sflag:s4], $0x0  }
0x19: {  	s7 =	sld [smem:$0x3F8B]  }
0x1a: {  	s8 =	sadd.s32 $0xFFFFE003, lr  }
0x1b: {  	s9 =	sadd.s32 $0xFFFFFEF7, lr;
	s5 =	simm.s32 $0xFFFFFFFF;
	p2 =	slt.u32 s8, $0xFFFFF086  }
0x1c: {  	p1 =	slt.u32 s9, $0xF7A;
	s5 =	simm.s32 @!p2 $0x0  }
0x1d: {  	s5 =	simm.s32 @p1 $0x1;
	p0 =	seq.s32 s7, s2  }
0x1e: {  	s7 =	smul.u32 @!p0 $0xF7A, s2;
	p2 =	seq.s32 @!p0 s5, $0x0  }
0x1f: {  	s9 =	smul.u32 $0xF7A, s1;
	s8 =	simm.s32 @!p0 $0x1BF5;
	p2 =	por !p2, p0  }
0x20: {  	[sflag:s8] =	ssyncset.s32 @!p0 $0xFFFFF086;
	s6 =	sadd.s32 @!p0 s3, s7;
	s7 =	simm.s32 @!p0 $0x108  }
0x21: {  	s3 =	sadd.s32 s3, s9;
	s6 =	sadd.s32 @!p0 $0x88, s6;
	s7 =	simm.s32 @p2 $0x1082  }
0x22: {  	[simem:s7], [sflag:s8] =	dma.local @!p0 [hbm:s6], $0xF7A  }
0x23: {  	s9 =	sor.u32 $0xD0000000, s2;
	s6 =	simm.s32 $0x108;
	_ =	swait.ge @!p0 [sflag:s8], $0x0  }
0x24: {  	s3 =	sadd.s32 $0x88, s3;
	s6 =	simm.s32 @!p1 $0x1082;
	[sflag:s4] =	ssyncset.s32 $0xFFFFF086  }
0x25: {  	[simem:s6], [sflag:s4] =	dma.local [hbm:s3], $0xF7A  }
0x26: {  	[smem:$0x3F8B] =	sst s1;
	(tag) =	ssettag s2;
	_ =	strace s9  }
0x27: {  	s1 =	sld [smem:$0x3F9B]  }
0x28: {  	s2 =	sld [smem:$0x3F9C]  }
0x29: {  	s4 =	sld [smem:$0x3F9E]  }
0x2a: {  	p0 =	seq.s32 s5, $0x0;
	s5 =	sld [smem:$0x3F9F]  }
0x2b: {  	s6 =	sld [smem:$0x3FA0]  }
0x2c: {  	s7 =	sld [smem:$0x3FA1]  }
0x2d: {  	s3 =	simm.s32 $0x108;
	s8 =	sld [smem:$0x3FA2]  }
0x2e: {  	s3 =	simm.s32 @!p0 $0x1082;
	s9 =	sld [smem:$0x3FA3]  }
0x2f: {  	lr =	sadd.s32 s0, s3;
	s0 =	sld [smem:$0x3F9A]  }
0x30: {  	s3 =	sld [smem:$0x3F9D]  }
0x31: {  	[smem:$0x3FA6] =	sst s10  }
0x32: {  	s10 =	sld [smem:$0x3FA4];
	_ =	sdelay $0x3  }
0x33: {  	p0 =	seq.s32 s10, $0x1;
	s10 =	sld [smem:$0x3FA6];
	_ =	sdelay $0x3  }
0x34: {  	[smem:$0x3FA6] =	sst s10  }
0x35: {  	s10 =	sld [smem:$0x3FA5];
	_ =	sdelay $0x3  }
0x36: {  	p1 =	seq.s32 s10, $0x1;
	s10 =	sld [smem:$0x3FA6];
	_ =	sdelay $0x3  }
0x37: {  	[smem:$0x3FA6] =	sst s10  }
0x38: {  	s10 =	sld [smem:$0x3FA7]  }
0x39: {  	_ = 	snop;
	(pc) =	sbr.ind lr, $3  }
0x3a: {  	_ = 	snop  }
0x3b: {  	_ = 	snop  }
0x3c: {  	p2 =	seq.s32 s10, $0x1;
	s10 =	sld [smem:$0x3FA6]  }
0x3d: {  	_ =	shalt  }
0x3e: {  	_ =	shalt  }
0x3f: {  	_ =	shalt  }
0x40: {  	_ =	shalt  }
0x41: {  	_ =	shalt  }
0x42: {  	_ =	shalt  }
0x43: {  	_ =	shalt  }
0x44: {  	_ =	shalt  }
0x45: {  	_ =	shalt  }
0x46: {  	_ =	shalt  }
0x47: {  	_ =	shalt  }
0x48: {  	_ =	shalt  }
0x49: {  	_ =	shalt  }
0x4a: {  	_ =	shalt  }
0x4b: {  	_ =	shalt  }
0x4c: {  	_ =	shalt  }
0x4d: {  	_ =	shalt  }
0x4e: {  	_ =	shalt  }
0x4f: {  	_ =	shalt  }
0x50: {  	_ =	shalt  }
0x51: {  	_ =	shalt  }
0x52: {  	_ =	shalt  }
0x53: {  	_ =	shalt  }
0x54: {  	_ =	shalt  }
0x55: {  	_ =	shalt  }
0x56: {  	_ =	shalt  }
0x57: {  	_ =	shalt  }
0x58: {  	_ =	shalt  }
0x59: {  	_ =	shalt  }
0x5a: {  	_ =	shalt  }
0x5b: {  	_ =	shalt  }
0x5c: {  	_ =	shalt  }
0x5d: {  	_ =	shalt  }
0x5e: {  	_ =	shalt  }
0x5f: {  	_ =	shalt  }
0x60: {  	_ =	shalt  }
0x61: {  	_ =	shalt  }
0x62: {  	_ =	shalt  }
0x63: {  	_ =	shalt  }
0x64: {  	_ =	shalt  }
0x65: {  	_ =	shalt  }
0x66: {  	_ =	shalt  }
0x67: {  	_ =	shalt  }
0x68: {  	_ =	shalt  }
0x69: {  	_ =	shalt  }
0x6a: {  	_ =	shalt  }
0x6b: {  	_ =	shalt  }
0x6c: {  	_ =	shalt  }
0x6d: {  	_ =	shalt  }
0x6e: {  	_ =	shalt  }
0x6f: {  	_ =	shalt  }
0x70: {  	_ =	shalt  }
0x71: {  	_ =	shalt  }
0x72: {  	_ =	shalt  }
0x73: {  	_ =	shalt  }
0x74: {  	_ =	shalt  }
0x75: {  	_ =	shalt  }
0x76: {  	_ =	shalt  }
0x77: {  	_ =	shalt  }
0x78: {  	_ =	shalt  }
0x79: {  	_ =	shalt  }
0x7a: {  	_ =	shalt  }
0x7b: {  	_ =	shalt  }
0x7c: {  	_ =	shalt  }
0x7d: {  	_ =	shalt  }
0x7e: {  	_ =	shalt  }
0x7f: {  	_ =	shalt  }
0x80: {  	_ =	shalt  }
0x81: {  	_ =	shalt  }
0x82: {  	_ =	shalt  }
0x83: {  	_ =	shalt  }
0x84: {  	_ =	shalt  }
0x85: {  	_ =	shalt  }
0x86: {  	_ =	shalt  }
0x87: {  	_ =	shalt  }
.Lfunc_end0:
.L_simem_size_0:
called_computation.4_lowered:
.L_overlay_start_0:
0x88: {  	s2 =	sld [smem:$0x3FD9]  }
0x89: {  	s3 =	sld [smem:$0x3FFE];
	_ =	sdelay $0x1  }
0x8a: {  	s1 =	srdreg.scid  }
0x8b: {  	s0 =	sand.u32 $0x1, s1  }
0x8c: {  	s16 =	sshll.u32 s0, $0xA;
	s2 =	sadd.s32 s3, s2  }
0x8d: {  	s2 =	sadd.s32 s2, s16  }
0x8e: {  	[smem:$0x3FB2] =	sst s2  }
0x8f: {  	_ = 	snop  }
0x90: {  	(tm) =	ssettm $0x1  }
0x91: {  	s17 =	sld [smem:$0x3FFB];
	_ =	sdelay $0x3  }
0x92: {  	_ =	strace s17  }
0x93: {  	s2 =	sld [smem:$0x3FFC];
	_ =	sdelay $0x3  }
0x94: {  	_ =	strace s2  }
0x95: {  	s2 =	sld [smem:$0x3FFD];
	_ =	sdelay $0x3  }
0x96: {  	_ =	strace s2  }
0x97: {  	_ =	strace $0x8FFFFFFF  }
0x98: {  	s18 =	sld [smem:$0x3FDB];
	_ =	sdelay $0x1  }
0x99: {  	s19 =	simm.s32 $_scs_section_size  }
0x9a: {  	s4 =	simm.s32 $_size__tile_overlayer_lowered;
	s5 =	simm.s32 $_tile_overlayer_lowered  }
0x9b: {  	s22 =	simm.s32 $0x1BFF;
	s21 =	sshll.u32 s5, $0x1;
	s2 =	sadd.s32 s19, s18  }
0x9c: {  	s6 =	simm.s32 $0x0;
	s20 =	sshll.u32 s4, $0x1;
	s4 =	sadd.s32 s21, s2  }
0x9d: {  	[timem:s6], [sflag:s22] =	dma.local [hbm:s4], s20  }
0x9e: {  	_ =	swait.ge [sflag:s22], s20  }
0x9f: {  	s3 =	ssub.s32 $0x0, s20;
	[sflag:s22] =	ssyncset.done $0x0  }
0xa0: {  	[sflag:s22] =	ssyncadd.s32 s3;
	_ =	sdelay $0x1  }
0xa1: {  	s23 =	simm.s32 $0x1B8B  }
0xa2: {  	_ =	swait.ge [sflag:s23], $0x1  }
0xa3: {  	[sflag:s23] =	ssyncset.done $0x0  }
0xa4: {  	s25 =	simm.s32 $0x1B8E;
	s24 =	sld [smem:$0x3FFE];
	[sflag:s23] =	ssyncadd.s32 $0xFFFFFFFF  }
0xa5: {  	s26 =	simm.s32 $execute0_lowered;
	[smem:$0x3FD2] =	sst s25  }
0xa6: {  	s4 =	sshll.u32 s26, $0x1;
	_ =	strace $0x80000052;
	[dreg:$0x1] =	wrdreg $0xFFFFFFFF  }
0xa7: {  	s28 =	simm.s32 $_size_execute0_lowered;
	s2 =	sadd.s32 s2, s4;
	[dreg:$0x0] =	wrdreg $0x0  }
0xa8: {  	s4 =	sshll.u32 s28, $0x1;
	[dreg:$0x2] =	wrdreg s2  }
0xa9: {  	[dreg:$0x3] =	wrdreg s4  }
0xaa: {  	[dreg:$0x4] =	wrdreg $0xC0  }
0xab: {  	_ =	task [dreg:s6], $0x5FFFF  }
0xac: {  	[dreg:$0x1] =	wrdreg $0xFFFFFFFF  }
0xad: {  	[dreg:$0x0] =	wrdreg $0x60  }
0xae: {  	[dreg:$0x2] =	wrdreg s24  }
0xaf: {  	[dreg:$0x3] =	wrdreg $0xA  }
0xb0: {  	_ =	task.clear_ibuf [dreg:s6], $0x4FFFF;
	_ =	strace $0x90000052  }
0xb1: {  	s29 =	simm.s32 $0xA;
	_ =	strace $0x80000054  }
0xb2: {  	_ =	swait.ge [sflag:s29], $0x1  }
0xb3: {  	[sflag:s29] =	ssyncadd.s32 $0xFFFFFFFF  }
0xb4: {  	_ =	strace $0x90000054  }
0xb5: {  	_ =	sfence  }
0xb6: {  	s30 =	sld [smem:$0x0];
	_ =	sdelay $0x2  }
0xb7: {  	s31 =	sshll.u32 s1, $0xD;
	s1 =	sshrl.u32 s1, $0x2  }
0xb8: {  	s3 =	sand.u32 $0x4000, s31;
	s1 =	sadd.s32 s1, s30  }
0xb9: {  	s0 =	sor.u32 s3, s0;
	s1 =	sshll.u32 s1, $0x11  }
0xba: {  	s0 =	sor.u32 s1, s0  }
0xbb: {  	s0 =	sadd.s32 $0x8F2B, s0  }
0xbc: {  	[sflag:s0] =	ssyncadd.remote.s32 $0x1  }
0xbd: {  	_ =	sfence.sel $0xFFFF  }
0xbe: {  	[dreg:$0x0] =	wrdreg $0xFFFFFFFF;
	(pc) =	sbr.abs _section_cstart, $3  }
0xbf: {  	[dreg:$0x1] =	wrdreg $0xFFFFFFFF  }
0xc0: {  	_ =	task.clear_ibuf [dreg:s6], $0x2FFFF;
	_ =	strace $0x9FFFFFFF  }
0xc1: {  	(tm) =	ssettm $0x7FFFFFFF  }
tec
execute0_lowered:
.L_overlay_start_1:
0x0: {  	(tag) =	ssettag $0x1  }
0x1: {  	s1 =	srdreg.scid;
	s0 =	stileid.u32  }
0x2: {  	s5 =	rddreg [dreg:$0x0];
	s2 =	simm.s32 $0x0;
	s14 =	simm.s32 $0x2A00  }
0x3: {  	s15 =	simm.s32 $0x3A00;
	s16 =	simm.s32 $0x1;
	s17 =	simm.s32 $0x2  }
0x4: {  	s18 =	simm.s32 $0x3;
	s19 =	simm.s32 $0x4;
	s20 =	simm.s32 $0x0  }
0x5: {  	s4 =	sand.u32 $0x1, s1;
	s1 =	rddreg [dreg:$0x1];
	s7 =	smul.u32 $0x28000, s0  }
0x6: {  	s26 =	sshll.u32 s0, $0x1;
	[smem:$0x7FF] =	sst s2;
	s8 =	smul.u32 $0x1400, s0  }
0x7: {  	s13 =	sadd.s32 $0x6BA00, s5;
	s3 =	sor.u32 s4, s26;
	s10 =	smul.u32 $0xA00, s4  }
0x8: {  	_ =	strace $0x80000053;
	s9 =	ssub.s32 $0x2, s4;
	s12 =	smul.u32 $0x14000, s4  }
0x9: {  	s6 =	smul.u32 $0xA00, s3;
	s3 =	sadd.s32 $0x61C00, s5;
	s11 =	sshrl.u32 s9, $0x1  }
0xa: {  	s28 =	ssub.s32 s9, s11;
	s8 =	sadd.s32 s10, s8;
	s29 =	sadd.s32 s12, s7  }
0xb: {  	s10 =	simm.s32 $0x5;
	s11 =	simm.s32 $0x80;
	s6 =	sshrl.u32 s6, $0x3  }
0xc: {  	s12 =	simm.s32 $0xA00;
	s30 =	sshll.u32 s8, $0x2;
	s6 =	sadd.s32 s6, s5  }
0xd: {  	s5 =	smax.u32 s28, $0x1;
	s31 =	sadd.s32 s30, s13;
	s4 =	sadd.s32 $0x5CC00, s6  }
0xe: {  	s6 =	sshrl.u32 s29, $0x3;
	s7 =	sadd.s32 $0x400, s31;
	s8 =	sadd.s32 $0x200, s31  }
0xf: {  	s9 =	sadd.s32 $0x600, s31;
	s6 =	sadd.s32 s6, s13;
	s13 =	simm.s32 $0x1A00  }
.LBB2_1:
0x10: {  	[tilespmem:s2], [sflag:$0x5] =	stream.linear.gather [hbm4b:s4+s2], $0xA00, $0x38;
	[tilespmem:$0x4A00] =	vst v63  }
0x11: {  	_ =	swait.ge [sflag:s10], $0xA00  }
0x12: {  	[sflag:s10] =	ssyncset.done $0x0  }
0x13: {  	s21 =	simm.s32 $0x0;
	[sflag:s10] =	ssyncadd.s32 $0xFFFFF600  }
0x14: {  	[tilespmem:s12], [sflag:$0x1] =	stream.indirect.gather [hbm4b:s3+s11], $0x20, s21, s11, $0xb8;
	[tilespmem:$0x4A00] =	vst v63  }
0x15: {  	s24 =	simm.s32 $0x80  }
0x16: {  	[tilespmem:s13], [sflag:$0x2] =	stream.indirect.gather [hbm4b:s3+s11], $0x20, s24, s11, $0xb8;
	[tilespmem:$0x4A00] =	vst v63  }
0x17: {  	s25 =	simm.s32 $0x100  }
0x18: {  	[tilespmem:s14], [sflag:$0x3] =	stream.indirect.gather [hbm4b:s3+s11], $0x20, s25, s11, $0xb8;
	[tilespmem:$0x4A00] =	vst v63  }
0x19: {  	s26 =	simm.s32 $0x180  }
0x1a: {  	[tilespmem:s15], [sflag:$0x4] =	stream.indirect.gather [hbm4b:s3+s11], $0x20, s26, s11, $0xb8;
	[tilespmem:$0x4A00] =	vst v63  }
0x1b: {  	_ =	swait.ge [sflag:s16], $0x1000  }
0x1c: {  	[sflag:s16] =	ssyncset.done $0x0  }
0x1d: {  	s28 =	sadd.s32 $0x0, s6;
	[sflag:s16] =	ssyncadd.s32 $0xFFFFF000  }
0x1e: {  	[hbm4b:s28+s2] =	stream.linear.scatter [tilespmem:s12], [sflag:$0x5], $0x1000, $0x38;
	[tilespmem:$0x4A00] =	vst v63  }
0x1f: {  	_ =	swait.ge [sflag:s10], $0x1000  }
0x20: {  	[sflag:s10] =	ssyncset.done $0x0  }
0x21: {  	[sflag:s10] =	ssyncadd.s32 $0xFFFFF000  }
0x22: {  	_ =	swait.ge [sflag:s17], $0x1000  }
0x23: {  	[sflag:s17] =	ssyncset.done $0x0  }
0x24: {  	s29 =	sadd.s32 $0x0, s8;
	[sflag:s17] =	ssyncadd.s32 $0xFFFFF000  }
0x25: {  	[hbm4b:s29+s2] =	stream.linear.scatter [tilespmem:s13], [sflag:$0x5], $0x1000, $0x38;
	[tilespmem:$0x4A00] =	vst v63  }
0x26: {  	_ =	swait.ge [sflag:s10], $0x1000  }
0x27: {  	[sflag:s10] =	ssyncset.done $0x0  }
0x28: {  	[sflag:s10] =	ssyncadd.s32 $0xFFFFF000  }
0x29: {  	_ =	swait.ge [sflag:s18], $0x1000  }
0x2a: {  	[sflag:s18] =	ssyncset.done $0x0  }
0x2b: {  	s30 =	sadd.s32 $0x0, s7;
	[sflag:s18] =	ssyncadd.s32 $0xFFFFF000  }
0x2c: {  	[hbm4b:s30+s2] =	stream.linear.scatter [tilespmem:s14], [sflag:$0x5], $0x1000, $0x38;
	[tilespmem:$0x4A00] =	vst v63  }
0x2d: {  	_ =	swait.ge [sflag:s10], $0x1000  }
0x2e: {  	[sflag:s10] =	ssyncset.done $0x0  }
0x2f: {  	[sflag:s10] =	ssyncadd.s32 $0xFFFFF000  }
0x30: {  	_ =	swait.ge [sflag:s19], $0x1000  }
0x31: {  	[sflag:s19] =	ssyncset.done $0x0  }
0x32: {  	s31 =	sadd.s32 $0x0, s9;
	[sflag:s19] =	ssyncadd.s32 $0xFFFFF000  }
0x33: {  	[hbm4b:s31+s2] =	stream.linear.scatter [tilespmem:s15], [sflag:$0x5], $0x1000, $0x38;
	[tilespmem:$0x4A00] =	vst v63  }
0x34: {  	_ =	swait.ge [sflag:s10], $0x1000  }
0x35: {  	s21 =	simm.s32 $0x800;
	s24 =	simm.s32 $0x1000;
	[sflag:s10] =	ssyncset.done $0x0  }
.LBB2_2:
0x36: {  	s25 =	sshra.s32 s21, $0x2  }
0x37: {  	[sflag:s10] =	ssyncadd.s32 $0xFFFFF000;
	s23 =	smov.u32 s24;
	s22 =	sadd.s32 $0x800, s24  }
0x38: {  	[tilespmem:s12], [sflag:$0x1] =	stream.indirect.gather [hbm4b:s3+s11], $0x20, s25, s11, $0xb8;
	[tilespmem:$0x4A00] =	vst v63  }
0x39: {  	p0 =	sne.s32 s24, $0x2000;
	s24 =	sadd.s32 $0x80, s25  }
0x3a: {  	[tilespmem:s13], [sflag:$0x2] =	stream.indirect.gather [hbm4b:s3+s11], $0x20, s24, s11, $0xb8;
	[tilespmem:$0x4A00] =	vst v63  }
0x3b: {  	s24 =	sadd.s32 $0x100, s25  }
0x3c: {  	[tilespmem:s14], [sflag:$0x3] =	stream.indirect.gather [hbm4b:s3+s11], $0x20, s24, s11, $0xb8;
	[tilespmem:$0x4A00] =	vst v63  }
0x3d: {  	s24 =	sadd.s32 $0x180, s25  }
0x3e: {  	[tilespmem:s15], [sflag:$0x4] =	stream.indirect.gather [hbm4b:s3+s11], $0x20, s24, s11, $0xb8;
	[tilespmem:$0x4A00] =	vst v63  }
0x3f: {  	_ =	swait.ge [sflag:s16], $0x1000  }
0x40: {  	[sflag:s16] =	ssyncset.done $0x0  }
0x41: {  	s24 =	sadd.s32 s21, s6;
	[sflag:s16] =	ssyncadd.s32 $0xFFFFF000  }
0x42: {  	[hbm4b:s24+s2] =	stream.linear.scatter [tilespmem:s12], [sflag:$0x5], $0x1000, $0x38;
	[tilespmem:$0x4A00] =	vst v63  }
0x43: {  	_ =	swait.ge [sflag:s10], $0x1000  }
0x44: {  	[sflag:s10] =	ssyncset.done $0x0  }
0x45: {  	[sflag:s10] =	ssyncadd.s32 $0xFFFFF000  }
0x46: {  	_ =	swait.ge [sflag:s17], $0x1000  }
0x47: {  	[sflag:s17] =	ssyncset.done $0x0  }
0x48: {  	s24 =	sadd.s32 s21, s8;
	[sflag:s17] =	ssyncadd.s32 $0xFFFFF000  }
0x49: {  	[hbm4b:s24+s2] =	stream.linear.scatter [tilespmem:s13], [sflag:$0x5], $0x1000, $0x38;
	[tilespmem:$0x4A00] =	vst v63  }
0x4a: {  	_ =	swait.ge [sflag:s10], $0x1000  }
0x4b: {  	[sflag:s10] =	ssyncset.done $0x0  }
0x4c: {  	[sflag:s10] =	ssyncadd.s32 $0xFFFFF000  }
0x4d: {  	_ =	swait.ge [sflag:s18], $0x1000  }
0x4e: {  	[sflag:s18] =	ssyncset.done $0x0  }
0x4f: {  	s24 =	sadd.s32 s21, s7;
	[sflag:s18] =	ssyncadd.s32 $0xFFFFF000  }
0x50: {  	[hbm4b:s24+s2] =	stream.linear.scatter [tilespmem:s14], [sflag:$0x5], $0x1000, $0x38;
	[tilespmem:$0x4A00] =	vst v63  }
0x51: {  	_ =	swait.ge [sflag:s10], $0x1000  }
0x52: {  	[sflag:s10] =	ssyncset.done $0x0  }
0x53: {  	[sflag:s10] =	ssyncadd.s32 $0xFFFFF000  }
0x54: {  	_ =	swait.ge [sflag:s19], $0x1000  }
.Ltmp0:
0x55: {  	[sflag:s19] =	ssyncset.done $0x0;
	(pc) =	sbr.rel @p0 .LBB2_2-.Ltmp0, $4  }
0x56: {  	s24 =	sadd.s32 s21, s9;
	s21 =	smov.u32 s23;
	[sflag:s19] =	ssyncadd.s32 $0xFFFFF000  }
0x57: {  	[hbm4b:s24+s2] =	stream.linear.scatter [tilespmem:s15], [sflag:$0x5], $0x1000, $0x38;
	[tilespmem:$0x4A00] =	vst v63  }
0x58: {  	_ =	swait.ge [sflag:s10], $0x1000  }
0x59: {  	s24 =	smov.u32 s22;
	[sflag:s10] =	ssyncset.done $0x0  }
0x5a: {  	s22 =	sshra.s32 s21, $0x2;
	[sflag:s10] =	ssyncadd.s32 $0xFFFFF000  }
0x5b: {  	[tilespmem:s12], [sflag:$0x1] =	stream.indirect.gather [hbm4b:s3+s11], $0x20, s22, s11, $0xb8;
	[tilespmem:$0x4A00] =	vst v63  }
0x5c: {  	s23 =	sadd.s32 $0x80, s22  }
0x5d: {  	[tilespmem:s13], [sflag:$0x2] =	stream.indirect.gather [hbm4b:s3+s11], $0x20, s23, s11, $0xb8;
	[tilespmem:$0x4A00] =	vst v63  }
0x5e: {  	s26 =	sadd.s32 $0x100, s22  }
0x5f: {  	[tilespmem:s14], [sflag:$0x3] =	stream.indirect.gather [hbm4b:s3+s11], $0x20, s26, s11, $0xb8;
	[tilespmem:$0x4A00] =	vst v63  }
0x60: {  	s22 =	sadd.s32 $0x180, s22  }
0x61: {  	[tilespmem:s15], [sflag:$0x4] =	stream.indirect.gather [hbm4b:s3+s11], $0x20, s22, s11, $0xb8;
	[tilespmem:$0x4A00] =	vst v63  }
0x62: {  	_ =	swait.ge [sflag:s16], $0x1000  }
0x63: {  	[sflag:s16] =	ssyncset.done $0x0  }
0x64: {  	s28 =	sadd.s32 s21, s6;
	[sflag:s16] =	ssyncadd.s32 $0xFFFFF000  }
0x65: {  	[hbm4b:s28+s2] =	stream.linear.scatter [tilespmem:s12], [sflag:$0x5], $0x1000, $0x38;
	[tilespmem:$0x4A00] =	vst v63  }
0x66: {  	_ =	swait.ge [sflag:s10], $0x1000  }
0x67: {  	[sflag:s10] =	ssyncset.done $0x0  }
0x68: {  	[sflag:s10] =	ssyncadd.s32 $0xFFFFF000  }
0x69: {  	_ =	swait.ge [sflag:s17], $0x1000  }
0x6a: {  	[sflag:s17] =	ssyncset.done $0x0  }
0x6b: {  	s29 =	sadd.s32 s21, s8;
	[sflag:s17] =	ssyncadd.s32 $0xFFFFF000  }
0x6c: {  	[hbm4b:s29+s2] =	stream.linear.scatter [tilespmem:s13], [sflag:$0x5], $0x1000, $0x38;
	[tilespmem:$0x4A00] =	vst v63  }
0x6d: {  	_ =	swait.ge [sflag:s10], $0x1000  }
0x6e: {  	[sflag:s10] =	ssyncset.done $0x0  }
0x6f: {  	[sflag:s10] =	ssyncadd.s32 $0xFFFFF000  }
0x70: {  	_ =	swait.ge [sflag:s18], $0x1000  }
0x71: {  	[sflag:s18] =	ssyncset.done $0x0  }
0x72: {  	s30 =	sadd.s32 s21, s7;
	[sflag:s18] =	ssyncadd.s32 $0xFFFFF000  }
0x73: {  	[hbm4b:s30+s2] =	stream.linear.scatter [tilespmem:s14], [sflag:$0x5], $0x1000, $0x38;
	[tilespmem:$0x4A00] =	vst v63  }
0x74: {  	_ =	swait.ge [sflag:s10], $0x1000  }
0x75: {  	[sflag:s10] =	ssyncset.done $0x0  }
0x76: {  	[sflag:s10] =	ssyncadd.s32 $0xFFFFF000  }
0x77: {  	s20 =	sadd.s32 $0x1, s20;
	_ =	swait.ge [sflag:s19], $0x1000  }
0x78: {  	p0 =	sne.s32 s20, s5;
	[sflag:s19] =	ssyncset.done $0x0  }
.Ltmp1:
0x79: {  	s31 =	sadd.s32 s21, s9;
	[sflag:s19] =	ssyncadd.s32 $0xFFFFF000;
	(pc) =	sbr.rel @p0 .LBB2_1-.Ltmp1, $4  }
0x7a: {  	[hbm4b:s31+s2] =	stream.linear.scatter [tilespmem:s15], [sflag:$0x5], $0x1000, $0x38;
	[tilespmem:$0x4A00] =	vst v63  }
0x7b: {  	_ =	swait.ge [sflag:s10], $0x1000  }
0x7c: {  	[sflag:s10] =	ssyncset.done $0x0  }
0x7d: {  	[sflag:s10] =	ssyncadd.s32 $0xFFFFF000  }
0x7e: {  	_ =	sfence.sel $0x180000  }
0x7f: {  	[bflag:$0x0] =	sbarrier.arrive $0xFFFF  }
0x80: {  	p0 =	sne.s32 s0, $0x0;
	_ =	strace $0x90000053  }
0x81: {  	s0 =	sadd.s32 @!p0 $0x100000, s1;
	[bflag:$0x2] =	sbarrier.arrive $0xFFFF  }
0x82: {  	[sflag:s0] =	ssyncadd.tile.s32 @!p0 $0x1;
	_ =	shalt  }
.Lfunc_end2:
_tile_overlayer_lowered:
.L_overlay_start_2:
0x83: {  	(tag) =	ssettag $0x2  }
0x84: {  	s0 =	rddreg [dreg:$0x0];
	s2 =	stileid.u32  }
0x85: {  	s1 =	rddreg [dreg:$0x1];
	p0 =	sne.s32 s2, $0x0  }
0x86: {  	s3 =	rddreg [dreg:$0x2];
	[bflag:$0x3] =	sbarrier.arrive $0xFFFF;
	s2 =	simm.s32 @!p0 $0x1C05  }
0x87: {  	[timem:s3], [sflag:s2] =	dma.local @!p0 [hbm:s0], s1  }
0x88: {  	s0 =	simm.s32 @!p0 $0x5  }
0x89: {  	_ =	swait.ge @!p0 [sflag:s0], s1  }
0x8a: {  	s1 =	ssub.s32 @!p0 $0x0, s1;
	[sflag:s0] =	ssyncset.done @!p0 $0x0  }
0x8b: {  	[sflag:s0] =	ssyncadd.s32 @!p0 s1  }
0x8c: {  	[bflag:$0x3] =	sbarrier.arrive $0xFFFF  }
0x8d: {  	_ =	shalt  }

// kernel: kernel.22.cloned.1.call-start
scs
__scs_entry_jumppad:
0x0: {  	(pc) =	sbr.rel $0x88, $3  }
0x1: {  	(tag) =	ssettag $0x0;
	lr =	simm.s32 $0x1  }
0x2: {  	[smem:$0x3F8B] =	sst lr;
	_ =	strace $0xD0000000  }
0x3: {  	_ = 	snop  }
0x4: {  	_ = 	snop  }
0x5: {  	_ = 	snop  }
0x6: {  	_ = 	snop  }
0x7: {  	_ = 	snop  }
__scs_overlays_trampoline_lowered:
0x8: {  	[smem:$0x3F9A] =	sst s0  }
0x9: {  	[smem:$0x3F9B] =	sst s1  }
0xa: {  	[smem:$0x3F9C] =	sst s2  }
0xb: {  	[smem:$0x3F9D] =	sst s3  }
0xc: {  	[smem:$0x3F9E] =	sst s4  }
0xd: {  	[smem:$0x3F9F] =	sst s5  }
0xe: {  	[smem:$0x3FA0] =	sst s6  }
0xf: {  	[smem:$0x3FA1] =	sst s7  }
0x10: {  	[smem:$0x3FA2] =	sst s8  }
0x11: {  	[smem:$0x3FA3] =	sst s9;
	s0 =	simm.s32 @!p0 $0x0  }
0x12: {  	s1 =	sld [smem:$0x3F89];
	s0 =	simm.s32 @p0 $0x1  }
0x13: {  	[smem:$0x3FA4] =	sst s0;
	s0 =	simm.s32 @!p1 $0x0  }
0x14: {  	s2 =	sld [smem:$0x3F88];
	s0 =	simm.s32 @p1 $0x1  }
0x15: {  	[smem:$0x3FA5] =	sst s0;
	s0 =	simm.s32 @!p2 $0x0  }
0x16: {  	s3 =	sld [smem:$0x3FDB];
	s0 =	simm.s32 @p2 $0x1  }
0x17: {  	s4 =	simm.s32 $0x1BF5;
	[smem:$0x3FA7] =	sst s0  }
0x18: {  	s0 =	sld [smem:$0x3F8A];
	_ =	swait.ge [sflag:s4], $0x0  }
0x19: {  	s7 =	sld [smem:$0x3F8B]  }
0x1a: {  	s8 =	sadd.s32 $0xFFFFE003, lr  }
0x1b: {  	s9 =	sadd.s32 $0xFFFFFEF7, lr;
	s5 =	simm.s32 $0xFFFFFFFF;
	p2 =	slt.u32 s8, $0xFFFFF086  }
0x1c: {  	p1 =	slt.u32 s9, $0xF7A;
	s5 =	simm.s32 @!p2 $0x0  }
0x1d: {  	s5 =	simm.s32 @p1 $0x1;
	p0 =	seq.s32 s7, s2  }
0x1e: {  	s7 =	smul.u32 @!p0 $0xF7A, s2;
	p2 =	seq.s32 @!p0 s5, $0x0  }
0x1f: {  	s9 =	smul.u32 $0xF7A, s1;
	s8 =	simm.s32 @!p0 $0x1BF5;
	p2 =	por !p2, p0  }
0x20: {  	[sflag:s8] =	ssyncset.s32 @!p0 $0xFFFFF086;
	s6 =	sadd.s32 @!p0 s3, s7;
	s7 =	simm.s32 @!p0 $0x108  }
0x21: {  	s3 =	sadd.s32 s3, s9;
	s6 =	sadd.s32 @!p0 $0x88, s6;
	s7 =	simm.s32 @p2 $0x1082  }
0x22: {  	[simem:s7], [sflag:s8] =	dma.local @!p0 [hbm:s6], $0xF7A  }
0x23: {  	s9 =	sor.u32 $0xD0000000, s2;
	s6 =	simm.s32 $0x108;
	_ =	swait.ge @!p0 [sflag:s8], $0x0  }
0x24: {  	s3 =	sadd.s32 $0x88, s3;
	s6 =	simm.s32 @!p1 $0x1082;
	[sflag:s4] =	ssyncset.s32 $0xFFFFF086  }
0x25: {  	[simem:s6], [sflag:s4] =	dma.local [hbm:s3], $0xF7A  }
0x26: {  	[smem:$0x3F8B] =	sst s1;
	(tag) =	ssettag s2;
	_ =	strace s9  }
0x27: {  	s1 =	sld [smem:$0x3F9B]  }
0x28: {  	s2 =	sld [smem:$0x3F9C]  }
0x29: {  	s4 =	sld [smem:$0x3F9E]  }
0x2a: {  	p0 =	seq.s32 s5, $0x0;
	s5 =	sld [smem:$0x3F9F]  }
0x2b: {  	s6 =	sld [smem:$0x3FA0]  }
0x2c: {  	s7 =	sld [smem:$0x3FA1]  }
0x2d: {  	s3 =	simm.s32 $0x108;
	s8 =	sld [smem:$0x3FA2]  }
0x2e: {  	s3 =	simm.s32 @!p0 $0x1082;
	s9 =	sld [smem:$0x3FA3]  }
0x2f: {  	lr =	sadd.s32 s0, s3;
	s0 =	sld [smem:$0x3F9A]  }
0x30: {  	s3 =	sld [smem:$0x3F9D]  }
0x31: {  	[smem:$0x3FA6] =	sst s10  }
0x32: {  	s10 =	sld [smem:$0x3FA4];
	_ =	sdelay $0x3  }
0x33: {  	p0 =	seq.s32 s10, $0x1;
	s10 =	sld [smem:$0x3FA6];
	_ =	sdelay $0x3  }
0x34: {  	[smem:$0x3FA6] =	sst s10  }
0x35: {  	s10 =	sld [smem:$0x3FA5];
	_ =	sdelay $0x3  }
0x36: {  	p1 =	seq.s32 s10, $0x1;
	s10 =	sld [smem:$0x3FA6];
	_ =	sdelay $0x3  }
0x37: {  	[smem:$0x3FA6] =	sst s10  }
0x38: {  	s10 =	sld [smem:$0x3FA7]  }
0x39: {  	_ = 	snop;
	(pc) =	sbr.ind lr, $3  }
0x3a: {  	_ = 	snop  }
0x3b: {  	_ = 	snop  }
0x3c: {  	p2 =	seq.s32 s10, $0x1;
	s10 =	sld [smem:$0x3FA6]  }
0x3d: {  	_ =	shalt  }
0x3e: {  	_ =	shalt  }
0x3f: {  	_ =	shalt  }
0x40: {  	_ =	shalt  }
0x41: {  	_ =	shalt  }
0x42: {  	_ =	shalt  }
0x43: {  	_ =	shalt  }
0x44: {  	_ =	shalt  }
0x45: {  	_ =	shalt  }
0x46: {  	_ =	shalt  }
0x47: {  	_ =	shalt  }
0x48: {  	_ =	shalt  }
0x49: {  	_ =	shalt  }
0x4a: {  	_ =	shalt  }
0x4b: {  	_ =	shalt  }
0x4c: {  	_ =	shalt  }
0x4d: {  	_ =	shalt  }
0x4e: {  	_ =	shalt  }
0x4f: {  	_ =	shalt  }
0x50: {  	_ =	shalt  }
0x51: {  	_ =	shalt  }
0x52: {  	_ =	shalt  }
0x53: {  	_ =	shalt  }
0x54: {  	_ =	shalt  }
0x55: {  	_ =	shalt  }
0x56: {  	_ =	shalt  }
0x57: {  	_ =	shalt  }
0x58: {  	_ =	shalt  }
0x59: {  	_ =	shalt  }
0x5a: {  	_ =	shalt  }
0x5b: {  	_ =	shalt  }
0x5c: {  	_ =	shalt  }
0x5d: {  	_ =	shalt  }
0x5e: {  	_ =	shalt  }
0x5f: {  	_ =	shalt  }
0x60: {  	_ =	shalt  }
0x61: {  	_ =	shalt  }
0x62: {  	_ =	shalt  }
0x63: {  	_ =	shalt  }
0x64: {  	_ =	shalt  }
0x65: {  	_ =	shalt  }
0x66: {  	_ =	shalt  }
0x67: {  	_ =	shalt  }
0x68: {  	_ =	shalt  }
0x69: {  	_ =	shalt  }
0x6a: {  	_ =	shalt  }
0x6b: {  	_ =	shalt  }
0x6c: {  	_ =	shalt  }
0x6d: {  	_ =	shalt  }
0x6e: {  	_ =	shalt  }
0x6f: {  	_ =	shalt  }
0x70: {  	_ =	shalt  }
0x71: {  	_ =	shalt  }
0x72: {  	_ =	shalt  }
0x73: {  	_ =	shalt  }
0x74: {  	_ =	shalt  }
0x75: {  	_ =	shalt  }
0x76: {  	_ =	shalt  }
0x77: {  	_ =	shalt  }
0x78: {  	_ =	shalt  }
0x79: {  	_ =	shalt  }
0x7a: {  	_ =	shalt  }
0x7b: {  	_ =	shalt  }
0x7c: {  	_ =	shalt  }
0x7d: {  	_ =	shalt  }
0x7e: {  	_ =	shalt  }
0x7f: {  	_ =	shalt  }
0x80: {  	_ =	shalt  }
0x81: {  	_ =	shalt  }
0x82: {  	_ =	shalt  }
0x83: {  	_ =	shalt  }
0x84: {  	_ =	shalt  }
0x85: {  	_ =	shalt  }
0x86: {  	_ =	shalt  }
0x87: {  	_ =	shalt  }
.Lfunc_end0:
.L_simem_size_0:
called_computation.5_lowered:
.L_overlay_start_0:
0x88: {  	s2 =	sld [smem:$0x3FD9]  }
0x89: {  	s3 =	sld [smem:$0x3FFE];
	_ =	sdelay $0x1  }
0x8a: {  	s1 =	srdreg.scid  }
0x8b: {  	s0 =	sand.u32 $0x1, s1  }
0x8c: {  	s17 =	sshll.u32 s0, $0xA;
	s2 =	sadd.s32 s3, s2  }
0x8d: {  	s2 =	sadd.s32 s2, s17  }
0x8e: {  	[smem:$0x3FB2] =	sst s2  }
0x8f: {  	_ = 	snop  }
0x90: {  	(tm) =	ssettm $0x1  }
0x91: {  	s18 =	sld [smem:$0x3FFB];
	_ =	sdelay $0x3  }
0x92: {  	_ =	strace s18  }
0x93: {  	s2 =	sld [smem:$0x3FFC];
	_ =	sdelay $0x3  }
0x94: {  	_ =	strace s2  }
0x95: {  	s2 =	sld [smem:$0x3FFD];
	_ =	sdelay $0x3  }
0x96: {  	_ =	strace s2  }
0x97: {  	_ =	strace $0x8FFFFFFF  }
0x98: {  	s19 =	sld [smem:$0x3FDB];
	_ =	sdelay $0x1  }
0x99: {  	s20 =	simm.s32 $_scs_section_size  }
0x9a: {  	s4 =	simm.s32 $_size__tile_overlayer_lowered;
	s5 =	simm.s32 $_tile_overlayer_lowered  }
0x9b: {  	s6 =	simm.s32 $0x1BFF;
	s21 =	sshll.u32 s5, $0x1;
	s3 =	sadd.s32 s20, s19  }
0x9c: {  	s22 =	simm.s32 $0x0;
	s4 =	sshll.u32 s4, $0x1;
	s5 =	sadd.s32 s21, s3  }
0x9d: {  	[timem:s22], [sflag:s6] =	dma.local [hbm:s5], s4  }
0x9e: {  	_ =	swait.ge [sflag:s6], s4  }
0x9f: {  	s4 =	ssub.s32 $0x0, s4;
	[sflag:s6] =	ssyncset.done $0x0  }
0xa0: {  	[sflag:s6] =	ssyncadd.s32 s4;
	_ =	sdelay $0x1  }
0xa1: {  	s23 =	simm.s32 $0x1B8B  }
0xa2: {  	_ =	swait.ge [sflag:s23], $0x1  }
0xa3: {  	[sflag:s23] =	ssyncset.done $0x0  }
0xa4: {  	[sflag:s23] =	ssyncadd.s32 $0xFFFFFFFF  }
0xa5: {  	s4 =	sld [smem:$0x0]  }
0xa6: {  	s5 =	sand.u32 $0xFFFFFFFE, s1  }
0xa7: {  	p0 =	sne.s32 s1, s5  }
0xa8: {  	s5 =	sshll.u32 @p0 s5, $0xE  }
0xa9: {  	s5 =	sadd.s32 @p0 $0x11B8D, s5;
	s6 =	sshll.u32 @p0 s4, $0x11  }
0xaa: {  	s5 =	sor.u32 @p0 s6, s5  }
0xab: {  	[sflag:s5] =	ssyncadd.remote.s32 @p0 $0x1;
	_ =	sdelay $0x1  }
0xac: {  	s5 =	simm.s32 @p0 $0x1B8D  }
0xad: {  	_ =	swait.eq @p0 [sflag:s5], $0x1  }
0xae: {  	[sflag:s5] =	ssyncadd.s32 @p0 $0xFFFFFFFF  }
0xaf: {  	s6 =	sshll.u32 @!p0 s1, $0xE  }
0xb0: {  	s6 =	sor.u32 @!p0 $0x4000, s6;
	s5 =	simm.s32 @!p0 $0x1B8D  }
0xb1: {  	s4 =	sshll.u32 @!p0 s4, $0x11;
	s6 =	sadd.s32 @!p0 $0x11B8D, s6;
	_ =	swait.eq @!p0 [sflag:s5], $0x1  }
0xb2: {  	s4 =	sor.u32 @!p0 s4, s6;
	[sflag:s5] =	ssyncadd.s32 @!p0 $0xFFFFFFFF  }
0xb3: {  	s25 =	simm.s32 $0x1B8E;
	s24 =	sld [smem:$0x3FFE];
	[sflag:s4] =	ssyncadd.remote.s32 @!p0 $0x1  }
0xb4: {  	s26 =	simm.s32 $execute0_lowered;
	[smem:$0x3FD2] =	sst s25  }
0xb5: {  	s5 =	sshll.u32 s26, $0x1;
	_ =	strace $0x80000055;
	[dreg:$0x1] =	wrdreg $0xFFFFFFFF  }
0xb6: {  	s28 =	simm.s32 $_size_execute0_lowered;
	s3 =	sadd.s32 s3, s5;
	[dreg:$0x0] =	wrdreg $0x0  }
0xb7: {  	s5 =	sshll.u32 s28, $0x1;
	[dreg:$0x2] =	wrdreg s3  }
0xb8: {  	[dreg:$0x3] =	wrdreg s5  }
0xb9: {  	[dreg:$0x4] =	wrdreg $0xC0  }
0xba: {  	_ =	task [dreg:s22], $0x5FFFF  }
0xbb: {  	[dreg:$0x1] =	wrdreg $0xFFFFFFFF  }
0xbc: {  	[dreg:$0x0] =	wrdreg $0x60  }
0xbd: {  	[dreg:$0x2] =	wrdreg s24  }
0xbe: {  	[dreg:$0x3] =	wrdreg $0x9  }
0xbf: {  	_ =	task.clear_ibuf [dreg:s22], $0x4FFFF;
	_ =	strace $0x90000055  }
0xc0: {  	s29 =	simm.s32 $0x9;
	_ =	strace $0x80000057  }
0xc1: {  	_ =	swait.ge [sflag:s29], $0x1  }
0xc2: {  	[sflag:s29] =	ssyncadd.s32 $0xFFFFFFFF  }
0xc3: {  	_ =	strace $0x90000057  }
0xc4: {  	_ =	sfence  }
0xc5: {  	s30 =	sld [smem:$0x0];
	_ =	sdelay $0x2  }
0xc6: {  	s31 =	sshll.u32 s1, $0xD;
	s1 =	sshrl.u32 s1, $0x2  }
0xc7: {  	s4 =	sand.u32 $0x4000, s31;
	s1 =	sadd.s32 s1, s30  }
0xc8: {  	s0 =	sor.u32 s4, s0;
	s1 =	sshll.u32 s1, $0x11  }
0xc9: {  	s0 =	sor.u32 s1, s0  }
0xca: {  	s0 =	sadd.s32 $0x8F2B, s0  }
0xcb: {  	[sflag:s0] =	ssyncadd.remote.s32 $0x1  }
0xcc: {  	_ =	sfence.sel $0xFFFF  }
0xcd: {  	[dreg:$0x0] =	wrdreg $0xFFFFFFFF;
	(pc) =	sbr.abs _section_cstart, $3  }
0xce: {  	[dreg:$0x1] =	wrdreg $0xFFFFFFFF  }
0xcf: {  	_ =	task.clear_ibuf [dreg:s22], $0x2FFFF;
	_ =	strace $0x9FFFFFFF  }
0xd0: {  	(tm) =	ssettm $0x7FFFFFFF  }
0xd1: {  	_ =	shalt  }
tec
execute0_lowered:
.L_overlay_start_1:
0x0: {  	(tag) =	ssettag $0x1  }
0x1: {  	s1 =	srdreg.scid;
	s0 =	stileid.u32  }
0x2: {  	s5 =	rddreg [dreg:$0x0];
	s2 =	simm.s32 $0x0;
	s14 =	simm.s32 $0x2A00  }
0x3: {  	s15 =	simm.s32 $0x3A00;
	s16 =	simm.s32 $0x1;
	s17 =	simm.s32 $0x2  }
0x4: {  	s18 =	simm.s32 $0x3;
	s19 =	simm.s32 $0x4;
	s20 =	simm.s32 $0x0  }
0x5: {  	s4 =	sand.u32 $0x1, s1;
	s1 =	rddreg [dreg:$0x1];
	s7 =	smul.u32 $0x28000, s0  }
0x6: {  	s26 =	sshll.u32 s0, $0x1;
	[smem:$0x7FF] =	sst s2;
	s8 =	smul.u32 $0x1400, s0  }
0x7: {  	s13 =	sadd.s32 $0xBBA00, s5;
	s3 =	sor.u32 s4, s26;
	s10 =	smul.u32 $0xA00, s4  }
0x8: {  	_ =	strace $0x80000056;
	s9 =	ssub.s32 $0x2, s4;
	s12 =	smul.u32 $0x14000, s4  }
0x9: {  	s6 =	smul.u32 $0xA00, s3;
	s3 =	sadd.s32 $0x61C00, s5;
	s11 =	sshrl.u32 s9, $0x1  }
0xa: {  	s28 =	ssub.s32 s9, s11;
	s8 =	sadd.s32 s10, s8;
	s29 =	sadd.s32 s12, s7  }
0xb: {  	s10 =	simm.s32 $0x5;
	s11 =	simm.s32 $0x80;
	s6 =	sshrl.u32 s6, $0x3  }
0xc: {  	s12 =	simm.s32 $0xA00;
	s30 =	sshll.u32 s8, $0x2;
	s6 =	sadd.s32 s6, s5  }
0xd: {  	s5 =	smax.u32 s28, $0x1;
	s31 =	sadd.s32 s30, s13;
	s4 =	sadd.s32 $0x32400, s6  }
0xe: {  	s6 =	sshrl.u32 s29, $0x3;
	s7 =	sadd.s32 $0x400, s31;
	s8 =	sadd.s32 $0x200, s31  }
0xf: {  	s9 =	sadd.s32 $0x600, s31;
	s6 =	sadd.s32 s6, s13;
	s13 =	simm.s32 $0x1A00  }
.LBB2_1:
0x10: {  	[tilespmem:s2], [sflag:$0x5] =	stream.linear.gather [hbm4b:s4+s2], $0xA00, $0x38;
	[tilespmem:$0x4A00] =	vst v63  }
0x11: {  	_ =	swait.ge [sflag:s10], $0xA00  }
0x12: {  	[sflag:s10] =	ssyncset.done $0x0  }
0x13: {  	s21 =	simm.s32 $0x0;
	[sflag:s10] =	ssyncadd.s32 $0xFFFFF600  }
0x14: {  	[tilespmem:s12], [sflag:$0x1] =	stream.indirect.gather [hbm4b:s3+s11], $0x20, s21, s11, $0xb8;
	[tilespmem:$0x4A00] =	vst v63  }
0x15: {  	s24 =	simm.s32 $0x80  }
0x16: {  	[tilespmem:s13], [sflag:$0x2] =	stream.indirect.gather [hbm4b:s3+s11], $0x20, s24, s11, $0xb8;
	[tilespmem:$0x4A00] =	vst v63  }
0x17: {  	s25 =	simm.s32 $0x100  }
0x18: {  	[tilespmem:s14], [sflag:$0x3] =	stream.indirect.gather [hbm4b:s3+s11], $0x20, s25, s11, $0xb8;
	[tilespmem:$0x4A00] =	vst v63  }
0x19: {  	s26 =	simm.s32 $0x180  }
0x1a: {  	[tilespmem:s15], [sflag:$0x4] =	stream.indirect.gather [hbm4b:s3+s11], $0x20, s26, s11, $0xb8;
	[tilespmem:$0x4A00] =	vst v63  }
0x1b: {  	_ =	swait.ge [sflag:s16], $0x1000  }
0x1c: {  	[sflag:s16] =	ssyncset.done $0x0  }
0x1d: {  	s28 =	sadd.s32 $0x0, s6;
	[sflag:s16] =	ssyncadd.s32 $0xFFFFF000  }
0x1e: {  	[hbm4b:s28+s2] =	stream.linear.scatter [tilespmem:s12], [sflag:$0x5], $0x1000, $0x38;
	[tilespmem:$0x4A00] =	vst v63  }
0x1f: {  	_ =	swait.ge [sflag:s10], $0x1000  }
0x20: {  	[sflag:s10] =	ssyncset.done $0x0  }
0x21: {  	[sflag:s10] =	ssyncadd.s32 $0xFFFFF000  }
0x22: {  	_ =	swait.ge [sflag:s17], $0x1000  }
0x23: {  	[sflag:s17] =	ssyncset.done $0x0  }
0x24: {  	s29 =	sadd.s32 $0x0, s8;
	[sflag:s17] =	ssyncadd.s32 $0xFFFFF000  }
0x25: {  	[hbm4b:s29+s2] =	stream.linear.scatter [tilespmem:s13], [sflag:$0x5], $0x1000, $0x38;
	[tilespmem:$0x4A00] =	vst v63  }
0x26: {  	_ =	swait.ge [sflag:s10], $0x1000  }
0x27: {  	[sflag:s10] =	ssyncset.done $0x0  }
0x28: {  	[sflag:s10] =	ssyncadd.s32 $0xFFFFF000  }
0x29: {  	_ =	swait.ge [sflag:s18], $0x1000  }
0x2a: {  	[sflag:s18] =	ssyncset.done $0x0  }
0x2b: {  	s30 =	sadd.s32 $0x0, s7;
	[sflag:s18] =	ssyncadd.s32 $0xFFFFF000  }
0x2c: {  	[hbm4b:s30+s2] =	stream.linear.scatter [tilespmem:s14], [sflag:$0x5], $0x1000, $0x38;
	[tilespmem:$0x4A00] =	vst v63  }
0x2d: {  	_ =	swait.ge [sflag:s10], $0x1000  }
0x2e: {  	[sflag:s10] =	ssyncset.done $0x0  }
0x2f: {  	[sflag:s10] =	ssyncadd.s32 $0xFFFFF000  }
0x30: {  	_ =	swait.ge [sflag:s19], $0x1000  }
0x31: {  	[sflag:s19] =	ssyncset.done $0x0  }
0x32: {  	s31 =	sadd.s32 $0x0, s9;
	[sflag:s19] =	ssyncadd.s32 $0xFFFFF000  }
0x33: {  	[hbm4b:s31+s2] =	stream.linear.scatter [tilespmem:s15], [sflag:$0x5], $0x1000, $0x38;
	[tilespmem:$0x4A00] =	vst v63  }
0x34: {  	_ =	swait.ge [sflag:s10], $0x1000  }
0x35: {  	s21 =	simm.s32 $0x800;
	s24 =	simm.s32 $0x1000;
	[sflag:s10] =	ssyncset.done $0x0  }
.LBB2_2:
0x36: {  	s25 =	sshra.s32 s21, $0x2  }
0x37: {  	[sflag:s10] =	ssyncadd.s32 $0xFFFFF000;
	s23 =	smov.u32 s24;
	s22 =	sadd.s32 $0x800, s24  }
0x38: {  	[tilespmem:s12], [sflag:$0x1] =	stream.indirect.gather [hbm4b:s3+s11], $0x20, s25, s11, $0xb8;
	[tilespmem:$0x4A00] =	vst v63  }
0x39: {  	p0 =	sne.s32 s24, $0x2000;
	s24 =	sadd.s32 $0x80, s25  }
0x3a: {  	[tilespmem:s13], [sflag:$0x2] =	stream.indirect.gather [hbm4b:s3+s11], $0x20, s24, s11, $0xb8;
	[tilespmem:$0x4A00] =	vst v63  }
0x3b: {  	s24 =	sadd.s32 $0x100, s25  }
0x3c: {  	[tilespmem:s14], [sflag:$0x3] =	stream.indirect.gather [hbm4b:s3+s11], $0x20, s24, s11, $0xb8;
	[tilespmem:$0x4A00] =	vst v63  }
0x3d: {  	s24 =	sadd.s32 $0x180, s25  }
0x3e: {  	[tilespmem:s15], [sflag:$0x4] =	stream.indirect.gather [hbm4b:s3+s11], $0x20, s24, s11, $0xb8;
	[tilespmem:$0x4A00] =	vst v63  }
0x3f: {  	_ =	swait.ge [sflag:s16], $0x1000  }
0x40: {  	[sflag:s16] =	ssyncset.done $0x0  }
0x41: {  	s24 =	sadd.s32 s21, s6;
	[sflag:s16] =	ssyncadd.s32 $0xFFFFF000  }
0x42: {  	[hbm4b:s24+s2] =	stream.linear.scatter [tilespmem:s12], [sflag:$0x5], $0x1000, $0x38;
	[tilespmem:$0x4A00] =	vst v63  }
0x43: {  	_ =	swait.ge [sflag:s10], $0x1000  }
0x44: {  	[sflag:s10] =	ssyncset.done $0x0  }
0x45: {  	[sflag:s10] =	ssyncadd.s32 $0xFFFFF000  }
0x46: {  	_ =	swait.ge [sflag:s17], $0x1000  }
0x47: {  	[sflag:s17] =	ssyncset.done $0x0  }
0x48: {  	s24 =	sadd.s32 s21, s8;
	[sflag:s17] =	ssyncadd.s32 $0xFFFFF000  }
0x49: {  	[hbm4b:s24+s2] =	stream.linear.scatter [tilespmem:s13], [sflag:$0x5], $0x1000, $0x38;
	[tilespmem:$0x4A00] =	vst v63  }
0x4a: {  	_ =	swait.ge [sflag:s10], $0x1000  }
0x4b: {  	[sflag:s10] =	ssyncset.done $0x0  }
0x4c: {  	[sflag:s10] =	ssyncadd.s32 $0xFFFFF000  }
0x4d: {  	_ =	swait.ge [sflag:s18], $0x1000  }
0x4e: {  	[sflag:s18] =	ssyncset.done $0x0  }
0x4f: {  	s24 =	sadd.s32 s21, s7;
	[sflag:s18] =	ssyncadd.s32 $0xFFFFF000  }
0x50: {  	[hbm4b:s24+s2] =	stream.linear.scatter [tilespmem:s14], [sflag:$0x5], $0x1000, $0x38;
	[tilespmem:$0x4A00] =	vst v63  }
0x51: {  	_ =	swait.ge [sflag:s10], $0x1000  }
0x52: {  	[sflag:s10] =	ssyncset.done $0x0  }
0x53: {  	[sflag:s10] =	ssyncadd.s32 $0xFFFFF000  }
0x54: {  	_ =	swait.ge [sflag:s19], $0x1000  }
.Ltmp0:
0x55: {  	[sflag:s19] =	ssyncset.done $0x0;
	(pc) =	sbr.rel @p0 .LBB2_2-.Ltmp0, $4  }
0x56: {  	s24 =	sadd.s32 s21, s9;
	s21 =	smov.u32 s23;
	[sflag:s19] =	ssyncadd.s32 $0xFFFFF000  }
0x57: {  	[hbm4b:s24+s2] =	stream.linear.scatter [tilespmem:s15], [sflag:$0x5], $0x1000, $0x38;
	[tilespmem:$0x4A00] =	vst v63  }
0x58: {  	_ =	swait.ge [sflag:s10], $0x1000  }
0x59: {  	s24 =	smov.u32 s22;
	[sflag:s10] =	ssyncset.done $0x0  }
0x5a: {  	s22 =	sshra.s32 s21, $0x2;
	[sflag:s10] =	ssyncadd.s32 $0xFFFFF000  }
0x5b: {  	[tilespmem:s12], [sflag:$0x1] =	stream.indirect.gather [hbm4b:s3+s11], $0x20, s22, s11, $0xb8;
	[tilespmem:$0x4A00] =	vst v63  }
0x5c: {  	s23 =	sadd.s32 $0x80, s22  }
0x5d: {  	[tilespmem:s13], [sflag:$0x2] =	stream.indirect.gather [hbm4b:s3+s11], $0x20, s23, s11, $0xb8;
	[tilespmem:$0x4A00] =	vst v63  }
0x5e: {  	s26 =	sadd.s32 $0x100, s22  }
0x5f: {  	[tilespmem:s14], [sflag:$0x3] =	stream.indirect.gather [hbm4b:s3+s11], $0x20, s26, s11, $0xb8;
	[tilespmem:$0x4A00] =	vst v63  }
0x60: {  	s22 =	sadd.s32 $0x180, s22  }
0x61: {  	[tilespmem:s15], [sflag:$0x4] =	stream.indirect.gather [hbm4b:s3+s11], $0x20, s22, s11, $0xb8;
	[tilespmem:$0x4A00] =	vst v63  }
0x62: {  	_ =	swait.ge [sflag:s16], $0x1000  }
0x63: {  	[sflag:s16] =	ssyncset.done $0x0  }
0x64: {  	s28 =	sadd.s32 s21, s6;
	[sflag:s16] =	ssyncadd.s32 $0xFFFFF000  }
0x65: {  	[hbm4b:s28+s2] =	stream.linear.scatter [tilespmem:s12], [sflag:$0x5], $0x1000, $0x38;
	[tilespmem:$0x4A00] =	vst v63  }
0x66: {  	_ =	swait.ge [sflag:s10], $0x1000  }
0x67: {  	[sflag:s10] =	ssyncset.done $0x0  }
0x68: {  	[sflag:s10] =	ssyncadd.s32 $0xFFFFF000  }
0x69: {  	_ =	swait.ge [sflag:s17], $0x1000  }
0x6a: {  	[sflag:s17] =	ssyncset.done $0x0  }
0x6b: {  	s29 =	sadd.s32 s21, s8;
	[sflag:s17] =	ssyncadd.s32 $0xFFFFF000  }
0x6c: {  	[hbm4b:s29+s2] =	stream.linear.scatter [tilespmem:s13], [sflag:$0x5], $0x1000, $0x38;
	[tilespmem:$0x4A00] =	vst v63  }
0x6d: {  	_ =	swait.ge [sflag:s10], $0x1000  }
0x6e: {  	[sflag:s10] =	ssyncset.done $0x0  }
0x6f: {  	[sflag:s10] =	ssyncadd.s32 $0xFFFFF000  }
0x70: {  	_ =	swait.ge [sflag:s18], $0x1000  }
0x71: {  	[sflag:s18] =	ssyncset.done $0x0  }
0x72: {  	s30 =	sadd.s32 s21, s7;
	[sflag:s18] =	ssyncadd.s32 $0xFFFFF000  }
0x73: {  	[hbm4b:s30+s2] =	stream.linear.scatter [tilespmem:s14], [sflag:$0x5], $0x1000, $0x38;
	[tilespmem:$0x4A00] =	vst v63  }
0x74: {  	_ =	swait.ge [sflag:s10], $0x1000  }
0x75: {  	[sflag:s10] =	ssyncset.done $0x0  }
0x76: {  	[sflag:s10] =	ssyncadd.s32 $0xFFFFF000  }
0x77: {  	s20 =	sadd.s32 $0x1, s20;
	_ =	swait.ge [sflag:s19], $0x1000  }
0x78: {  	p0 =	sne.s32 s20, s5;
	[sflag:s19] =	ssyncset.done $0x0  }
.Ltmp1:
0x79: {  	s31 =	sadd.s32 s21, s9;
	[sflag:s19] =	ssyncadd.s32 $0xFFFFF000;
	(pc) =	sbr.rel @p0 .LBB2_1-.Ltmp1, $4  }
0x7a: {  	[hbm4b:s31+s2] =	stream.linear.scatter [tilespmem:s15], [sflag:$0x5], $0x1000, $0x38;
	[tilespmem:$0x4A00] =	vst v63  }
0x7b: {  	_ =	swait.ge [sflag:s10], $0x1000  }
0x7c: {  	[sflag:s10] =	ssyncset.done $0x0  }
0x7d: {  	[sflag:s10] =	ssyncadd.s32 $0xFFFFF000  }
0x7e: {  	_ =	sfence.sel $0x180000  }
0x7f: {  	[bflag:$0x0] =	sbarrier.arrive $0xFFFF  }
0x80: {  	p0 =	sne.s32 s0, $0x0;
	_ =	strace $0x90000056  }
0x81: {  	s0 =	sadd.s32 @!p0 $0x100000, s1;
	[bflag:$0x2] =	sbarrier.arrive $0xFFFF  }
0x82: {  	[sflag:s0] =	ssyncadd.tile.s32 @!p0 $0x1;
	_ =	shalt  }
.Lfunc_end2:
_tile_overlayer_lowered:
.L_overlay_start_2:
0x83: {  	(tag) =	ssettag $0x2  }
0x84: {  	s0 =	rddreg [dreg:$0x0];
	s2 =	stileid.u32  }
0x85: {  	s1 =	rddreg [dreg:$0x1];
	p0 =	sne.s32 s2, $0x0  }
0x86: {  	s3 =	rddreg [dreg:$0x2];
	[bflag:$0x3] =	sbarrier.arrive $0xFFFF;
	s2 =	simm.s32 @!p0 $0x1C05  }
0x87: {  	[timem:s3], [sflag:s2] =	dma.local @!p0 [hbm:s0], s1  }
0x88: {  	s0 =	simm.s32 @!p0 $0x5  }
0x89: {  	_ =	swait.ge @!p0 [sflag:s0], s1  }
0x8a: {  	s1 =	ssub.s32 @!p0 $0x0, s1;
	[sflag:s0] =	ssyncset.done @!p0 $0x0  }
0x8b: {  	[sflag:s0] =	ssyncadd.s32 @!p0 s1  }
0x8c: {  	[bflag:$0x3] =	sbarrier.arrive $0xFFFF  }
0x8d: {  	_ =	shalt  }

// kernel: sc_scatter32.4.cloned.1.call-start
scs
__scs_entry_jumppad:
0x0: {  	(pc) =	sbr.rel $0x88, $3  }
0x1: {  	(tag) =	ssettag $0x0;
	lr =	simm.s32 $0x1  }
0x2: {  	[smem:$0x3F8B] =	sst lr;
	_ =	strace $0xD0000000  }
0x3: {  	_ = 	snop  }
0x4: {  	_ = 	snop  }
0x5: {  	_ = 	snop  }
0x6: {  	_ = 	snop  }
0x7: {  	_ = 	snop  }
__scs_overlays_trampoline_lowered:
0x8: {  	[smem:$0x3F9A] =	sst s0  }
0x9: {  	[smem:$0x3F9B] =	sst s1  }
0xa: {  	[smem:$0x3F9C] =	sst s2  }
0xb: {  	[smem:$0x3F9D] =	sst s3  }
0xc: {  	[smem:$0x3F9E] =	sst s4  }
0xd: {  	[smem:$0x3F9F] =	sst s5  }
0xe: {  	[smem:$0x3FA0] =	sst s6  }
0xf: {  	[smem:$0x3FA1] =	sst s7  }
0x10: {  	[smem:$0x3FA2] =	sst s8  }
0x11: {  	[smem:$0x3FA3] =	sst s9;
	s0 =	simm.s32 @!p0 $0x0  }
0x12: {  	s1 =	sld [smem:$0x3F89];
	s0 =	simm.s32 @p0 $0x1  }
0x13: {  	[smem:$0x3FA4] =	sst s0;
	s0 =	simm.s32 @!p1 $0x0  }
0x14: {  	s2 =	sld [smem:$0x3F88];
	s0 =	simm.s32 @p1 $0x1  }
0x15: {  	[smem:$0x3FA5] =	sst s0;
	s0 =	simm.s32 @!p2 $0x0  }
0x16: {  	s3 =	sld [smem:$0x3FDB];
	s0 =	simm.s32 @p2 $0x1  }
0x17: {  	s4 =	simm.s32 $0x1BF5;
	[smem:$0x3FA7] =	sst s0  }
0x18: {  	s0 =	sld [smem:$0x3F8A];
	_ =	swait.ge [sflag:s4], $0x0  }
0x19: {  	s7 =	sld [smem:$0x3F8B]  }
0x1a: {  	s8 =	sadd.s32 $0xFFFFE003, lr  }
0x1b: {  	s9 =	sadd.s32 $0xFFFFFEF7, lr;
	s5 =	simm.s32 $0xFFFFFFFF;
	p2 =	slt.u32 s8, $0xFFFFF086  }
0x1c: {  	p1 =	slt.u32 s9, $0xF7A;
	s5 =	simm.s32 @!p2 $0x0  }
0x1d: {  	s5 =	simm.s32 @p1 $0x1;
	p0 =	seq.s32 s7, s2  }
0x1e: {  	s7 =	smul.u32 @!p0 $0xF7A, s2;
	p2 =	seq.s32 @!p0 s5, $0x0  }
0x1f: {  	s9 =	smul.u32 $0xF7A, s1;
	s8 =	simm.s32 @!p0 $0x1BF5;
	p2 =	por !p2, p0  }
0x20: {  	[sflag:s8] =	ssyncset.s32 @!p0 $0xFFFFF086;
	s6 =	sadd.s32 @!p0 s3, s7;
	s7 =	simm.s32 @!p0 $0x108  }
0x21: {  	s3 =	sadd.s32 s3, s9;
	s6 =	sadd.s32 @!p0 $0x88, s6;
	s7 =	simm.s32 @p2 $0x1082  }
0x22: {  	[simem:s7], [sflag:s8] =	dma.local @!p0 [hbm:s6], $0xF7A  }
0x23: {  	s9 =	sor.u32 $0xD0000000, s2;
	s6 =	simm.s32 $0x108;
	_ =	swait.ge @!p0 [sflag:s8], $0x0  }
0x24: {  	s3 =	sadd.s32 $0x88, s3;
	s6 =	simm.s32 @!p1 $0x1082;
	[sflag:s4] =	ssyncset.s32 $0xFFFFF086  }
0x25: {  	[simem:s6], [sflag:s4] =	dma.local [hbm:s3], $0xF7A  }
0x26: {  	[smem:$0x3F8B] =	sst s1;
	(tag) =	ssettag s2;
	_ =	strace s9  }
0x27: {  	s1 =	sld [smem:$0x3F9B]  }
0x28: {  	s2 =	sld [smem:$0x3F9C]  }
0x29: {  	s4 =	sld [smem:$0x3F9E]  }
0x2a: {  	p0 =	seq.s32 s5, $0x0;
	s5 =	sld [smem:$0x3F9F]  }
0x2b: {  	s6 =	sld [smem:$0x3FA0]  }
0x2c: {  	s7 =	sld [smem:$0x3FA1]  }
0x2d: {  	s3 =	simm.s32 $0x108;
	s8 =	sld [smem:$0x3FA2]  }
0x2e: {  	s3 =	simm.s32 @!p0 $0x1082;
	s9 =	sld [smem:$0x3FA3]  }
0x2f: {  	lr =	sadd.s32 s0, s3;
	s0 =	sld [smem:$0x3F9A]  }
0x30: {  	s3 =	sld [smem:$0x3F9D]  }
0x31: {  	[smem:$0x3FA6] =	sst s10  }
0x32: {  	s10 =	sld [smem:$0x3FA4];
	_ =	sdelay $0x3  }
0x33: {  	p0 =	seq.s32 s10, $0x1;
	s10 =	sld [smem:$0x3FA6];
	_ =	sdelay $0x3  }
0x34: {  	[smem:$0x3FA6] =	sst s10  }
0x35: {  	s10 =	sld [smem:$0x3FA5];
	_ =	sdelay $0x3  }
0x36: {  	p1 =	seq.s32 s10, $0x1;
	s10 =	sld [smem:$0x3FA6];
	_ =	sdelay $0x3  }
0x37: {  	[smem:$0x3FA6] =	sst s10  }
0x38: {  	s10 =	sld [smem:$0x3FA7]  }
0x39: {  	_ = 	snop;
	(pc) =	sbr.ind lr, $3  }
0x3a: {  	_ = 	snop  }
0x3b: {  	_ = 	snop  }
0x3c: {  	p2 =	seq.s32 s10, $0x1;
	s10 =	sld [smem:$0x3FA6]  }
0x3d: {  	_ =	shalt  }
0x3e: {  	_ =	shalt  }
0x3f: {  	_ =	shalt  }
0x40: {  	_ =	shalt  }
0x41: {  	_ =	shalt  }
0x42: {  	_ =	shalt  }
0x43: {  	_ =	shalt  }
0x44: {  	_ =	shalt  }
0x45: {  	_ =	shalt  }
0x46: {  	_ =	shalt  }
0x47: {  	_ =	shalt  }
0x48: {  	_ =	shalt  }
0x49: {  	_ =	shalt  }
0x4a: {  	_ =	shalt  }
0x4b: {  	_ =	shalt  }
0x4c: {  	_ =	shalt  }
0x4d: {  	_ =	shalt  }
0x4e: {  	_ =	shalt  }
0x4f: {  	_ =	shalt  }
0x50: {  	_ =	shalt  }
0x51: {  	_ =	shalt  }
0x52: {  	_ =	shalt  }
0x53: {  	_ =	shalt  }
0x54: {  	_ =	shalt  }
0x55: {  	_ =	shalt  }
0x56: {  	_ =	shalt  }
0x57: {  	_ =	shalt  }
0x58: {  	_ =	shalt  }
0x59: {  	_ =	shalt  }
0x5a: {  	_ =	shalt  }
0x5b: {  	_ =	shalt  }
0x5c: {  	_ =	shalt  }
0x5d: {  	_ =	shalt  }
0x5e: {  	_ =	shalt  }
0x5f: {  	_ =	shalt  }
0x60: {  	_ =	shalt  }
0x61: {  	_ =	shalt  }
0x62: {  	_ =	shalt  }
0x63: {  	_ =	shalt  }
0x64: {  	_ =	shalt  }
0x65: {  	_ =	shalt  }
0x66: {  	_ =	shalt  }
0x67: {  	_ =	shalt  }
0x68: {  	_ =	shalt  }
0x69: {  	_ =	shalt  }
0x6a: {  	_ =	shalt  }
0x6b: {  	_ =	shalt  }
0x6c: {  	_ =	shalt  }
0x6d: {  	_ =	shalt  }
0x6e: {  	_ =	shalt  }
0x6f: {  	_ =	shalt  }
0x70: {  	_ =	shalt  }
0x71: {  	_ =	shalt  }
0x72: {  	_ =	shalt  }
0x73: {  	_ =	shalt  }
0x74: {  	_ =	shalt  }
0x75: {  	_ =	shalt  }
0x76: {  	_ =	shalt  }
0x77: {  	_ =	shalt  }
0x78: {  	_ =	shalt  }
0x79: {  	_ =	shalt  }
0x7a: {  	_ =	shalt  }
0x7b: {  	_ =	shalt  }
0x7c: {  	_ =	shalt  }
0x7d: {  	_ =	shalt  }
0x7e: {  	_ =	shalt  }
0x7f: {  	_ =	shalt  }
0x80: {  	_ =	shalt  }
0x81: {  	_ =	shalt  }
0x82: {  	_ =	shalt  }
0x83: {  	_ =	shalt  }
0x84: {  	_ =	shalt  }
0x85: {  	_ =	shalt  }
0x86: {  	_ =	shalt  }
0x87: {  	_ =	shalt  }
.Lfunc_end0:
.L_simem_size_0:
called_computation.2_lowered:
.L_overlay_start_0:
0x88: {  	s2 =	sld [smem:$0x3FD9]  }
0x89: {  	s3 =	sld [smem:$0x3FFE];
	_ =	sdelay $0x1  }
0x8a: {  	s1 =	srdreg.scid  }
0x8b: {  	s0 =	sand.u32 $0x1, s1  }
0x8c: {  	s17 =	sshll.u32 s0, $0xA;
	s2 =	sadd.s32 s3, s2  }
0x8d: {  	s2 =	sadd.s32 s2, s17  }
0x8e: {  	[smem:$0x3FB2] =	sst s2  }
0x8f: {  	_ = 	snop  }
0x90: {  	(tm) =	ssettm $0x1  }
0x91: {  	s18 =	sld [smem:$0x3FFB];
	_ =	sdelay $0x3  }
0x92: {  	_ =	strace s18  }
0x93: {  	s2 =	sld [smem:$0x3FFC];
	_ =	sdelay $0x3  }
0x94: {  	_ =	strace s2  }
0x95: {  	s2 =	sld [smem:$0x3FFD];
	_ =	sdelay $0x3  }
0x96: {  	_ =	strace s2  }
0x97: {  	_ =	strace $0x8FFFFFFF  }
0x98: {  	s19 =	sld [smem:$0x3FDB];
	_ =	sdelay $0x1  }
0x99: {  	s20 =	simm.s32 $_scs_section_size  }
0x9a: {  	s4 =	simm.s32 $_size__tile_overlayer_lowered;
	s5 =	simm.s32 $_tile_overlayer_lowered  }
0x9b: {  	s6 =	simm.s32 $0x1BFF;
	s21 =	sshll.u32 s5, $0x1;
	s3 =	sadd.s32 s20, s19  }
0x9c: {  	s22 =	simm.s32 $0x0;
	s4 =	sshll.u32 s4, $0x1;
	s5 =	sadd.s32 s21, s3  }
0x9d: {  	[timem:s22], [sflag:s6] =	dma.local [hbm:s5], s4  }
0x9e: {  	_ =	swait.ge [sflag:s6], s4  }
0x9f: {  	s4 =	ssub.s32 $0x0, s4;
	[sflag:s6] =	ssyncset.done $0x0  }
0xa0: {  	[sflag:s6] =	ssyncadd.s32 s4;
	_ =	sdelay $0x1  }
0xa1: {  	s23 =	simm.s32 $0x1B8B  }
0xa2: {  	_ =	swait.ge [sflag:s23], $0x1  }
0xa3: {  	[sflag:s23] =	ssyncset.done $0x0  }
0xa4: {  	[sflag:s23] =	ssyncadd.s32 $0xFFFFFFFF  }
0xa5: {  	s4 =	sld [smem:$0x0]  }
0xa6: {  	s5 =	sand.u32 $0xFFFFFFFE, s1  }
0xa7: {  	p0 =	sne.s32 s1, s5  }
0xa8: {  	s5 =	sshll.u32 @p0 s5, $0xE  }
0xa9: {  	s5 =	sadd.s32 @p0 $0x11B8D, s5;
	s6 =	sshll.u32 @p0 s4, $0x11  }
0xaa: {  	s5 =	sor.u32 @p0 s6, s5  }
0xab: {  	[sflag:s5] =	ssyncadd.remote.s32 @p0 $0x1;
	_ =	sdelay $0x1  }
0xac: {  	s5 =	simm.s32 @p0 $0x1B8D  }
0xad: {  	_ =	swait.eq @p0 [sflag:s5], $0x1  }
0xae: {  	[sflag:s5] =	ssyncadd.s32 @p0 $0xFFFFFFFF  }
0xaf: {  	s6 =	sshll.u32 @!p0 s1, $0xE  }
0xb0: {  	s6 =	sor.u32 @!p0 $0x4000, s6;
	s5 =	simm.s32 @!p0 $0x1B8D  }
0xb1: {  	s4 =	sshll.u32 @!p0 s4, $0x11;
	s6 =	sadd.s32 @!p0 $0x11B8D, s6;
	_ =	swait.eq @!p0 [sflag:s5], $0x1  }
0xb2: {  	s4 =	sor.u32 @!p0 s4, s6;
	[sflag:s5] =	ssyncadd.s32 @!p0 $0xFFFFFFFF  }
0xb3: {  	s25 =	simm.s32 $0x1B8E;
	s24 =	sld [smem:$0x3FFE];
	[sflag:s4] =	ssyncadd.remote.s32 @!p0 $0x1  }
0xb4: {  	s26 =	simm.s32 $execute0_lowered;
	[smem:$0x3FD2] =	sst s25  }
0xb5: {  	s5 =	sshll.u32 s26, $0x1;
	_ =	strace $0x8000004F;
	[dreg:$0x1] =	wrdreg $0xFFFFFFFF  }
0xb6: {  	s28 =	simm.s32 $_size_execute0_lowered;
	s3 =	sadd.s32 s3, s5;
	[dreg:$0x0] =	wrdreg $0x0  }
0xb7: {  	s5 =	sshll.u32 s28, $0x1;
	[dreg:$0x2] =	wrdreg s3  }
0xb8: {  	[dreg:$0x3] =	wrdreg s5  }
0xb9: {  	[dreg:$0x4] =	wrdreg $0xC0  }
0xba: {  	_ =	task [dreg:s22], $0x5FFFF  }
0xbb: {  	[dreg:$0x1] =	wrdreg $0xFFFFFFFF  }
0xbc: {  	[dreg:$0x0] =	wrdreg $0x60  }
0xbd: {  	[dreg:$0x2] =	wrdreg s24  }
0xbe: {  	[dreg:$0x3] =	wrdreg $0x9A000  }
0xbf: {  	[dreg:$0x4] =	wrdreg $0x9  }
0xc0: {  	_ =	task.clear_ibuf [dreg:s22], $0x5FFFF;
	_ =	strace $0x9000004F  }
0xc1: {  	s29 =	simm.s32 $0x9;
	_ =	strace $0x80000051  }
0xc2: {  	_ =	swait.ge [sflag:s29], $0x1  }
0xc3: {  	[sflag:s29] =	ssyncadd.s32 $0xFFFFFFFF  }
0xc4: {  	_ =	strace $0x90000051  }
0xc5: {  	_ =	sfence  }
0xc6: {  	s30 =	sld [smem:$0x0];
	_ =	sdelay $0x2  }
0xc7: {  	s31 =	sshll.u32 s1, $0xD;
	s1 =	sshrl.u32 s1, $0x2  }
0xc8: {  	s4 =	sand.u32 $0x4000, s31;
	s1 =	sadd.s32 s1, s30  }
0xc9: {  	s0 =	sor.u32 s4, s0;
	s1 =	sshll.u32 s1, $0x11  }
0xca: {  	s0 =	sor.u32 s1, s0  }
0xcb: {  	s0 =	sadd.s32 $0x8F2B, s0  }
0xcc: {  	[sflag:s0] =	ssyncadd.remote.s32 $0x1  }
0xcd: {  	_ =	sfence.sel $0xFFFF  }
0xce: {  	[dreg:$0x0] =	wrdreg $0xFFFFFFFF;
	(pc) =	sbr.abs _section_cstart, $3  }
0xcf: {  	[dreg:$0x1] =	wrdreg $0xFFFFFFFF  }
0xd0: {  	_ =	task.clear_ibuf [dreg:s22], $0x2FFFF;
	_ =	strace $0x9FFFFFFF  }
0xd1: {  	(tm) =	ssettm $0x7FFFFFFF  }
tec
execute0_lowered:
.L_overlay_start_1:
0x0: {  	(tag) =	ssettag $0x1  }
0x1: {  	s1 =	srdreg.scid  }
0x2: {  	s0 =	stileid.u32;
	s6 =	rddreg [dreg:$0x0]  }
0x3: {  	s2 =	rddreg [dreg:$0x1];
	s3 =	simm.s32 $0x0;
	s7 =	smul.u32 $0xA00, s0  }
0x4: {  	s17 =	simm.s32 $0x2A00;
	s18 =	simm.s32 $0x3A00;
	s9 =	smul.u32 $0x14000, s0  }
0x5: {  	s19 =	simm.s32 $0x1;
	s20 =	simm.s32 $0x80;
	s11 =	smul.u32 $0x28000, s0  }
0x6: {  	s21 =	simm.s32 $0x2;
	s5 =	sand.u32 $0x1, s1;
	s14 =	smul.u32 $0x1400, s0  }
0x7: {  	s22 =	simm.s32 $0x3;
	s23 =	simm.s32 $0x4;
	s8 =	smul.u32 $0xA000, s5  }
0x8: {  	s24 =	simm.s32 $0x0;
	s26 =	sshll.u32 s0, $0x1;
	s13 =	smul.u32 $0x14000, s5  }
0x9: {  	[smem:$0x7FF] =	sst s3;
	s1 =	sor.u32 s5, s26;
	s16 =	smul.u32 $0xA00, s5  }
0xa: {  	s10 =	sadd.s32 $0xD9C00, s6;
	s28 =	ssub.s32 $0x2, s5;
	s4 =	smul.u32 $0xA00, s1  }
0xb: {  	s1 =	rddreg [dreg:$0x2];
	_ =	strace $0x80000050;
	s15 =	sshrl.u32 s28, $0x1  }
0xc: {  	s9 =	sshrl.u32 s9, $0x2;
	s7 =	sadd.s32 s7, s8;
	s8 =	ssub.s32 s28, s15  }
0xd: {  	s5 =	sadd.s32 s9, s2;
	s29 =	sadd.s32 s13, s11;
	s30 =	sadd.s32 s16, s14  }
0xe: {  	s13 =	simm.s32 $0x4A00;
	s14 =	simm.s32 $0x5;
	s15 =	simm.s32 $0xA00  }
0xf: {  	s16 =	simm.s32 $0x1A00;
	s4 =	sshrl.u32 s4, $0x3;
	s7 =	sadd.s32 s7, s6  }
0x10: {  	s9 =	sshrl.u32 s29, $0x3;
	s11 =	sshll.u32 s30, $0x2;
	s8 =	smax.u32 s8, $0x1  }
0x11: {  	s12 =	sadd.s32 s4, s6;
	s4 =	sadd.s32 $0x34C00, s6;
	s7 =	sadd.s32 $0x61C00, s7  }
0x12: {  	s9 =	sadd.s32 s9, s10;
	s31 =	sadd.s32 s11, s10;
	s6 =	sadd.s32 $0x5F400, s12  }
0x13: {  	s10 =	sadd.s32 $0x600, s31;
	s11 =	sadd.s32 $0x400, s31;
	s12 =	sadd.s32 $0x200, s31  }
.LBB2_1:
0x14: {  	[tilespmem:s13], [sflag:$0x5] =	stream.linear.gather [hbm4b:s4+s3], $0x5000, $0x38;
	[tilespmem:$0xEA00] =	vst v63  }
0x15: {  	_ =	swait.ge [sflag:s14], $0x5000  }
0x16: {  	[sflag:s14] =	ssyncset.done $0x0  }
0x17: {  	[sflag:s14] =	ssyncadd.s32 $0xFFFFB000  }
0x18: {  	[spmem:s5] =	stream.linear.scatter [tilespmem:s13], [sflag:$0x5], $0x5000, $0x38;
	[tilespmem:$0xEA00] =	vst v63  }
0x19: {  	_ =	swait.ge [sflag:s14], $0x5000  }
0x1a: {  	[sflag:s14] =	ssyncset.done $0x0  }
0x1b: {  	[sflag:s14] =	ssyncadd.s32 $0xFFFFB000  }
0x1c: {  	[bflag:$0x0] =	sbarrier.arrive $0xFFFF  }
0x1d: {  	[tilespmem:s3], [sflag:$0x5] =	stream.linear.gather [hbm4b:s6+s3], $0xA00, $0x38;
	[tilespmem:$0xEA00] =	vst v63  }
0x1e: {  	_ =	swait.ge [sflag:s14], $0xA00  }
0x1f: {  	[sflag:s14] =	ssyncset.done $0x0  }
0x20: {  	s25 =	sadd.s32 $0x0, s9;
	[sflag:s14] =	ssyncadd.s32 $0xFFFFF600  }
0x21: {  	[tilespmem:s15], [sflag:$0x1] =	stream.linear.gather [hbm4b:s25+s3], $0x1000, $0x38;
	[tilespmem:$0xEA00] =	vst v63  }
0x22: {  	s29 =	sadd.s32 $0x0, s12  }
0x23: {  	[tilespmem:s16], [sflag:$0x2] =	stream.linear.gather [hbm4b:s29+s3], $0x1000, $0x38;
	[tilespmem:$0xEA00] =	vst v63  }
0x24: {  	s30 =	sadd.s32 $0x0, s11  }
0x25: {  	[tilespmem:s17], [sflag:$0x3] =	stream.linear.gather [hbm4b:s30+s3], $0x1000, $0x38;
	[tilespmem:$0xEA00] =	vst v63  }
0x26: {  	s31 =	sadd.s32 $0x0, s10  }
0x27: {  	[tilespmem:s18], [sflag:$0x4] =	stream.linear.gather [hbm4b:s31+s3], $0x1000, $0x38;
	[tilespmem:$0xEA00] =	vst v63  }
0x28: {  	_ =	swait.ge [sflag:s19], $0x1000  }
0x29: {  	[sflag:s19] =	ssyncset.done $0x0  }
0x2a: {  	s26 =	simm.s32 $0x0;
	[sflag:s19] =	ssyncadd.s32 $0xFFFFF000  }
0x2b: {  	[spmem:s2] =	stream.indirect.scatter.add.f32 [tilespmem:s15], [sflag:$0x5], $0x20, s26, s20, $0xb8;
	[tilespmem:$0xEA00] =	vst v63  }
0x2c: {  	_ =	swait.ge [sflag:s14], $0x1000  }
0x2d: {  	[sflag:s14] =	ssyncset.done $0x0  }
0x2e: {  	[sflag:s14] =	ssyncadd.s32 $0xFFFFF000  }
0x2f: {  	_ =	swait.ge [sflag:s21], $0x1000  }
0x30: {  	[sflag:s21] =	ssyncset.done $0x0  }
0x31: {  	s29 =	simm.s32 $0x80;
	[sflag:s21] =	ssyncadd.s32 $0xFFFFF000  }
0x32: {  	[spmem:s2] =	stream.indirect.scatter.add.f32 [tilespmem:s16], [sflag:$0x5], $0x20, s29, s20, $0xb8;
	[tilespmem:$0xEA00] =	vst v63  }
0x33: {  	_ =	swait.ge [sflag:s14], $0x1000  }
0x34: {  	[sflag:s14] =	ssyncset.done $0x0  }
0x35: {  	[sflag:s14] =	ssyncadd.s32 $0xFFFFF000  }
0x36: {  	_ =	swait.ge [sflag:s22], $0x1000  }
0x37: {  	[sflag:s22] =	ssyncset.done $0x0  }
0x38: {  	s30 =	simm.s32 $0x100;
	[sflag:s22] =	ssyncadd.s32 $0xFFFFF000  }
0x39: {  	[spmem:s2] =	stream.indirect.scatter.add.f32 [tilespmem:s17], [sflag:$0x5], $0x20, s30, s20, $0xb8;
	[tilespmem:$0xEA00] =	vst v63  }
0x3a: {  	_ =	swait.ge [sflag:s14], $0x1000  }
0x3b: {  	[sflag:s14] =	ssyncset.done $0x0  }
0x3c: {  	[sflag:s14] =	ssyncadd.s32 $0xFFFFF000  }
0x3d: {  	_ =	swait.ge [sflag:s23], $0x1000  }
0x3e: {  	[sflag:s23] =	ssyncset.done $0x0  }
0x3f: {  	s31 =	simm.s32 $0x180;
	[sflag:s23] =	ssyncadd.s32 $0xFFFFF000  }
0x40: {  	[spmem:s2] =	stream.indirect.scatter.add.f32 [tilespmem:s18], [sflag:$0x5], $0x20, s31, s20, $0xb8;
	[tilespmem:$0xEA00] =	vst v63  }
0x41: {  	_ =	swait.ge [sflag:s14], $0x1000  }
0x42: {  	s28 =	simm.s32 $0x1000;
	s25 =	simm.s32 $0x800;
	[sflag:s14] =	ssyncset.done $0x0  }
.LBB2_2:
0x43: {  	s29 =	sadd.s32 s25, s9  }
0x44: {  	[sflag:s14] =	ssyncadd.s32 $0xFFFFF000;
	s30 =	smov.u32 s28;
	s26 =	sadd.s32 $0x800, s28  }
0x45: {  	[tilespmem:s15], [sflag:$0x1] =	stream.linear.gather [hbm4b:s29+s3], $0x1000, $0x38;
	[tilespmem:$0xEA00] =	vst v63  }
0x46: {  	p0 =	sne.s32 s28, $0x2000;
	s28 =	sadd.s32 s25, s12  }
0x47: {  	[tilespmem:s16], [sflag:$0x2] =	stream.linear.gather [hbm4b:s28+s3], $0x1000, $0x38;
	[tilespmem:$0xEA00] =	vst v63  }
0x48: {  	s28 =	sadd.s32 s25, s11  }
0x49: {  	[tilespmem:s17], [sflag:$0x3] =	stream.linear.gather [hbm4b:s28+s3], $0x1000, $0x38;
	[tilespmem:$0xEA00] =	vst v63  }
0x4a: {  	s28 =	sadd.s32 s25, s10  }
0x4b: {  	[tilespmem:s18], [sflag:$0x4] =	stream.linear.gather [hbm4b:s28+s3], $0x1000, $0x38;
	[tilespmem:$0xEA00] =	vst v63  }
0x4c: {  	_ =	swait.ge [sflag:s19], $0x1000  }
0x4d: {  	[sflag:s19] =	ssyncset.done $0x0  }
0x4e: {  	s28 =	sshra.s32 s25, $0x2;
	s25 =	smov.u32 s30;
	[sflag:s19] =	ssyncadd.s32 $0xFFFFF000  }
0x4f: {  	[spmem:s2] =	stream.indirect.scatter.add.f32 [tilespmem:s15], [sflag:$0x5], $0x20, s28, s20, $0xb8;
	[tilespmem:$0xEA00] =	vst v63  }
0x50: {  	_ =	swait.ge [sflag:s14], $0x1000  }
0x51: {  	[sflag:s14] =	ssyncset.done $0x0  }
0x52: {  	[sflag:s14] =	ssyncadd.s32 $0xFFFFF000  }
0x53: {  	_ =	swait.ge [sflag:s21], $0x1000  }
0x54: {  	[sflag:s21] =	ssyncset.done $0x0  }
0x55: {  	s29 =	sadd.s32 $0x80, s28;
	[sflag:s21] =	ssyncadd.s32 $0xFFFFF000  }
0x56: {  	[spmem:s2] =	stream.indirect.scatter.add.f32 [tilespmem:s16], [sflag:$0x5], $0x20, s29, s20, $0xb8;
	[tilespmem:$0xEA00] =	vst v63  }
0x57: {  	_ =	swait.ge [sflag:s14], $0x1000  }
0x58: {  	[sflag:s14] =	ssyncset.done $0x0  }
0x59: {  	[sflag:s14] =	ssyncadd.s32 $0xFFFFF000  }
0x5a: {  	_ =	swait.ge [sflag:s22], $0x1000  }
0x5b: {  	[sflag:s22] =	ssyncset.done $0x0  }
0x5c: {  	s29 =	sadd.s32 $0x100, s28;
	[sflag:s22] =	ssyncadd.s32 $0xFFFFF000  }
0x5d: {  	[spmem:s2] =	stream.indirect.scatter.add.f32 [tilespmem:s17], [sflag:$0x5], $0x20, s29, s20, $0xb8;
	[tilespmem:$0xEA00] =	vst v63  }
0x5e: {  	_ =	swait.ge [sflag:s14], $0x1000  }
0x5f: {  	[sflag:s14] =	ssyncset.done $0x0  }
0x60: {  	[sflag:s14] =	ssyncadd.s32 $0xFFFFF000  }
0x61: {  	_ =	swait.ge [sflag:s23], $0x1000  }
.Ltmp0:
0x62: {  	[sflag:s23] =	ssyncset.done $0x0;
	(pc) =	sbr.rel @p0 .LBB2_2-.Ltmp0, $4  }
0x63: {  	s28 =	sadd.s32 $0x180, s28;
	[sflag:s23] =	ssyncadd.s32 $0xFFFFF000  }
0x64: {  	[spmem:s2] =	stream.indirect.scatter.add.f32 [tilespmem:s18], [sflag:$0x5], $0x20, s28, s20, $0xb8;
	[tilespmem:$0xEA00] =	vst v63  }
0x65: {  	_ =	swait.ge [sflag:s14], $0x1000  }
0x66: {  	s28 =	smov.u32 s26;
	[sflag:s14] =	ssyncset.done $0x0  }
0x67: {  	s26 =	sadd.s32 s25, s9;
	[sflag:s14] =	ssyncadd.s32 $0xFFFFF000  }
0x68: {  	[tilespmem:s15], [sflag:$0x1] =	stream.linear.gather [hbm4b:s26+s3], $0x1000, $0x38;
	[tilespmem:$0xEA00] =	vst v63  }
0x69: {  	s30 =	sadd.s32 s25, s12  }
0x6a: {  	[tilespmem:s16], [sflag:$0x2] =	stream.linear.gather [hbm4b:s30+s3], $0x1000, $0x38;
	[tilespmem:$0xEA00] =	vst v63  }
0x6b: {  	s31 =	sadd.s32 s25, s11  }
0x6c: {  	[tilespmem:s17], [sflag:$0x3] =	stream.linear.gather [hbm4b:s31+s3], $0x1000, $0x38;
	[tilespmem:$0xEA00] =	vst v63  }
0x6d: {  	s28 =	sadd.s32 s25, s10  }
0x6e: {  	[tilespmem:s18], [sflag:$0x4] =	stream.linear.gather [hbm4b:s28+s3], $0x1000, $0x38;
	[tilespmem:$0xEA00] =	vst v63  }
0x6f: {  	_ =	swait.ge [sflag:s19], $0x1000  }
0x70: {  	[sflag:s19] =	ssyncset.done $0x0  }
0x71: {  	s29 =	sshra.s32 s25, $0x2;
	[sflag:s19] =	ssyncadd.s32 $0xFFFFF000  }
0x72: {  	[spmem:s2] =	stream.indirect.scatter.add.f32 [tilespmem:s15], [sflag:$0x5], $0x20, s29, s20, $0xb8;
	[tilespmem:$0xEA00] =	vst v63  }
0x73: {  	_ =	swait.ge [sflag:s14], $0x1000  }
0x74: {  	[sflag:s14] =	ssyncset.done $0x0  }
0x75: {  	[sflag:s14] =	ssyncadd.s32 $0xFFFFF000  }
0x76: {  	_ =	swait.ge [sflag:s21], $0x1000  }
0x77: {  	[sflag:s21] =	ssyncset.done $0x0  }
0x78: {  	s30 =	sadd.s32 $0x80, s29;
	[sflag:s21] =	ssyncadd.s32 $0xFFFFF000  }
0x79: {  	[spmem:s2] =	stream.indirect.scatter.add.f32 [tilespmem:s16], [sflag:$0x5], $0x20, s30, s20, $0xb8;
	[tilespmem:$0xEA00] =	vst v63  }
0x7a: {  	_ =	swait.ge [sflag:s14], $0x1000  }
0x7b: {  	[sflag:s14] =	ssyncset.done $0x0  }
0x7c: {  	[sflag:s14] =	ssyncadd.s32 $0xFFFFF000  }
0x7d: {  	_ =	swait.ge [sflag:s22], $0x1000  }
0x7e: {  	[sflag:s22] =	ssyncset.done $0x0  }
0x7f: {  	s31 =	sadd.s32 $0x100, s29;
	[sflag:s22] =	ssyncadd.s32 $0xFFFFF000  }
0x80: {  	[spmem:s2] =	stream.indirect.scatter.add.f32 [tilespmem:s17], [sflag:$0x5], $0x20, s31, s20, $0xb8;
	[tilespmem:$0xEA00] =	vst v63  }
0x81: {  	_ =	swait.ge [sflag:s14], $0x1000  }
0x82: {  	[sflag:s14] =	ssyncset.done $0x0  }
0x83: {  	[sflag:s14] =	ssyncadd.s32 $0xFFFFF000  }
0x84: {  	_ =	swait.ge [sflag:s23], $0x1000  }
0x85: {  	[sflag:s23] =	ssyncset.done $0x0  }
0x86: {  	s25 =	sadd.s32 $0x180, s29;
	[sflag:s23] =	ssyncadd.s32 $0xFFFFF000  }
0x87: {  	[spmem:s2] =	stream.indirect.scatter.add.f32 [tilespmem:s18], [sflag:$0x5], $0x20, s25, s20, $0xb8;
	[tilespmem:$0xEA00] =	vst v63  }
0x88: {  	_ =	swait.ge [sflag:s14], $0x1000  }
0x89: {  	[sflag:s14] =	ssyncset.done $0x0  }
0x8a: {  	[sflag:s14] =	ssyncadd.s32 $0xFFFFF000  }
0x8b: {  	[bflag:$0x0] =	sbarrier.arrive $0xFFFF  }
0x8c: {  	[tilespmem:s13], [sflag:$0x5] =	stream.linear.gather [spmem:s5], $0x5000, $0x38;
	[tilespmem:$0xEA00] =	vst v63  }
0x8d: {  	s24 =	sadd.s32 $0x1, s24;
	_ =	swait.ge [sflag:s14], $0x5000  }
0x8e: {  	p0 =	sne.s32 s24, s8;
	[sflag:s14] =	ssyncset.done $0x0  }
.Ltmp1:
0x8f: {  	[sflag:s14] =	ssyncadd.s32 $0xFFFFB000;
	(pc) =	sbr.rel @p0 .LBB2_1-.Ltmp1, $4  }
0x90: {  	[hbm4b:s7+s3] =	stream.linear.scatter [tilespmem:s13], [sflag:$0x5], $0x5000, $0x38;
	[tilespmem:$0xEA00] =	vst v63  }
0x91: {  	_ =	swait.ge [sflag:s14], $0x5000  }
0x92: {  	[sflag:s14] =	ssyncset.done $0x0  }
0x93: {  	[sflag:s14] =	ssyncadd.s32 $0xFFFFB000  }
0x94: {  	_ =	sfence.sel $0x180000  }
0x95: {  	[bflag:$0x0] =	sbarrier.arrive $0xFFFF  }
0x96: {  	p0 =	sne.s32 s0, $0x0;
	_ =	strace $0x90000050  }
0x97: {  	s0 =	sadd.s32 @!p0 $0x100000, s1;
	[bflag:$0x2] =	sbarrier.arrive $0xFFFF  }
0x98: {  	[sflag:s0] =	ssyncadd.tile.s32 @!p0 $0x1;
	_ =	shalt  }
.Lfunc_end2:
_tile_overlayer_lowered:
.L_overlay_start_2:
0x99: {  	(tag) =	ssettag $0x2  }
0x9a: {  	s0 =	rddreg [dreg:$0x0];
	s2 =	stileid.u32  }
0x9b: {  	s1 =	rddreg [dreg:$0x1];
	p0 =	sne.s32 s2, $0x0  }
0x9c: {  	s3 =	rddreg [dreg:$0x2];
	[bflag:$0x3] =	sbarrier.arrive $0xFFFF;
	s2 =	simm.s32 @!p0 $0x1C05  }
0x9d: {  	[timem:s3], [sflag:s2] =	dma.local @!p0 [hbm:s0], s1  }
0x9e: {  	s0 =	simm.s32 @!p0 $0x5  }
0x9f: {  	_ =	swait.ge @!p0 [sflag:s0], s1  }
0xa0: {  	s1 =	ssub.s32 @!p0 $0x0, s1;
	[sflag:s0] =	ssyncset.done @!p0 $0x0  }
0xa1: {  	[sflag:s0] =	ssyncadd.s32 @!p0 s1  }
0xa2: {  	[bflag:$0x3] =	sbarrier.arrive $0xFFFF  }
0xa3: {  	_ =	shalt  }

// kernel: sc_scatter32.7.cloned.1.call-start
scs
__scs_entry_jumppad:
0x0: {  	(pc) =	sbr.rel $0x88, $3  }
0x1: {  	(tag) =	ssettag $0x0;
	lr =	simm.s32 $0x1  }
0x2: {  	[smem:$0x3F8B] =	sst lr;
	_ =	strace $0xD0000000  }
0x3: {  	_ = 	snop  }
0x4: {  	_ = 	snop  }
0x5: {  	_ = 	snop  }
0x6: {  	_ = 	snop  }
0x7: {  	_ = 	snop  }
__scs_overlays_trampoline_lowered:
0x8: {  	[smem:$0x3F9A] =	sst s0  }
0x9: {  	[smem:$0x3F9B] =	sst s1  }
0xa: {  	[smem:$0x3F9C] =	sst s2  }
0xb: {  	[smem:$0x3F9D] =	sst s3  }
0xc: {  	[smem:$0x3F9E] =	sst s4  }
0xd: {  	[smem:$0x3F9F] =	sst s5  }
0xe: {  	[smem:$0x3FA0] =	sst s6  }
0xf: {  	[smem:$0x3FA1] =	sst s7  }
0x10: {  	[smem:$0x3FA2] =	sst s8  }
0x11: {  	[smem:$0x3FA3] =	sst s9;
	s0 =	simm.s32 @!p0 $0x0  }
0x12: {  	s1 =	sld [smem:$0x3F89];
	s0 =	simm.s32 @p0 $0x1  }
0x13: {  	[smem:$0x3FA4] =	sst s0;
	s0 =	simm.s32 @!p1 $0x0  }
0x14: {  	s2 =	sld [smem:$0x3F88];
	s0 =	simm.s32 @p1 $0x1  }
0x15: {  	[smem:$0x3FA5] =	sst s0;
	s0 =	simm.s32 @!p2 $0x0  }
0x16: {  	s3 =	sld [smem:$0x3FDB];
	s0 =	simm.s32 @p2 $0x1  }
0x17: {  	s4 =	simm.s32 $0x1BF5;
	[smem:$0x3FA7] =	sst s0  }
0x18: {  	s0 =	sld [smem:$0x3F8A];
	_ =	swait.ge [sflag:s4], $0x0  }
0x19: {  	s7 =	sld [smem:$0x3F8B]  }
0x1a: {  	s8 =	sadd.s32 $0xFFFFE003, lr  }
0x1b: {  	s9 =	sadd.s32 $0xFFFFFEF7, lr;
	s5 =	simm.s32 $0xFFFFFFFF;
	p2 =	slt.u32 s8, $0xFFFFF086  }
0x1c: {  	p1 =	slt.u32 s9, $0xF7A;
	s5 =	simm.s32 @!p2 $0x0  }
0x1d: {  	s5 =	simm.s32 @p1 $0x1;
	p0 =	seq.s32 s7, s2  }
0x1e: {  	s7 =	smul.u32 @!p0 $0xF7A, s2;
	p2 =	seq.s32 @!p0 s5, $0x0  }
0x1f: {  	s9 =	smul.u32 $0xF7A, s1;
	s8 =	simm.s32 @!p0 $0x1BF5;
	p2 =	por !p2, p0  }
0x20: {  	[sflag:s8] =	ssyncset.s32 @!p0 $0xFFFFF086;
	s6 =	sadd.s32 @!p0 s3, s7;
	s7 =	simm.s32 @!p0 $0x108  }
0x21: {  	s3 =	sadd.s32 s3, s9;
	s6 =	sadd.s32 @!p0 $0x88, s6;
	s7 =	simm.s32 @p2 $0x1082  }
0x22: {  	[simem:s7], [sflag:s8] =	dma.local @!p0 [hbm:s6], $0xF7A  }
0x23: {  	s9 =	sor.u32 $0xD0000000, s2;
	s6 =	simm.s32 $0x108;
	_ =	swait.ge @!p0 [sflag:s8], $0x0  }
0x24: {  	s3 =	sadd.s32 $0x88, s3;
	s6 =	simm.s32 @!p1 $0x1082;
	[sflag:s4] =	ssyncset.s32 $0xFFFFF086  }
0x25: {  	[simem:s6], [sflag:s4] =	dma.local [hbm:s3], $0xF7A  }
0x26: {  	[smem:$0x3F8B] =	sst s1;
	(tag) =	ssettag s2;
	_ =	strace s9  }
0x27: {  	s1 =	sld [smem:$0x3F9B]  }
0x28: {  	s2 =	sld [smem:$0x3F9C]  }
0x29: {  	s4 =	sld [smem:$0x3F9E]  }
0x2a: {  	p0 =	seq.s32 s5, $0x0;
	s5 =	sld [smem:$0x3F9F]  }
0x2b: {  	s6 =	sld [smem:$0x3FA0]  }
0x2c: {  	s7 =	sld [smem:$0x3FA1]  }
0x2d: {  	s3 =	simm.s32 $0x108;
	s8 =	sld [smem:$0x3FA2]  }
0x2e: {  	s3 =	simm.s32 @!p0 $0x1082;
	s9 =	sld [smem:$0x3FA3]  }
0x2f: {  	lr =	sadd.s32 s0, s3;
	s0 =	sld [smem:$0x3F9A]  }
0x30: {  	s3 =	sld [smem:$0x3F9D]  }
0x31: {  	[smem:$0x3FA6] =	sst s10  }
0x32: {  	s10 =	sld [smem:$0x3FA4];
	_ =	sdelay $0x3  }
0x33: {  	p0 =	seq.s32 s10, $0x1;
	s10 =	sld [smem:$0x3FA6];
	_ =	sdelay $0x3  }
0x34: {  	[smem:$0x3FA6] =	sst s10  }
0x35: {  	s10 =	sld [smem:$0x3FA5];
	_ =	sdelay $0x3  }
0x36: {  	p1 =	seq.s32 s10, $0x1;
	s10 =	sld [smem:$0x3FA6];
	_ =	sdelay $0x3  }
0x37: {  	[smem:$0x3FA6] =	sst s10  }
0x38: {  	s10 =	sld [smem:$0x3FA7]  }
0x39: {  	_ = 	snop;
	(pc) =	sbr.ind lr, $3  }
0x3a: {  	_ = 	snop  }
0x3b: {  	_ = 	snop  }
0x3c: {  	p2 =	seq.s32 s10, $0x1;
	s10 =	sld [smem:$0x3FA6]  }
0x3d: {  	_ =	shalt  }
0x3e: {  	_ =	shalt  }
0x3f: {  	_ =	shalt  }
0x40: {  	_ =	shalt  }
0x41: {  	_ =	shalt  }
0x42: {  	_ =	shalt  }
0x43: {  	_ =	shalt  }
0x44: {  	_ =	shalt  }
0x45: {  	_ =	shalt  }
0x46: {  	_ =	shalt  }
0x47: {  	_ =	shalt  }
0x48: {  	_ =	shalt  }
0x49: {  	_ =	shalt  }
0x4a: {  	_ =	shalt  }
0x4b: {  	_ =	shalt  }
0x4c: {  	_ =	shalt  }
0x4d: {  	_ =	shalt  }
0x4e: {  	_ =	shalt  }
0x4f: {  	_ =	shalt  }
0x50: {  	_ =	shalt  }
0x51: {  	_ =	shalt  }
0x52: {  	_ =	shalt  }
0x53: {  	_ =	shalt  }
0x54: {  	_ =	shalt  }
0x55: {  	_ =	shalt  }
0x56: {  	_ =	shalt  }
0x57: {  	_ =	shalt  }
0x58: {  	_ =	shalt  }
0x59: {  	_ =	shalt  }
0x5a: {  	_ =	shalt  }
0x5b: {  	_ =	shalt  }
0x5c: {  	_ =	shalt  }
0x5d: {  	_ =	shalt  }
0x5e: {  	_ =	shalt  }
0x5f: {  	_ =	shalt  }
0x60: {  	_ =	shalt  }
0x61: {  	_ =	shalt  }
0x62: {  	_ =	shalt  }
0x63: {  	_ =	shalt  }
0x64: {  	_ =	shalt  }
0x65: {  	_ =	shalt  }
0x66: {  	_ =	shalt  }
0x67: {  	_ =	shalt  }
0x68: {  	_ =	shalt  }
0x69: {  	_ =	shalt  }
0x6a: {  	_ =	shalt  }
0x6b: {  	_ =	shalt  }
0x6c: {  	_ =	shalt  }
0x6d: {  	_ =	shalt  }
0x6e: {  	_ =	shalt  }
0x6f: {  	_ =	shalt  }
0x70: {  	_ =	shalt  }
0x71: {  	_ =	shalt  }
0x72: {  	_ =	shalt  }
0x73: {  	_ =	shalt  }
0x74: {  	_ =	shalt  }
0x75: {  	_ =	shalt  }
0x76: {  	_ =	shalt  }
0x77: {  	_ =	shalt  }
0x78: {  	_ =	shalt  }
0x79: {  	_ =	shalt  }
0x7a: {  	_ =	shalt  }
0x7b: {  	_ =	shalt  }
0x7c: {  	_ =	shalt  }
0x7d: {  	_ =	shalt  }
0x7e: {  	_ =	shalt  }
0x7f: {  	_ =	shalt  }
0x80: {  	_ =	shalt  }
0x81: {  	_ =	shalt  }
0x82: {  	_ =	shalt  }
0x83: {  	_ =	shalt  }
0x84: {  	_ =	shalt  }
0x85: {  	_ =	shalt  }
0x86: {  	_ =	shalt  }
0x87: {  	_ =	shalt  }
.Lfunc_end0:
.L_simem_size_0:
called_computation.3_lowered:
.L_overlay_start_0:
0x88: {  	s2 =	sld [smem:$0x3FD9]  }
0x89: {  	s3 =	sld [smem:$0x3FFE];
	_ =	sdelay $0x1  }
0x8a: {  	s1 =	srdreg.scid  }
0x8b: {  	s0 =	sand.u32 $0x1, s1  }
0x8c: {  	s17 =	sshll.u32 s0, $0xA;
	s2 =	sadd.s32 s3, s2  }
0x8d: {  	s2 =	sadd.s32 s2, s17  }
0x8e: {  	[smem:$0x3FB2] =	sst s2  }
0x8f: {  	_ = 	snop  }
0x90: {  	(tm) =	ssettm $0x1  }
0x91: {  	s18 =	sld [smem:$0x3FFB];
	_ =	sdelay $0x3  }
0x92: {  	_ =	strace s18  }
0x93: {  	s2 =	sld [smem:$0x3FFC];
	_ =	sdelay $0x3  }
0x94: {  	_ =	strace s2  }
0x95: {  	s2 =	sld [smem:$0x3FFD];
	_ =	sdelay $0x3  }
0x96: {  	_ =	strace s2  }
0x97: {  	_ =	strace $0x8FFFFFFF  }
0x98: {  	s19 =	sld [smem:$0x3FDB];
	_ =	sdelay $0x1  }
0x99: {  	s20 =	simm.s32 $_scs_section_size  }
0x9a: {  	s4 =	simm.s32 $_size__tile_overlayer_lowered;
	s5 =	simm.s32 $_tile_overlayer_lowered  }
0x9b: {  	s6 =	simm.s32 $0x1BFF;
	s21 =	sshll.u32 s5, $0x1;
	s3 =	sadd.s32 s20, s19  }
0x9c: {  	s22 =	simm.s32 $0x0;
	s4 =	sshll.u32 s4, $0x1;
	s5 =	sadd.s32 s21, s3  }
0x9d: {  	[timem:s22], [sflag:s6] =	dma.local [hbm:s5], s4  }
0x9e: {  	_ =	swait.ge [sflag:s6], s4  }
0x9f: {  	s4 =	ssub.s32 $0x0, s4;
	[sflag:s6] =	ssyncset.done $0x0  }
0xa0: {  	[sflag:s6] =	ssyncadd.s32 s4;
	_ =	sdelay $0x1  }
0xa1: {  	s23 =	simm.s32 $0x1B8B  }
0xa2: {  	_ =	swait.ge [sflag:s23], $0x1  }
0xa3: {  	[sflag:s23] =	ssyncset.done $0x0  }
0xa4: {  	[sflag:s23] =	ssyncadd.s32 $0xFFFFFFFF  }
0xa5: {  	s4 =	sld [smem:$0x0]  }
0xa6: {  	s5 =	sand.u32 $0xFFFFFFFE, s1  }
0xa7: {  	p0 =	sne.s32 s1, s5  }
0xa8: {  	s5 =	sshll.u32 @p0 s5, $0xE  }
0xa9: {  	s5 =	sadd.s32 @p0 $0x11B8D, s5;
	s6 =	sshll.u32 @p0 s4, $0x11  }
0xaa: {  	s5 =	sor.u32 @p0 s6, s5  }
0xab: {  	[sflag:s5] =	ssyncadd.remote.s32 @p0 $0x1;
	_ =	sdelay $0x1  }
0xac: {  	s5 =	simm.s32 @p0 $0x1B8D  }
0xad: {  	_ =	swait.eq @p0 [sflag:s5], $0x1  }
0xae: {  	[sflag:s5] =	ssyncadd.s32 @p0 $0xFFFFFFFF  }
0xaf: {  	s6 =	sshll.u32 @!p0 s1, $0xE  }
0xb0: {  	s6 =	sor.u32 @!p0 $0x4000, s6;
	s5 =	simm.s32 @!p0 $0x1B8D  }
0xb1: {  	s4 =	sshll.u32 @!p0 s4, $0x11;
	s6 =	sadd.s32 @!p0 $0x11B8D, s6;
	_ =	swait.eq @!p0 [sflag:s5], $0x1  }
0xb2: {  	s4 =	sor.u32 @!p0 s4, s6;
	[sflag:s5] =	ssyncadd.s32 @!p0 $0xFFFFFFFF  }
0xb3: {  	s25 =	simm.s32 $0x1B8E;
	s24 =	sld [smem:$0x3FFE];
	[sflag:s4] =	ssyncadd.remote.s32 @!p0 $0x1  }
0xb4: {  	s26 =	simm.s32 $execute0_lowered;
	[smem:$0x3FD2] =	sst s25  }
0xb5: {  	s5 =	sshll.u32 s26, $0x1;
	_ =	strace $0x8000004C;
	[dreg:$0x1] =	wrdreg $0xFFFFFFFF  }
0xb6: {  	s28 =	simm.s32 $_size_execute0_lowered;
	s3 =	sadd.s32 s3, s5;
	[dreg:$0x0] =	wrdreg $0x0  }
0xb7: {  	s5 =	sshll.u32 s28, $0x1;
	[dreg:$0x2] =	wrdreg s3  }
0xb8: {  	[dreg:$0x3] =	wrdreg s5  }
0xb9: {  	[dreg:$0x4] =	wrdreg $0xC0  }
0xba: {  	_ =	task [dreg:s22], $0x5FFFF  }
0xbb: {  	[dreg:$0x1] =	wrdreg $0xFFFFFFFF  }
0xbc: {  	[dreg:$0x0] =	wrdreg $0x60  }
0xbd: {  	[dreg:$0x2] =	wrdreg s24  }
0xbe: {  	[dreg:$0x3] =	wrdreg $0x9A000  }
0xbf: {  	[dreg:$0x4] =	wrdreg $0xA  }
0xc0: {  	_ =	task.clear_ibuf [dreg:s22], $0x5FFFF;
	_ =	strace $0x9000004C  }
0xc1: {  	s29 =	simm.s32 $0xA;
	_ =	strace $0x8000004E  }
0xc2: {  	_ =	swait.ge [sflag:s29], $0x1  }
0xc3: {  	[sflag:s29] =	ssyncadd.s32 $0xFFFFFFFF  }
0xc4: {  	_ =	strace $0x9000004E  }
0xc5: {  	_ =	sfence  }
0xc6: {  	s30 =	sld [smem:$0x0];
	_ =	sdelay $0x2  }
0xc7: {  	s31 =	sshll.u32 s1, $0xD;
	s1 =	sshrl.u32 s1, $0x2  }
0xc8: {  	s4 =	sand.u32 $0x4000, s31;
	s1 =	sadd.s32 s1, s30  }
0xc9: {  	s0 =	sor.u32 s4, s0;
	s1 =	sshll.u32 s1, $0x11  }
0xca: {  	s0 =	sor.u32 s1, s0  }
0xcb: {  	s0 =	sadd.s32 $0x8F2B, s0  }
0xcc: {  	[sflag:s0] =	ssyncadd.remote.s32 $0x1  }
0xcd: {  	_ =	sfence.sel $0xFFFF  }
0xce: {  	[dreg:$0x0] =	wrdreg $0xFFFFFFFF;
	(pc) =	sbr.abs _section_cstart, $3  }
0xcf: {  	[dreg:$0x1] =	wrdreg $0xFFFFFFFF  }
0xd0: {  	_ =	task.clear_ibuf [dreg:s22], $0x2FFFF;
	_ =	strace $0x9FFFFFFF  }
0xd1: {  	(tm) =	ssettm $0x7FFFFFFF  }
tec
execute0_lowered:
.L_overlay_start_1:
0x0: {  	(tag) =	ssettag $0x1  }
0x1: {  	s1 =	srdreg.scid  }
0x2: {  	s0 =	stileid.u32;
	s6 =	rddreg [dreg:$0x0]  }
0x3: {  	s2 =	rddreg [dreg:$0x1];
	s3 =	simm.s32 $0x0;
	s7 =	smul.u32 $0xA00, s0  }
0x4: {  	s17 =	simm.s32 $0x2A00;
	s18 =	simm.s32 $0x3A00;
	s9 =	smul.u32 $0x14000, s0  }
0x5: {  	s19 =	simm.s32 $0x1;
	s20 =	simm.s32 $0x80;
	s11 =	smul.u32 $0x28000, s0  }
0x6: {  	s21 =	simm.s32 $0x2;
	s5 =	sand.u32 $0x1, s1;
	s14 =	smul.u32 $0x1400, s0  }
0x7: {  	s22 =	simm.s32 $0x3;
	s23 =	simm.s32 $0x4;
	s8 =	smul.u32 $0xA000, s5  }
0x8: {  	s24 =	simm.s32 $0x0;
	s26 =	sshll.u32 s0, $0x1;
	s13 =	smul.u32 $0x14000, s5  }
0x9: {  	[smem:$0x7FF] =	sst s3;
	s1 =	sor.u32 s5, s26;
	s16 =	smul.u32 $0xA00, s5  }
0xa: {  	s10 =	sadd.s32 $0x89C00, s6;
	s28 =	ssub.s32 $0x2, s5;
	s4 =	smul.u32 $0xA00, s1  }
0xb: {  	s1 =	rddreg [dreg:$0x2];
	_ =	strace $0x8000004D;
	s15 =	sshrl.u32 s28, $0x1  }
0xc: {  	s9 =	sshrl.u32 s9, $0x2;
	s7 =	sadd.s32 s7, s8;
	s8 =	ssub.s32 s28, s15  }
0xd: {  	s5 =	sadd.s32 s9, s2;
	s29 =	sadd.s32 s13, s11;
	s30 =	sadd.s32 s16, s14  }
0xe: {  	s13 =	simm.s32 $0x4A00;
	s14 =	simm.s32 $0x5;
	s15 =	simm.s32 $0xA00  }
0xf: {  	s16 =	simm.s32 $0x1A00;
	s4 =	sshrl.u32 s4, $0x3;
	s7 =	sadd.s32 s7, s6  }
0x10: {  	s9 =	sshrl.u32 s29, $0x3;
	s11 =	sshll.u32 s30, $0x2;
	s8 =	smax.u32 s8, $0x1  }
0x11: {  	s12 =	sadd.s32 s4, s6;
	s4 =	sadd.s32 $0x34C00, s6;
	s7 =	sadd.s32 $0x3EC00, s7  }
0x12: {  	s9 =	sadd.s32 s9, s10;
	s31 =	sadd.s32 s11, s10;
	s6 =	sadd.s32 $0x2FAC00, s12  }
0x13: {  	s10 =	sadd.s32 $0x600, s31;
	s11 =	sadd.s32 $0x400, s31;
	s12 =	sadd.s32 $0x200, s31  }
.LBB2_1:
0x14: {  	[tilespmem:s13], [sflag:$0x5] =	stream.linear.gather [hbm4b:s4+s3], $0x5000, $0x38;
	[tilespmem:$0xEA00] =	vst v63  }
0x15: {  	_ =	swait.ge [sflag:s14], $0x5000  }
0x16: {  	[sflag:s14] =	ssyncset.done $0x0  }
0x17: {  	[sflag:s14] =	ssyncadd.s32 $0xFFFFB000  }
0x18: {  	[spmem:s5] =	stream.linear.scatter [tilespmem:s13], [sflag:$0x5], $0x5000, $0x38;
	[tilespmem:$0xEA00] =	vst v63  }
0x19: {  	_ =	swait.ge [sflag:s14], $0x5000  }
0x1a: {  	[sflag:s14] =	ssyncset.done $0x0  }
0x1b: {  	[sflag:s14] =	ssyncadd.s32 $0xFFFFB000  }
0x1c: {  	[bflag:$0x0] =	sbarrier.arrive $0xFFFF  }
0x1d: {  	[tilespmem:s3], [sflag:$0x5] =	stream.linear.gather [hbm4b:s6+s3], $0xA00, $0x38;
	[tilespmem:$0xEA00] =	vst v63  }
0x1e: {  	_ =	swait.ge [sflag:s14], $0xA00  }
0x1f: {  	[sflag:s14] =	ssyncset.done $0x0  }
0x20: {  	s25 =	sadd.s32 $0x0, s9;
	[sflag:s14] =	ssyncadd.s32 $0xFFFFF600  }
0x21: {  	[tilespmem:s15], [sflag:$0x1] =	stream.linear.gather [hbm4b:s25+s3], $0x1000, $0x38;
	[tilespmem:$0xEA00] =	vst v63  }
0x22: {  	s29 =	sadd.s32 $0x0, s12  }
0x23: {  	[tilespmem:s16], [sflag:$0x2] =	stream.linear.gather [hbm4b:s29+s3], $0x1000, $0x38;
	[tilespmem:$0xEA00] =	vst v63  }
0x24: {  	s30 =	sadd.s32 $0x0, s11  }
0x25: {  	[tilespmem:s17], [sflag:$0x3] =	stream.linear.gather [hbm4b:s30+s3], $0x1000, $0x38;
	[tilespmem:$0xEA00] =	vst v63  }
0x26: {  	s31 =	sadd.s32 $0x0, s10  }
0x27: {  	[tilespmem:s18], [sflag:$0x4] =	stream.linear.gather [hbm4b:s31+s3], $0x1000, $0x38;
	[tilespmem:$0xEA00] =	vst v63  }
0x28: {  	_ =	swait.ge [sflag:s19], $0x1000  }
0x29: {  	[sflag:s19] =	ssyncset.done $0x0  }
0x2a: {  	s26 =	simm.s32 $0x0;
	[sflag:s19] =	ssyncadd.s32 $0xFFFFF000  }
0x2b: {  	[spmem:s2] =	stream.indirect.scatter.add.f32 [tilespmem:s15], [sflag:$0x5], $0x20, s26, s20, $0xb8;
	[tilespmem:$0xEA00] =	vst v63  }
0x2c: {  	_ =	swait.ge [sflag:s14], $0x1000  }
0x2d: {  	[sflag:s14] =	ssyncset.done $0x0  }
0x2e: {  	[sflag:s14] =	ssyncadd.s32 $0xFFFFF000  }
0x2f: {  	_ =	swait.ge [sflag:s21], $0x1000  }
0x30: {  	[sflag:s21] =	ssyncset.done $0x0  }
0x31: {  	s29 =	simm.s32 $0x80;
	[sflag:s21] =	ssyncadd.s32 $0xFFFFF000  }
0x32: {  	[spmem:s2] =	stream.indirect.scatter.add.f32 [tilespmem:s16], [sflag:$0x5], $0x20, s29, s20, $0xb8;
	[tilespmem:$0xEA00] =	vst v63  }
0x33: {  	_ =	swait.ge [sflag:s14], $0x1000  }
0x34: {  	[sflag:s14] =	ssyncset.done $0x0  }
0x35: {  	[sflag:s14] =	ssyncadd.s32 $0xFFFFF000  }
0x36: {  	_ =	swait.ge [sflag:s22], $0x1000  }
0x37: {  	[sflag:s22] =	ssyncset.done $0x0  }
0x38: {  	s30 =	simm.s32 $0x100;
	[sflag:s22] =	ssyncadd.s32 $0xFFFFF000  }
0x39: {  	[spmem:s2] =	stream.indirect.scatter.add.f32 [tilespmem:s17], [sflag:$0x5], $0x20, s30, s20, $0xb8;
	[tilespmem:$0xEA00] =	vst v63  }
0x3a: {  	_ =	swait.ge [sflag:s14], $0x1000  }
0x3b: {  	[sflag:s14] =	ssyncset.done $0x0  }
0x3c: {  	[sflag:s14] =	ssyncadd.s32 $0xFFFFF000  }
0x3d: {  	_ =	swait.ge [sflag:s23], $0x1000  }
0x3e: {  	[sflag:s23] =	ssyncset.done $0x0  }
0x3f: {  	s31 =	simm.s32 $0x180;
	[sflag:s23] =	ssyncadd.s32 $0xFFFFF000  }
0x40: {  	[spmem:s2] =	stream.indirect.scatter.add.f32 [tilespmem:s18], [sflag:$0x5], $0x20, s31, s20, $0xb8;
	[tilespmem:$0xEA00] =	vst v63  }
0x41: {  	_ =	swait.ge [sflag:s14], $0x1000  }
0x42: {  	s28 =	simm.s32 $0x1000;
	s25 =	simm.s32 $0x800;
	[sflag:s14] =	ssyncset.done $0x0  }
.LBB2_2:
0x43: {  	s29 =	sadd.s32 s25, s9  }
0x44: {  	[sflag:s14] =	ssyncadd.s32 $0xFFFFF000;
	s30 =	smov.u32 s28;
	s26 =	sadd.s32 $0x800, s28  }
0x45: {  	[tilespmem:s15], [sflag:$0x1] =	stream.linear.gather [hbm4b:s29+s3], $0x1000, $0x38;
	[tilespmem:$0xEA00] =	vst v63  }
0x46: {  	p0 =	sne.s32 s28, $0x2000;
	s28 =	sadd.s32 s25, s12  }
0x47: {  	[tilespmem:s16], [sflag:$0x2] =	stream.linear.gather [hbm4b:s28+s3], $0x1000, $0x38;
	[tilespmem:$0xEA00] =	vst v63  }
0x48: {  	s28 =	sadd.s32 s25, s11  }
0x49: {  	[tilespmem:s17], [sflag:$0x3] =	stream.linear.gather [hbm4b:s28+s3], $0x1000, $0x38;
	[tilespmem:$0xEA00] =	vst v63  }
0x4a: {  	s28 =	sadd.s32 s25, s10  }
0x4b: {  	[tilespmem:s18], [sflag:$0x4] =	stream.linear.gather [hbm4b:s28+s3], $0x1000, $0x38;
	[tilespmem:$0xEA00] =	vst v63  }
0x4c: {  	_ =	swait.ge [sflag:s19], $0x1000  }
0x4d: {  	[sflag:s19] =	ssyncset.done $0x0  }
0x4e: {  	s28 =	sshra.s32 s25, $0x2;
	s25 =	smov.u32 s30;
	[sflag:s19] =	ssyncadd.s32 $0xFFFFF000  }
0x4f: {  	[spmem:s2] =	stream.indirect.scatter.add.f32 [tilespmem:s15], [sflag:$0x5], $0x20, s28, s20, $0xb8;
	[tilespmem:$0xEA00] =	vst v63  }
0x50: {  	_ =	swait.ge [sflag:s14], $0x1000  }
0x51: {  	[sflag:s14] =	ssyncset.done $0x0  }
0x52: {  	[sflag:s14] =	ssyncadd.s32 $0xFFFFF000  }
0x53: {  	_ =	swait.ge [sflag:s21], $0x1000  }
0x54: {  	[sflag:s21] =	ssyncset.done $0x0  }
0x55: {  	s29 =	sadd.s32 $0x80, s28;
	[sflag:s21] =	ssyncadd.s32 $0xFFFFF000  }
0x56: {  	[spmem:s2] =	stream.indirect.scatter.add.f32 [tilespmem:s16], [sflag:$0x5], $0x20, s29, s20, $0xb8;
	[tilespmem:$0xEA00] =	vst v63  }
0x57: {  	_ =	swait.ge [sflag:s14], $0x1000  }
0x58: {  	[sflag:s14] =	ssyncset.done $0x0  }
0x59: {  	[sflag:s14] =	ssyncadd.s32 $0xFFFFF000  }
0x5a: {  	_ =	swait.ge [sflag:s22], $0x1000  }
0x5b: {  	[sflag:s22] =	ssyncset.done $0x0  }
0x5c: {  	s29 =	sadd.s32 $0x100, s28;
	[sflag:s22] =	ssyncadd.s32 $0xFFFFF000  }
0x5d: {  	[spmem:s2] =	stream.indirect.scatter.add.f32 [tilespmem:s17], [sflag:$0x5], $0x20, s29, s20, $0xb8;
	[tilespmem:$0xEA00] =	vst v63  }
0x5e: {  	_ =	swait.ge [sflag:s14], $0x1000  }
0x5f: {  	[sflag:s14] =	ssyncset.done $0x0  }
0x60: {  	[sflag:s14] =	ssyncadd.s32 $0xFFFFF000  }
0x61: {  	_ =	swait.ge [sflag:s23], $0x1000  }
.Ltmp0:
0x62: {  	[sflag:s23] =	ssyncset.done $0x0;
	(pc) =	sbr.rel @p0 .LBB2_2-.Ltmp0, $4  }
0x63: {  	s28 =	sadd.s32 $0x180, s28;
	[sflag:s23] =	ssyncadd.s32 $0xFFFFF000  }
0x64: {  	[spmem:s2] =	stream.indirect.scatter.add.f32 [tilespmem:s18], [sflag:$0x5], $0x20, s28, s20, $0xb8;
	[tilespmem:$0xEA00] =	vst v63  }
0x65: {  	_ =	swait.ge [sflag:s14], $0x1000  }
0x66: {  	s28 =	smov.u32 s26;
	[sflag:s14] =	ssyncset.done $0x0  }
0x67: {  	s26 =	sadd.s32 s25, s9;
	[sflag:s14] =	ssyncadd.s32 $0xFFFFF000  }
0x68: {  	[tilespmem:s15], [sflag:$0x1] =	stream.linear.gather [hbm4b:s26+s3], $0x1000, $0x38;
	[tilespmem:$0xEA00] =	vst v63  }
0x69: {  	s30 =	sadd.s32 s25, s12  }
0x6a: {  	[tilespmem:s16], [sflag:$0x2] =	stream.linear.gather [hbm4b:s30+s3], $0x1000, $0x38;
	[tilespmem:$0xEA00] =	vst v63  }
0x6b: {  	s31 =	sadd.s32 s25, s11  }
0x6c: {  	[tilespmem:s17], [sflag:$0x3] =	stream.linear.gather [hbm4b:s31+s3], $0x1000, $0x38;
	[tilespmem:$0xEA00] =	vst v63  }
0x6d: {  	s28 =	sadd.s32 s25, s10  }
0x6e: {  	[tilespmem:s18], [sflag:$0x4] =	stream.linear.gather [hbm4b:s28+s3], $0x1000, $0x38;
	[tilespmem:$0xEA00] =	vst v63  }
0x6f: {  	_ =	swait.ge [sflag:s19], $0x1000  }
0x70: {  	[sflag:s19] =	ssyncset.done $0x0  }
0x71: {  	s29 =	sshra.s32 s25, $0x2;
	[sflag:s19] =	ssyncadd.s32 $0xFFFFF000  }
0x72: {  	[spmem:s2] =	stream.indirect.scatter.add.f32 [tilespmem:s15], [sflag:$0x5], $0x20, s29, s20, $0xb8;
	[tilespmem:$0xEA00] =	vst v63  }
0x73: {  	_ =	swait.ge [sflag:s14], $0x1000  }
0x74: {  	[sflag:s14] =	ssyncset.done $0x0  }
0x75: {  	[sflag:s14] =	ssyncadd.s32 $0xFFFFF000  }
0x76: {  	_ =	swait.ge [sflag:s21], $0x1000  }
0x77: {  	[sflag:s21] =	ssyncset.done $0x0  }
0x78: {  	s30 =	sadd.s32 $0x80, s29;
	[sflag:s21] =	ssyncadd.s32 $0xFFFFF000  }
0x79: {  	[spmem:s2] =	stream.indirect.scatter.add.f32 [tilespmem:s16], [sflag:$0x5], $0x20, s30, s20, $0xb8;
	[tilespmem:$0xEA00] =	vst v63  }
0x7a: {  	_ =	swait.ge [sflag:s14], $0x1000  }
0x7b: {  	[sflag:s14] =	ssyncset.done $0x0  }
0x7c: {  	[sflag:s14] =	ssyncadd.s32 $0xFFFFF000  }
0x7d: {  	_ =	swait.ge [sflag:s22], $0x1000  }
0x7e: {  	[sflag:s22] =	ssyncset.done $0x0  }
0x7f: {  	s31 =	sadd.s32 $0x100, s29;
	[sflag:s22] =	ssyncadd.s32 $0xFFFFF000  }
0x80: {  	[spmem:s2] =	stream.indirect.scatter.add.f32 [tilespmem:s17], [sflag:$0x5], $0x20, s31, s20, $0xb8;
	[tilespmem:$0xEA00] =	vst v63  }
0x81: {  	_ =	swait.ge [sflag:s14], $0x1000  }
0x82: {  	[sflag:s14] =	ssyncset.done $0x0  }
0x83: {  	[sflag:s14] =	ssyncadd.s32 $0xFFFFF000  }
0x84: {  	_ =	swait.ge [sflag:s23], $0x1000  }
0x85: {  	[sflag:s23] =	ssyncset.done $0x0  }
0x86: {  	s25 =	sadd.s32 $0x180, s29;
	[sflag:s23] =	ssyncadd.s32 $0xFFFFF000  }
0x87: {  	[spmem:s2] =	stream.indirect.scatter.add.f32 [tilespmem:s18], [sflag:$0x5], $0x20, s25, s20, $0xb8;
	[tilespmem:$0xEA00] =	vst v63  }
0x88: {  	_ =	swait.ge [sflag:s14], $0x1000  }
0x89: {  	[sflag:s14] =	ssyncset.done $0x0  }
0x8a: {  	[sflag:s14] =	ssyncadd.s32 $0xFFFFF000  }
0x8b: {  	[bflag:$0x0] =	sbarrier.arrive $0xFFFF  }
0x8c: {  	[tilespmem:s13], [sflag:$0x5] =	stream.linear.gather [spmem:s5], $0x5000, $0x38;
	[tilespmem:$0xEA00] =	vst v63  }
0x8d: {  	s24 =	sadd.s32 $0x1, s24;
	_ =	swait.ge [sflag:s14], $0x5000  }
0x8e: {  	p0 =	sne.s32 s24, s8;
	[sflag:s14] =	ssyncset.done $0x0  }
.Ltmp1:
0x8f: {  	[sflag:s14] =	ssyncadd.s32 $0xFFFFB000;
	(pc) =	sbr.rel @p0 .LBB2_1-.Ltmp1, $4  }
0x90: {  	[hbm4b:s7+s3] =	stream.linear.scatter [tilespmem:s13], [sflag:$0x5], $0x5000, $0x38;
	[tilespmem:$0xEA00] =	vst v63  }
0x91: {  	_ =	swait.ge [sflag:s14], $0x5000  }
0x92: {  	[sflag:s14] =	ssyncset.done $0x0  }
0x93: {  	[sflag:s14] =	ssyncadd.s32 $0xFFFFB000  }
0x94: {  	_ =	sfence.sel $0x180000  }
0x95: {  	[bflag:$0x0] =	sbarrier.arrive $0xFFFF  }
0x96: {  	p0 =	sne.s32 s0, $0x0;
	_ =	strace $0x9000004D  }
0x97: {  	s0 =	sadd.s32 @!p0 $0x100000, s1;
	[bflag:$0x2] =	sbarrier.arrive $0xFFFF  }
0x98: {  	[sflag:s0] =	ssyncadd.tile.s32 @!p0 $0x1;
	_ =	shalt  }
.Lfunc_end2:
_tile_overlayer_lowered:
.L_overlay_start_2:
0x99: {  	(tag) =	ssettag $0x2  }
0x9a: {  	s0 =	rddreg [dreg:$0x0];
	s2 =	stileid.u32  }
0x9b: {  	s1 =	rddreg [dreg:$0x1];
	p0 =	sne.s32 s2, $0x0  }
0x9c: {  	s3 =	rddreg [dreg:$0x2];
	[bflag:$0x3] =	sbarrier.arrive $0xFFFF;
	s2 =	simm.s32 @!p0 $0x1C05  }
0x9d: {  	[timem:s3], [sflag:s2] =	dma.local @!p0 [hbm:s0], s1  }
0x9e: {  	s0 =	simm.s32 @!p0 $0x5  }
0x9f: {  	_ =	swait.ge @!p0 [sflag:s0], s1  }
0xa0: {  	s1 =	ssub.s32 @!p0 $0x0, s1;
	[sflag:s0] =	ssyncset.done @!p0 $0x0  }
0xa1: {  	[sflag:s0] =	ssyncadd.s32 @!p0 s1  }
0xa2: {  	[bflag:$0x3] =	sbarrier.arrive $0xFFFF  }
0xa3: {  	_ =	shalt  }

// kernel: sc_scatter64.4.cloned.1.call-start
scs
__scs_entry_jumppad:
0x0: {  	(pc) =	sbr.rel $0x88, $3  }
0x1: {  	(tag) =	ssettag $0x0;
	lr =	simm.s32 $0x1  }
0x2: {  	[smem:$0x3F8B] =	sst lr;
	_ =	strace $0xD0000000  }
0x3: {  	_ = 	snop  }
0x4: {  	_ = 	snop  }
0x5: {  	_ = 	snop  }
0x6: {  	_ = 	snop  }
0x7: {  	_ = 	snop  }
__scs_overlays_trampoline_lowered:
0x8: {  	[smem:$0x3F9A] =	sst s0  }
0x9: {  	[smem:$0x3F9B] =	sst s1  }
0xa: {  	[smem:$0x3F9C] =	sst s2  }
0xb: {  	[smem:$0x3F9D] =	sst s3  }
0xc: {  	[smem:$0x3F9E] =	sst s4  }
0xd: {  	[smem:$0x3F9F] =	sst s5  }
0xe: {  	[smem:$0x3FA0] =	sst s6  }
0xf: {  	[smem:$0x3FA1] =	sst s7  }
0x10: {  	[smem:$0x3FA2] =	sst s8  }
0x11: {  	[smem:$0x3FA3] =	sst s9;
	s0 =	simm.s32 @!p0 $0x0  }
0x12: {  	s1 =	sld [smem:$0x3F89];
	s0 =	simm.s32 @p0 $0x1  }
0x13: {  	[smem:$0x3FA4] =	sst s0;
	s0 =	simm.s32 @!p1 $0x0  }
0x14: {  	s2 =	sld [smem:$0x3F88];
	s0 =	simm.s32 @p1 $0x1  }
0x15: {  	[smem:$0x3FA5] =	sst s0;
	s0 =	simm.s32 @!p2 $0x0  }
0x16: {  	s3 =	sld [smem:$0x3FDB];
	s0 =	simm.s32 @p2 $0x1  }
0x17: {  	s4 =	simm.s32 $0x1BF5;
	[smem:$0x3FA7] =	sst s0  }
0x18: {  	s0 =	sld [smem:$0x3F8A];
	_ =	swait.ge [sflag:s4], $0x0  }
0x19: {  	s7 =	sld [smem:$0x3F8B]  }
0x1a: {  	s8 =	sadd.s32 $0xFFFFE003, lr  }
0x1b: {  	s9 =	sadd.s32 $0xFFFFFEF7, lr;
	s5 =	simm.s32 $0xFFFFFFFF;
	p2 =	slt.u32 s8, $0xFFFFF086  }
0x1c: {  	p1 =	slt.u32 s9, $0xF7A;
	s5 =	simm.s32 @!p2 $0x0  }
0x1d: {  	s5 =	simm.s32 @p1 $0x1;
	p0 =	seq.s32 s7, s2  }
0x1e: {  	s7 =	smul.u32 @!p0 $0xF7A, s2;
	p2 =	seq.s32 @!p0 s5, $0x0  }
0x1f: {  	s9 =	smul.u32 $0xF7A, s1;
	s8 =	simm.s32 @!p0 $0x1BF5;
	p2 =	por !p2, p0  }
0x20: {  	[sflag:s8] =	ssyncset.s32 @!p0 $0xFFFFF086;
	s6 =	sadd.s32 @!p0 s3, s7;
	s7 =	simm.s32 @!p0 $0x108  }
0x21: {  	s3 =	sadd.s32 s3, s9;
	s6 =	sadd.s32 @!p0 $0x88, s6;
	s7 =	simm.s32 @p2 $0x1082  }
0x22: {  	[simem:s7], [sflag:s8] =	dma.local @!p0 [hbm:s6], $0xF7A  }
0x23: {  	s9 =	sor.u32 $0xD0000000, s2;
	s6 =	simm.s32 $0x108;
	_ =	swait.ge @!p0 [sflag:s8], $0x0  }
0x24: {  	s3 =	sadd.s32 $0x88, s3;
	s6 =	simm.s32 @!p1 $0x1082;
	[sflag:s4] =	ssyncset.s32 $0xFFFFF086  }
0x25: {  	[simem:s6], [sflag:s4] =	dma.local [hbm:s3], $0xF7A  }
0x26: {  	[smem:$0x3F8B] =	sst s1;
	(tag) =	ssettag s2;
	_ =	strace s9  }
0x27: {  	s1 =	sld [smem:$0x3F9B]  }
0x28: {  	s2 =	sld [smem:$0x3F9C]  }
0x29: {  	s4 =	sld [smem:$0x3F9E]  }
0x2a: {  	p0 =	seq.s32 s5, $0x0;
	s5 =	sld [smem:$0x3F9F]  }
0x2b: {  	s6 =	sld [smem:$0x3FA0]  }
0x2c: {  	s7 =	sld [smem:$0x3FA1]  }
0x2d: {  	s3 =	simm.s32 $0x108;
	s8 =	sld [smem:$0x3FA2]  }
0x2e: {  	s3 =	simm.s32 @!p0 $0x1082;
	s9 =	sld [smem:$0x3FA3]  }
0x2f: {  	lr =	sadd.s32 s0, s3;
	s0 =	sld [smem:$0x3F9A]  }
0x30: {  	s3 =	sld [smem:$0x3F9D]  }
0x31: {  	[smem:$0x3FA6] =	sst s10  }
0x32: {  	s10 =	sld [smem:$0x3FA4];
	_ =	sdelay $0x3  }
0x33: {  	p0 =	seq.s32 s10, $0x1;
	s10 =	sld [smem:$0x3FA6];
	_ =	sdelay $0x3  }
0x34: {  	[smem:$0x3FA6] =	sst s10  }
0x35: {  	s10 =	sld [smem:$0x3FA5];
	_ =	sdelay $0x3  }
0x36: {  	p1 =	seq.s32 s10, $0x1;
	s10 =	sld [smem:$0x3FA6];
	_ =	sdelay $0x3  }
0x37: {  	[smem:$0x3FA6] =	sst s10  }
0x38: {  	s10 =	sld [smem:$0x3FA7]  }
0x39: {  	_ = 	snop;
	(pc) =	sbr.ind lr, $3  }
0x3a: {  	_ = 	snop  }
0x3b: {  	_ = 	snop  }
0x3c: {  	p2 =	seq.s32 s10, $0x1;
	s10 =	sld [smem:$0x3FA6]  }
0x3d: {  	_ =	shalt  }
0x3e: {  	_ =	shalt  }
0x3f: {  	_ =	shalt  }
0x40: {  	_ =	shalt  }
0x41: {  	_ =	shalt  }
0x42: {  	_ =	shalt  }
0x43: {  	_ =	shalt  }
0x44: {  	_ =	shalt  }
0x45: {  	_ =	shalt  }
0x46: {  	_ =	shalt  }
0x47: {  	_ =	shalt  }
0x48: {  	_ =	shalt  }
0x49: {  	_ =	shalt  }
0x4a: {  	_ =	shalt  }
0x4b: {  	_ =	shalt  }
0x4c: {  	_ =	shalt  }
0x4d: {  	_ =	shalt  }
0x4e: {  	_ =	shalt  }
0x4f: {  	_ =	shalt  }
0x50: {  	_ =	shalt  }
0x51: {  	_ =	shalt  }
0x52: {  	_ =	shalt  }
0x53: {  	_ =	shalt  }
0x54: {  	_ =	shalt  }
0x55: {  	_ =	shalt  }
0x56: {  	_ =	shalt  }
0x57: {  	_ =	shalt  }
0x58: {  	_ =	shalt  }
0x59: {  	_ =	shalt  }
0x5a: {  	_ =	shalt  }
0x5b: {  	_ =	shalt  }
0x5c: {  	_ =	shalt  }
0x5d: {  	_ =	shalt  }
0x5e: {  	_ =	shalt  }
0x5f: {  	_ =	shalt  }
0x60: {  	_ =	shalt  }
0x61: {  	_ =	shalt  }
0x62: {  	_ =	shalt  }
0x63: {  	_ =	shalt  }
0x64: {  	_ =	shalt  }
0x65: {  	_ =	shalt  }
0x66: {  	_ =	shalt  }
0x67: {  	_ =	shalt  }
0x68: {  	_ =	shalt  }
0x69: {  	_ =	shalt  }
0x6a: {  	_ =	shalt  }
0x6b: {  	_ =	shalt  }
0x6c: {  	_ =	shalt  }
0x6d: {  	_ =	shalt  }
0x6e: {  	_ =	shalt  }
0x6f: {  	_ =	shalt  }
0x70: {  	_ =	shalt  }
0x71: {  	_ =	shalt  }
0x72: {  	_ =	shalt  }
0x73: {  	_ =	shalt  }
0x74: {  	_ =	shalt  }
0x75: {  	_ =	shalt  }
0x76: {  	_ =	shalt  }
0x77: {  	_ =	shalt  }
0x78: {  	_ =	shalt  }
0x79: {  	_ =	shalt  }
0x7a: {  	_ =	shalt  }
0x7b: {  	_ =	shalt  }
0x7c: {  	_ =	shalt  }
0x7d: {  	_ =	shalt  }
0x7e: {  	_ =	shalt  }
0x7f: {  	_ =	shalt  }
0x80: {  	_ =	shalt  }
0x81: {  	_ =	shalt  }
0x82: {  	_ =	shalt  }
0x83: {  	_ =	shalt  }
0x84: {  	_ =	shalt  }
0x85: {  	_ =	shalt  }
0x86: {  	_ =	shalt  }
0x87: {  	_ =	shalt  }
.Lfunc_end0:
.L_simem_size_0:
called_computation.6_lowered:
.L_overlay_start_0:
0x88: {  	s2 =	sld [smem:$0x3FD9]  }
0x89: {  	s3 =	sld [smem:$0x3FFE];
	_ =	sdelay $0x1  }
0x8a: {  	s1 =	srdreg.scid  }
0x8b: {  	s0 =	sand.u32 $0x1, s1  }
0x8c: {  	s17 =	sshll.u32 s0, $0xA;
	s2 =	sadd.s32 s3, s2  }
0x8d: {  	s2 =	sadd.s32 s2, s17  }
0x8e: {  	[smem:$0x3FB2] =	sst s2  }
0x8f: {  	_ = 	snop  }
0x90: {  	(tm) =	ssettm $0x1  }
0x91: {  	s18 =	sld [smem:$0x3FFB];
	_ =	sdelay $0x3  }
0x92: {  	_ =	strace s18  }
0x93: {  	s2 =	sld [smem:$0x3FFC];
	_ =	sdelay $0x3  }
0x94: {  	_ =	strace s2  }
0x95: {  	s2 =	sld [smem:$0x3FFD];
	_ =	sdelay $0x3  }
0x96: {  	_ =	strace s2  }
0x97: {  	_ =	strace $0x8FFFFFFF  }
0x98: {  	s19 =	sld [smem:$0x3FDB];
	_ =	sdelay $0x1  }
0x99: {  	s20 =	simm.s32 $_scs_section_size  }
0x9a: {  	s4 =	simm.s32 $_size__tile_overlayer_lowered;
	s5 =	simm.s32 $_tile_overlayer_lowered  }
0x9b: {  	s6 =	simm.s32 $0x1BFF;
	s21 =	sshll.u32 s5, $0x1;
	s3 =	sadd.s32 s20, s19  }
0x9c: {  	s22 =	simm.s32 $0x0;
	s4 =	sshll.u32 s4, $0x1;
	s5 =	sadd.s32 s21, s3  }
0x9d: {  	[timem:s22], [sflag:s6] =	dma.local [hbm:s5], s4  }
0x9e: {  	_ =	swait.ge [sflag:s6], s4  }
0x9f: {  	s4 =	ssub.s32 $0x0, s4;
	[sflag:s6] =	ssyncset.done $0x0  }
0xa0: {  	[sflag:s6] =	ssyncadd.s32 s4;
	_ =	sdelay $0x1  }
0xa1: {  	s23 =	simm.s32 $0x1B8B  }
0xa2: {  	_ =	swait.ge [sflag:s23], $0x1  }
0xa3: {  	[sflag:s23] =	ssyncset.done $0x0  }
0xa4: {  	[sflag:s23] =	ssyncadd.s32 $0xFFFFFFFF  }
0xa5: {  	s4 =	sld [smem:$0x0]  }
0xa6: {  	s5 =	sand.u32 $0xFFFFFFFE, s1  }
0xa7: {  	p0 =	sne.s32 s1, s5  }
0xa8: {  	s5 =	sshll.u32 @p0 s5, $0xE  }
0xa9: {  	s5 =	sadd.s32 @p0 $0x11B8D, s5;
	s6 =	sshll.u32 @p0 s4, $0x11  }
0xaa: {  	s5 =	sor.u32 @p0 s6, s5  }
0xab: {  	[sflag:s5] =	ssyncadd.remote.s32 @p0 $0x1;
	_ =	sdelay $0x1  }
0xac: {  	s5 =	simm.s32 @p0 $0x1B8D  }
0xad: {  	_ =	swait.eq @p0 [sflag:s5], $0x1  }
0xae: {  	[sflag:s5] =	ssyncadd.s32 @p0 $0xFFFFFFFF  }
0xaf: {  	s6 =	sshll.u32 @!p0 s1, $0xE  }
0xb0: {  	s6 =	sor.u32 @!p0 $0x4000, s6;
	s5 =	simm.s32 @!p0 $0x1B8D  }
0xb1: {  	s4 =	sshll.u32 @!p0 s4, $0x11;
	s6 =	sadd.s32 @!p0 $0x11B8D, s6;
	_ =	swait.eq @!p0 [sflag:s5], $0x1  }
0xb2: {  	s4 =	sor.u32 @!p0 s4, s6;
	[sflag:s5] =	ssyncadd.s32 @!p0 $0xFFFFFFFF  }
0xb3: {  	s25 =	simm.s32 $0x1B8E;
	s24 =	sld [smem:$0x3FFE];
	[sflag:s4] =	ssyncadd.remote.s32 @!p0 $0x1  }
0xb4: {  	s26 =	simm.s32 $execute0_lowered;
	[smem:$0x3FD2] =	sst s25  }
0xb5: {  	s5 =	sshll.u32 s26, $0x1;
	_ =	strace $0x80000058;
	[dreg:$0x1] =	wrdreg $0xFFFFFFFF  }
0xb6: {  	s28 =	simm.s32 $_size_execute0_lowered;
	s3 =	sadd.s32 s3, s5;
	[dreg:$0x0] =	wrdreg $0x0  }
0xb7: {  	s5 =	sshll.u32 s28, $0x1;
	[dreg:$0x2] =	wrdreg s3  }
0xb8: {  	[dreg:$0x3] =	wrdreg s5  }
0xb9: {  	[dreg:$0x4] =	wrdreg $0xC0  }
0xba: {  	_ =	task [dreg:s22], $0x5FFFF  }
0xbb: {  	[dreg:$0x1] =	wrdreg $0xFFFFFFFF  }
0xbc: {  	[dreg:$0x0] =	wrdreg $0x60  }
0xbd: {  	[dreg:$0x2] =	wrdreg s24  }
0xbe: {  	[dreg:$0x3] =	wrdreg $0x12A000  }
0xbf: {  	[dreg:$0x4] =	wrdreg $0xA  }
0xc0: {  	_ =	task.clear_ibuf [dreg:s22], $0x5FFFF;
	_ =	strace $0x90000058  }
0xc1: {  	s29 =	simm.s32 $0xA;
	_ =	strace $0x8000005A  }
0xc2: {  	_ =	swait.ge [sflag:s29], $0x1  }
0xc3: {  	[sflag:s29] =	ssyncadd.s32 $0xFFFFFFFF  }
0xc4: {  	_ =	strace $0x9000005A  }
0xc5: {  	_ =	sfence  }
0xc6: {  	s30 =	sld [smem:$0x0];
	_ =	sdelay $0x2  }
0xc7: {  	s31 =	sshll.u32 s1, $0xD;
	s1 =	sshrl.u32 s1, $0x2  }
0xc8: {  	s4 =	sand.u32 $0x4000, s31;
	s1 =	sadd.s32 s1, s30  }
0xc9: {  	s0 =	sor.u32 s4, s0;
	s1 =	sshll.u32 s1, $0x11  }
0xca: {  	s0 =	sor.u32 s1, s0  }
0xcb: {  	s0 =	sadd.s32 $0x8F2B, s0  }
0xcc: {  	[sflag:s0] =	ssyncadd.remote.s32 $0x1  }
0xcd: {  	_ =	sfence.sel $0xFFFF  }
0xce: {  	[dreg:$0x0] =	wrdreg $0xFFFFFFFF;
	(pc) =	sbr.abs _section_cstart, $3  }
0xcf: {  	[dreg:$0x1] =	wrdreg $0xFFFFFFFF  }
0xd0: {  	_ =	task.clear_ibuf [dreg:s22], $0x2FFFF;
	_ =	strace $0x9FFFFFFF  }
0xd1: {  	(tm) =	ssettm $0x7FFFFFFF  }
tec
execute0_lowered:
.L_overlay_start_1:
0x0: {  	(tag) =	ssettag $0x1  }
0x1: {  	s1 =	srdreg.scid;
	s5 =	rddreg [dreg:$0x0]  }
0x2: {  	s0 =	stileid.u32;
	s2 =	rddreg [dreg:$0x1];
	s3 =	simm.s32 $0x0  }
0x3: {  	s17 =	simm.s32 $0x4A00;
	s18 =	simm.s32 $0x6A00;
	s19 =	simm.s32 $0x1  }
0x4: {  	s20 =	simm.s32 $0x80;
	s21 =	simm.s32 $0x2;
	s7 =	smul.u32 $0x1400, s0  }
0x5: {  	s22 =	simm.s32 $0x3;
	s23 =	simm.s32 $0x4;
	s9 =	smul.u32 $0x28000, s0  }
0x6: {  	s24 =	simm.s32 $0x0;
	s6 =	sand.u32 $0x1, s1;
	s12 =	smul.u32 $0x50000, s0  }
0x7: {  	s28 =	sshll.u32 s0, $0x1;
	s1 =	rddreg [dreg:$0x2];
	s8 =	smul.u32 $0x14000, s6  }
0x8: {  	[smem:$0x7FF] =	sst s3;
	s10 =	sadd.s32 $0x2FD400, s5;
	s14 =	smul.u32 $0x28000, s6  }
0x9: {  	s4 =	sor.u32 s6, s28;
	s13 =	ssub.s32 $0x2, s6;
	s16 =	smul.u32 $0xA00, s6  }
0xa: {  	_ =	strace $0x80000059;
	s4 =	smul.u32 $0xA00, s4;
	s15 =	sshrl.u32 s13, $0x1  }
0xb: {  	s9 =	sshrl.u32 s9, $0x2;
	s8 =	sadd.s32 s7, s8;
	s13 =	ssub.s32 s13, s15  }
0xc: {  	s29 =	sadd.s32 s14, s12;
	s30 =	sadd.s32 s16, s7;
	s14 =	simm.s32 $0x5  }
0xd: {  	s15 =	simm.s32 $0xA00;
	s16 =	simm.s32 $0x2A00;
	s4 =	sshrl.u32 s4, $0x3  }
0xe: {  	s8 =	sadd.s32 s8, s5;
	s11 =	sadd.s32 s4, s5;
	s4 =	sadd.s32 $0x6BA00, s5  }
0xf: {  	s5 =	sadd.s32 s9, s2;
	s7 =	sadd.s32 $0x7FA00, s8;
	s9 =	sshrl.u32 s29, $0x3  }
0x10: {  	s8 =	smax.u32 s13, $0x1;
	s6 =	sadd.s32 $0x5F400, s11;
	s11 =	sshll.u32 s30, $0x3  }
0x11: {  	s13 =	simm.s32 $0x8A00;
	s9 =	sadd.s32 s9, s10;
	s31 =	sadd.s32 s11, s10  }
0x12: {  	s10 =	sadd.s32 $0xC00, s31;
	s11 =	sadd.s32 $0x800, s31;
	s12 =	sadd.s32 $0x400, s31  }
.LBB2_1:
0x13: {  	[tilespmem:s13], [sflag:$0x5] =	stream.linear.gather [hbm4b:s4+s3], $0xA000, $0x38;
	[tilespmem:$0x1CA00] =	vst v63  }
0x14: {  	_ =	swait.ge [sflag:s14], $0xA000  }
0x15: {  	[sflag:s14] =	ssyncset.done $0x0  }
0x16: {  	[sflag:s14] =	ssyncadd.s32 $0xFFFF6000  }
0x17: {  	[spmem:s5] =	stream.linear.scatter [tilespmem:s13], [sflag:$0x5], $0xA000, $0x38;
	[tilespmem:$0x1CA00] =	vst v63  }
0x18: {  	_ =	swait.ge [sflag:s14], $0xA000  }
0x19: {  	[sflag:s14] =	ssyncset.done $0x0  }
0x1a: {  	[sflag:s14] =	ssyncadd.s32 $0xFFFF6000  }
0x1b: {  	[bflag:$0x0] =	sbarrier.arrive $0xFFFF  }
0x1c: {  	[tilespmem:s3], [sflag:$0x5] =	stream.linear.gather [hbm4b:s6+s3], $0xA00, $0x38;
	[tilespmem:$0x1CA00] =	vst v63  }
0x1d: {  	_ =	swait.ge [sflag:s14], $0xA00  }
0x1e: {  	[sflag:s14] =	ssyncset.done $0x0  }
0x1f: {  	s25 =	sadd.s32 $0x0, s9;
	[sflag:s14] =	ssyncadd.s32 $0xFFFFF600  }
0x20: {  	[tilespmem:s15], [sflag:$0x1] =	stream.linear.gather [hbm4b:s25+s3], $0x2000, $0x38;
	[tilespmem:$0x1CA00] =	vst v63  }
0x21: {  	s30 =	sadd.s32 $0x0, s12  }
0x22: {  	[tilespmem:s16], [sflag:$0x2] =	stream.linear.gather [hbm4b:s30+s3], $0x2000, $0x38;
	[tilespmem:$0x1CA00] =	vst v63  }
0x23: {  	s31 =	sadd.s32 $0x0, s11  }
0x24: {  	[tilespmem:s17], [sflag:$0x3] =	stream.linear.gather [hbm4b:s31+s3], $0x2000, $0x38;
	[tilespmem:$0x1CA00] =	vst v63  }
0x25: {  	s26 =	sadd.s32 $0x0, s10  }
0x26: {  	[tilespmem:s18], [sflag:$0x4] =	stream.linear.gather [hbm4b:s26+s3], $0x2000, $0x38;
	[tilespmem:$0x1CA00] =	vst v63  }
0x27: {  	_ =	swait.ge [sflag:s19], $0x2000  }
0x28: {  	[sflag:s19] =	ssyncset.done $0x0  }
0x29: {  	[sflag:s19] =	ssyncadd.s32 $0xFFFFE000  }
0x2a: {  	[spmem:s2] =	stream.indirect.scatter.add.f32 [tilespmem:s15], [sflag:$0x5], $0x40, s3, s20, $0xb8;
	[tilespmem:$0x1CA00] =	vst v63  }
0x2b: {  	_ =	swait.ge [sflag:s14], $0x2000  }
0x2c: {  	[sflag:s14] =	ssyncset.done $0x0  }
0x2d: {  	[sflag:s14] =	ssyncadd.s32 $0xFFFFE000  }
0x2e: {  	_ =	swait.ge [sflag:s21], $0x2000  }
0x2f: {  	[sflag:s21] =	ssyncset.done $0x0  }
0x30: {  	s28 =	simm.s32 $0x80;
	[sflag:s21] =	ssyncadd.s32 $0xFFFFE000  }
0x31: {  	[spmem:s2] =	stream.indirect.scatter.add.f32 [tilespmem:s16], [sflag:$0x5], $0x40, s28, s20, $0xb8;
	[tilespmem:$0x1CA00] =	vst v63  }
0x32: {  	_ =	swait.ge [sflag:s14], $0x2000  }
0x33: {  	[sflag:s14] =	ssyncset.done $0x0  }
0x34: {  	[sflag:s14] =	ssyncadd.s32 $0xFFFFE000  }
0x35: {  	_ =	swait.ge [sflag:s22], $0x2000  }
0x36: {  	[sflag:s22] =	ssyncset.done $0x0  }
0x37: {  	s30 =	simm.s32 $0x100;
	[sflag:s22] =	ssyncadd.s32 $0xFFFFE000  }
0x38: {  	[spmem:s2] =	stream.indirect.scatter.add.f32 [tilespmem:s17], [sflag:$0x5], $0x40, s30, s20, $0xb8;
	[tilespmem:$0x1CA00] =	vst v63  }
0x39: {  	_ =	swait.ge [sflag:s14], $0x2000  }
0x3a: {  	[sflag:s14] =	ssyncset.done $0x0  }
0x3b: {  	[sflag:s14] =	ssyncadd.s32 $0xFFFFE000  }
0x3c: {  	_ =	swait.ge [sflag:s23], $0x2000  }
0x3d: {  	[sflag:s23] =	ssyncset.done $0x0  }
0x3e: {  	s31 =	simm.s32 $0x180;
	[sflag:s23] =	ssyncadd.s32 $0xFFFFE000  }
0x3f: {  	[spmem:s2] =	stream.indirect.scatter.add.f32 [tilespmem:s18], [sflag:$0x5], $0x40, s31, s20, $0xb8;
	[tilespmem:$0x1CA00] =	vst v63  }
0x40: {  	s29 =	simm.s32 $0x2000;
	_ =	swait.ge [sflag:s14], $0x2000  }
0x41: {  	s25 =	simm.s32 $0x200;
	s26 =	simm.s32 $0x1000;
	[sflag:s14] =	ssyncset.done $0x0  }
.LBB2_2:
0x42: {  	s30 =	sadd.s32 s26, s9  }
0x43: {  	[sflag:s14] =	ssyncadd.s32 $0xFFFFE000;
	s31 =	smov.u32 s29;
	s28 =	sadd.s32 $0x1000, s29  }
0x44: {  	[tilespmem:s15], [sflag:$0x1] =	stream.linear.gather [hbm4b:s30+s3], $0x2000, $0x38;
	[tilespmem:$0x1CA00] =	vst v63  }
0x45: {  	p0 =	sne.s32 s29, $0x4000;
	s29 =	sadd.s32 s26, s12  }
0x46: {  	[tilespmem:s16], [sflag:$0x2] =	stream.linear.gather [hbm4b:s29+s3], $0x2000, $0x38;
	[tilespmem:$0x1CA00] =	vst v63  }
0x47: {  	s29 =	sadd.s32 s26, s11  }
0x48: {  	[tilespmem:s17], [sflag:$0x3] =	stream.linear.gather [hbm4b:s29+s3], $0x2000, $0x38;
	[tilespmem:$0x1CA00] =	vst v63  }
0x49: {  	s29 =	sadd.s32 s26, s10;
	s26 =	smov.u32 s31  }
0x4a: {  	[tilespmem:s18], [sflag:$0x4] =	stream.linear.gather [hbm4b:s29+s3], $0x2000, $0x38;
	[tilespmem:$0x1CA00] =	vst v63  }
0x4b: {  	_ =	swait.ge [sflag:s19], $0x2000  }
0x4c: {  	[sflag:s19] =	ssyncset.done $0x0  }
0x4d: {  	[sflag:s19] =	ssyncadd.s32 $0xFFFFE000  }
0x4e: {  	[spmem:s2] =	stream.indirect.scatter.add.f32 [tilespmem:s15], [sflag:$0x5], $0x40, s25, s20, $0xb8;
	[tilespmem:$0x1CA00] =	vst v63  }
0x4f: {  	_ =	swait.ge [sflag:s14], $0x2000  }
0x50: {  	[sflag:s14] =	ssyncset.done $0x0  }
0x51: {  	[sflag:s14] =	ssyncadd.s32 $0xFFFFE000  }
0x52: {  	_ =	swait.ge [sflag:s21], $0x2000  }
0x53: {  	[sflag:s21] =	ssyncset.done $0x0  }
0x54: {  	s29 =	sadd.s32 $0x80, s25;
	[sflag:s21] =	ssyncadd.s32 $0xFFFFE000  }
0x55: {  	[spmem:s2] =	stream.indirect.scatter.add.f32 [tilespmem:s16], [sflag:$0x5], $0x40, s29, s20, $0xb8;
	[tilespmem:$0x1CA00] =	vst v63  }
0x56: {  	_ =	swait.ge [sflag:s14], $0x2000  }
0x57: {  	[sflag:s14] =	ssyncset.done $0x0  }
0x58: {  	[sflag:s14] =	ssyncadd.s32 $0xFFFFE000  }
0x59: {  	_ =	swait.ge [sflag:s22], $0x2000  }
0x5a: {  	[sflag:s22] =	ssyncset.done $0x0  }
0x5b: {  	s29 =	sadd.s32 $0x100, s25;
	[sflag:s22] =	ssyncadd.s32 $0xFFFFE000  }
0x5c: {  	[spmem:s2] =	stream.indirect.scatter.add.f32 [tilespmem:s17], [sflag:$0x5], $0x40, s29, s20, $0xb8;
	[tilespmem:$0x1CA00] =	vst v63  }
0x5d: {  	_ =	swait.ge [sflag:s14], $0x2000  }
0x5e: {  	[sflag:s14] =	ssyncset.done $0x0  }
0x5f: {  	[sflag:s14] =	ssyncadd.s32 $0xFFFFE000  }
0x60: {  	_ =	swait.ge [sflag:s23], $0x2000  }
.Ltmp0:
0x61: {  	[sflag:s23] =	ssyncset.done $0x0;
	(pc) =	sbr.rel @p0 .LBB2_2-.Ltmp0, $4  }
0x62: {  	s29 =	sadd.s32 $0x180, s25;
	[sflag:s23] =	ssyncadd.s32 $0xFFFFE000  }
0x63: {  	[spmem:s2] =	stream.indirect.scatter.add.f32 [tilespmem:s18], [sflag:$0x5], $0x40, s29, s20, $0xb8;
	[tilespmem:$0x1CA00] =	vst v63  }
0x64: {  	_ =	swait.ge [sflag:s14], $0x2000  }
0x65: {  	s25 =	sadd.s32 $0x200, s25;
	s29 =	smov.u32 s28;
	[sflag:s14] =	ssyncset.done $0x0  }
0x66: {  	s28 =	sadd.s32 s26, s9;
	[sflag:s14] =	ssyncadd.s32 $0xFFFFE000  }
0x67: {  	[tilespmem:s15], [sflag:$0x1] =	stream.linear.gather [hbm4b:s28+s3], $0x2000, $0x38;
	[tilespmem:$0x1CA00] =	vst v63  }
0x68: {  	s30 =	sadd.s32 s26, s12  }
0x69: {  	[tilespmem:s16], [sflag:$0x2] =	stream.linear.gather [hbm4b:s30+s3], $0x2000, $0x38;
	[tilespmem:$0x1CA00] =	vst v63  }
0x6a: {  	s31 =	sadd.s32 s26, s11  }
0x6b: {  	[tilespmem:s17], [sflag:$0x3] =	stream.linear.gather [hbm4b:s31+s3], $0x2000, $0x38;
	[tilespmem:$0x1CA00] =	vst v63  }
0x6c: {  	s28 =	sadd.s32 s26, s10  }
0x6d: {  	[tilespmem:s18], [sflag:$0x4] =	stream.linear.gather [hbm4b:s28+s3], $0x2000, $0x38;
	[tilespmem:$0x1CA00] =	vst v63  }
0x6e: {  	_ =	swait.ge [sflag:s19], $0x2000  }
0x6f: {  	[sflag:s19] =	ssyncset.done $0x0  }
0x70: {  	[sflag:s19] =	ssyncadd.s32 $0xFFFFE000  }
0x71: {  	[spmem:s2] =	stream.indirect.scatter.add.f32 [tilespmem:s15], [sflag:$0x5], $0x40, s25, s20, $0xb8;
	[tilespmem:$0x1CA00] =	vst v63  }
0x72: {  	_ =	swait.ge [sflag:s14], $0x2000  }
0x73: {  	[sflag:s14] =	ssyncset.done $0x0  }
0x74: {  	[sflag:s14] =	ssyncadd.s32 $0xFFFFE000  }
0x75: {  	_ =	swait.ge [sflag:s21], $0x2000  }
0x76: {  	[sflag:s21] =	ssyncset.done $0x0  }
0x77: {  	s29 =	sadd.s32 $0x80, s25;
	[sflag:s21] =	ssyncadd.s32 $0xFFFFE000  }
0x78: {  	[spmem:s2] =	stream.indirect.scatter.add.f32 [tilespmem:s16], [sflag:$0x5], $0x40, s29, s20, $0xb8;
	[tilespmem:$0x1CA00] =	vst v63  }
0x79: {  	_ =	swait.ge [sflag:s14], $0x2000  }
0x7a: {  	[sflag:s14] =	ssyncset.done $0x0  }
0x7b: {  	[sflag:s14] =	ssyncadd.s32 $0xFFFFE000  }
0x7c: {  	_ =	swait.ge [sflag:s22], $0x2000  }
0x7d: {  	[sflag:s22] =	ssyncset.done $0x0  }
0x7e: {  	s30 =	sadd.s32 $0x100, s25;
	[sflag:s22] =	ssyncadd.s32 $0xFFFFE000  }
0x7f: {  	[spmem:s2] =	stream.indirect.scatter.add.f32 [tilespmem:s17], [sflag:$0x5], $0x40, s30, s20, $0xb8;
	[tilespmem:$0x1CA00] =	vst v63  }
0x80: {  	_ =	swait.ge [sflag:s14], $0x2000  }
0x81: {  	[sflag:s14] =	ssyncset.done $0x0  }
0x82: {  	[sflag:s14] =	ssyncadd.s32 $0xFFFFE000  }
0x83: {  	_ =	swait.ge [sflag:s23], $0x2000  }
0x84: {  	[sflag:s23] =	ssyncset.done $0x0  }
0x85: {  	s31 =	sadd.s32 $0x180, s25;
	[sflag:s23] =	ssyncadd.s32 $0xFFFFE000  }
0x86: {  	[spmem:s2] =	stream.indirect.scatter.add.f32 [tilespmem:s18], [sflag:$0x5], $0x40, s31, s20, $0xb8;
	[tilespmem:$0x1CA00] =	vst v63  }
0x87: {  	_ =	swait.ge [sflag:s14], $0x2000  }
0x88: {  	[sflag:s14] =	ssyncset.done $0x0  }
0x89: {  	[sflag:s14] =	ssyncadd.s32 $0xFFFFE000  }
0x8a: {  	[bflag:$0x0] =	sbarrier.arrive $0xFFFF  }
0x8b: {  	[tilespmem:s13], [sflag:$0x5] =	stream.linear.gather [spmem:s5], $0xA000, $0x38;
	[tilespmem:$0x1CA00] =	vst v63  }
0x8c: {  	s24 =	sadd.s32 $0x1, s24;
	_ =	swait.ge [sflag:s14], $0xA000  }
0x8d: {  	p0 =	sne.s32 s24, s8;
	[sflag:s14] =	ssyncset.done $0x0  }
.Ltmp1:
0x8e: {  	[sflag:s14] =	ssyncadd.s32 $0xFFFF6000;
	(pc) =	sbr.rel @p0 .LBB2_1-.Ltmp1, $4  }
0x8f: {  	[hbm4b:s7+s3] =	stream.linear.scatter [tilespmem:s13], [sflag:$0x5], $0xA000, $0x38;
	[tilespmem:$0x1CA00] =	vst v63  }
0x90: {  	_ =	swait.ge [sflag:s14], $0xA000  }
0x91: {  	[sflag:s14] =	ssyncset.done $0x0  }
0x92: {  	[sflag:s14] =	ssyncadd.s32 $0xFFFF6000  }
0x93: {  	_ =	sfence.sel $0x180000  }
0x94: {  	[bflag:$0x0] =	sbarrier.arrive $0xFFFF  }
0x95: {  	p0 =	sne.s32 s0, $0x0;
	_ =	strace $0x90000059  }
0x96: {  	s0 =	sadd.s32 @!p0 $0x100000, s1;
	[bflag:$0x2] =	sbarrier.arrive $0xFFFF  }
0x97: {  	[sflag:s0] =	ssyncadd.tile.s32 @!p0 $0x1;
	_ =	shalt  }
.Lfunc_end2:
_tile_overlayer_lowered:
.L_overlay_start_2:
0x98: {  	(tag) =	ssettag $0x2  }
0x99: {  	s0 =	rddreg [dreg:$0x0];
	s2 =	stileid.u32  }
0x9a: {  	s1 =	rddreg [dreg:$0x1];
	p0 =	sne.s32 s2, $0x0  }
0x9b: {  	s3 =	rddreg [dreg:$0x2];
	[bflag:$0x3] =	sbarrier.arrive $0xFFFF;
	s2 =	simm.s32 @!p0 $0x1C05  }
0x9c: {  	[timem:s3], [sflag:s2] =	dma.local @!p0 [hbm:s0], s1  }
0x9d: {  	s0 =	simm.s32 @!p0 $0x5  }
0x9e: {  	_ =	swait.ge @!p0 [sflag:s0], s1  }
0x9f: {  	s1 =	ssub.s32 @!p0 $0x0, s1;
	[sflag:s0] =	ssyncset.done @!p0 $0x0  }
0xa0: {  	[sflag:s0] =	ssyncadd.s32 @!p0 s1  }
0xa1: {  	[bflag:$0x3] =	sbarrier.arrive $0xFFFF  }
0xa2: {  	_ =	shalt  }

// kernel: sc_scatter64.7.cloned.1.call-start
scs
__scs_entry_jumppad:
0x0: {  	(pc) =	sbr.rel $0x88, $3  }
0x1: {  	(tag) =	ssettag $0x0;
	lr =	simm.s32 $0x1  }
0x2: {  	[smem:$0x3F8B] =	sst lr;
	_ =	strace $0xD0000000  }
0x3: {  	_ = 	snop  }
0x4: {  	_ = 	snop  }
0x5: {  	_ = 	snop  }
0x6: {  	_ = 	snop  }
0x7: {  	_ = 	snop  }
__scs_overlays_trampoline_lowered:
0x8: {  	[smem:$0x3F9A] =	sst s0  }
0x9: {  	[smem:$0x3F9B] =	sst s1  }
0xa: {  	[smem:$0x3F9C] =	sst s2  }
0xb: {  	[smem:$0x3F9D] =	sst s3  }
0xc: {  	[smem:$0x3F9E] =	sst s4  }
0xd: {  	[smem:$0x3F9F] =	sst s5  }
0xe: {  	[smem:$0x3FA0] =	sst s6  }
0xf: {  	[smem:$0x3FA1] =	sst s7  }
0x10: {  	[smem:$0x3FA2] =	sst s8  }
0x11: {  	[smem:$0x3FA3] =	sst s9;
	s0 =	simm.s32 @!p0 $0x0  }
0x12: {  	s1 =	sld [smem:$0x3F89];
	s0 =	simm.s32 @p0 $0x1  }
0x13: {  	[smem:$0x3FA4] =	sst s0;
	s0 =	simm.s32 @!p1 $0x0  }
0x14: {  	s2 =	sld [smem:$0x3F88];
	s0 =	simm.s32 @p1 $0x1  }
0x15: {  	[smem:$0x3FA5] =	sst s0;
	s0 =	simm.s32 @!p2 $0x0  }
0x16: {  	s3 =	sld [smem:$0x3FDB];
	s0 =	simm.s32 @p2 $0x1  }
0x17: {  	s4 =	simm.s32 $0x1BF5;
	[smem:$0x3FA7] =	sst s0  }
0x18: {  	s0 =	sld [smem:$0x3F8A];
	_ =	swait.ge [sflag:s4], $0x0  }
0x19: {  	s7 =	sld [smem:$0x3F8B]  }
0x1a: {  	s8 =	sadd.s32 $0xFFFFE003, lr  }
0x1b: {  	s9 =	sadd.s32 $0xFFFFFEF7, lr;
	s5 =	simm.s32 $0xFFFFFFFF;
	p2 =	slt.u32 s8, $0xFFFFF086  }
0x1c: {  	p1 =	slt.u32 s9, $0xF7A;
	s5 =	simm.s32 @!p2 $0x0  }
0x1d: {  	s5 =	simm.s32 @p1 $0x1;
	p0 =	seq.s32 s7, s2  }
0x1e: {  	s7 =	smul.u32 @!p0 $0xF7A, s2;
	p2 =	seq.s32 @!p0 s5, $0x0  }
0x1f: {  	s9 =	smul.u32 $0xF7A, s1;
	s8 =	simm.s32 @!p0 $0x1BF5;
	p2 =	por !p2, p0  }
0x20: {  	[sflag:s8] =	ssyncset.s32 @!p0 $0xFFFFF086;
	s6 =	sadd.s32 @!p0 s3, s7;
	s7 =	simm.s32 @!p0 $0x108  }
0x21: {  	s3 =	sadd.s32 s3, s9;
	s6 =	sadd.s32 @!p0 $0x88, s6;
	s7 =	simm.s32 @p2 $0x1082  }
0x22: {  	[simem:s7], [sflag:s8] =	dma.local @!p0 [hbm:s6], $0xF7A  }
0x23: {  	s9 =	sor.u32 $0xD0000000, s2;
	s6 =	simm.s32 $0x108;
	_ =	swait.ge @!p0 [sflag:s8], $0x0  }
0x24: {  	s3 =	sadd.s32 $0x88, s3;
	s6 =	simm.s32 @!p1 $0x1082;
	[sflag:s4] =	ssyncset.s32 $0xFFFFF086  }
0x25: {  	[simem:s6], [sflag:s4] =	dma.local [hbm:s3], $0xF7A  }
0x26: {  	[smem:$0x3F8B] =	sst s1;
	(tag) =	ssettag s2;
	_ =	strace s9  }
0x27: {  	s1 =	sld [smem:$0x3F9B]  }
0x28: {  	s2 =	sld [smem:$0x3F9C]  }
0x29: {  	s4 =	sld [smem:$0x3F9E]  }
0x2a: {  	p0 =	seq.s32 s5, $0x0;
	s5 =	sld [smem:$0x3F9F]  }
0x2b: {  	s6 =	sld [smem:$0x3FA0]  }
0x2c: {  	s7 =	sld [smem:$0x3FA1]  }
0x2d: {  	s3 =	simm.s32 $0x108;
	s8 =	sld [smem:$0x3FA2]  }
0x2e: {  	s3 =	simm.s32 @!p0 $0x1082;
	s9 =	sld [smem:$0x3FA3]  }
0x2f: {  	lr =	sadd.s32 s0, s3;
	s0 =	sld [smem:$0x3F9A]  }
0x30: {  	s3 =	sld [smem:$0x3F9D]  }
0x31: {  	[smem:$0x3FA6] =	sst s10  }
0x32: {  	s10 =	sld [smem:$0x3FA4];
	_ =	sdelay $0x3  }
0x33: {  	p0 =	seq.s32 s10, $0x1;
	s10 =	sld [smem:$0x3FA6];
	_ =	sdelay $0x3  }
0x34: {  	[smem:$0x3FA6] =	sst s10  }
0x35: {  	s10 =	sld [smem:$0x3FA5];
	_ =	sdelay $0x3  }
0x36: {  	p1 =	seq.s32 s10, $0x1;
	s10 =	sld [smem:$0x3FA6];
	_ =	sdelay $0x3  }
0x37: {  	[smem:$0x3FA6] =	sst s10  }
0x38: {  	s10 =	sld [smem:$0x3FA7]  }
0x39: {  	_ = 	snop;
	(pc) =	sbr.ind lr, $3  }
0x3a: {  	_ = 	snop  }
0x3b: {  	_ = 	snop  }
0x3c: {  	p2 =	seq.s32 s10, $0x1;
	s10 =	sld [smem:$0x3FA6]  }
0x3d: {  	_ =	shalt  }
0x3e: {  	_ =	shalt  }
0x3f: {  	_ =	shalt  }
0x40: {  	_ =	shalt  }
0x41: {  	_ =	shalt  }
0x42: {  	_ =	shalt  }
0x43: {  	_ =	shalt  }
0x44: {  	_ =	shalt  }
0x45: {  	_ =	shalt  }
0x46: {  	_ =	shalt  }
0x47: {  	_ =	shalt  }
0x48: {  	_ =	shalt  }
0x49: {  	_ =	shalt  }
0x4a: {  	_ =	shalt  }
0x4b: {  	_ =	shalt  }
0x4c: {  	_ =	shalt  }
0x4d: {  	_ =	shalt  }
0x4e: {  	_ =	shalt  }
0x4f: {  	_ =	shalt  }
0x50: {  	_ =	shalt  }
0x51: {  	_ =	shalt  }
0x52: {  	_ =	shalt  }
0x53: {  	_ =	shalt  }
0x54: {  	_ =	shalt  }
0x55: {  	_ =	shalt  }
0x56: {  	_ =	shalt  }
0x57: {  	_ =	shalt  }
0x58: {  	_ =	shalt  }
0x59: {  	_ =	shalt  }
0x5a: {  	_ =	shalt  }
0x5b: {  	_ =	shalt  }
0x5c: {  	_ =	shalt  }
0x5d: {  	_ =	shalt  }
0x5e: {  	_ =	shalt  }
0x5f: {  	_ =	shalt  }
0x60: {  	_ =	shalt  }
0x61: {  	_ =	shalt  }
0x62: {  	_ =	shalt  }
0x63: {  	_ =	shalt  }
0x64: {  	_ =	shalt  }
0x65: {  	_ =	shalt  }
0x66: {  	_ =	shalt  }
0x67: {  	_ =	shalt  }
0x68: {  	_ =	shalt  }
0x69: {  	_ =	shalt  }
0x6a: {  	_ =	shalt  }
0x6b: {  	_ =	shalt  }
0x6c: {  	_ =	shalt  }
0x6d: {  	_ =	shalt  }
0x6e: {  	_ =	shalt  }
0x6f: {  	_ =	shalt  }
0x70: {  	_ =	shalt  }
0x71: {  	_ =	shalt  }
0x72: {  	_ =	shalt  }
0x73: {  	_ =	shalt  }
0x74: {  	_ =	shalt  }
0x75: {  	_ =	shalt  }
0x76: {  	_ =	shalt  }
0x77: {  	_ =	shalt  }
0x78: {  	_ =	shalt  }
0x79: {  	_ =	shalt  }
0x7a: {  	_ =	shalt  }
0x7b: {  	_ =	shalt  }
0x7c: {  	_ =	shalt  }
0x7d: {  	_ =	shalt  }
0x7e: {  	_ =	shalt  }
0x7f: {  	_ =	shalt  }
0x80: {  	_ =	shalt  }
0x81: {  	_ =	shalt  }
0x82: {  	_ =	shalt  }
0x83: {  	_ =	shalt  }
0x84: {  	_ =	shalt  }
0x85: {  	_ =	shalt  }
0x86: {  	_ =	shalt  }
0x87: {  	_ =	shalt  }
.Lfunc_end0:
.L_simem_size_0:
called_computation.7_lowered:
.L_overlay_start_0:
0x88: {  	s2 =	sld [smem:$0x3FD9]  }
0x89: {  	s3 =	sld [smem:$0x3FFE];
	_ =	sdelay $0x1  }
0x8a: {  	s1 =	srdreg.scid  }
0x8b: {  	s0 =	sand.u32 $0x1, s1  }
0x8c: {  	s17 =	sshll.u32 s0, $0xA;
	s2 =	sadd.s32 s3, s2  }
0x8d: {  	s2 =	sadd.s32 s2, s17  }
0x8e: {  	[smem:$0x3FB2] =	sst s2  }
0x8f: {  	_ = 	snop  }
0x90: {  	(tm) =	ssettm $0x1  }
0x91: {  	s18 =	sld [smem:$0x3FFB];
	_ =	sdelay $0x3  }
0x92: {  	_ =	strace s18  }
0x93: {  	s2 =	sld [smem:$0x3FFC];
	_ =	sdelay $0x3  }
0x94: {  	_ =	strace s2  }
0x95: {  	s2 =	sld [smem:$0x3FFD];
	_ =	sdelay $0x3  }
0x96: {  	_ =	strace s2  }
0x97: {  	_ =	strace $0x8FFFFFFF  }
0x98: {  	s19 =	sld [smem:$0x3FDB];
	_ =	sdelay $0x1  }
0x99: {  	s20 =	simm.s32 $_scs_section_size  }
0x9a: {  	s4 =	simm.s32 $_size__tile_overlayer_lowered;
	s5 =	simm.s32 $_tile_overlayer_lowered  }
0x9b: {  	s6 =	simm.s32 $0x1BFF;
	s21 =	sshll.u32 s5, $0x1;
	s3 =	sadd.s32 s20, s19  }
0x9c: {  	s22 =	simm.s32 $0x0;
	s4 =	sshll.u32 s4, $0x1;
	s5 =	sadd.s32 s21, s3  }
0x9d: {  	[timem:s22], [sflag:s6] =	dma.local [hbm:s5], s4  }
0x9e: {  	_ =	swait.ge [sflag:s6], s4  }
0x9f: {  	s4 =	ssub.s32 $0x0, s4;
	[sflag:s6] =	ssyncset.done $0x0  }
0xa0: {  	[sflag:s6] =	ssyncadd.s32 s4;
	_ =	sdelay $0x1  }
0xa1: {  	s23 =	simm.s32 $0x1B8B  }
0xa2: {  	_ =	swait.ge [sflag:s23], $0x1  }
0xa3: {  	[sflag:s23] =	ssyncset.done $0x0  }
0xa4: {  	[sflag:s23] =	ssyncadd.s32 $0xFFFFFFFF  }
0xa5: {  	s4 =	sld [smem:$0x0]  }
0xa6: {  	s5 =	sand.u32 $0xFFFFFFFE, s1  }
0xa7: {  	p0 =	sne.s32 s1, s5  }
0xa8: {  	s5 =	sshll.u32 @p0 s5, $0xE  }
0xa9: {  	s5 =	sadd.s32 @p0 $0x11B8D, s5;
	s6 =	sshll.u32 @p0 s4, $0x11  }
0xaa: {  	s5 =	sor.u32 @p0 s6, s5  }
0xab: {  	[sflag:s5] =	ssyncadd.remote.s32 @p0 $0x1;
	_ =	sdelay $0x1  }
0xac: {  	s5 =	simm.s32 @p0 $0x1B8D  }
0xad: {  	_ =	swait.eq @p0 [sflag:s5], $0x1  }
0xae: {  	[sflag:s5] =	ssyncadd.s32 @p0 $0xFFFFFFFF  }
0xaf: {  	s6 =	sshll.u32 @!p0 s1, $0xE  }
0xb0: {  	s6 =	sor.u32 @!p0 $0x4000, s6;
	s5 =	simm.s32 @!p0 $0x1B8D  }
0xb1: {  	s4 =	sshll.u32 @!p0 s4, $0x11;
	s6 =	sadd.s32 @!p0 $0x11B8D, s6;
	_ =	swait.eq @!p0 [sflag:s5], $0x1  }
0xb2: {  	s4 =	sor.u32 @!p0 s4, s6;
	[sflag:s5] =	ssyncadd.s32 @!p0 $0xFFFFFFFF  }
0xb3: {  	s25 =	simm.s32 $0x1B8E;
	s24 =	sld [smem:$0x3FFE];
	[sflag:s4] =	ssyncadd.remote.s32 @!p0 $0x1  }
0xb4: {  	s26 =	simm.s32 $execute0_lowered;
	[smem:$0x3FD2] =	sst s25  }
0xb5: {  	s5 =	sshll.u32 s26, $0x1;
	_ =	strace $0x8000005B;
	[dreg:$0x1] =	wrdreg $0xFFFFFFFF  }
0xb6: {  	s28 =	simm.s32 $_size_execute0_lowered;
	s3 =	sadd.s32 s3, s5;
	[dreg:$0x0] =	wrdreg $0x0  }
0xb7: {  	s5 =	sshll.u32 s28, $0x1;
	[dreg:$0x2] =	wrdreg s3  }
0xb8: {  	[dreg:$0x3] =	wrdreg s5  }
0xb9: {  	[dreg:$0x4] =	wrdreg $0xC0  }
0xba: {  	_ =	task [dreg:s22], $0x5FFFF  }
0xbb: {  	[dreg:$0x1] =	wrdreg $0xFFFFFFFF  }
0xbc: {  	[dreg:$0x0] =	wrdreg $0x60  }
0xbd: {  	[dreg:$0x2] =	wrdreg s24  }
0xbe: {  	[dreg:$0x3] =	wrdreg $0x12A000  }
0xbf: {  	[dreg:$0x4] =	wrdreg $0x9  }
0xc0: {  	_ =	task.clear_ibuf [dreg:s22], $0x5FFFF;
	_ =	strace $0x9000005B  }
0xc1: {  	s29 =	simm.s32 $0x9;
	_ =	strace $0x8000005D  }
0xc2: {  	_ =	swait.ge [sflag:s29], $0x1  }
0xc3: {  	[sflag:s29] =	ssyncadd.s32 $0xFFFFFFFF  }
0xc4: {  	_ =	strace $0x9000005D  }
0xc5: {  	_ =	sfence  }
0xc6: {  	s30 =	sld [smem:$0x0];
	_ =	sdelay $0x2  }
0xc7: {  	s31 =	sshll.u32 s1, $0xD;
	s1 =	sshrl.u32 s1, $0x2  }
0xc8: {  	s4 =	sand.u32 $0x4000, s31;
	s1 =	sadd.s32 s1, s30  }
0xc9: {  	s0 =	sor.u32 s4, s0;
	s1 =	sshll.u32 s1, $0x11  }
0xca: {  	s0 =	sor.u32 s1, s0  }
0xcb: {  	s0 =	sadd.s32 $0x8F2B, s0  }
0xcc: {  	[sflag:s0] =	ssyncadd.remote.s32 $0x1  }
0xcd: {  	_ =	sfence.sel $0xFFFF  }
0xce: {  	[dreg:$0x0] =	wrdreg $0xFFFFFFFF;
	(pc) =	sbr.abs _section_cstart, $3  }
0xcf: {  	[dreg:$0x1] =	wrdreg $0xFFFFFFFF  }
0xd0: {  	_ =	task.clear_ibuf [dreg:s22], $0x2FFFF;
	_ =	strace $0x9FFFFFFF  }
0xd1: {  	(tm) =	ssettm $0x7FFFFFFF  }
tec
execute0_lowered:
.L_overlay_start_1:
0x0: {  	(tag) =	ssettag $0x1  }
0x1: {  	s1 =	srdreg.scid;
	s5 =	rddreg [dreg:$0x0]  }
0x2: {  	s0 =	stileid.u32;
	s2 =	rddreg [dreg:$0x1];
	s3 =	simm.s32 $0x0  }
0x3: {  	s17 =	simm.s32 $0x4A00;
	s18 =	simm.s32 $0x6A00;
	s19 =	simm.s32 $0x1  }
0x4: {  	s20 =	simm.s32 $0x80;
	s21 =	simm.s32 $0x2;
	s7 =	smul.u32 $0x1400, s0  }
0x5: {  	s22 =	simm.s32 $0x3;
	s23 =	simm.s32 $0x4;
	s9 =	smul.u32 $0x28000, s0  }
0x6: {  	s24 =	simm.s32 $0x0;
	s6 =	sand.u32 $0x1, s1;
	s12 =	smul.u32 $0x50000, s0  }
0x7: {  	s28 =	sshll.u32 s0, $0x1;
	s1 =	rddreg [dreg:$0x2];
	s8 =	smul.u32 $0x14000, s6  }
0x8: {  	[smem:$0x7FF] =	sst s3;
	s10 =	sadd.s32 $0x39D400, s5;
	s14 =	smul.u32 $0x28000, s6  }
0x9: {  	s4 =	sor.u32 s6, s28;
	s13 =	ssub.s32 $0x2, s6;
	s16 =	smul.u32 $0xA00, s6  }
0xa: {  	_ =	strace $0x8000005C;
	s4 =	smul.u32 $0xA00, s4;
	s15 =	sshrl.u32 s13, $0x1  }
0xb: {  	s9 =	sshrl.u32 s9, $0x2;
	s8 =	sadd.s32 s7, s8;
	s13 =	ssub.s32 s13, s15  }
0xc: {  	s29 =	sadd.s32 s14, s12;
	s30 =	sadd.s32 s16, s7;
	s14 =	simm.s32 $0x5  }
0xd: {  	s15 =	simm.s32 $0xA00;
	s16 =	simm.s32 $0x2A00;
	s4 =	sshrl.u32 s4, $0x3  }
0xe: {  	s8 =	sadd.s32 s8, s5;
	s11 =	sadd.s32 s4, s5;
	s4 =	sadd.s32 $0x6BA00, s5  }
0xf: {  	s5 =	sadd.s32 s9, s2;
	s7 =	sadd.s32 $0xA7A00, s8;
	s9 =	sshrl.u32 s29, $0x3  }
0x10: {  	s8 =	smax.u32 s13, $0x1;
	s6 =	sadd.s32 $0x2FAC00, s11;
	s11 =	sshll.u32 s30, $0x3  }
0x11: {  	s13 =	simm.s32 $0x8A00;
	s9 =	sadd.s32 s9, s10;
	s31 =	sadd.s32 s11, s10  }
0x12: {  	s10 =	sadd.s32 $0xC00, s31;
	s11 =	sadd.s32 $0x800, s31;
	s12 =	sadd.s32 $0x400, s31  }
.LBB2_1:
0x13: {  	[tilespmem:s13], [sflag:$0x5] =	stream.linear.gather [hbm4b:s4+s3], $0xA000, $0x38;
	[tilespmem:$0x1CA00] =	vst v63  }
0x14: {  	_ =	swait.ge [sflag:s14], $0xA000  }
0x15: {  	[sflag:s14] =	ssyncset.done $0x0  }
0x16: {  	[sflag:s14] =	ssyncadd.s32 $0xFFFF6000  }
0x17: {  	[spmem:s5] =	stream.linear.scatter [tilespmem:s13], [sflag:$0x5], $0xA000, $0x38;
	[tilespmem:$0x1CA00] =	vst v63  }
0x18: {  	_ =	swait.ge [sflag:s14], $0xA000  }
0x19: {  	[sflag:s14] =	ssyncset.done $0x0  }
0x1a: {  	[sflag:s14] =	ssyncadd.s32 $0xFFFF6000  }
0x1b: {  	[bflag:$0x0] =	sbarrier.arrive $0xFFFF  }
0x1c: {  	[tilespmem:s3], [sflag:$0x5] =	stream.linear.gather [hbm4b:s6+s3], $0xA00, $0x38;
	[tilespmem:$0x1CA00] =	vst v63  }
0x1d: {  	_ =	swait.ge [sflag:s14], $0xA00  }
0x1e: {  	[sflag:s14] =	ssyncset.done $0x0  }
0x1f: {  	s25 =	sadd.s32 $0x0, s9;
	[sflag:s14] =	ssyncadd.s32 $0xFFFFF600  }
0x20: {  	[tilespmem:s15], [sflag:$0x1] =	stream.linear.gather [hbm4b:s25+s3], $0x2000, $0x38;
	[tilespmem:$0x1CA00] =	vst v63  }
0x21: {  	s30 =	sadd.s32 $0x0, s12  }
0x22: {  	[tilespmem:s16], [sflag:$0x2] =	stream.linear.gather [hbm4b:s30+s3], $0x2000, $0x38;
	[tilespmem:$0x1CA00] =	vst v63  }
0x23: {  	s31 =	sadd.s32 $0x0, s11  }
0x24: {  	[tilespmem:s17], [sflag:$0x3] =	stream.linear.gather [hbm4b:s31+s3], $0x2000, $0x38;
	[tilespmem:$0x1CA00] =	vst v63  }
0x25: {  	s26 =	sadd.s32 $0x0, s10  }
0x26: {  	[tilespmem:s18], [sflag:$0x4] =	stream.linear.gather [hbm4b:s26+s3], $0x2000, $0x38;
	[tilespmem:$0x1CA00] =	vst v63  }
0x27: {  	_ =	swait.ge [sflag:s19], $0x2000  }
0x28: {  	[sflag:s19] =	ssyncset.done $0x0  }
0x29: {  	[sflag:s19] =	ssyncadd.s32 $0xFFFFE000  }
0x2a: {  	[spmem:s2] =	stream.indirect.scatter.add.f32 [tilespmem:s15], [sflag:$0x5], $0x40, s3, s20, $0xb8;
	[tilespmem:$0x1CA00] =	vst v63  }
0x2b: {  	_ =	swait.ge [sflag:s14], $0x2000  }
0x2c: {  	[sflag:s14] =	ssyncset.done $0x0  }
0x2d: {  	[sflag:s14] =	ssyncadd.s32 $0xFFFFE000  }
0x2e: {  	_ =	swait.ge [sflag:s21], $0x2000  }
0x2f: {  	[sflag:s21] =	ssyncset.done $0x0  }
0x30: {  	s28 =	simm.s32 $0x80;
	[sflag:s21] =	ssyncadd.s32 $0xFFFFE000  }
0x31: {  	[spmem:s2] =	stream.indirect.scatter.add.f32 [tilespmem:s16], [sflag:$0x5], $0x40, s28, s20, $0xb8;
	[tilespmem:$0x1CA00] =	vst v63  }
0x32: {  	_ =	swait.ge [sflag:s14], $0x2000  }
0x33: {  	[sflag:s14] =	ssyncset.done $0x0  }
0x34: {  	[sflag:s14] =	ssyncadd.s32 $0xFFFFE000  }
0x35: {  	_ =	swait.ge [sflag:s22], $0x2000  }
0x36: {  	[sflag:s22] =	ssyncset.done $0x0  }
0x37: {  	s30 =	simm.s32 $0x100;
	[sflag:s22] =	ssyncadd.s32 $0xFFFFE000  }
0x38: {  	[spmem:s2] =	stream.indirect.scatter.add.f32 [tilespmem:s17], [sflag:$0x5], $0x40, s30, s20, $0xb8;
	[tilespmem:$0x1CA00] =	vst v63  }
0x39: {  	_ =	swait.ge [sflag:s14], $0x2000  }
0x3a: {  	[sflag:s14] =	ssyncset.done $0x0  }
0x3b: {  	[sflag:s14] =	ssyncadd.s32 $0xFFFFE000  }
0x3c: {  	_ =	swait.ge [sflag:s23], $0x2000  }
0x3d: {  	[sflag:s23] =	ssyncset.done $0x0  }
0x3e: {  	s31 =	simm.s32 $0x180;
	[sflag:s23] =	ssyncadd.s32 $0xFFFFE000  }
0x3f: {  	[spmem:s2] =	stream.indirect.scatter.add.f32 [tilespmem:s18], [sflag:$0x5], $0x40, s31, s20, $0xb8;
	[tilespmem:$0x1CA00] =	vst v63  }
0x40: {  	s29 =	simm.s32 $0x2000;
	_ =	swait.ge [sflag:s14], $0x2000  }
0x41: {  	s25 =	simm.s32 $0x200;
	s26 =	simm.s32 $0x1000;
	[sflag:s14] =	ssyncset.done $0x0  }
.LBB2_2:
0x42: {  	s30 =	sadd.s32 s26, s9  }
0x43: {  	[sflag:s14] =	ssyncadd.s32 $0xFFFFE000;
	s31 =	smov.u32 s29;
	s28 =	sadd.s32 $0x1000, s29  }
0x44: {  	[tilespmem:s15], [sflag:$0x1] =	stream.linear.gather [hbm4b:s30+s3], $0x2000, $0x38;
	[tilespmem:$0x1CA00] =	vst v63  }
0x45: {  	p0 =	sne.s32 s29, $0x4000;
	s29 =	sadd.s32 s26, s12  }
0x46: {  	[tilespmem:s16], [sflag:$0x2] =	stream.linear.gather [hbm4b:s29+s3], $0x2000, $0x38;
	[tilespmem:$0x1CA00] =	vst v63  }
0x47: {  	s29 =	sadd.s32 s26, s11  }
0x48: {  	[tilespmem:s17], [sflag:$0x3] =	stream.linear.gather [hbm4b:s29+s3], $0x2000, $0x38;
	[tilespmem:$0x1CA00] =	vst v63  }
0x49: {  	s29 =	sadd.s32 s26, s10;
	s26 =	smov.u32 s31  }
0x4a: {  	[tilespmem:s18], [sflag:$0x4] =	stream.linear.gather [hbm4b:s29+s3], $0x2000, $0x38;
	[tilespmem:$0x1CA00] =	vst v63  }
0x4b: {  	_ =	swait.ge [sflag:s19], $0x2000  }
0x4c: {  	[sflag:s19] =	ssyncset.done $0x0  }
0x4d: {  	[sflag:s19] =	ssyncadd.s32 $0xFFFFE000  }
0x4e: {  	[spmem:s2] =	stream.indirect.scatter.add.f32 [tilespmem:s15], [sflag:$0x5], $0x40, s25, s20, $0xb8;
	[tilespmem:$0x1CA00] =	vst v63  }
0x4f: {  	_ =	swait.ge [sflag:s14], $0x2000  }
0x50: {  	[sflag:s14] =	ssyncset.done $0x0  }
0x51: {  	[sflag:s14] =	ssyncadd.s32 $0xFFFFE000  }
0x52: {  	_ =	swait.ge [sflag:s21], $0x2000  }
0x53: {  	[sflag:s21] =	ssyncset.done $0x0  }
0x54: {  	s29 =	sadd.s32 $0x80, s25;
	[sflag:s21] =	ssyncadd.s32 $0xFFFFE000  }
0x55: {  	[spmem:s2] =	stream.indirect.scatter.add.f32 [tilespmem:s16], [sflag:$0x5], $0x40, s29, s20, $0xb8;
	[tilespmem:$0x1CA00] =	vst v63  }
0x56: {  	_ =	swait.ge [sflag:s14], $0x2000  }
0x57: {  	[sflag:s14] =	ssyncset.done $0x0  }
0x58: {  	[sflag:s14] =	ssyncadd.s32 $0xFFFFE000  }
0x59: {  	_ =	swait.ge [sflag:s22], $0x2000  }
0x5a: {  	[sflag:s22] =	ssyncset.done $0x0  }
0x5b: {  	s29 =	sadd.s32 $0x100, s25;
	[sflag:s22] =	ssyncadd.s32 $0xFFFFE000  }
0x5c: {  	[spmem:s2] =	stream.indirect.scatter.add.f32 [tilespmem:s17], [sflag:$0x5], $0x40, s29, s20, $0xb8;
	[tilespmem:$0x1CA00] =	vst v63  }
0x5d: {  	_ =	swait.ge [sflag:s14], $0x2000  }
0x5e: {  	[sflag:s14] =	ssyncset.done $0x0  }
0x5f: {  	[sflag:s14] =	ssyncadd.s32 $0xFFFFE000  }
0x60: {  	_ =	swait.ge [sflag:s23], $0x2000  }
.Ltmp0:
0x61: {  	[sflag:s23] =	ssyncset.done $0x0;
	(pc) =	sbr.rel @p0 .LBB2_2-.Ltmp0, $4  }
0x62: {  	s29 =	sadd.s32 $0x180, s25;
	[sflag:s23] =	ssyncadd.s32 $0xFFFFE000  }
0x63: {  	[spmem:s2] =	stream.indirect.scatter.add.f32 [tilespmem:s18], [sflag:$0x5], $0x40, s29, s20, $0xb8;
	[tilespmem:$0x1CA00] =	vst v63  }
0x64: {  	_ =	swait.ge [sflag:s14], $0x2000  }
0x65: {  	s25 =	sadd.s32 $0x200, s25;
	s29 =	smov.u32 s28;
	[sflag:s14] =	ssyncset.done $0x0  }
0x66: {  	s28 =	sadd.s32 s26, s9;
	[sflag:s14] =	ssyncadd.s32 $0xFFFFE000  }
0x67: {  	[tilespmem:s15], [sflag:$0x1] =	stream.linear.gather [hbm4b:s28+s3], $0x2000, $0x38;
	[tilespmem:$0x1CA00] =	vst v63  }
0x68: {  	s30 =	sadd.s32 s26, s12  }
0x69: {  	[tilespmem:s16], [sflag:$0x2] =	stream.linear.gather [hbm4b:s30+s3], $0x2000, $0x38;
	[tilespmem:$0x1CA00] =	vst v63  }
0x6a: {  	s31 =	sadd.s32 s26, s11  }
0x6b: {  	[tilespmem:s17], [sflag:$0x3] =	stream.linear.gather [hbm4b:s31+s3], $0x2000, $0x38;
	[tilespmem:$0x1CA00] =	vst v63  }
0x6c: {  	s28 =	sadd.s32 s26, s10  }
0x6d: {  	[tilespmem:s18], [sflag:$0x4] =	stream.linear.gather [hbm4b:s28+s3], $0x2000, $0x38;
	[tilespmem:$0x1CA00] =	vst v63  }
0x6e: {  	_ =	swait.ge [sflag:s19], $0x2000  }
0x6f: {  	[sflag:s19] =	ssyncset.done $0x0  }
0x70: {  	[sflag:s19] =	ssyncadd.s32 $0xFFFFE000  }
0x71: {  	[spmem:s2] =	stream.indirect.scatter.add.f32 [tilespmem:s15], [sflag:$0x5], $0x40, s25, s20, $0xb8;
	[tilespmem:$0x1CA00] =	vst v63  }
0x72: {  	_ =	swait.ge [sflag:s14], $0x2000  }
0x73: {  	[sflag:s14] =	ssyncset.done $0x0  }
0x74: {  	[sflag:s14] =	ssyncadd.s32 $0xFFFFE000  }
0x75: {  	_ =	swait.ge [sflag:s21], $0x2000  }
0x76: {  	[sflag:s21] =	ssyncset.done $0x0  }
0x77: {  	s29 =	sadd.s32 $0x80, s25;
	[sflag:s21] =	ssyncadd.s32 $0xFFFFE000  }
0x78: {  	[spmem:s2] =	stream.indirect.scatter.add.f32 [tilespmem:s16], [sflag:$0x5], $0x40, s29, s20, $0xb8;
	[tilespmem:$0x1CA00] =	vst v63  }
0x79: {  	_ =	swait.ge [sflag:s14], $0x2000  }
0x7a: {  	[sflag:s14] =	ssyncset.done $0x0  }
0x7b: {  	[sflag:s14] =	ssyncadd.s32 $0xFFFFE000  }
0x7c: {  	_ =	swait.ge [sflag:s22], $0x2000  }
0x7d: {  	[sflag:s22] =	ssyncset.done $0x0  }
0x7e: {  	s30 =	sadd.s32 $0x100, s25;
	[sflag:s22] =	ssyncadd.s32 $0xFFFFE000  }
0x7f: {  	[spmem:s2] =	stream.indirect.scatter.add.f32 [tilespmem:s17], [sflag:$0x5], $0x40, s30, s20, $0xb8;
	[tilespmem:$0x1CA00] =	vst v63  }
0x80: {  	_ =	swait.ge [sflag:s14], $0x2000  }
0x81: {  	[sflag:s14] =	ssyncset.done $0x0  }
0x82: {  	[sflag:s14] =	ssyncadd.s32 $0xFFFFE000  }
0x83: {  	_ =	swait.ge [sflag:s23], $0x2000  }
0x84: {  	[sflag:s23] =	ssyncset.done $0x0  }
0x85: {  	s31 =	sadd.s32 $0x180, s25;
	[sflag:s23] =	ssyncadd.s32 $0xFFFFE000  }
0x86: {  	[spmem:s2] =	stream.indirect.scatter.add.f32 [tilespmem:s18], [sflag:$0x5], $0x40, s31, s20, $0xb8;
	[tilespmem:$0x1CA00] =	vst v63  }
0x87: {  	_ =	swait.ge [sflag:s14], $0x2000  }
0x88: {  	[sflag:s14] =	ssyncset.done $0x0  }
0x89: {  	[sflag:s14] =	ssyncadd.s32 $0xFFFFE000  }
0x8a: {  	[bflag:$0x0] =	sbarrier.arrive $0xFFFF  }
0x8b: {  	[tilespmem:s13], [sflag:$0x5] =	stream.linear.gather [spmem:s5], $0xA000, $0x38;
	[tilespmem:$0x1CA00] =	vst v63  }
0x8c: {  	s24 =	sadd.s32 $0x1, s24;
	_ =	swait.ge [sflag:s14], $0xA000  }
0x8d: {  	p0 =	sne.s32 s24, s8;
	[sflag:s14] =	ssyncset.done $0x0  }
.Ltmp1:
0x8e: {  	[sflag:s14] =	ssyncadd.s32 $0xFFFF6000;
	(pc) =	sbr.rel @p0 .LBB2_1-.Ltmp1, $4  }
0x8f: {  	[hbm4b:s7+s3] =	stream.linear.scatter [tilespmem:s13], [sflag:$0x5], $0xA000, $0x38;
	[tilespmem:$0x1CA00] =	vst v63  }
0x90: {  	_ =	swait.ge [sflag:s14], $0xA000  }
0x91: {  	[sflag:s14] =	ssyncset.done $0x0  }
0x92: {  	[sflag:s14] =	ssyncadd.s32 $0xFFFF6000  }
0x93: {  	_ =	sfence.sel $0x180000  }
0x94: {  	[bflag:$0x0] =	sbarrier.arrive $0xFFFF  }
0x95: {  	p0 =	sne.s32 s0, $0x0;
	_ =	strace $0x9000005C  }
0x96: {  	s0 =	sadd.s32 @!p0 $0x100000, s1;
	[bflag:$0x2] =	sbarrier.arrive $0xFFFF  }
0x97: {  	[sflag:s0] =	ssyncadd.tile.s32 @!p0 $0x1;
	_ =	shalt  }
.Lfunc_end2:
_tile_overlayer_lowered:
.L_overlay_start_2:
0x98: {  	(tag) =	ssettag $0x2  }
0x99: {  	s0 =	rddreg [dreg:$0x0];
	s2 =	stileid.u32  }
0x9a: {  	s1 =	rddreg [dreg:$0x1];
	p0 =	sne.s32 s2, $0x0  }
0x9b: {  	s3 =	rddreg [dreg:$0x2];
	[bflag:$0x3] =	sbarrier.arrive $0xFFFF;
	s2 =	simm.s32 @!p0 $0x1C05  }
0x9c: {  	[timem:s3], [sflag:s2] =	dma.local @!p0 [hbm:s0], s1  }
0x9d: {  	s0 =	simm.s32 @!p0 $0x5  }
0x9e: {  	_ =	swait.ge @!p0 [sflag:s0], s1  }
0x9f: {  	s1 =	ssub.s32 @!p0 $0x0, s1;
	[sflag:s0] =	ssyncset.done @!p0 $0x0  }
0xa0: {  	[sflag:s0] =	ssyncadd.s32 @!p0 s1  }
0xa1: {  	[bflag:$0x3] =	sbarrier.arrive $0xFFFF  }
0xa2: {  	_ =	shalt  }

</sc_bundles>
